<compile_context>
chip_gen: v7x
topology: tpu7x:2x2x1
jax: 0.10.2.dev20260603
libtpu: 0.0.44.dev20260713+nightly
codegen_flags: <defaults>
</compile_context>

<pallas_src>
import numpy as np
import jax
import jax.numpy as jnp
from jax import lax
from jax.experimental import pallas as pl
from jax.experimental.pallas import tpu as pltpu
from jax.experimental.pallas import tpu_sc as plsc

DHW = 128
KCONST = (np.pi / 3.5) ** 2
N_ATOMS = 2000
NC, NS, L = 2, 16, 16
NW = NC * NS
NZ = 2
NPASS = DHW // (NW * NZ)
PLANE = DHW * DHW
SLAB = NZ * PLANE
QSTRIDE = 6144
WLCAP = N_ATOMS + L

_offs = sorted(
    [(oy, ox) for oy in range(-2, 3) for ox in range(-2, 3) if oy * oy + ox * ox <= 6],
    key=lambda p: p[0] * p[0] + p[1] * p[1],
)
_oy = np.array([o[0] for o in _offs] + [0] * 11, np.int32)
_ox = np.array([o[1] for o in _offs] + [0] * 11, np.int32)
_r2 = np.array([o[0] ** 2 + o[1] ** 2 for o in _offs] + [999] * 11, np.int64)

ZONES = 2 * NPASS * (N_ATOMS + L)
EDGE_BIT = 1 << 16

_ITAB = np.concatenate([
    (_oy[0:16] * DHW + _ox[0:16]).astype(np.int32),
    (_oy[16:32] * DHW + _ox[16:32]).astype(np.int32),
    _oy[0:16], _oy[16:32], _ox[0:16], _ox[16:32],
    np.array([0, ZONES, 2 * ZONES] + [0] * 13, np.int32),
]).astype(np.int32)

_wrow = lambda adz, g: np.where(
    adz * adz + _r2[g * 16:(g + 1) * 16] <= 6,
    np.exp(-KCONST * (adz * adz + _r2[g * 16:(g + 1) * 16].astype(np.float64))),
    0.0).astype(np.float32)
_FTAB = np.concatenate(
    [_wrow(a, g) for a in range(4) for g in range(2)] + [np.zeros(16, np.float32)])


def _sc_body(src_hbm, tgt_hbm, itab_hbm, ftab_hbm, out_hbm,
             sg0, sg1, tg0, tg1, cbuf, wl, itab, ftab, outv):
    cid = lax.axis_index("c")
    sid = lax.axis_index("s")
    wid = sid * NC + cid

    pltpu.sync_copy(itab_hbm, itab)
    pltpu.sync_copy(ftab_hbm, ftab)

    off_v = [itab[pl.ds(0, L)], itab[pl.ds(L, L)]]
    oy_v = [itab[pl.ds(2 * L, L)], itab[pl.ds(3 * L, L)]]
    ox_v = [itab[pl.ds(4 * L, L)], itab[pl.ds(5 * L, L)]]
    wstride_v = itab[pl.ds(6 * L, L)]
    zero_v = ftab[pl.ds(8 * L, L)]

    s0s = [p * (NW * NZ) + wid * NZ for p in range(NPASS)]

    def scan_cloud(hbm, wbase):
        pltpu.sync_copy(hbm, cbuf)

        def sb(i, cnts):
            zv = (cbuf[pl.ds(i * L, L)] * np.float32(DHW)).astype(jnp.int32)
            yv = (cbuf[pl.ds(N_ATOMS + i * L, L)]
                  * np.float32(DHW)).astype(jnp.int32)
            xv = (cbuf[pl.ds(2 * N_ATOMS + i * L, L)]
                  * np.float32(DHW)).astype(jnp.int32)
            edge = (yv < 2) | (yv > DHW - 3) | (xv < 2) | (xv > DHW - 3)
            zf = jnp.where(edge, zv + EDGE_BIT, zv)
            byxv = yv * DHW + xv
            new = []
            for p in range(NPASS):
                h = (zv >= s0s[p] - 2) & (zv <= s0s[p] + NZ + 1)
                c = cnts[p]
                at = wbase + p * WLCAP + c
                plsc.store_compressed(wl.at[pl.ds(at, L)], zf, mask=h)
                plsc.store_compressed(
                    wl.at[pl.ds(ZONES + at, L)], byxv, mask=h)
                plsc.store_compressed(
                    wl.at[pl.ds(2 * ZONES + at, L)], yv, mask=h)
                plsc.store_compressed(
                    wl.at[pl.ds(3 * ZONES + at, L)], xv, mask=h)
                new.append(c + plsc.all_reduce_population_count(h)[0])
            return tuple(new)

        return lax.fori_loop(0, N_ATOMS // L, sb, (0,) * NPASS)

    nsrc = scan_cloud(src_hbm, 0)
    ntgt = scan_cloud(tgt_hbm, NPASS * WLCAP)

    def atom_body(g0, g1, w, s0):
        zf = wl[pl.ds(w, L)][0]
        zc = zf & (EDGE_BIT - 1)
        byx = wl[pl.ds(ZONES + w, L)][0]

        def planes(m0, m1):
            for lz, grid in ((0, g0), (1, g1)):
                adz = jnp.abs(s0 + lz - zc)

                @pl.when(adz <= 2)
                def _(grid=grid, adz=adz):
                    w0 = ftab[pl.ds(adz * 2 * L, L)]
                    idx0 = byx + off_v[0]
                    cur0 = plsc.load_gather(grid, [idx0], mask=m0)
                    plsc.store_scatter(
                        grid, [idx0], jnp.maximum(cur0, w0), mask=m0)

                    @pl.when(adz <= 1)
                    def _(grid=grid, adz=adz):
                        w1 = ftab[pl.ds((adz * 2 + 1) * L, L)]
                        idx1 = byx + off_v[1]
                        cur1 = plsc.load_gather(grid, [idx1], mask=m1)
                        plsc.store_scatter(
                            grid, [idx1], jnp.maximum(cur1, w1), mask=m1)

        @pl.when(zf < EDGE_BIT)
        def _():
            planes(None, None)

        @pl.when(zf >= EDGE_BIT)
        def _():
            yc = wl[pl.ds(2 * ZONES + w, L)][0]
            xc = wl[pl.ds(3 * ZONES + w, L)][0]
            myx = []
            for g in range(2):
                y = yc + oy_v[g]
                x = xc + ox_v[g]
                myx.append((y >= 0) & (y < DHW) & (x >= 0) & (x < DHW))
            planes(myx[0], myx[1])

    def splat_pair(wb_s, ns, wb_t, nt, s0):
        def body_s(a, _):
            atom_body(sg0, sg1, wb_s + a, s0)
            return 0

        lax.fori_loop(0, ns, body_s, 0)

        def body_t(a, _):
            atom_body(tg0, tg1, wb_t + a, s0)
            return 0

        lax.fori_loop(0, nt, body_t, 0)

    acc_ss = zero_v
    acc_st = zero_v
    for p in range(NPASS):

        def zbody(i, _):
            sg0[pl.ds(i * L, L)] = zero_v
            sg1[pl.ds(i * L, L)] = zero_v
            tg0[pl.ds(i * L, L)] = zero_v
            tg1[pl.ds(i * L, L)] = zero_v
            return 0

        lax.fori_loop(0, PLANE // L, zbody, 0, unroll=8)

        splat_pair(p * WLCAP, nsrc[p],
                   (NPASS + p) * WLCAP, ntgt[p], s0s[p])

        def rbody(i, carry):
            css, cst = carry
            s0v = sg0[pl.ds(i * L, L)]
            s1v = sg1[pl.ds(i * L, L)]
            t0v = tg0[pl.ds(i * L, L)]
            t1v = tg1[pl.ds(i * L, L)]
            return (css + s0v * s0v + s1v * s1v,
                    cst + s0v * t0v + s1v * t1v)

        acc_ss, acc_st = lax.fori_loop(
            0, PLANE // L, rbody, (acc_ss, acc_st), unroll=8)

    for i in range(2 * DHW // L):
        outv[pl.ds(i * L, L)] = zero_v
    outv[pl.ds(0, L)] = acc_ss
    outv[pl.ds(DHW, L)] = acc_st
    pltpu.sync_copy(outv.at[pl.ds(0, DHW)], out_hbm.at[pl.ds(wid * DHW, DHW)])
    pltpu.sync_copy(outv.at[pl.ds(DHW, DHW)],
                    out_hbm.at[pl.ds((NW + wid) * DHW, DHW)])


@jax.jit
def _run(srcc, tgtt):
    mesh = plsc.VectorSubcoreMesh(
        core_axis_name="c", subcore_axis_name="s", num_cores=NC, num_subcores=NS)
    out = pl.kernel(
        _sc_body,
        out_type=jax.ShapeDtypeStruct((2 * NW * DHW,), jnp.float32),
        mesh=mesh,
        compiler_params=pltpu.CompilerParams(needs_layout_passes=False),
        scratch_types=[
            pltpu.VMEM((PLANE,), jnp.float32),
            pltpu.VMEM((PLANE,), jnp.float32),
            pltpu.VMEM((PLANE,), jnp.float32),
            pltpu.VMEM((PLANE,), jnp.float32),
            pltpu.VMEM((3 * N_ATOMS,), jnp.float32),
            pltpu.VMEM((4 * ZONES,), jnp.int32),
            pltpu.VMEM((7 * L,), jnp.int32),
            pltpu.VMEM((9 * L,), jnp.float32),
            pltpu.VMEM((2 * DHW,), jnp.float32),
        ],
    )(srcc, tgtt, jnp.asarray(_ITAB), jnp.asarray(_FTAB))
    halves = out.reshape(2, NW * DHW)
    return jnp.sum(halves[0]) - jnp.sum(halves[1])


def kernel(src, tgt):
    return _run(src.reshape(3 * N_ATOMS), tgt.reshape(3 * N_ATOMS))

# --- scband reference (transcript-rebuilt; emitter-appended) ---
"""Pipeline reference for scband-rscc-loss-47012712022644 (READ-ONLY COPY).

The authoritative reference and input builder live on the scoring server;
editing this copy changes nothing except your own understanding.
"""

import jax, jax.numpy as jnp
import numpy as np

GRID = (128, 128, 128)
ORIGIN = 0.0
VOXEL = 0.0078125
K = (np.pi / 3.5) ** 2
BW2 = 6.0
HALF = 3  # window half-width: ceil(sqrt(6)) on int centers


def setup_inputs(seed: int = 0):
    key = jax.random.key(seed)
    k1, k2 = jax.random.split(key)
    src = jax.random.uniform(k1, (1, 3, 2000), dtype=jnp.float32)
    tgt = jax.random.uniform(k2, (1, 3, 2000), dtype=jnp.float32)
    return {"src": src, "tgt": tgt}


def _ca_mask(coords):
    # coords: [N, 3] float (z, y, x order as in the torch code columns 0,1,2)
    D, H, W = GRID
    dims = jnp.array([D, H, W])
    idx = jnp.floor((coords - ORIGIN) / VOXEL).astype(jnp.int32)  # [N, 3]
    center_ok = jnp.all((idx >= 0) & (idx < dims), axis=1)  # [N]
    offs = jnp.arange(-HALF, HALF + 1)
    oz, oy, ox = jnp.meshgrid(offs, offs, offs, indexing='ij')
    off = jnp.stack([oz.ravel(), oy.ravel(), ox.ravel()], axis=1)  # [343, 3]
    dist_sq = jnp.sum(off.astype(jnp.float32) ** 2, axis=1)  # [343]
    pos = idx[:, None, :] + off[None, :, :]  # [N, 343, 3]
    inb = jnp.all((pos >= 0) & (pos < dims), axis=2)  # [N, 343]
    mask = (dist_sq <= BW2)[None, :] & inb & center_ok[:, None]
    prob = jnp.exp(-K * dist_sq)[None, :] * mask.astype(jnp.float32)  # [N, 343]
    pos_c = jnp.clip(pos, 0, dims - 1)
    flat = (pos_c[..., 0] * H + pos_c[..., 1]) * W + pos_c[..., 2]
    data = jnp.zeros((D * H * W,), dtype=jnp.float32)
    # scatter-max: order-independent, matches the torch per-atom maximum loop
    data = data.at[flat.ravel()].max(prob.ravel())
    return data.reshape(D, H, W)


def reference(src, tgt):
    src_mask = _ca_mask(jnp.transpose(src[0], (1, 0)))
    tgt_mask = _ca_mask(jnp.transpose(tgt[0], (1, 0)))
    srcc = src_mask[None]
    tgtt = tgt_mask[None]
    t = tgtt * srcc
    s = srcc * srcc
    rho_em_mean = jnp.sum(t, axis=(1, 2, 3), keepdims=True)
    rho_mo_mean = jnp.sum(s, axis=(1, 2, 3), keepdims=True)
    edcs_loss = rho_mo_mean - rho_em_mean
    return jnp.mean(edcs_loss)

if __name__ == "__main__":
    import jax
    _d = setup_inputs()
    print(jax.jit(kernel)(*tuple(_d.values())))

</pallas_src>

<mosaic_0001>
#map = affine_map<(d0, d1) -> (0)>
module attributes {stable_mosaic.version = 14 : i64} {
  func.func @_sc_body(%arg0: i32, %arg1: i32, %arg2: memref<6000xf32, #tpu.memory_space<hbm>>, %arg3: memref<6000xf32, #tpu.memory_space<hbm>>, %arg4: memref<112xi32, #tpu.memory_space<hbm>>, %arg5: memref<144xf32, #tpu.memory_space<hbm>>, %arg6: memref<8192xf32, #tpu.memory_space<hbm>>, %arg7: memref<16384xf32, #tpu.memory_space<vmem>>, %arg8: memref<16384xf32, #tpu.memory_space<vmem>>, %arg9: memref<16384xf32, #tpu.memory_space<vmem>>, %arg10: memref<16384xf32, #tpu.memory_space<vmem>>, %arg11: memref<6000xf32, #tpu.memory_space<vmem>>, %arg12: memref<32256xi32, #tpu.memory_space<vmem>>, %arg13: memref<112xi32, #tpu.memory_space<vmem>>, %arg14: memref<144xf32, #tpu.memory_space<vmem>>, %arg15: memref<256xf32, #tpu.memory_space<vmem>>) attributes {dimension_semantics = [#tpu.dimension_semantics<core_parallel>, #tpu.dimension_semantics<subcore_parallel>], iteration_bounds = array<i64: 2, 16>, scalar_prefetch = 0 : i64, scratch_operands = 9 : i64, tpu.core_type = #tpu.core_type<sc_vector_subcore>, window_params = [{transform_indices = #map}, {transform_indices = #map}, {transform_indices = #map}, {transform_indices = #map}, {transform_indices = #map}]} {
    %mul3A = arith.constant 2 : i32
    %mul3A_0 = arith.muli %arg1, %mul3A : i32
    %add3A = arith.addi %mul3A_0, %arg0 : i32
    "tpu.region"() ({
      %run_scoped3A = tpu.sem_alloc : memref<!tpu.dma_semaphore, #tpu.memory_space<semaphore_mem>>
      tpu.enqueue_dma source(%arg4 : memref<112xi32, #tpu.memory_space<hbm>>) target(%arg13 : memref<112xi32, #tpu.memory_space<vmem>>) target_semaphore(%run_scoped3A : memref<!tpu.dma_semaphore, #tpu.memory_space<semaphore_mem>>)
      tpu.wait_dma2 semaphore(%run_scoped3A : memref<!tpu.dma_semaphore, #tpu.memory_space<semaphore_mem>>) src(%arg4 : memref<112xi32, #tpu.memory_space<hbm>>) dst(%arg13 : memref<112xi32, #tpu.memory_space<vmem>>)
      tpu.yield
    }) : () -> ()
    "tpu.region"() ({
      %run_scoped3A = tpu.sem_alloc : memref<!tpu.dma_semaphore, #tpu.memory_space<semaphore_mem>>
      tpu.enqueue_dma source(%arg5 : memref<144xf32, #tpu.memory_space<hbm>>) target(%arg14 : memref<144xf32, #tpu.memory_space<vmem>>) target_semaphore(%run_scoped3A : memref<!tpu.dma_semaphore, #tpu.memory_space<semaphore_mem>>)
      tpu.wait_dma2 semaphore(%run_scoped3A : memref<!tpu.dma_semaphore, #tpu.memory_space<semaphore_mem>>) src(%arg5 : memref<144xf32, #tpu.memory_space<hbm>>) dst(%arg14 : memref<144xf32, #tpu.memory_space<vmem>>)
      tpu.yield
    }) : () -> ()
    %get3A = arith.constant 0 : index
    %get3A_1 = tpu.vector_load %arg13[%get3A] {strides = array<i32>} : memref<112xi32, #tpu.memory_space<vmem>>, vector<16xi32>,
    %get3A_2 = arith.constant 16 : index
    %get3A_3 = tpu.vector_load %arg13[%get3A_2] {strides = array<i32>} : memref<112xi32, #tpu.memory_space<vmem>>, vector<16xi32>,
    %get3A_4 = arith.constant 32 : index
    %get3A_5 = tpu.vector_load %arg13[%get3A_4] {strides = array<i32>} : memref<112xi32, #tpu.memory_space<vmem>>, vector<16xi32>,
    %get3A_6 = arith.constant 48 : index
    %get3A_7 = tpu.vector_load %arg13[%get3A_6] {strides = array<i32>} : memref<112xi32, #tpu.memory_space<vmem>>, vector<16xi32>,
    %get3A_8 = arith.constant 64 : index
    %get3A_9 = tpu.vector_load %arg13[%get3A_8] {strides = array<i32>} : memref<112xi32, #tpu.memory_space<vmem>>, vector<16xi32>,
    %get3A_10 = arith.constant 80 : index
    %get3A_11 = tpu.vector_load %arg13[%get3A_10] {strides = array<i32>} : memref<112xi32, #tpu.memory_space<vmem>>, vector<16xi32>,
    %get3A_12 = arith.constant 96 : index
    %get3A_13 = tpu.vector_load %arg13[%get3A_12] {strides = array<i32>} : memref<112xi32, #tpu.memory_space<vmem>>, vector<16xi32>,
    %get3A_14 = arith.constant 128 : index
    %get3A_15 = tpu.vector_load %arg14[%get3A_14] {strides = array<i32>} : memref<144xf32, #tpu.memory_space<vmem>>, vector<16xf32>,
    %mul3A_16 = arith.constant 2 : i32
    %mul3A_17 = arith.muli %add3A, %mul3A_16 : i32
    %add3A_18 = arith.constant 0 : i32
    %add3A_19 = arith.addi %add3A_18, %mul3A_17 : i32
    %mul3A_20 = arith.constant 2 : i32
    %mul3A_21 = arith.muli %add3A, %mul3A_20 : i32
    %add3A_22 = arith.constant 64 : i32
    %add3A_23 = arith.addi %add3A_22, %mul3A_21 : i32
    "tpu.region"() ({
      %run_scoped3A = tpu.sem_alloc : memref<!tpu.dma_semaphore, #tpu.memory_space<semaphore_mem>>
      tpu.enqueue_dma source(%arg2 : memref<6000xf32, #tpu.memory_space<hbm>>) target(%arg11 : memref<6000xf32, #tpu.memory_space<vmem>>) target_semaphore(%run_scoped3A : memref<!tpu.dma_semaphore, #tpu.memory_space<semaphore_mem>>)
      tpu.wait_dma2 semaphore(%run_scoped3A : memref<!tpu.dma_semaphore, #tpu.memory_space<semaphore_mem>>) src(%arg2 : memref<6000xf32, #tpu.memory_space<hbm>>) dst(%arg11 : memref<6000xf32, #tpu.memory_space<vmem>>)
      tpu.yield
    }) : () -> ()
    %scan3A = arith.constant 0 : i32
    %scan3A_24 = arith.constant 0 : i32
    %scan3A_25 = arith.constant 0 : i32
    %scan3A_26 = arith.constant 125 : i32
    %scan3A_27 = arith.addi %scan3A_25, %scan3A_26 : i32
    %scan3A_28 = arith.constant 1 : i32
    %scan3A_29:2 = scf.for %scan3A_153 = %scan3A_25 to %scan3A_27 step %scan3A_28 iter_args(%scan3A_154 = %scan3A, %scan3A_155 = %scan3A_24) -> (i32, i32)  : i32 {
      %mul3A_156 = arith.constant 16 : i32
      %mul3A_157 = arith.muli %scan3A_153, %mul3A_156 : i32
      %get3A_158 = arith.index_cast %mul3A_157 : i32 to index
      %get3A_159 = tpu.vector_load %arg11[%get3A_158] {strides = array<i32>} : memref<6000xf32, #tpu.memory_space<vmem>>, vector<16xf32>,
      %mul3A_160 = arith.constant 1.280000e+02 : f32
      %mul3A_161 = vector.broadcast %mul3A_160 : f32 to vector<16xf32>
      %mul3A_162 = arith.mulf %get3A_159, %mul3A_161 : vector<16xf32>
      %convert_element_type3A = arith.fptosi %mul3A_162 : vector<16xf32> to vector<16xi32>
      %mul3A_163 = arith.constant 16 : i32
      %mul3A_164 = arith.muli %scan3A_153, %mul3A_163 : i32
      %add3A_165 = arith.constant 2000 : i32
      %add3A_166 = arith.addi %add3A_165, %mul3A_164 : i32
      %get3A_167 = arith.index_cast %add3A_166 : i32 to index
      %get3A_168 = tpu.vector_load %arg11[%get3A_167] {strides = array<i32>} : memref<6000xf32, #tpu.memory_space<vmem>>, vector<16xf32>,
      %mul3A_169 = arith.constant 1.280000e+02 : f32
      %mul3A_170 = vector.broadcast %mul3A_169 : f32 to vector<16xf32>
      %mul3A_171 = arith.mulf %get3A_168, %mul3A_170 : vector<16xf32>
      %convert_element_type3A_172 = arith.fptosi %mul3A_171 : vector<16xf32> to vector<16xi32>
      %mul3A_173 = arith.constant 16 : i32
      %mul3A_174 = arith.muli %scan3A_153, %mul3A_173 : i32
      %add3A_175 = arith.constant 4000 : i32
      %add3A_176 = arith.addi %add3A_175, %mul3A_174 : i32
      %get3A_177 = arith.index_cast %add3A_176 : i32 to index
      %get3A_178 = tpu.vector_load %arg11[%get3A_177] {strides = array<i32>} : memref<6000xf32, #tpu.memory_space<vmem>>, vector<16xf32>,
      %mul3A_179 = arith.constant 1.280000e+02 : f32
      %mul3A_180 = vector.broadcast %mul3A_179 : f32 to vector<16xf32>
      %mul3A_181 = arith.mulf %get3A_178, %mul3A_180 : vector<16xf32>
      %convert_element_type3A_182 = arith.fptosi %mul3A_181 : vector<16xf32> to vector<16xi32>
      %lt3A = arith.constant 2 : i32
      %lt3A_183 = vector.broadcast %lt3A : i32 to vector<16xi32>
      %lt3A_184 = arith.cmpi slt, %convert_element_type3A_172, %lt3A_183 : vector<16xi32>
      %gt3A = arith.constant 125 : i32
      %gt3A_185 = vector.broadcast %gt3A : i32 to vector<16xi32>
      %gt3A_186 = arith.cmpi sgt, %convert_element_type3A_172, %gt3A_185 : vector<16xi32>
      %or3A = arith.ori %lt3A_184, %gt3A_186 : vector<16xi1>
      %lt3A_187 = arith.constant 2 : i32
      %lt3A_188 = vector.broadcast %lt3A_187 : i32 to vector<16xi32>
      %lt3A_189 = arith.cmpi slt, %convert_element_type3A_182, %lt3A_188 : vector<16xi32>
      %or3A_190 = arith.ori %or3A, %lt3A_189 : vector<16xi1>
      %gt3A_191 = arith.constant 125 : i32
      %gt3A_192 = vector.broadcast %gt3A_191 : i32 to vector<16xi32>
      %gt3A_193 = arith.cmpi sgt, %convert_element_type3A_182, %gt3A_192 : vector<16xi32>
      %or3A_194 = arith.ori %or3A_190, %gt3A_193 : vector<16xi1>
      %add3A_195 = arith.constant 65536 : i32
      %add3A_196 = vector.broadcast %add3A_195 : i32 to vector<16xi32>
      %add3A_197 = arith.addi %convert_element_type3A, %add3A_196 : vector<16xi32>
      %select_n3A = arith.select %or3A_194, %add3A_197, %convert_element_type3A : vector<16xi1>, vector<16xi32>
      %mul3A_198 = arith.constant 128 : i32
      %mul3A_199 = vector.broadcast %mul3A_198 : i32 to vector<16xi32>
      %mul3A_200 = arith.muli %convert_element_type3A_172, %mul3A_199 : vector<16xi32>
      %add3A_201 = arith.addi %mul3A_200, %convert_element_type3A_182 : vector<16xi32>
      %sub3A = arith.constant 2 : i32
      %sub3A_202 = arith.subi %add3A_19, %sub3A : i32
      %ge3A = vector.broadcast %sub3A_202 : i32 to vector<16xi32>
      %ge3A_203 = arith.cmpi sge, %convert_element_type3A, %ge3A : vector<16xi32>
      %add3A_204 = arith.constant 2 : i32
      %add3A_205 = arith.addi %add3A_19, %add3A_204 : i32
      %add3A_206 = arith.constant 1 : i32
      %add3A_207 = arith.addi %add3A_205, %add3A_206 : i32
      %le3A = vector.broadcast %add3A_207 : i32 to vector<16xi32>
      %le3A_208 = arith.cmpi sle, %convert_element_type3A, %le3A : vector<16xi32>
      %and3A = arith.andi %ge3A_203, %le3A_208 : vector<16xi1>
      %add3A_209 = arith.constant 0 : i32
      %add3A_210 = arith.addi %add3A_209, %scan3A_154 : i32
      %swap3A_211 = arith.index_cast %add3A_210 : i32 to index
      %swap3A_212 = tpu.vector_load %arg12[%swap3A_211] masked %and3A {strides = array<i32>} : memref<32256xi32, #tpu.memory_space<vmem>>, vector<16xi32>, vector<16xi1>
      tpu.vector_store %arg12[%swap3A_211], %select_n3A masked %and3A {strides = array<i32>} : memref<32256xi32, #tpu.memory_space<vmem>>, vector<16xi32>, vector<16xi1>
      %add3A_213 = arith.constant 8064 : i32
      %add3A_214 = arith.addi %add3A_213, %add3A_210 : i32
      %swap3A_215 = arith.index_cast %add3A_214 : i32 to index
      %swap3A_216 = tpu.vector_load %arg12[%swap3A_215] masked %and3A {strides = array<i32>} : memref<32256xi32, #tpu.memory_space<vmem>>, vector<16xi32>, vector<16xi1>
      tpu.vector_store %arg12[%swap3A_215], %add3A_201 masked %and3A {strides = array<i32>} : memref<32256xi32, #tpu.memory_space<vmem>>, vector<16xi32>, vector<16xi1>
      %add3A_217 = arith.constant 16128 : i32
      %add3A_218 = arith.addi %add3A_217, %add3A_210 : i32
      %swap3A_219 = arith.index_cast %add3A_218 : i32 to index
      %swap3A_220 = tpu.vector_load %arg12[%swap3A_219] masked %and3A {strides = array<i32>} : memref<32256xi32, #tpu.memory_space<vmem>>, vector<16xi32>, vector<16xi1>
      tpu.vector_store %arg12[%swap3A_219], %convert_element_type3A_172 masked %and3A {strides = array<i32>} : memref<32256xi32, #tpu.memory_space<vmem>>, vector<16xi32>, vector<16xi1>
      %add3A_221 = arith.constant 24192 : i32
      %add3A_222 = arith.addi %add3A_221, %add3A_210 : i32
      %swap3A_223 = arith.index_cast %add3A_222 : i32 to index
      %swap3A_224 = tpu.vector_load %arg12[%swap3A_223] masked %and3A {strides = array<i32>} : memref<32256xi32, #tpu.memory_space<vmem>>, vector<16xi32>, vector<16xi1>
      tpu.vector_store %arg12[%swap3A_223], %convert_element_type3A_182 masked %and3A {strides = array<i32>} : memref<32256xi32, #tpu.memory_space<vmem>>, vector<16xi32>, vector<16xi1>
      %all_reduce_population_count3A = tpu.all_reduce %and3A {dim = 0 : i64, kind = #tpu.reduction_kind<sum>} : vector<16xi1> -> vector<16xi32>
      %slice3A = vector.extract_strided_slice %all_reduce_population_count3A {offsets = [0], sizes = [1], strides = [1]} : vector<16xi32> to vector<1xi32>
      %squeeze3A = vector.extract %slice3A[0] : i32 from vector<1xi32>
      %add3A_225 = arith.addi %scan3A_154, %squeeze3A : i32
      %sub3A_226 = arith.constant 2 : i32
      %sub3A_227 = arith.subi %add3A_23, %sub3A_226 : i32
      %ge3A_228 = vector.broadcast %sub3A_227 : i32 to vector<16xi32>
      %ge3A_229 = arith.cmpi sge, %convert_element_type3A, %ge3A_228 : vector<16xi32>
      %add3A_230 = arith.constant 2 : i32
      %add3A_231 = arith.addi %add3A_23, %add3A_230 : i32
      %add3A_232 = arith.constant 1 : i32
      %add3A_233 = arith.addi %add3A_231, %add3A_232 : i32
      %le3A_234 = vector.broadcast %add3A_233 : i32 to vector<16xi32>
      %le3A_235 = arith.cmpi sle, %convert_element_type3A, %le3A_234 : vector<16xi32>
      %and3A_236 = arith.andi %ge3A_229, %le3A_235 : vector<16xi1>
      %add3A_237 = arith.constant 2016 : i32
      %add3A_238 = arith.addi %add3A_237, %scan3A_155 : i32
      %swap3A_239 = arith.index_cast %add3A_238 : i32 to index
      %swap3A_240 = tpu.vector_load %arg12[%swap3A_239] masked %and3A_236 {strides = array<i32>} : memref<32256xi32, #tpu.memory_space<vmem>>, vector<16xi32>, vector<16xi1>
      tpu.vector_store %arg12[%swap3A_239], %select_n3A masked %and3A_236 {strides = array<i32>} : memref<32256xi32, #tpu.memory_space<vmem>>, vector<16xi32>, vector<16xi1>
      %add3A_241 = arith.constant 8064 : i32
      %add3A_242 = arith.addi %add3A_241, %add3A_238 : i32
      %swap3A_243 = arith.index_cast %add3A_242 : i32 to index
      %swap3A_244 = tpu.vector_load %arg12[%swap3A_243] masked %and3A_236 {strides = array<i32>} : memref<32256xi32, #tpu.memory_space<vmem>>, vector<16xi32>, vector<16xi1>
      tpu.vector_store %arg12[%swap3A_243], %add3A_201 masked %and3A_236 {strides = array<i32>} : memref<32256xi32, #tpu.memory_space<vmem>>, vector<16xi32>, vector<16xi1>
      %add3A_245 = arith.constant 16128 : i32
      %add3A_246 = arith.addi %add3A_245, %add3A_238 : i32
      %swap3A_247 = arith.index_cast %add3A_246 : i32 to index
      %swap3A_248 = tpu.vector_load %arg12[%swap3A_247] masked %and3A_236 {strides = array<i32>} : memref<32256xi32, #tpu.memory_space<vmem>>, vector<16xi32>, vector<16xi1>
      tpu.vector_store %arg12[%swap3A_247], %convert_element_type3A_172 masked %and3A_236 {strides = array<i32>} : memref<32256xi32, #tpu.memory_space<vmem>>, vector<16xi32>, vector<16xi1>
      %add3A_249 = arith.constant 24192 : i32
      %add3A_250 = arith.addi %add3A_249, %add3A_238 : i32
      %swap3A_251 = arith.index_cast %add3A_250 : i32 to index
      %swap3A_252 = tpu.vector_load %arg12[%swap3A_251] masked %and3A_236 {strides = array<i32>} : memref<32256xi32, #tpu.memory_space<vmem>>, vector<16xi32>, vector<16xi1>
      tpu.vector_store %arg12[%swap3A_251], %convert_element_type3A_182 masked %and3A_236 {strides = array<i32>} : memref<32256xi32, #tpu.memory_space<vmem>>, vector<16xi32>, vector<16xi1>
      %all_reduce_population_count3A_253 = tpu.all_reduce %and3A_236 {dim = 0 : i64, kind = #tpu.reduction_kind<sum>} : vector<16xi1> -> vector<16xi32>
      %slice3A_254 = vector.extract_strided_slice %all_reduce_population_count3A_253 {offsets = [0], sizes = [1], strides = [1]} : vector<16xi32> to vector<1xi32>
      %squeeze3A_255 = vector.extract %slice3A_254[0] : i32 from vector<1xi32>
      %add3A_256 = arith.addi %scan3A_155, %squeeze3A_255 : i32
      scf.yield %add3A_225, %add3A_256 : i32, i32
    }
    %scan3A_30 = arith.constant 125 : i32
    "tpu.region"() ({
      %run_scoped3A = tpu.sem_alloc : memref<!tpu.dma_semaphore, #tpu.memory_space<semaphore_mem>>
      tpu.enqueue_dma source(%arg3 : memref<6000xf32, #tpu.memory_space<hbm>>) target(%arg11 : memref<6000xf32, #tpu.memory_space<vmem>>) target_semaphore(%run_scoped3A : memref<!tpu.dma_semaphore, #tpu.memory_space<semaphore_mem>>)
      tpu.wait_dma2 semaphore(%run_scoped3A : memref<!tpu.dma_semaphore, #tpu.memory_space<semaphore_mem>>) src(%arg3 : memref<6000xf32, #tpu.memory_space<hbm>>) dst(%arg11 : memref<6000xf32, #tpu.memory_space<vmem>>)
      tpu.yield
    }) : () -> ()
    %scan3A_31 = arith.constant 0 : i32
    %scan3A_32 = arith.constant 0 : i32
    %scan3A_33 = arith.constant 0 : i32
    %scan3A_34 = arith.constant 125 : i32
    %scan3A_35 = arith.addi %scan3A_33, %scan3A_34 : i32
    %scan3A_36 = arith.constant 1 : i32
    %scan3A_37:2 = scf.for %scan3A_153 = %scan3A_33 to %scan3A_35 step %scan3A_36 iter_args(%scan3A_154 = %scan3A_31, %scan3A_155 = %scan3A_32) -> (i32, i32)  : i32 {
      %mul3A_156 = arith.constant 16 : i32
      %mul3A_157 = arith.muli %scan3A_153, %mul3A_156 : i32
      %get3A_158 = arith.index_cast %mul3A_157 : i32 to index
      %get3A_159 = tpu.vector_load %arg11[%get3A_158] {strides = array<i32>} : memref<6000xf32, #tpu.memory_space<vmem>>, vector<16xf32>,
      %mul3A_160 = arith.constant 1.280000e+02 : f32
      %mul3A_161 = vector.broadcast %mul3A_160 : f32 to vector<16xf32>
      %mul3A_162 = arith.mulf %get3A_159, %mul3A_161 : vector<16xf32>
      %convert_element_type3A = arith.fptosi %mul3A_162 : vector<16xf32> to vector<16xi32>
      %mul3A_163 = arith.constant 16 : i32
      %mul3A_164 = arith.muli %scan3A_153, %mul3A_163 : i32
      %add3A_165 = arith.constant 2000 : i32
      %add3A_166 = arith.addi %add3A_165, %mul3A_164 : i32
      %get3A_167 = arith.index_cast %add3A_166 : i32 to index
      %get3A_168 = tpu.vector_load %arg11[%get3A_167] {strides = array<i32>} : memref<6000xf32, #tpu.memory_space<vmem>>, vector<16xf32>,
      %mul3A_169 = arith.constant 1.280000e+02 : f32
      %mul3A_170 = vector.broadcast %mul3A_169 : f32 to vector<16xf32>
      %mul3A_171 = arith.mulf %get3A_168, %mul3A_170 : vector<16xf32>
      %convert_element_type3A_172 = arith.fptosi %mul3A_171 : vector<16xf32> to vector<16xi32>
      %mul3A_173 = arith.constant 16 : i32
      %mul3A_174 = arith.muli %scan3A_153, %mul3A_173 : i32
      %add3A_175 = arith.constant 4000 : i32
      %add3A_176 = arith.addi %add3A_175, %mul3A_174 : i32
      %get3A_177 = arith.index_cast %add3A_176 : i32 to index
      %get3A_178 = tpu.vector_load %arg11[%get3A_177] {strides = array<i32>} : memref<6000xf32, #tpu.memory_space<vmem>>, vector<16xf32>,
      %mul3A_179 = arith.constant 1.280000e+02 : f32
      %mul3A_180 = vector.broadcast %mul3A_179 : f32 to vector<16xf32>
      %mul3A_181 = arith.mulf %get3A_178, %mul3A_180 : vector<16xf32>
      %convert_element_type3A_182 = arith.fptosi %mul3A_181 : vector<16xf32> to vector<16xi32>
      %lt3A = arith.constant 2 : i32
      %lt3A_183 = vector.broadcast %lt3A : i32 to vector<16xi32>
      %lt3A_184 = arith.cmpi slt, %convert_element_type3A_172, %lt3A_183 : vector<16xi32>
      %gt3A = arith.constant 125 : i32
      %gt3A_185 = vector.broadcast %gt3A : i32 to vector<16xi32>
      %gt3A_186 = arith.cmpi sgt, %convert_element_type3A_172, %gt3A_185 : vector<16xi32>
      %or3A = arith.ori %lt3A_184, %gt3A_186 : vector<16xi1>
      %lt3A_187 = arith.constant 2 : i32
      %lt3A_188 = vector.broadcast %lt3A_187 : i32 to vector<16xi32>
      %lt3A_189 = arith.cmpi slt, %convert_element_type3A_182, %lt3A_188 : vector<16xi32>
      %or3A_190 = arith.ori %or3A, %lt3A_189 : vector<16xi1>
      %gt3A_191 = arith.constant 125 : i32
      %gt3A_192 = vector.broadcast %gt3A_191 : i32 to vector<16xi32>
      %gt3A_193 = arith.cmpi sgt, %convert_element_type3A_182, %gt3A_192 : vector<16xi32>
      %or3A_194 = arith.ori %or3A_190, %gt3A_193 : vector<16xi1>
      %add3A_195 = arith.constant 65536 : i32
      %add3A_196 = vector.broadcast %add3A_195 : i32 to vector<16xi32>
      %add3A_197 = arith.addi %convert_element_type3A, %add3A_196 : vector<16xi32>
      %select_n3A = arith.select %or3A_194, %add3A_197, %convert_element_type3A : vector<16xi1>, vector<16xi32>
      %mul3A_198 = arith.constant 128 : i32
      %mul3A_199 = vector.broadcast %mul3A_198 : i32 to vector<16xi32>
      %mul3A_200 = arith.muli %convert_element_type3A_172, %mul3A_199 : vector<16xi32>
      %add3A_201 = arith.addi %mul3A_200, %convert_element_type3A_182 : vector<16xi32>
      %sub3A = arith.constant 2 : i32
      %sub3A_202 = arith.subi %add3A_19, %sub3A : i32
      %ge3A = vector.broadcast %sub3A_202 : i32 to vector<16xi32>
      %ge3A_203 = arith.cmpi sge, %convert_element_type3A, %ge3A : vector<16xi32>
      %add3A_204 = arith.constant 2 : i32
      %add3A_205 = arith.addi %add3A_19, %add3A_204 : i32
      %add3A_206 = arith.constant 1 : i32
      %add3A_207 = arith.addi %add3A_205, %add3A_206 : i32
      %le3A = vector.broadcast %add3A_207 : i32 to vector<16xi32>
      %le3A_208 = arith.cmpi sle, %convert_element_type3A, %le3A : vector<16xi32>
      %and3A = arith.andi %ge3A_203, %le3A_208 : vector<16xi1>
      %add3A_209 = arith.constant 4032 : i32
      %add3A_210 = arith.addi %add3A_209, %scan3A_154 : i32
      %swap3A_211 = arith.index_cast %add3A_210 : i32 to index
      %swap3A_212 = tpu.vector_load %arg12[%swap3A_211] masked %and3A {strides = array<i32>} : memref<32256xi32, #tpu.memory_space<vmem>>, vector<16xi32>, vector<16xi1>
      tpu.vector_store %arg12[%swap3A_211], %select_n3A masked %and3A {strides = array<i32>} : memref<32256xi32, #tpu.memory_space<vmem>>, vector<16xi32>, vector<16xi1>
      %add3A_213 = arith.constant 8064 : i32
      %add3A_214 = arith.addi %add3A_213, %add3A_210 : i32
      %swap3A_215 = arith.index_cast %add3A_214 : i32 to index
      %swap3A_216 = tpu.vector_load %arg12[%swap3A_215] masked %and3A {strides = array<i32>} : memref<32256xi32, #tpu.memory_space<vmem>>, vector<16xi32>, vector<16xi1>
      tpu.vector_store %arg12[%swap3A_215], %add3A_201 masked %and3A {strides = array<i32>} : memref<32256xi32, #tpu.memory_space<vmem>>, vector<16xi32>, vector<16xi1>
      %add3A_217 = arith.constant 16128 : i32
      %add3A_218 = arith.addi %add3A_217, %add3A_210 : i32
      %swap3A_219 = arith.index_cast %add3A_218 : i32 to index
      %swap3A_220 = tpu.vector_load %arg12[%swap3A_219] masked %and3A {strides = array<i32>} : memref<32256xi32, #tpu.memory_space<vmem>>, vector<16xi32>, vector<16xi1>
      tpu.vector_store %arg12[%swap3A_219], %convert_element_type3A_172 masked %and3A {strides = array<i32>} : memref<32256xi32, #tpu.memory_space<vmem>>, vector<16xi32>, vector<16xi1>
      %add3A_221 = arith.constant 24192 : i32
      %add3A_222 = arith.addi %add3A_221, %add3A_210 : i32
      %swap3A_223 = arith.index_cast %add3A_222 : i32 to index
      %swap3A_224 = tpu.vector_load %arg12[%swap3A_223] masked %and3A {strides = array<i32>} : memref<32256xi32, #tpu.memory_space<vmem>>, vector<16xi32>, vector<16xi1>
      tpu.vector_store %arg12[%swap3A_223], %convert_element_type3A_182 masked %and3A {strides = array<i32>} : memref<32256xi32, #tpu.memory_space<vmem>>, vector<16xi32>, vector<16xi1>
      %all_reduce_population_count3A = tpu.all_reduce %and3A {dim = 0 : i64, kind = #tpu.reduction_kind<sum>} : vector<16xi1> -> vector<16xi32>
      %slice3A = vector.extract_strided_slice %all_reduce_population_count3A {offsets = [0], sizes = [1], strides = [1]} : vector<16xi32> to vector<1xi32>
      %squeeze3A = vector.extract %slice3A[0] : i32 from vector<1xi32>
      %add3A_225 = arith.addi %scan3A_154, %squeeze3A : i32
      %sub3A_226 = arith.constant 2 : i32
      %sub3A_227 = arith.subi %add3A_23, %sub3A_226 : i32
      %ge3A_228 = vector.broadcast %sub3A_227 : i32 to vector<16xi32>
      %ge3A_229 = arith.cmpi sge, %convert_element_type3A, %ge3A_228 : vector<16xi32>
      %add3A_230 = arith.constant 2 : i32
      %add3A_231 = arith.addi %add3A_23, %add3A_230 : i32
      %add3A_232 = arith.constant 1 : i32
      %add3A_233 = arith.addi %add3A_231, %add3A_232 : i32
      %le3A_234 = vector.broadcast %add3A_233 : i32 to vector<16xi32>
      %le3A_235 = arith.cmpi sle, %convert_element_type3A, %le3A_234 : vector<16xi32>
      %and3A_236 = arith.andi %ge3A_229, %le3A_235 : vector<16xi1>
      %add3A_237 = arith.constant 6048 : i32
      %add3A_238 = arith.addi %add3A_237, %scan3A_155 : i32
      %swap3A_239 = arith.index_cast %add3A_238 : i32 to index
      %swap3A_240 = tpu.vector_load %arg12[%swap3A_239] masked %and3A_236 {strides = array<i32>} : memref<32256xi32, #tpu.memory_space<vmem>>, vector<16xi32>, vector<16xi1>
      tpu.vector_store %arg12[%swap3A_239], %select_n3A masked %and3A_236 {strides = array<i32>} : memref<32256xi32, #tpu.memory_space<vmem>>, vector<16xi32>, vector<16xi1>
      %add3A_241 = arith.constant 8064 : i32
      %add3A_242 = arith.addi %add3A_241, %add3A_238 : i32
      %swap3A_243 = arith.index_cast %add3A_242 : i32 to index
      %swap3A_244 = tpu.vector_load %arg12[%swap3A_243] masked %and3A_236 {strides = array<i32>} : memref<32256xi32, #tpu.memory_space<vmem>>, vector<16xi32>, vector<16xi1>
      tpu.vector_store %arg12[%swap3A_243], %add3A_201 masked %and3A_236 {strides = array<i32>} : memref<32256xi32, #tpu.memory_space<vmem>>, vector<16xi32>, vector<16xi1>
      %add3A_245 = arith.constant 16128 : i32
      %add3A_246 = arith.addi %add3A_245, %add3A_238 : i32
      %swap3A_247 = arith.index_cast %add3A_246 : i32 to index
      %swap3A_248 = tpu.vector_load %arg12[%swap3A_247] masked %and3A_236 {strides = array<i32>} : memref<32256xi32, #tpu.memory_space<vmem>>, vector<16xi32>, vector<16xi1>
      tpu.vector_store %arg12[%swap3A_247], %convert_element_type3A_172 masked %and3A_236 {strides = array<i32>} : memref<32256xi32, #tpu.memory_space<vmem>>, vector<16xi32>, vector<16xi1>
      %add3A_249 = arith.constant 24192 : i32
      %add3A_250 = arith.addi %add3A_249, %add3A_238 : i32
      %swap3A_251 = arith.index_cast %add3A_250 : i32 to index
      %swap3A_252 = tpu.vector_load %arg12[%swap3A_251] masked %and3A_236 {strides = array<i32>} : memref<32256xi32, #tpu.memory_space<vmem>>, vector<16xi32>, vector<16xi1>
      tpu.vector_store %arg12[%swap3A_251], %convert_element_type3A_182 masked %and3A_236 {strides = array<i32>} : memref<32256xi32, #tpu.memory_space<vmem>>, vector<16xi32>, vector<16xi1>
      %all_reduce_population_count3A_253 = tpu.all_reduce %and3A_236 {dim = 0 : i64, kind = #tpu.reduction_kind<sum>} : vector<16xi1> -> vector<16xi32>
      %slice3A_254 = vector.extract_strided_slice %all_reduce_population_count3A_253 {offsets = [0], sizes = [1], strides = [1]} : vector<16xi32> to vector<1xi32>
      %squeeze3A_255 = vector.extract %slice3A_254[0] : i32 from vector<1xi32>
      %add3A_256 = arith.addi %scan3A_155, %squeeze3A_255 : i32
      scf.yield %add3A_225, %add3A_256 : i32, i32
    }
    %scan3A_38 = arith.constant 125 : i32
    %scan3A_39 = arith.constant 0 : i32
    %scan3A_40 = arith.constant 0 : i32
    %scan3A_41 = arith.constant 1024 : i32
    %scan3A_42 = arith.addi %scan3A_40, %scan3A_41 : i32
    %scan3A_43 = arith.constant 8 : i32
    %scan3A_44 = scf.for %scan3A_153 = %scan3A_40 to %scan3A_42 step %scan3A_43 iter_args(%scan3A_154 = %scan3A_39) -> (i32)  : i32 {
      %mul3A_155 = arith.constant 16 : i32
      %mul3A_156 = arith.muli %scan3A_153, %mul3A_155 : i32
      %swap3A_157 = arith.index_cast %mul3A_156 : i32 to index
      %swap3A_158 = tpu.vector_load %arg7[%swap3A_157] {strides = array<i32>} : memref<16384xf32, #tpu.memory_space<vmem>>, vector<16xf32>,
      tpu.vector_store %arg7[%swap3A_157], %get3A_15 {strides = array<i32>} : memref<16384xf32, #tpu.memory_space<vmem>>, vector<16xf32>,
      %mul3A_159 = arith.constant 16 : i32
      %mul3A_160 = arith.muli %scan3A_153, %mul3A_159 : i32
      %swap3A_161 = arith.index_cast %mul3A_160 : i32 to index
      %swap3A_162 = tpu.vector_load %arg8[%swap3A_161] {strides = array<i32>} : memref<16384xf32, #tpu.memory_space<vmem>>, vector<16xf32>,
      tpu.vector_store %arg8[%swap3A_161], %get3A_15 {strides = array<i32>} : memref<16384xf32, #tpu.memory_space<vmem>>, vector<16xf32>,
      %mul3A_163 = arith.constant 16 : i32
      %mul3A_164 = arith.muli %scan3A_153, %mul3A_163 : i32
      %swap3A_165 = arith.index_cast %mul3A_164 : i32 to index
      %swap3A_166 = tpu.vector_load %arg9[%swap3A_165] {strides = array<i32>} : memref<16384xf32, #tpu.memory_space<vmem>>, vector<16xf32>,
      tpu.vector_store %arg9[%swap3A_165], %get3A_15 {strides = array<i32>} : memref<16384xf32, #tpu.memory_space<vmem>>, vector<16xf32>,
      %mul3A_167 = arith.constant 16 : i32
      %mul3A_168 = arith.muli %scan3A_153, %mul3A_167 : i32
      %swap3A_169 = arith.index_cast %mul3A_168 : i32 to index
      %swap3A_170 = tpu.vector_load %arg10[%swap3A_169] {strides = array<i32>} : memref<16384xf32, #tpu.memory_space<vmem>>, vector<16xf32>,
      tpu.vector_store %arg10[%swap3A_169], %get3A_15 {strides = array<i32>} : memref<16384xf32, #tpu.memory_space<vmem>>, vector<16xf32>,
      %scan3A_171 = arith.constant 0 : i32
      %scan3A_172 = arith.constant 1 : i32
      %scan3A_173 = arith.addi %scan3A_153, %scan3A_172 : i32
      %mul3A_174 = arith.constant 16 : i32
      %mul3A_175 = arith.muli %scan3A_173, %mul3A_174 : i32
      %swap3A_176 = arith.index_cast %mul3A_175 : i32 to index
      %swap3A_177 = tpu.vector_load %arg7[%swap3A_176] {strides = array<i32>} : memref<16384xf32, #tpu.memory_space<vmem>>, vector<16xf32>,
      tpu.vector_store %arg7[%swap3A_176], %get3A_15 {strides = array<i32>} : memref<16384xf32, #tpu.memory_space<vmem>>, vector<16xf32>,
      %mul3A_178 = arith.constant 16 : i32
      %mul3A_179 = arith.muli %scan3A_173, %mul3A_178 : i32
      %swap3A_180 = arith.index_cast %mul3A_179 : i32 to index
      %swap3A_181 = tpu.vector_load %arg8[%swap3A_180] {strides = array<i32>} : memref<16384xf32, #tpu.memory_space<vmem>>, vector<16xf32>,
      tpu.vector_store %arg8[%swap3A_180], %get3A_15 {strides = array<i32>} : memref<16384xf32, #tpu.memory_space<vmem>>, vector<16xf32>,
      %mul3A_182 = arith.constant 16 : i32
      %mul3A_183 = arith.muli %scan3A_173, %mul3A_182 : i32
      %swap3A_184 = arith.index_cast %mul3A_183 : i32 to index
      %swap3A_185 = tpu.vector_load %arg9[%swap3A_184] {strides = array<i32>} : memref<16384xf32, #tpu.memory_space<vmem>>, vector<16xf32>,
      tpu.vector_store %arg9[%swap3A_184], %get3A_15 {strides = array<i32>} : memref<16384xf32, #tpu.memory_space<vmem>>, vector<16xf32>,
      %mul3A_186 = arith.constant 16 : i32
      %mul3A_187 = arith.muli %scan3A_173, %mul3A_186 : i32
      %swap3A_188 = arith.index_cast %mul3A_187 : i32 to index
      %swap3A_189 = tpu.vector_load %arg10[%swap3A_188] {strides = array<i32>} : memref<16384xf32, #tpu.memory_space<vmem>>, vector<16xf32>,
      tpu.vector_store %arg10[%swap3A_188], %get3A_15 {strides = array<i32>} : memref<16384xf32, #tpu.memory_space<vmem>>, vector<16xf32>,
      %scan3A_190 = arith.constant 0 : i32
      %scan3A_191 = arith.constant 2 : i32
      %scan3A_192 = arith.addi %scan3A_153, %scan3A_191 : i32
      %mul3A_193 = arith.constant 16 : i32
      %mul3A_194 = arith.muli %scan3A_192, %mul3A_193 : i32
      %swap3A_195 = arith.index_cast %mul3A_194 : i32 to index
      %swap3A_196 = tpu.vector_load %arg7[%swap3A_195] {strides = array<i32>} : memref<16384xf32, #tpu.memory_space<vmem>>, vector<16xf32>,
      tpu.vector_store %arg7[%swap3A_195], %get3A_15 {strides = array<i32>} : memref<16384xf32, #tpu.memory_space<vmem>>, vector<16xf32>,
      %mul3A_197 = arith.constant 16 : i32
      %mul3A_198 = arith.muli %scan3A_192, %mul3A_197 : i32
      %swap3A_199 = arith.index_cast %mul3A_198 : i32 to index
      %swap3A_200 = tpu.vector_load %arg8[%swap3A_199] {strides = array<i32>} : memref<16384xf32, #tpu.memory_space<vmem>>, vector<16xf32>,
      tpu.vector_store %arg8[%swap3A_199], %get3A_15 {strides = array<i32>} : memref<16384xf32, #tpu.memory_space<vmem>>, vector<16xf32>,
      %mul3A_201 = arith.constant 16 : i32
      %mul3A_202 = arith.muli %scan3A_192, %mul3A_201 : i32
      %swap3A_203 = arith.index_cast %mul3A_202 : i32 to index
      %swap3A_204 = tpu.vector_load %arg9[%swap3A_203] {strides = array<i32>} : memref<16384xf32, #tpu.memory_space<vmem>>, vector<16xf32>,
      tpu.vector_store %arg9[%swap3A_203], %get3A_15 {strides = array<i32>} : memref<16384xf32, #tpu.memory_space<vmem>>, vector<16xf32>,
      %mul3A_205 = arith.constant 16 : i32
      %mul3A_206 = arith.muli %scan3A_192, %mul3A_205 : i32
      %swap3A_207 = arith.index_cast %mul3A_206 : i32 to index
      %swap3A_208 = tpu.vector_load %arg10[%swap3A_207] {strides = array<i32>} : memref<16384xf32, #tpu.memory_space<vmem>>, vector<16xf32>,
      tpu.vector_store %arg10[%swap3A_207], %get3A_15 {strides = array<i32>} : memref<16384xf32, #tpu.memory_space<vmem>>, vector<16xf32>,
      %scan3A_209 = arith.constant 0 : i32
      %scan3A_210 = arith.constant 3 : i32
      %scan3A_211 = arith.addi %scan3A_153, %scan3A_210 : i32
      %mul3A_212 = arith.constant 16 : i32
      %mul3A_213 = arith.muli %scan3A_211, %mul3A_212 : i32
      %swap3A_214 = arith.index_cast %mul3A_213 : i32 to index
      %swap3A_215 = tpu.vector_load %arg7[%swap3A_214] {strides = array<i32>} : memref<16384xf32, #tpu.memory_space<vmem>>, vector<16xf32>,
      tpu.vector_store %arg7[%swap3A_214], %get3A_15 {strides = array<i32>} : memref<16384xf32, #tpu.memory_space<vmem>>, vector<16xf32>,
      %mul3A_216 = arith.constant 16 : i32
      %mul3A_217 = arith.muli %scan3A_211, %mul3A_216 : i32
      %swap3A_218 = arith.index_cast %mul3A_217 : i32 to index
      %swap3A_219 = tpu.vector_load %arg8[%swap3A_218] {strides = array<i32>} : memref<16384xf32, #tpu.memory_space<vmem>>, vector<16xf32>,
      tpu.vector_store %arg8[%swap3A_218], %get3A_15 {strides = array<i32>} : memref<16384xf32, #tpu.memory_space<vmem>>, vector<16xf32>,
      %mul3A_220 = arith.constant 16 : i32
      %mul3A_221 = arith.muli %scan3A_211, %mul3A_220 : i32
      %swap3A_222 = arith.index_cast %mul3A_221 : i32 to index
      %swap3A_223 = tpu.vector_load %arg9[%swap3A_222] {strides = array<i32>} : memref<16384xf32, #tpu.memory_space<vmem>>, vector<16xf32>,
      tpu.vector_store %arg9[%swap3A_222], %get3A_15 {strides = array<i32>} : memref<16384xf32, #tpu.memory_space<vmem>>, vector<16xf32>,
      %mul3A_224 = arith.constant 16 : i32
      %mul3A_225 = arith.muli %scan3A_211, %mul3A_224 : i32
      %swap3A_226 = arith.index_cast %mul3A_225 : i32 to index
      %swap3A_227 = tpu.vector_load %arg10[%swap3A_226] {strides = array<i32>} : memref<16384xf32, #tpu.memory_space<vmem>>, vector<16xf32>,
      tpu.vector_store %arg10[%swap3A_226], %get3A_15 {strides = array<i32>} : memref<16384xf32, #tpu.memory_space<vmem>>, vector<16xf32>,
      %scan3A_228 = arith.constant 0 : i32
      %scan3A_229 = arith.constant 4 : i32
      %scan3A_230 = arith.addi %scan3A_153, %scan3A_229 : i32
      %mul3A_231 = arith.constant 16 : i32
      %mul3A_232 = arith.muli %scan3A_230, %mul3A_231 : i32
      %swap3A_233 = arith.index_cast %mul3A_232 : i32 to index
      %swap3A_234 = tpu.vector_load %arg7[%swap3A_233] {strides = array<i32>} : memref<16384xf32, #tpu.memory_space<vmem>>, vector<16xf32>,
      tpu.vector_store %arg7[%swap3A_233], %get3A_15 {strides = array<i32>} : memref<16384xf32, #tpu.memory_space<vmem>>, vector<16xf32>,
      %mul3A_235 = arith.constant 16 : i32
      %mul3A_236 = arith.muli %scan3A_230, %mul3A_235 : i32
      %swap3A_237 = arith.index_cast %mul3A_236 : i32 to index
      %swap3A_238 = tpu.vector_load %arg8[%swap3A_237] {strides = array<i32>} : memref<16384xf32, #tpu.memory_space<vmem>>, vector<16xf32>,
      tpu.vector_store %arg8[%swap3A_237], %get3A_15 {strides = array<i32>} : memref<16384xf32, #tpu.memory_space<vmem>>, vector<16xf32>,
      %mul3A_239 = arith.constant 16 : i32
      %mul3A_240 = arith.muli %scan3A_230, %mul3A_239 : i32
      %swap3A_241 = arith.index_cast %mul3A_240 : i32 to index
      %swap3A_242 = tpu.vector_load %arg9[%swap3A_241] {strides = array<i32>} : memref<16384xf32, #tpu.memory_space<vmem>>, vector<16xf32>,
      tpu.vector_store %arg9[%swap3A_241], %get3A_15 {strides = array<i32>} : memref<16384xf32, #tpu.memory_space<vmem>>, vector<16xf32>,
      %mul3A_243 = arith.constant 16 : i32
      %mul3A_244 = arith.muli %scan3A_230, %mul3A_243 : i32
      %swap3A_245 = arith.index_cast %mul3A_244 : i32 to index
      %swap3A_246 = tpu.vector_load %arg10[%swap3A_245] {strides = array<i32>} : memref<16384xf32, #tpu.memory_space<vmem>>, vector<16xf32>,
      tpu.vector_store %arg10[%swap3A_245], %get3A_15 {strides = array<i32>} : memref<16384xf32, #tpu.memory_space<vmem>>, vector<16xf32>,
      %scan3A_247 = arith.constant 0 : i32
      %scan3A_248 = arith.constant 5 : i32
      %scan3A_249 = arith.addi %scan3A_153, %scan3A_248 : i32
      %mul3A_250 = arith.constant 16 : i32
      %mul3A_251 = arith.muli %scan3A_249, %mul3A_250 : i32
      %swap3A_252 = arith.index_cast %mul3A_251 : i32 to index
      %swap3A_253 = tpu.vector_load %arg7[%swap3A_252] {strides = array<i32>} : memref<16384xf32, #tpu.memory_space<vmem>>, vector<16xf32>,
      tpu.vector_store %arg7[%swap3A_252], %get3A_15 {strides = array<i32>} : memref<16384xf32, #tpu.memory_space<vmem>>, vector<16xf32>,
      %mul3A_254 = arith.constant 16 : i32
      %mul3A_255 = arith.muli %scan3A_249, %mul3A_254 : i32
      %swap3A_256 = arith.index_cast %mul3A_255 : i32 to index
      %swap3A_257 = tpu.vector_load %arg8[%swap3A_256] {strides = array<i32>} : memref<16384xf32, #tpu.memory_space<vmem>>, vector<16xf32>,
      tpu.vector_store %arg8[%swap3A_256], %get3A_15 {strides = array<i32>} : memref<16384xf32, #tpu.memory_space<vmem>>, vector<16xf32>,
      %mul3A_258 = arith.constant 16 : i32
      %mul3A_259 = arith.muli %scan3A_249, %mul3A_258 : i32
      %swap3A_260 = arith.index_cast %mul3A_259 : i32 to index
      %swap3A_261 = tpu.vector_load %arg9[%swap3A_260] {strides = array<i32>} : memref<16384xf32, #tpu.memory_space<vmem>>, vector<16xf32>,
      tpu.vector_store %arg9[%swap3A_260], %get3A_15 {strides = array<i32>} : memref<16384xf32, #tpu.memory_space<vmem>>, vector<16xf32>,
      %mul3A_262 = arith.constant 16 : i32
      %mul3A_263 = arith.muli %scan3A_249, %mul3A_262 : i32
      %swap3A_264 = arith.index_cast %mul3A_263 : i32 to index
      %swap3A_265 = tpu.vector_load %arg10[%swap3A_264] {strides = array<i32>} : memref<16384xf32, #tpu.memory_space<vmem>>, vector<16xf32>,
      tpu.vector_store %arg10[%swap3A_264], %get3A_15 {strides = array<i32>} : memref<16384xf32, #tpu.memory_space<vmem>>, vector<16xf32>,
      %scan3A_266 = arith.constant 0 : i32
      %scan3A_267 = arith.constant 6 : i32
      %scan3A_268 = arith.addi %scan3A_153, %scan3A_267 : i32
      %mul3A_269 = arith.constant 16 : i32
      %mul3A_270 = arith.muli %scan3A_268, %mul3A_269 : i32
      %swap3A_271 = arith.index_cast %mul3A_270 : i32 to index
      %swap3A_272 = tpu.vector_load %arg7[%swap3A_271] {strides = array<i32>} : memref<16384xf32, #tpu.memory_space<vmem>>, vector<16xf32>,
      tpu.vector_store %arg7[%swap3A_271], %get3A_15 {strides = array<i32>} : memref<16384xf32, #tpu.memory_space<vmem>>, vector<16xf32>,
      %mul3A_273 = arith.constant 16 : i32
      %mul3A_274 = arith.muli %scan3A_268, %mul3A_273 : i32
      %swap3A_275 = arith.index_cast %mul3A_274 : i32 to index
      %swap3A_276 = tpu.vector_load %arg8[%swap3A_275] {strides = array<i32>} : memref<16384xf32, #tpu.memory_space<vmem>>, vector<16xf32>,
      tpu.vector_store %arg8[%swap3A_275], %get3A_15 {strides = array<i32>} : memref<16384xf32, #tpu.memory_space<vmem>>, vector<16xf32>,
      %mul3A_277 = arith.constant 16 : i32
      %mul3A_278 = arith.muli %scan3A_268, %mul3A_277 : i32
      %swap3A_279 = arith.index_cast %mul3A_278 : i32 to index
      %swap3A_280 = tpu.vector_load %arg9[%swap3A_279] {strides = array<i32>} : memref<16384xf32, #tpu.memory_space<vmem>>, vector<16xf32>,
      tpu.vector_store %arg9[%swap3A_279], %get3A_15 {strides = array<i32>} : memref<16384xf32, #tpu.memory_space<vmem>>, vector<16xf32>,
      %mul3A_281 = arith.constant 16 : i32
      %mul3A_282 = arith.muli %scan3A_268, %mul3A_281 : i32
      %swap3A_283 = arith.index_cast %mul3A_282 : i32 to index
      %swap3A_284 = tpu.vector_load %arg10[%swap3A_283] {strides = array<i32>} : memref<16384xf32, #tpu.memory_space<vmem>>, vector<16xf32>,
      tpu.vector_store %arg10[%swap3A_283], %get3A_15 {strides = array<i32>} : memref<16384xf32, #tpu.memory_space<vmem>>, vector<16xf32>,
      %scan3A_285 = arith.constant 0 : i32
      %scan3A_286 = arith.constant 7 : i32
      %scan3A_287 = arith.addi %scan3A_153, %scan3A_286 : i32
      %mul3A_288 = arith.constant 16 : i32
      %mul3A_289 = arith.muli %scan3A_287, %mul3A_288 : i32
      %swap3A_290 = arith.index_cast %mul3A_289 : i32 to index
      %swap3A_291 = tpu.vector_load %arg7[%swap3A_290] {strides = array<i32>} : memref<16384xf32, #tpu.memory_space<vmem>>, vector<16xf32>,
      tpu.vector_store %arg7[%swap3A_290], %get3A_15 {strides = array<i32>} : memref<16384xf32, #tpu.memory_space<vmem>>, vector<16xf32>,
      %mul3A_292 = arith.constant 16 : i32
      %mul3A_293 = arith.muli %scan3A_287, %mul3A_292 : i32
      %swap3A_294 = arith.index_cast %mul3A_293 : i32 to index
      %swap3A_295 = tpu.vector_load %arg8[%swap3A_294] {strides = array<i32>} : memref<16384xf32, #tpu.memory_space<vmem>>, vector<16xf32>,
      tpu.vector_store %arg8[%swap3A_294], %get3A_15 {strides = array<i32>} : memref<16384xf32, #tpu.memory_space<vmem>>, vector<16xf32>,
      %mul3A_296 = arith.constant 16 : i32
      %mul3A_297 = arith.muli %scan3A_287, %mul3A_296 : i32
      %swap3A_298 = arith.index_cast %mul3A_297 : i32 to index
      %swap3A_299 = tpu.vector_load %arg9[%swap3A_298] {strides = array<i32>} : memref<16384xf32, #tpu.memory_space<vmem>>, vector<16xf32>,
      tpu.vector_store %arg9[%swap3A_298], %get3A_15 {strides = array<i32>} : memref<16384xf32, #tpu.memory_space<vmem>>, vector<16xf32>,
      %mul3A_300 = arith.constant 16 : i32
      %mul3A_301 = arith.muli %scan3A_287, %mul3A_300 : i32
      %swap3A_302 = arith.index_cast %mul3A_301 : i32 to index
      %swap3A_303 = tpu.vector_load %arg10[%swap3A_302] {strides = array<i32>} : memref<16384xf32, #tpu.memory_space<vmem>>, vector<16xf32>,
      tpu.vector_store %arg10[%swap3A_302], %get3A_15 {strides = array<i32>} : memref<16384xf32, #tpu.memory_space<vmem>>, vector<16xf32>,
      %scan3A_304 = arith.constant 0 : i32
      scf.yield %scan3A_304 : i32
    }
    %scan3A_45 = arith.constant 1024 : i32
    %while3A = arith.constant 0 : i32
    %while3A_46 = arith.constant 0 : i32
    %while3A_47 = arith.subi %scan3A_29#0, %while3A : i32
    %while3A_48 = arith.addi %while3A, %while3A_47 : i32
    %while3A_49 = arith.constant 1 : i32
    %while3A_50 = arith.divsi %while3A_47, %while3A_49 : i32
    %while3A_51 = arith.muli %while3A_50, %while3A_49 : i32
    %while3A_52 = arith.addi %while3A, %while3A_51 : i32
    %while3A_53 = arith.constant 1 : i32
    %while3A_54 = scf.for %while3A_153 = %while3A to %while3A_52 step %while3A_53 iter_args(%while3A_154 = %while3A_46) -> (i32)  : i32 {
      %add3A_155 = arith.constant 0 : i32
      %add3A_156 = arith.addi %add3A_155, %while3A_153 : i32
      %get3A_157 = arith.index_cast %add3A_156 : i32 to index
      %get3A_158 = tpu.vector_load %arg12[%get3A_157] {strides = array<i32>} : memref<32256xi32, #tpu.memory_space<vmem>>, vector<16xi32>,
      %slice3A = vector.extract_strided_slice %get3A_158 {offsets = [0], sizes = [1], strides = [1]} : vector<16xi32> to vector<1xi32>
      %squeeze3A = vector.extract %slice3A[0] : i32 from vector<1xi32>
      %and3A = arith.constant 65535 : i32
      %and3A_159 = arith.andi %squeeze3A, %and3A : i32
      %add3A_160 = arith.constant 8064 : i32
      %add3A_161 = arith.addi %add3A_160, %add3A_156 : i32
      %get3A_162 = arith.index_cast %add3A_161 : i32 to index
      %get3A_163 = tpu.vector_load %arg12[%get3A_162] {strides = array<i32>} : memref<32256xi32, #tpu.memory_space<vmem>>, vector<16xi32>,
      %slice3A_164 = vector.extract_strided_slice %get3A_163 {offsets = [0], sizes = [1], strides = [1]} : vector<16xi32> to vector<1xi32>
      %squeeze3A_165 = vector.extract %slice3A_164[0] : i32 from vector<1xi32>
      %lt3A = arith.constant 65536 : i32
      %lt3A_166 = arith.cmpi slt, %squeeze3A, %lt3A : i32
      %convert_element_type3A = arith.extui %lt3A_166 : i1 to i32
      %cond3A = arith.constant 0 : i32
      %cond3A_167 = arith.cmpi ne, %convert_element_type3A, %cond3A : i32
      scf.if %cond3A_167 {
        %add3A_173 = arith.constant 0 : i32
        %add3A_174 = arith.addi %add3A_19, %add3A_173 : i32
        %sub3A = arith.subi %add3A_174, %and3A_159 : i32
        %abs3A = math.absi %sub3A : i32
        %le3A = arith.constant 2 : i32
        %le3A_175 = arith.cmpi sle, %abs3A, %le3A : i32
        %convert_element_type3A_176 = arith.extui %le3A_175 : i1 to i32
        %cond3A_177 = arith.constant 0 : i32
        %cond3A_178 = arith.cmpi ne, %convert_element_type3A_176, %cond3A_177 : i32
        scf.if %cond3A_178 {
          %mul3A_188 = arith.constant 2 : i32
          %mul3A_189 = arith.muli %abs3A, %mul3A_188 : i32
          %mul3A_190 = arith.constant 16 : i32
          %mul3A_191 = arith.muli %mul3A_189, %mul3A_190 : i32
          %get3A_192 = arith.index_cast %mul3A_191 : i32 to index
          %get3A_193 = tpu.vector_load %arg14[%get3A_192] {strides = array<i32>} : memref<144xf32, #tpu.memory_space<vmem>>, vector<16xf32>,
          %add3A_194 = vector.broadcast %squeeze3A_165 : i32 to vector<16xi32>
          %add3A_195 = arith.addi %add3A_194, %get3A_1 : vector<16xi32>
          %gather3A = tpu.vector_load_idx %arg7[%add3A_195] : memref<16384xf32, #tpu.memory_space<vmem>>[vector<16xi32>], vector<16xf32>,
          %max3A = arith.maximumf %gather3A, %get3A_193 : vector<16xf32>
          tpu.vector_store_idx %arg7[%add3A_195], %max3A : memref<16384xf32, #tpu.memory_space<vmem>>[vector<16xi32>], vector<16xf32>,
          %le3A_196 = arith.constant 1 : i32
          %le3A_197 = arith.cmpi sle, %abs3A, %le3A_196 : i32
          %convert_element_type3A_198 = arith.extui %le3A_197 : i1 to i32
          %cond3A_199 = arith.constant 0 : i32
          %cond3A_200 = arith.cmpi ne, %convert_element_type3A_198, %cond3A_199 : i32
          scf.if %cond3A_200 {
            %mul3A_201 = arith.constant 2 : i32
            %mul3A_202 = arith.muli %abs3A, %mul3A_201 : i32
            %add3A_203 = arith.constant 1 : i32
            %add3A_204 = arith.addi %mul3A_202, %add3A_203 : i32
            %mul3A_205 = arith.constant 16 : i32
            %mul3A_206 = arith.muli %add3A_204, %mul3A_205 : i32
            %get3A_207 = arith.index_cast %mul3A_206 : i32 to index
            %get3A_208 = tpu.vector_load %arg14[%get3A_207] {strides = array<i32>} : memref<144xf32, #tpu.memory_space<vmem>>, vector<16xf32>,
            %add3A_209 = vector.broadcast %squeeze3A_165 : i32 to vector<16xi32>
            %add3A_210 = arith.addi %add3A_209, %get3A_3 : vector<16xi32>
            %gather3A_211 = tpu.vector_load_idx %arg7[%add3A_210] : memref<16384xf32, #tpu.memory_space<vmem>>[vector<16xi32>], vector<16xf32>,
            %max3A_212 = arith.maximumf %gather3A_211, %get3A_208 : vector<16xf32>
            tpu.vector_store_idx %arg7[%add3A_210], %max3A_212 : memref<16384xf32, #tpu.memory_space<vmem>>[vector<16xi32>], vector<16xf32>,
          } else {
          }
        } else {
        }
        %add3A_179 = arith.constant 1 : i32
        %add3A_180 = arith.addi %add3A_19, %add3A_179 : i32
        %sub3A_181 = arith.subi %add3A_180, %and3A_159 : i32
        %abs3A_182 = math.absi %sub3A_181 : i32
        %le3A_183 = arith.constant 2 : i32
        %le3A_184 = arith.cmpi sle, %abs3A_182, %le3A_183 : i32
        %convert_element_type3A_185 = arith.extui %le3A_184 : i1 to i32
        %cond3A_186 = arith.constant 0 : i32
        %cond3A_187 = arith.cmpi ne, %convert_element_type3A_185, %cond3A_186 : i32
        scf.if %cond3A_187 {
          %mul3A_188 = arith.constant 2 : i32
          %mul3A_189 = arith.muli %abs3A_182, %mul3A_188 : i32
          %mul3A_190 = arith.constant 16 : i32
          %mul3A_191 = arith.muli %mul3A_189, %mul3A_190 : i32
          %get3A_192 = arith.index_cast %mul3A_191 : i32 to index
          %get3A_193 = tpu.vector_load %arg14[%get3A_192] {strides = array<i32>} : memref<144xf32, #tpu.memory_space<vmem>>, vector<16xf32>,
          %add3A_194 = vector.broadcast %squeeze3A_165 : i32 to vector<16xi32>
          %add3A_195 = arith.addi %add3A_194, %get3A_1 : vector<16xi32>
          %gather3A = tpu.vector_load_idx %arg8[%add3A_195] : memref<16384xf32, #tpu.memory_space<vmem>>[vector<16xi32>], vector<16xf32>,
          %max3A = arith.maximumf %gather3A, %get3A_193 : vector<16xf32>
          tpu.vector_store_idx %arg8[%add3A_195], %max3A : memref<16384xf32, #tpu.memory_space<vmem>>[vector<16xi32>], vector<16xf32>,
          %le3A_196 = arith.constant 1 : i32
          %le3A_197 = arith.cmpi sle, %abs3A_182, %le3A_196 : i32
          %convert_element_type3A_198 = arith.extui %le3A_197 : i1 to i32
          %cond3A_199 = arith.constant 0 : i32
          %cond3A_200 = arith.cmpi ne, %convert_element_type3A_198, %cond3A_199 : i32
          scf.if %cond3A_200 {
            %mul3A_201 = arith.constant 2 : i32
            %mul3A_202 = arith.muli %abs3A_182, %mul3A_201 : i32
            %add3A_203 = arith.constant 1 : i32
            %add3A_204 = arith.addi %mul3A_202, %add3A_203 : i32
            %mul3A_205 = arith.constant 16 : i32
            %mul3A_206 = arith.muli %add3A_204, %mul3A_205 : i32
            %get3A_207 = arith.index_cast %mul3A_206 : i32 to index
            %get3A_208 = tpu.vector_load %arg14[%get3A_207] {strides = array<i32>} : memref<144xf32, #tpu.memory_space<vmem>>, vector<16xf32>,
            %add3A_209 = vector.broadcast %squeeze3A_165 : i32 to vector<16xi32>
            %add3A_210 = arith.addi %add3A_209, %get3A_3 : vector<16xi32>
            %gather3A_211 = tpu.vector_load_idx %arg8[%add3A_210] : memref<16384xf32, #tpu.memory_space<vmem>>[vector<16xi32>], vector<16xf32>,
            %max3A_212 = arith.maximumf %gather3A_211, %get3A_208 : vector<16xf32>
            tpu.vector_store_idx %arg8[%add3A_210], %max3A_212 : memref<16384xf32, #tpu.memory_space<vmem>>[vector<16xi32>], vector<16xf32>,
          } else {
          }
        } else {
        }
      } else {
      }
      %ge3A = arith.constant 65536 : i32
      %ge3A_168 = arith.cmpi sge, %squeeze3A, %ge3A : i32
      %convert_element_type3A_169 = arith.extui %ge3A_168 : i1 to i32
      %cond3A_170 = arith.constant 0 : i32
      %cond3A_171 = arith.cmpi ne, %convert_element_type3A_169, %cond3A_170 : i32
      scf.if %cond3A_171 {
        %add3A_173 = arith.constant 16128 : i32
        %add3A_174 = arith.addi %add3A_173, %add3A_156 : i32
        %get3A_175 = arith.index_cast %add3A_174 : i32 to index
        %get3A_176 = tpu.vector_load %arg12[%get3A_175] {strides = array<i32>} : memref<32256xi32, #tpu.memory_space<vmem>>, vector<16xi32>,
        %slice3A_177 = vector.extract_strided_slice %get3A_176 {offsets = [0], sizes = [1], strides = [1]} : vector<16xi32> to vector<1xi32>
        %squeeze3A_178 = vector.extract %slice3A_177[0] : i32 from vector<1xi32>
        %add3A_179 = arith.constant 24192 : i32
        %add3A_180 = arith.addi %add3A_179, %add3A_156 : i32
        %get3A_181 = arith.index_cast %add3A_180 : i32 to index
        %get3A_182 = tpu.vector_load %arg12[%get3A_181] {strides = array<i32>} : memref<32256xi32, #tpu.memory_space<vmem>>, vector<16xi32>,
        %slice3A_183 = vector.extract_strided_slice %get3A_182 {offsets = [0], sizes = [1], strides = [1]} : vector<16xi32> to vector<1xi32>
        %squeeze3A_184 = vector.extract %slice3A_183[0] : i32 from vector<1xi32>
        %add3A_185 = vector.broadcast %squeeze3A_178 : i32 to vector<16xi32>
        %add3A_186 = arith.addi %add3A_185, %get3A_5 : vector<16xi32>
        %add3A_187 = vector.broadcast %squeeze3A_184 : i32 to vector<16xi32>
        %add3A_188 = arith.addi %add3A_187, %get3A_9 : vector<16xi32>
        %ge3A_189 = arith.constant 0 : i32
        %ge3A_190 = vector.broadcast %ge3A_189 : i32 to vector<16xi32>
        %ge3A_191 = arith.cmpi sge, %add3A_186, %ge3A_190 : vector<16xi32>
        %lt3A_192 = arith.constant 128 : i32
        %lt3A_193 = vector.broadcast %lt3A_192 : i32 to vector<16xi32>
        %lt3A_194 = arith.cmpi slt, %add3A_186, %lt3A_193 : vector<16xi32>
        %and3A_195 = arith.andi %ge3A_191, %lt3A_194 : vector<16xi1>
        %ge3A_196 = arith.constant 0 : i32
        %ge3A_197 = vector.broadcast %ge3A_196 : i32 to vector<16xi32>
        %ge3A_198 = arith.cmpi sge, %add3A_188, %ge3A_197 : vector<16xi32>
        %and3A_199 = arith.andi %and3A_195, %ge3A_198 : vector<16xi1>
        %lt3A_200 = arith.constant 128 : i32
        %lt3A_201 = vector.broadcast %lt3A_200 : i32 to vector<16xi32>
        %lt3A_202 = arith.cmpi slt, %add3A_188, %lt3A_201 : vector<16xi32>
        %and3A_203 = arith.andi %and3A_199, %lt3A_202 : vector<16xi1>
        %add3A_204 = vector.broadcast %squeeze3A_178 : i32 to vector<16xi32>
        %add3A_205 = arith.addi %add3A_204, %get3A_7 : vector<16xi32>
        %add3A_206 = vector.broadcast %squeeze3A_184 : i32 to vector<16xi32>
        %add3A_207 = arith.addi %add3A_206, %get3A_11 : vector<16xi32>
        %ge3A_208 = arith.constant 0 : i32
        %ge3A_209 = vector.broadcast %ge3A_208 : i32 to vector<16xi32>
        %ge3A_210 = arith.cmpi sge, %add3A_205, %ge3A_209 : vector<16xi32>
        %lt3A_211 = arith.constant 128 : i32
        %lt3A_212 = vector.broadcast %lt3A_211 : i32 to vector<16xi32>
        %lt3A_213 = arith.cmpi slt, %add3A_205, %lt3A_212 : vector<16xi32>
        %and3A_214 = arith.andi %ge3A_210, %lt3A_213 : vector<16xi1>
        %ge3A_215 = arith.constant 0 : i32
        %ge3A_216 = vector.broadcast %ge3A_215 : i32 to vector<16xi32>
        %ge3A_217 = arith.cmpi sge, %add3A_207, %ge3A_216 : vector<16xi32>
        %and3A_218 = arith.andi %and3A_214, %ge3A_217 : vector<16xi1>
        %lt3A_219 = arith.constant 128 : i32
        %lt3A_220 = vector.broadcast %lt3A_219 : i32 to vector<16xi32>
        %lt3A_221 = arith.cmpi slt, %add3A_207, %lt3A_220 : vector<16xi32>
        %and3A_222 = arith.andi %and3A_218, %lt3A_221 : vector<16xi1>
        %add3A_223 = arith.constant 0 : i32
        %add3A_224 = arith.addi %add3A_19, %add3A_223 : i32
        %sub3A = arith.subi %add3A_224, %and3A_159 : i32
        %abs3A = math.absi %sub3A : i32
        %le3A = arith.constant 2 : i32
        %le3A_225 = arith.cmpi sle, %abs3A, %le3A : i32
        %convert_element_type3A_226 = arith.extui %le3A_225 : i1 to i32
        %cond3A_227 = arith.constant 0 : i32
        %cond3A_228 = arith.cmpi ne, %convert_element_type3A_226, %cond3A_227 : i32
        scf.if %cond3A_228 {
          %mul3A_238 = arith.constant 2 : i32
          %mul3A_239 = arith.muli %abs3A, %mul3A_238 : i32
          %mul3A_240 = arith.constant 16 : i32
          %mul3A_241 = arith.muli %mul3A_239, %mul3A_240 : i32
          %get3A_242 = arith.index_cast %mul3A_241 : i32 to index
          %get3A_243 = tpu.vector_load %arg14[%get3A_242] {strides = array<i32>} : memref<144xf32, #tpu.memory_space<vmem>>, vector<16xf32>,
          %add3A_244 = vector.broadcast %squeeze3A_165 : i32 to vector<16xi32>
          %add3A_245 = arith.addi %add3A_244, %get3A_1 : vector<16xi32>
          %gather3A = tpu.vector_load_idx %arg7[%add3A_245] masked %and3A_203 : memref<16384xf32, #tpu.memory_space<vmem>>[vector<16xi32>], vector<16xf32>, vector<16xi1>
          %max3A = arith.maximumf %gather3A, %get3A_243 : vector<16xf32>
          tpu.vector_store_idx %arg7[%add3A_245], %max3A masked %and3A_203 : memref<16384xf32, #tpu.memory_space<vmem>>[vector<16xi32>], vector<16xf32>, vector<16xi1>
          %le3A_246 = arith.constant 1 : i32
          %le3A_247 = arith.cmpi sle, %abs3A, %le3A_246 : i32
          %convert_element_type3A_248 = arith.extui %le3A_247 : i1 to i32
          %cond3A_249 = arith.constant 0 : i32
          %cond3A_250 = arith.cmpi ne, %convert_element_type3A_248, %cond3A_249 : i32
          scf.if %cond3A_250 {
            %mul3A_251 = arith.constant 2 : i32
            %mul3A_252 = arith.muli %abs3A, %mul3A_251 : i32
            %add3A_253 = arith.constant 1 : i32
            %add3A_254 = arith.addi %mul3A_252, %add3A_253 : i32
            %mul3A_255 = arith.constant 16 : i32
            %mul3A_256 = arith.muli %add3A_254, %mul3A_255 : i32
            %get3A_257 = arith.index_cast %mul3A_256 : i32 to index
            %get3A_258 = tpu.vector_load %arg14[%get3A_257] {strides = array<i32>} : memref<144xf32, #tpu.memory_space<vmem>>, vector<16xf32>,
            %add3A_259 = vector.broadcast %squeeze3A_165 : i32 to vector<16xi32>
            %add3A_260 = arith.addi %add3A_259, %get3A_3 : vector<16xi32>
            %gather3A_261 = tpu.vector_load_idx %arg7[%add3A_260] masked %and3A_222 : memref<16384xf32, #tpu.memory_space<vmem>>[vector<16xi32>], vector<16xf32>, vector<16xi1>
            %max3A_262 = arith.maximumf %gather3A_261, %get3A_258 : vector<16xf32>
            tpu.vector_store_idx %arg7[%add3A_260], %max3A_262 masked %and3A_222 : memref<16384xf32, #tpu.memory_space<vmem>>[vector<16xi32>], vector<16xf32>, vector<16xi1>
          } else {
          }
        } else {
        }
        %add3A_229 = arith.constant 1 : i32
        %add3A_230 = arith.addi %add3A_19, %add3A_229 : i32
        %sub3A_231 = arith.subi %add3A_230, %and3A_159 : i32
        %abs3A_232 = math.absi %sub3A_231 : i32
        %le3A_233 = arith.constant 2 : i32
        %le3A_234 = arith.cmpi sle, %abs3A_232, %le3A_233 : i32
        %convert_element_type3A_235 = arith.extui %le3A_234 : i1 to i32
        %cond3A_236 = arith.constant 0 : i32
        %cond3A_237 = arith.cmpi ne, %convert_element_type3A_235, %cond3A_236 : i32
        scf.if %cond3A_237 {
          %mul3A_238 = arith.constant 2 : i32
          %mul3A_239 = arith.muli %abs3A_232, %mul3A_238 : i32
          %mul3A_240 = arith.constant 16 : i32
          %mul3A_241 = arith.muli %mul3A_239, %mul3A_240 : i32
          %get3A_242 = arith.index_cast %mul3A_241 : i32 to index
          %get3A_243 = tpu.vector_load %arg14[%get3A_242] {strides = array<i32>} : memref<144xf32, #tpu.memory_space<vmem>>, vector<16xf32>,
          %add3A_244 = vector.broadcast %squeeze3A_165 : i32 to vector<16xi32>
          %add3A_245 = arith.addi %add3A_244, %get3A_1 : vector<16xi32>
          %gather3A = tpu.vector_load_idx %arg8[%add3A_245] masked %and3A_203 : memref<16384xf32, #tpu.memory_space<vmem>>[vector<16xi32>], vector<16xf32>, vector<16xi1>
          %max3A = arith.maximumf %gather3A, %get3A_243 : vector<16xf32>
          tpu.vector_store_idx %arg8[%add3A_245], %max3A masked %and3A_203 : memref<16384xf32, #tpu.memory_space<vmem>>[vector<16xi32>], vector<16xf32>, vector<16xi1>
          %le3A_246 = arith.constant 1 : i32
          %le3A_247 = arith.cmpi sle, %abs3A_232, %le3A_246 : i32
          %convert_element_type3A_248 = arith.extui %le3A_247 : i1 to i32
          %cond3A_249 = arith.constant 0 : i32
          %cond3A_250 = arith.cmpi ne, %convert_element_type3A_248, %cond3A_249 : i32
          scf.if %cond3A_250 {
            %mul3A_251 = arith.constant 2 : i32
            %mul3A_252 = arith.muli %abs3A_232, %mul3A_251 : i32
            %add3A_253 = arith.constant 1 : i32
            %add3A_254 = arith.addi %mul3A_252, %add3A_253 : i32
            %mul3A_255 = arith.constant 16 : i32
            %mul3A_256 = arith.muli %add3A_254, %mul3A_255 : i32
            %get3A_257 = arith.index_cast %mul3A_256 : i32 to index
            %get3A_258 = tpu.vector_load %arg14[%get3A_257] {strides = array<i32>} : memref<144xf32, #tpu.memory_space<vmem>>, vector<16xf32>,
            %add3A_259 = vector.broadcast %squeeze3A_165 : i32 to vector<16xi32>
            %add3A_260 = arith.addi %add3A_259, %get3A_3 : vector<16xi32>
            %gather3A_261 = tpu.vector_load_idx %arg8[%add3A_260] masked %and3A_222 : memref<16384xf32, #tpu.memory_space<vmem>>[vector<16xi32>], vector<16xf32>, vector<16xi1>
            %max3A_262 = arith.maximumf %gather3A_261, %get3A_258 : vector<16xf32>
            tpu.vector_store_idx %arg8[%add3A_260], %max3A_262 masked %and3A_222 : memref<16384xf32, #tpu.memory_space<vmem>>[vector<16xi32>], vector<16xf32>, vector<16xi1>
          } else {
          }
        } else {
        }
      } else {
      }
      %while3A_172 = arith.constant 0 : i32
      scf.yield %while3A_172 : i32
    }
    %while3A_55 = arith.constant 1 : i32
    %while3A_56 = scf.for %while3A_153 = %while3A_52 to %while3A_48 step %while3A_55 iter_args(%while3A_154 = %while3A_54) -> (i32)  : i32 {
      %add3A_155 = arith.constant 0 : i32
      %add3A_156 = arith.addi %add3A_155, %while3A_153 : i32
      %get3A_157 = arith.index_cast %add3A_156 : i32 to index
      %get3A_158 = tpu.vector_load %arg12[%get3A_157] {strides = array<i32>} : memref<32256xi32, #tpu.memory_space<vmem>>, vector<16xi32>,
      %slice3A = vector.extract_strided_slice %get3A_158 {offsets = [0], sizes = [1], strides = [1]} : vector<16xi32> to vector<1xi32>
      %squeeze3A = vector.extract %slice3A[0] : i32 from vector<1xi32>
      %and3A = arith.constant 65535 : i32
      %and3A_159 = arith.andi %squeeze3A, %and3A : i32
      %add3A_160 = arith.constant 8064 : i32
      %add3A_161 = arith.addi %add3A_160, %add3A_156 : i32
      %get3A_162 = arith.index_cast %add3A_161 : i32 to index
      %get3A_163 = tpu.vector_load %arg12[%get3A_162] {strides = array<i32>} : memref<32256xi32, #tpu.memory_space<vmem>>, vector<16xi32>,
      %slice3A_164 = vector.extract_strided_slice %get3A_163 {offsets = [0], sizes = [1], strides = [1]} : vector<16xi32> to vector<1xi32>
      %squeeze3A_165 = vector.extract %slice3A_164[0] : i32 from vector<1xi32>
      %lt3A = arith.constant 65536 : i32
      %lt3A_166 = arith.cmpi slt, %squeeze3A, %lt3A : i32
      %convert_element_type3A = arith.extui %lt3A_166 : i1 to i32
      %cond3A = arith.constant 0 : i32
      %cond3A_167 = arith.cmpi ne, %convert_element_type3A, %cond3A : i32
      scf.if %cond3A_167 {
        %add3A_173 = arith.constant 0 : i32
        %add3A_174 = arith.addi %add3A_19, %add3A_173 : i32
        %sub3A = arith.subi %add3A_174, %and3A_159 : i32
        %abs3A = math.absi %sub3A : i32
        %le3A = arith.constant 2 : i32
        %le3A_175 = arith.cmpi sle, %abs3A, %le3A : i32
        %convert_element_type3A_176 = arith.extui %le3A_175 : i1 to i32
        %cond3A_177 = arith.constant 0 : i32
        %cond3A_178 = arith.cmpi ne, %convert_element_type3A_176, %cond3A_177 : i32
        scf.if %cond3A_178 {
          %mul3A_188 = arith.constant 2 : i32
          %mul3A_189 = arith.muli %abs3A, %mul3A_188 : i32
          %mul3A_190 = arith.constant 16 : i32
          %mul3A_191 = arith.muli %mul3A_189, %mul3A_190 : i32
          %get3A_192 = arith.index_cast %mul3A_191 : i32 to index
          %get3A_193 = tpu.vector_load %arg14[%get3A_192] {strides = array<i32>} : memref<144xf32, #tpu.memory_space<vmem>>, vector<16xf32>,
          %add3A_194 = vector.broadcast %squeeze3A_165 : i32 to vector<16xi32>
          %add3A_195 = arith.addi %add3A_194, %get3A_1 : vector<16xi32>
          %gather3A = tpu.vector_load_idx %arg7[%add3A_195] : memref<16384xf32, #tpu.memory_space<vmem>>[vector<16xi32>], vector<16xf32>,
          %max3A = arith.maximumf %gather3A, %get3A_193 : vector<16xf32>
          tpu.vector_store_idx %arg7[%add3A_195], %max3A : memref<16384xf32, #tpu.memory_space<vmem>>[vector<16xi32>], vector<16xf32>,
          %le3A_196 = arith.constant 1 : i32
          %le3A_197 = arith.cmpi sle, %abs3A, %le3A_196 : i32
          %convert_element_type3A_198 = arith.extui %le3A_197 : i1 to i32
          %cond3A_199 = arith.constant 0 : i32
          %cond3A_200 = arith.cmpi ne, %convert_element_type3A_198, %cond3A_199 : i32
          scf.if %cond3A_200 {
            %mul3A_201 = arith.constant 2 : i32
            %mul3A_202 = arith.muli %abs3A, %mul3A_201 : i32
            %add3A_203 = arith.constant 1 : i32
            %add3A_204 = arith.addi %mul3A_202, %add3A_203 : i32
            %mul3A_205 = arith.constant 16 : i32
            %mul3A_206 = arith.muli %add3A_204, %mul3A_205 : i32
            %get3A_207 = arith.index_cast %mul3A_206 : i32 to index
            %get3A_208 = tpu.vector_load %arg14[%get3A_207] {strides = array<i32>} : memref<144xf32, #tpu.memory_space<vmem>>, vector<16xf32>,
            %add3A_209 = vector.broadcast %squeeze3A_165 : i32 to vector<16xi32>
            %add3A_210 = arith.addi %add3A_209, %get3A_3 : vector<16xi32>
            %gather3A_211 = tpu.vector_load_idx %arg7[%add3A_210] : memref<16384xf32, #tpu.memory_space<vmem>>[vector<16xi32>], vector<16xf32>,
            %max3A_212 = arith.maximumf %gather3A_211, %get3A_208 : vector<16xf32>
            tpu.vector_store_idx %arg7[%add3A_210], %max3A_212 : memref<16384xf32, #tpu.memory_space<vmem>>[vector<16xi32>], vector<16xf32>,
          } else {
          }
        } else {
        }
        %add3A_179 = arith.constant 1 : i32
        %add3A_180 = arith.addi %add3A_19, %add3A_179 : i32
        %sub3A_181 = arith.subi %add3A_180, %and3A_159 : i32
        %abs3A_182 = math.absi %sub3A_181 : i32
        %le3A_183 = arith.constant 2 : i32
        %le3A_184 = arith.cmpi sle, %abs3A_182, %le3A_183 : i32
        %convert_element_type3A_185 = arith.extui %le3A_184 : i1 to i32
        %cond3A_186 = arith.constant 0 : i32
        %cond3A_187 = arith.cmpi ne, %convert_element_type3A_185, %cond3A_186 : i32
        scf.if %cond3A_187 {
          %mul3A_188 = arith.constant 2 : i32
          %mul3A_189 = arith.muli %abs3A_182, %mul3A_188 : i32
          %mul3A_190 = arith.constant 16 : i32
          %mul3A_191 = arith.muli %mul3A_189, %mul3A_190 : i32
          %get3A_192 = arith.index_cast %mul3A_191 : i32 to index
          %get3A_193 = tpu.vector_load %arg14[%get3A_192] {strides = array<i32>} : memref<144xf32, #tpu.memory_space<vmem>>, vector<16xf32>,
          %add3A_194 = vector.broadcast %squeeze3A_165 : i32 to vector<16xi32>
          %add3A_195 = arith.addi %add3A_194, %get3A_1 : vector<16xi32>
          %gather3A = tpu.vector_load_idx %arg8[%add3A_195] : memref<16384xf32, #tpu.memory_space<vmem>>[vector<16xi32>], vector<16xf32>,
          %max3A = arith.maximumf %gather3A, %get3A_193 : vector<16xf32>
          tpu.vector_store_idx %arg8[%add3A_195], %max3A : memref<16384xf32, #tpu.memory_space<vmem>>[vector<16xi32>], vector<16xf32>,
          %le3A_196 = arith.constant 1 : i32
          %le3A_197 = arith.cmpi sle, %abs3A_182, %le3A_196 : i32
          %convert_element_type3A_198 = arith.extui %le3A_197 : i1 to i32
          %cond3A_199 = arith.constant 0 : i32
          %cond3A_200 = arith.cmpi ne, %convert_element_type3A_198, %cond3A_199 : i32
          scf.if %cond3A_200 {
            %mul3A_201 = arith.constant 2 : i32
            %mul3A_202 = arith.muli %abs3A_182, %mul3A_201 : i32
            %add3A_203 = arith.constant 1 : i32
            %add3A_204 = arith.addi %mul3A_202, %add3A_203 : i32
            %mul3A_205 = arith.constant 16 : i32
            %mul3A_206 = arith.muli %add3A_204, %mul3A_205 : i32
            %get3A_207 = arith.index_cast %mul3A_206 : i32 to index
            %get3A_208 = tpu.vector_load %arg14[%get3A_207] {strides = array<i32>} : memref<144xf32, #tpu.memory_space<vmem>>, vector<16xf32>,
            %add3A_209 = vector.broadcast %squeeze3A_165 : i32 to vector<16xi32>
            %add3A_210 = arith.addi %add3A_209, %get3A_3 : vector<16xi32>
            %gather3A_211 = tpu.vector_load_idx %arg8[%add3A_210] : memref<16384xf32, #tpu.memory_space<vmem>>[vector<16xi32>], vector<16xf32>,
            %max3A_212 = arith.maximumf %gather3A_211, %get3A_208 : vector<16xf32>
            tpu.vector_store_idx %arg8[%add3A_210], %max3A_212 : memref<16384xf32, #tpu.memory_space<vmem>>[vector<16xi32>], vector<16xf32>,
          } else {
          }
        } else {
        }
      } else {
      }
      %ge3A = arith.constant 65536 : i32
      %ge3A_168 = arith.cmpi sge, %squeeze3A, %ge3A : i32
      %convert_element_type3A_169 = arith.extui %ge3A_168 : i1 to i32
      %cond3A_170 = arith.constant 0 : i32
      %cond3A_171 = arith.cmpi ne, %convert_element_type3A_169, %cond3A_170 : i32
      scf.if %cond3A_171 {
        %add3A_173 = arith.constant 16128 : i32
        %add3A_174 = arith.addi %add3A_173, %add3A_156 : i32
        %get3A_175 = arith.index_cast %add3A_174 : i32 to index
        %get3A_176 = tpu.vector_load %arg12[%get3A_175] {strides = array<i32>} : memref<32256xi32, #tpu.memory_space<vmem>>, vector<16xi32>,
        %slice3A_177 = vector.extract_strided_slice %get3A_176 {offsets = [0], sizes = [1], strides = [1]} : vector<16xi32> to vector<1xi32>
        %squeeze3A_178 = vector.extract %slice3A_177[0] : i32 from vector<1xi32>
        %add3A_179 = arith.constant 24192 : i32
        %add3A_180 = arith.addi %add3A_179, %add3A_156 : i32
        %get3A_181 = arith.index_cast %add3A_180 : i32 to index
        %get3A_182 = tpu.vector_load %arg12[%get3A_181] {strides = array<i32>} : memref<32256xi32, #tpu.memory_space<vmem>>, vector<16xi32>,
        %slice3A_183 = vector.extract_strided_slice %get3A_182 {offsets = [0], sizes = [1], strides = [1]} : vector<16xi32> to vector<1xi32>
        %squeeze3A_184 = vector.extract %slice3A_183[0] : i32 from vector<1xi32>
        %add3A_185 = vector.broadcast %squeeze3A_178 : i32 to vector<16xi32>
        %add3A_186 = arith.addi %add3A_185, %get3A_5 : vector<16xi32>
        %add3A_187 = vector.broadcast %squeeze3A_184 : i32 to vector<16xi32>
        %add3A_188 = arith.addi %add3A_187, %get3A_9 : vector<16xi32>
        %ge3A_189 = arith.constant 0 : i32
        %ge3A_190 = vector.broadcast %ge3A_189 : i32 to vector<16xi32>
        %ge3A_191 = arith.cmpi sge, %add3A_186, %ge3A_190 : vector<16xi32>
        %lt3A_192 = arith.constant 128 : i32
        %lt3A_193 = vector.broadcast %lt3A_192 : i32 to vector<16xi32>
        %lt3A_194 = arith.cmpi slt, %add3A_186, %lt3A_193 : vector<16xi32>
        %and3A_195 = arith.andi %ge3A_191, %lt3A_194 : vector<16xi1>
        %ge3A_196 = arith.constant 0 : i32
        %ge3A_197 = vector.broadcast %ge3A_196 : i32 to vector<16xi32>
        %ge3A_198 = arith.cmpi sge, %add3A_188, %ge3A_197 : vector<16xi32>
        %and3A_199 = arith.andi %and3A_195, %ge3A_198 : vector<16xi1>
        %lt3A_200 = arith.constant 128 : i32
        %lt3A_201 = vector.broadcast %lt3A_200 : i32 to vector<16xi32>
        %lt3A_202 = arith.cmpi slt, %add3A_188, %lt3A_201 : vector<16xi32>
        %and3A_203 = arith.andi %and3A_199, %lt3A_202 : vector<16xi1>
        %add3A_204 = vector.broadcast %squeeze3A_178 : i32 to vector<16xi32>
        %add3A_205 = arith.addi %add3A_204, %get3A_7 : vector<16xi32>
        %add3A_206 = vector.broadcast %squeeze3A_184 : i32 to vector<16xi32>
        %add3A_207 = arith.addi %add3A_206, %get3A_11 : vector<16xi32>
        %ge3A_208 = arith.constant 0 : i32
        %ge3A_209 = vector.broadcast %ge3A_208 : i32 to vector<16xi32>
        %ge3A_210 = arith.cmpi sge, %add3A_205, %ge3A_209 : vector<16xi32>
        %lt3A_211 = arith.constant 128 : i32
        %lt3A_212 = vector.broadcast %lt3A_211 : i32 to vector<16xi32>
        %lt3A_213 = arith.cmpi slt, %add3A_205, %lt3A_212 : vector<16xi32>
        %and3A_214 = arith.andi %ge3A_210, %lt3A_213 : vector<16xi1>
        %ge3A_215 = arith.constant 0 : i32
        %ge3A_216 = vector.broadcast %ge3A_215 : i32 to vector<16xi32>
        %ge3A_217 = arith.cmpi sge, %add3A_207, %ge3A_216 : vector<16xi32>
        %and3A_218 = arith.andi %and3A_214, %ge3A_217 : vector<16xi1>
        %lt3A_219 = arith.constant 128 : i32
        %lt3A_220 = vector.broadcast %lt3A_219 : i32 to vector<16xi32>
        %lt3A_221 = arith.cmpi slt, %add3A_207, %lt3A_220 : vector<16xi32>
        %and3A_222 = arith.andi %and3A_218, %lt3A_221 : vector<16xi1>
        %add3A_223 = arith.constant 0 : i32
        %add3A_224 = arith.addi %add3A_19, %add3A_223 : i32
        %sub3A = arith.subi %add3A_224, %and3A_159 : i32
        %abs3A = math.absi %sub3A : i32
        %le3A = arith.constant 2 : i32
        %le3A_225 = arith.cmpi sle, %abs3A, %le3A : i32
        %convert_element_type3A_226 = arith.extui %le3A_225 : i1 to i32
        %cond3A_227 = arith.constant 0 : i32
        %cond3A_228 = arith.cmpi ne, %convert_element_type3A_226, %cond3A_227 : i32
        scf.if %cond3A_228 {
          %mul3A_238 = arith.constant 2 : i32
          %mul3A_239 = arith.muli %abs3A, %mul3A_238 : i32
          %mul3A_240 = arith.constant 16 : i32
          %mul3A_241 = arith.muli %mul3A_239, %mul3A_240 : i32
          %get3A_242 = arith.index_cast %mul3A_241 : i32 to index
          %get3A_243 = tpu.vector_load %arg14[%get3A_242] {strides = array<i32>} : memref<144xf32, #tpu.memory_space<vmem>>, vector<16xf32>,
          %add3A_244 = vector.broadcast %squeeze3A_165 : i32 to vector<16xi32>
          %add3A_245 = arith.addi %add3A_244, %get3A_1 : vector<16xi32>
          %gather3A = tpu.vector_load_idx %arg7[%add3A_245] masked %and3A_203 : memref<16384xf32, #tpu.memory_space<vmem>>[vector<16xi32>], vector<16xf32>, vector<16xi1>
          %max3A = arith.maximumf %gather3A, %get3A_243 : vector<16xf32>
          tpu.vector_store_idx %arg7[%add3A_245], %max3A masked %and3A_203 : memref<16384xf32, #tpu.memory_space<vmem>>[vector<16xi32>], vector<16xf32>, vector<16xi1>
          %le3A_246 = arith.constant 1 : i32
          %le3A_247 = arith.cmpi sle, %abs3A, %le3A_246 : i32
          %convert_element_type3A_248 = arith.extui %le3A_247 : i1 to i32
          %cond3A_249 = arith.constant 0 : i32
          %cond3A_250 = arith.cmpi ne, %convert_element_type3A_248, %cond3A_249 : i32
          scf.if %cond3A_250 {
            %mul3A_251 = arith.constant 2 : i32
            %mul3A_252 = arith.muli %abs3A, %mul3A_251 : i32
            %add3A_253 = arith.constant 1 : i32
            %add3A_254 = arith.addi %mul3A_252, %add3A_253 : i32
            %mul3A_255 = arith.constant 16 : i32
            %mul3A_256 = arith.muli %add3A_254, %mul3A_255 : i32
            %get3A_257 = arith.index_cast %mul3A_256 : i32 to index
            %get3A_258 = tpu.vector_load %arg14[%get3A_257] {strides = array<i32>} : memref<144xf32, #tpu.memory_space<vmem>>, vector<16xf32>,
            %add3A_259 = vector.broadcast %squeeze3A_165 : i32 to vector<16xi32>
            %add3A_260 = arith.addi %add3A_259, %get3A_3 : vector<16xi32>
            %gather3A_261 = tpu.vector_load_idx %arg7[%add3A_260] masked %and3A_222 : memref<16384xf32, #tpu.memory_space<vmem>>[vector<16xi32>], vector<16xf32>, vector<16xi1>
            %max3A_262 = arith.maximumf %gather3A_261, %get3A_258 : vector<16xf32>
            tpu.vector_store_idx %arg7[%add3A_260], %max3A_262 masked %and3A_222 : memref<16384xf32, #tpu.memory_space<vmem>>[vector<16xi32>], vector<16xf32>, vector<16xi1>
          } else {
          }
        } else {
        }
        %add3A_229 = arith.constant 1 : i32
        %add3A_230 = arith.addi %add3A_19, %add3A_229 : i32
        %sub3A_231 = arith.subi %add3A_230, %and3A_159 : i32
        %abs3A_232 = math.absi %sub3A_231 : i32
        %le3A_233 = arith.constant 2 : i32
        %le3A_234 = arith.cmpi sle, %abs3A_232, %le3A_233 : i32
        %convert_element_type3A_235 = arith.extui %le3A_234 : i1 to i32
        %cond3A_236 = arith.constant 0 : i32
        %cond3A_237 = arith.cmpi ne, %convert_element_type3A_235, %cond3A_236 : i32
        scf.if %cond3A_237 {
          %mul3A_238 = arith.constant 2 : i32
          %mul3A_239 = arith.muli %abs3A_232, %mul3A_238 : i32
          %mul3A_240 = arith.constant 16 : i32
          %mul3A_241 = arith.muli %mul3A_239, %mul3A_240 : i32
          %get3A_242 = arith.index_cast %mul3A_241 : i32 to index
          %get3A_243 = tpu.vector_load %arg14[%get3A_242] {strides = array<i32>} : memref<144xf32, #tpu.memory_space<vmem>>, vector<16xf32>,
          %add3A_244 = vector.broadcast %squeeze3A_165 : i32 to vector<16xi32>
          %add3A_245 = arith.addi %add3A_244, %get3A_1 : vector<16xi32>
          %gather3A = tpu.vector_load_idx %arg8[%add3A_245] masked %and3A_203 : memref<16384xf32, #tpu.memory_space<vmem>>[vector<16xi32>], vector<16xf32>, vector<16xi1>
          %max3A = arith.maximumf %gather3A, %get3A_243 : vector<16xf32>
          tpu.vector_store_idx %arg8[%add3A_245], %max3A masked %and3A_203 : memref<16384xf32, #tpu.memory_space<vmem>>[vector<16xi32>], vector<16xf32>, vector<16xi1>
          %le3A_246 = arith.constant 1 : i32
          %le3A_247 = arith.cmpi sle, %abs3A_232, %le3A_246 : i32
          %convert_element_type3A_248 = arith.extui %le3A_247 : i1 to i32
          %cond3A_249 = arith.constant 0 : i32
          %cond3A_250 = arith.cmpi ne, %convert_element_type3A_248, %cond3A_249 : i32
          scf.if %cond3A_250 {
            %mul3A_251 = arith.constant 2 : i32
            %mul3A_252 = arith.muli %abs3A_232, %mul3A_251 : i32
            %add3A_253 = arith.constant 1 : i32
            %add3A_254 = arith.addi %mul3A_252, %add3A_253 : i32
            %mul3A_255 = arith.constant 16 : i32
            %mul3A_256 = arith.muli %add3A_254, %mul3A_255 : i32
            %get3A_257 = arith.index_cast %mul3A_256 : i32 to index
            %get3A_258 = tpu.vector_load %arg14[%get3A_257] {strides = array<i32>} : memref<144xf32, #tpu.memory_space<vmem>>, vector<16xf32>,
            %add3A_259 = vector.broadcast %squeeze3A_165 : i32 to vector<16xi32>
            %add3A_260 = arith.addi %add3A_259, %get3A_3 : vector<16xi32>
            %gather3A_261 = tpu.vector_load_idx %arg8[%add3A_260] masked %and3A_222 : memref<16384xf32, #tpu.memory_space<vmem>>[vector<16xi32>], vector<16xf32>, vector<16xi1>
            %max3A_262 = arith.maximumf %gather3A_261, %get3A_258 : vector<16xf32>
            tpu.vector_store_idx %arg8[%add3A_260], %max3A_262 masked %and3A_222 : memref<16384xf32, #tpu.memory_space<vmem>>[vector<16xi32>], vector<16xf32>, vector<16xi1>
          } else {
          }
        } else {
        }
      } else {
      }
      %while3A_172 = arith.constant 0 : i32
      scf.yield %while3A_172 : i32
    }
    %while3A_57 = arith.constant 0 : i32
    %while3A_58 = arith.constant 0 : i32
    %while3A_59 = arith.subi %scan3A_37#0, %while3A_57 : i32
    %while3A_60 = arith.addi %while3A_57, %while3A_59 : i32
    %while3A_61 = arith.constant 1 : i32
    %while3A_62 = arith.divsi %while3A_59, %while3A_61 : i32
    %while3A_63 = arith.muli %while3A_62, %while3A_61 : i32
    %while3A_64 = arith.addi %while3A_57, %while3A_63 : i32
    %while3A_65 = arith.constant 1 : i32
    %while3A_66 = scf.for %while3A_153 = %while3A_57 to %while3A_64 step %while3A_65 iter_args(%while3A_154 = %while3A_58) -> (i32)  : i32 {
      %add3A_155 = arith.constant 4032 : i32
      %add3A_156 = arith.addi %add3A_155, %while3A_153 : i32
      %get3A_157 = arith.index_cast %add3A_156 : i32 to index
      %get3A_158 = tpu.vector_load %arg12[%get3A_157] {strides = array<i32>} : memref<32256xi32, #tpu.memory_space<vmem>>, vector<16xi32>,
      %slice3A = vector.extract_strided_slice %get3A_158 {offsets = [0], sizes = [1], strides = [1]} : vector<16xi32> to vector<1xi32>
      %squeeze3A = vector.extract %slice3A[0] : i32 from vector<1xi32>
      %and3A = arith.constant 65535 : i32
      %and3A_159 = arith.andi %squeeze3A, %and3A : i32
      %add3A_160 = arith.constant 8064 : i32
      %add3A_161 = arith.addi %add3A_160, %add3A_156 : i32
      %get3A_162 = arith.index_cast %add3A_161 : i32 to index
      %get3A_163 = tpu.vector_load %arg12[%get3A_162] {strides = array<i32>} : memref<32256xi32, #tpu.memory_space<vmem>>, vector<16xi32>,
      %slice3A_164 = vector.extract_strided_slice %get3A_163 {offsets = [0], sizes = [1], strides = [1]} : vector<16xi32> to vector<1xi32>
      %squeeze3A_165 = vector.extract %slice3A_164[0] : i32 from vector<1xi32>
      %lt3A = arith.constant 65536 : i32
      %lt3A_166 = arith.cmpi slt, %squeeze3A, %lt3A : i32
      %convert_element_type3A = arith.extui %lt3A_166 : i1 to i32
      %cond3A = arith.constant 0 : i32
      %cond3A_167 = arith.cmpi ne, %convert_element_type3A, %cond3A : i32
      scf.if %cond3A_167 {
        %add3A_173 = arith.constant 0 : i32
        %add3A_174 = arith.addi %add3A_19, %add3A_173 : i32
        %sub3A = arith.subi %add3A_174, %and3A_159 : i32
        %abs3A = math.absi %sub3A : i32
        %le3A = arith.constant 2 : i32
        %le3A_175 = arith.cmpi sle, %abs3A, %le3A : i32
        %convert_element_type3A_176 = arith.extui %le3A_175 : i1 to i32
        %cond3A_177 = arith.constant 0 : i32
        %cond3A_178 = arith.cmpi ne, %convert_element_type3A_176, %cond3A_177 : i32
        scf.if %cond3A_178 {
          %mul3A_188 = arith.constant 2 : i32
          %mul3A_189 = arith.muli %abs3A, %mul3A_188 : i32
          %mul3A_190 = arith.constant 16 : i32
          %mul3A_191 = arith.muli %mul3A_189, %mul3A_190 : i32
          %get3A_192 = arith.index_cast %mul3A_191 : i32 to index
          %get3A_193 = tpu.vector_load %arg14[%get3A_192] {strides = array<i32>} : memref<144xf32, #tpu.memory_space<vmem>>, vector<16xf32>,
          %add3A_194 = vector.broadcast %squeeze3A_165 : i32 to vector<16xi32>
          %add3A_195 = arith.addi %add3A_194, %get3A_1 : vector<16xi32>
          %gather3A = tpu.vector_load_idx %arg9[%add3A_195] : memref<16384xf32, #tpu.memory_space<vmem>>[vector<16xi32>], vector<16xf32>,
          %max3A = arith.maximumf %gather3A, %get3A_193 : vector<16xf32>
          tpu.vector_store_idx %arg9[%add3A_195], %max3A : memref<16384xf32, #tpu.memory_space<vmem>>[vector<16xi32>], vector<16xf32>,
          %le3A_196 = arith.constant 1 : i32
          %le3A_197 = arith.cmpi sle, %abs3A, %le3A_196 : i32
          %convert_element_type3A_198 = arith.extui %le3A_197 : i1 to i32
          %cond3A_199 = arith.constant 0 : i32
          %cond3A_200 = arith.cmpi ne, %convert_element_type3A_198, %cond3A_199 : i32
          scf.if %cond3A_200 {
            %mul3A_201 = arith.constant 2 : i32
            %mul3A_202 = arith.muli %abs3A, %mul3A_201 : i32
            %add3A_203 = arith.constant 1 : i32
            %add3A_204 = arith.addi %mul3A_202, %add3A_203 : i32
            %mul3A_205 = arith.constant 16 : i32
            %mul3A_206 = arith.muli %add3A_204, %mul3A_205 : i32
            %get3A_207 = arith.index_cast %mul3A_206 : i32 to index
            %get3A_208 = tpu.vector_load %arg14[%get3A_207] {strides = array<i32>} : memref<144xf32, #tpu.memory_space<vmem>>, vector<16xf32>,
            %add3A_209 = vector.broadcast %squeeze3A_165 : i32 to vector<16xi32>
            %add3A_210 = arith.addi %add3A_209, %get3A_3 : vector<16xi32>
            %gather3A_211 = tpu.vector_load_idx %arg9[%add3A_210] : memref<16384xf32, #tpu.memory_space<vmem>>[vector<16xi32>], vector<16xf32>,
            %max3A_212 = arith.maximumf %gather3A_211, %get3A_208 : vector<16xf32>
            tpu.vector_store_idx %arg9[%add3A_210], %max3A_212 : memref<16384xf32, #tpu.memory_space<vmem>>[vector<16xi32>], vector<16xf32>,
          } else {
          }
        } else {
        }
        %add3A_179 = arith.constant 1 : i32
        %add3A_180 = arith.addi %add3A_19, %add3A_179 : i32
        %sub3A_181 = arith.subi %add3A_180, %and3A_159 : i32
        %abs3A_182 = math.absi %sub3A_181 : i32
        %le3A_183 = arith.constant 2 : i32
        %le3A_184 = arith.cmpi sle, %abs3A_182, %le3A_183 : i32
        %convert_element_type3A_185 = arith.extui %le3A_184 : i1 to i32
        %cond3A_186 = arith.constant 0 : i32
        %cond3A_187 = arith.cmpi ne, %convert_element_type3A_185, %cond3A_186 : i32
        scf.if %cond3A_187 {
          %mul3A_188 = arith.constant 2 : i32
          %mul3A_189 = arith.muli %abs3A_182, %mul3A_188 : i32
          %mul3A_190 = arith.constant 16 : i32
          %mul3A_191 = arith.muli %mul3A_189, %mul3A_190 : i32
          %get3A_192 = arith.index_cast %mul3A_191 : i32 to index
          %get3A_193 = tpu.vector_load %arg14[%get3A_192] {strides = array<i32>} : memref<144xf32, #tpu.memory_space<vmem>>, vector<16xf32>,
          %add3A_194 = vector.broadcast %squeeze3A_165 : i32 to vector<16xi32>
          %add3A_195 = arith.addi %add3A_194, %get3A_1 : vector<16xi32>
          %gather3A = tpu.vector_load_idx %arg10[%add3A_195] : memref<16384xf32, #tpu.memory_space<vmem>>[vector<16xi32>], vector<16xf32>,
          %max3A = arith.maximumf %gather3A, %get3A_193 : vector<16xf32>
          tpu.vector_store_idx %arg10[%add3A_195], %max3A : memref<16384xf32, #tpu.memory_space<vmem>>[vector<16xi32>], vector<16xf32>,
          %le3A_196 = arith.constant 1 : i32
          %le3A_197 = arith.cmpi sle, %abs3A_182, %le3A_196 : i32
          %convert_element_type3A_198 = arith.extui %le3A_197 : i1 to i32
          %cond3A_199 = arith.constant 0 : i32
          %cond3A_200 = arith.cmpi ne, %convert_element_type3A_198, %cond3A_199 : i32
          scf.if %cond3A_200 {
            %mul3A_201 = arith.constant 2 : i32
            %mul3A_202 = arith.muli %abs3A_182, %mul3A_201 : i32
            %add3A_203 = arith.constant 1 : i32
            %add3A_204 = arith.addi %mul3A_202, %add3A_203 : i32
            %mul3A_205 = arith.constant 16 : i32
            %mul3A_206 = arith.muli %add3A_204, %mul3A_205 : i32
            %get3A_207 = arith.index_cast %mul3A_206 : i32 to index
            %get3A_208 = tpu.vector_load %arg14[%get3A_207] {strides = array<i32>} : memref<144xf32, #tpu.memory_space<vmem>>, vector<16xf32>,
            %add3A_209 = vector.broadcast %squeeze3A_165 : i32 to vector<16xi32>
            %add3A_210 = arith.addi %add3A_209, %get3A_3 : vector<16xi32>
            %gather3A_211 = tpu.vector_load_idx %arg10[%add3A_210] : memref<16384xf32, #tpu.memory_space<vmem>>[vector<16xi32>], vector<16xf32>,
            %max3A_212 = arith.maximumf %gather3A_211, %get3A_208 : vector<16xf32>
            tpu.vector_store_idx %arg10[%add3A_210], %max3A_212 : memref<16384xf32, #tpu.memory_space<vmem>>[vector<16xi32>], vector<16xf32>,
          } else {
          }
        } else {
        }
      } else {
      }
      %ge3A = arith.constant 65536 : i32
      %ge3A_168 = arith.cmpi sge, %squeeze3A, %ge3A : i32
      %convert_element_type3A_169 = arith.extui %ge3A_168 : i1 to i32
      %cond3A_170 = arith.constant 0 : i32
      %cond3A_171 = arith.cmpi ne, %convert_element_type3A_169, %cond3A_170 : i32
      scf.if %cond3A_171 {
        %add3A_173 = arith.constant 16128 : i32
        %add3A_174 = arith.addi %add3A_173, %add3A_156 : i32
        %get3A_175 = arith.index_cast %add3A_174 : i32 to index
        %get3A_176 = tpu.vector_load %arg12[%get3A_175] {strides = array<i32>} : memref<32256xi32, #tpu.memory_space<vmem>>, vector<16xi32>,
        %slice3A_177 = vector.extract_strided_slice %get3A_176 {offsets = [0], sizes = [1], strides = [1]} : vector<16xi32> to vector<1xi32>
        %squeeze3A_178 = vector.extract %slice3A_177[0] : i32 from vector<1xi32>
        %add3A_179 = arith.constant 24192 : i32
        %add3A_180 = arith.addi %add3A_179, %add3A_156 : i32
        %get3A_181 = arith.index_cast %add3A_180 : i32 to index
        %get3A_182 = tpu.vector_load %arg12[%get3A_181] {strides = array<i32>} : memref<32256xi32, #tpu.memory_space<vmem>>, vector<16xi32>,
        %slice3A_183 = vector.extract_strided_slice %get3A_182 {offsets = [0], sizes = [1], strides = [1]} : vector<16xi32> to vector<1xi32>
        %squeeze3A_184 = vector.extract %slice3A_183[0] : i32 from vector<1xi32>
        %add3A_185 = vector.broadcast %squeeze3A_178 : i32 to vector<16xi32>
        %add3A_186 = arith.addi %add3A_185, %get3A_5 : vector<16xi32>
        %add3A_187 = vector.broadcast %squeeze3A_184 : i32 to vector<16xi32>
        %add3A_188 = arith.addi %add3A_187, %get3A_9 : vector<16xi32>
        %ge3A_189 = arith.constant 0 : i32
        %ge3A_190 = vector.broadcast %ge3A_189 : i32 to vector<16xi32>
        %ge3A_191 = arith.cmpi sge, %add3A_186, %ge3A_190 : vector<16xi32>
        %lt3A_192 = arith.constant 128 : i32
        %lt3A_193 = vector.broadcast %lt3A_192 : i32 to vector<16xi32>
        %lt3A_194 = arith.cmpi slt, %add3A_186, %lt3A_193 : vector<16xi32>
        %and3A_195 = arith.andi %ge3A_191, %lt3A_194 : vector<16xi1>
        %ge3A_196 = arith.constant 0 : i32
        %ge3A_197 = vector.broadcast %ge3A_196 : i32 to vector<16xi32>
        %ge3A_198 = arith.cmpi sge, %add3A_188, %ge3A_197 : vector<16xi32>
        %and3A_199 = arith.andi %and3A_195, %ge3A_198 : vector<16xi1>
        %lt3A_200 = arith.constant 128 : i32
        %lt3A_201 = vector.broadcast %lt3A_200 : i32 to vector<16xi32>
        %lt3A_202 = arith.cmpi slt, %add3A_188, %lt3A_201 : vector<16xi32>
        %and3A_203 = arith.andi %and3A_199, %lt3A_202 : vector<16xi1>
        %add3A_204 = vector.broadcast %squeeze3A_178 : i32 to vector<16xi32>
        %add3A_205 = arith.addi %add3A_204, %get3A_7 : vector<16xi32>
        %add3A_206 = vector.broadcast %squeeze3A_184 : i32 to vector<16xi32>
        %add3A_207 = arith.addi %add3A_206, %get3A_11 : vector<16xi32>
        %ge3A_208 = arith.constant 0 : i32
        %ge3A_209 = vector.broadcast %ge3A_208 : i32 to vector<16xi32>
        %ge3A_210 = arith.cmpi sge, %add3A_205, %ge3A_209 : vector<16xi32>
        %lt3A_211 = arith.constant 128 : i32
        %lt3A_212 = vector.broadcast %lt3A_211 : i32 to vector<16xi32>
        %lt3A_213 = arith.cmpi slt, %add3A_205, %lt3A_212 : vector<16xi32>
        %and3A_214 = arith.andi %ge3A_210, %lt3A_213 : vector<16xi1>
        %ge3A_215 = arith.constant 0 : i32
        %ge3A_216 = vector.broadcast %ge3A_215 : i32 to vector<16xi32>
        %ge3A_217 = arith.cmpi sge, %add3A_207, %ge3A_216 : vector<16xi32>
        %and3A_218 = arith.andi %and3A_214, %ge3A_217 : vector<16xi1>
        %lt3A_219 = arith.constant 128 : i32
        %lt3A_220 = vector.broadcast %lt3A_219 : i32 to vector<16xi32>
        %lt3A_221 = arith.cmpi slt, %add3A_207, %lt3A_220 : vector<16xi32>
        %and3A_222 = arith.andi %and3A_218, %lt3A_221 : vector<16xi1>
        %add3A_223 = arith.constant 0 : i32
        %add3A_224 = arith.addi %add3A_19, %add3A_223 : i32
        %sub3A = arith.subi %add3A_224, %and3A_159 : i32
        %abs3A = math.absi %sub3A : i32
        %le3A = arith.constant 2 : i32
        %le3A_225 = arith.cmpi sle, %abs3A, %le3A : i32
        %convert_element_type3A_226 = arith.extui %le3A_225 : i1 to i32
        %cond3A_227 = arith.constant 0 : i32
        %cond3A_228 = arith.cmpi ne, %convert_element_type3A_226, %cond3A_227 : i32
        scf.if %cond3A_228 {
          %mul3A_238 = arith.constant 2 : i32
          %mul3A_239 = arith.muli %abs3A, %mul3A_238 : i32
          %mul3A_240 = arith.constant 16 : i32
          %mul3A_241 = arith.muli %mul3A_239, %mul3A_240 : i32
          %get3A_242 = arith.index_cast %mul3A_241 : i32 to index
          %get3A_243 = tpu.vector_load %arg14[%get3A_242] {strides = array<i32>} : memref<144xf32, #tpu.memory_space<vmem>>, vector<16xf32>,
          %add3A_244 = vector.broadcast %squeeze3A_165 : i32 to vector<16xi32>
          %add3A_245 = arith.addi %add3A_244, %get3A_1 : vector<16xi32>
          %gather3A = tpu.vector_load_idx %arg9[%add3A_245] masked %and3A_203 : memref<16384xf32, #tpu.memory_space<vmem>>[vector<16xi32>], vector<16xf32>, vector<16xi1>
          %max3A = arith.maximumf %gather3A, %get3A_243 : vector<16xf32>
          tpu.vector_store_idx %arg9[%add3A_245], %max3A masked %and3A_203 : memref<16384xf32, #tpu.memory_space<vmem>>[vector<16xi32>], vector<16xf32>, vector<16xi1>
          %le3A_246 = arith.constant 1 : i32
          %le3A_247 = arith.cmpi sle, %abs3A, %le3A_246 : i32
          %convert_element_type3A_248 = arith.extui %le3A_247 : i1 to i32
          %cond3A_249 = arith.constant 0 : i32
          %cond3A_250 = arith.cmpi ne, %convert_element_type3A_248, %cond3A_249 : i32
          scf.if %cond3A_250 {
            %mul3A_251 = arith.constant 2 : i32
            %mul3A_252 = arith.muli %abs3A, %mul3A_251 : i32
            %add3A_253 = arith.constant 1 : i32
            %add3A_254 = arith.addi %mul3A_252, %add3A_253 : i32
            %mul3A_255 = arith.constant 16 : i32
            %mul3A_256 = arith.muli %add3A_254, %mul3A_255 : i32
            %get3A_257 = arith.index_cast %mul3A_256 : i32 to index
            %get3A_258 = tpu.vector_load %arg14[%get3A_257] {strides = array<i32>} : memref<144xf32, #tpu.memory_space<vmem>>, vector<16xf32>,
            %add3A_259 = vector.broadcast %squeeze3A_165 : i32 to vector<16xi32>
            %add3A_260 = arith.addi %add3A_259, %get3A_3 : vector<16xi32>
            %gather3A_261 = tpu.vector_load_idx %arg9[%add3A_260] masked %and3A_222 : memref<16384xf32, #tpu.memory_space<vmem>>[vector<16xi32>], vector<16xf32>, vector<16xi1>
            %max3A_262 = arith.maximumf %gather3A_261, %get3A_258 : vector<16xf32>
            tpu.vector_store_idx %arg9[%add3A_260], %max3A_262 masked %and3A_222 : memref<16384xf32, #tpu.memory_space<vmem>>[vector<16xi32>], vector<16xf32>, vector<16xi1>
          } else {
          }
        } else {
        }
        %add3A_229 = arith.constant 1 : i32
        %add3A_230 = arith.addi %add3A_19, %add3A_229 : i32
        %sub3A_231 = arith.subi %add3A_230, %and3A_159 : i32
        %abs3A_232 = math.absi %sub3A_231 : i32
        %le3A_233 = arith.constant 2 : i32
        %le3A_234 = arith.cmpi sle, %abs3A_232, %le3A_233 : i32
        %convert_element_type3A_235 = arith.extui %le3A_234 : i1 to i32
        %cond3A_236 = arith.constant 0 : i32
        %cond3A_237 = arith.cmpi ne, %convert_element_type3A_235, %cond3A_236 : i32
        scf.if %cond3A_237 {
          %mul3A_238 = arith.constant 2 : i32
          %mul3A_239 = arith.muli %abs3A_232, %mul3A_238 : i32
          %mul3A_240 = arith.constant 16 : i32
          %mul3A_241 = arith.muli %mul3A_239, %mul3A_240 : i32
          %get3A_242 = arith.index_cast %mul3A_241 : i32 to index
          %get3A_243 = tpu.vector_load %arg14[%get3A_242] {strides = array<i32>} : memref<144xf32, #tpu.memory_space<vmem>>, vector<16xf32>,
          %add3A_244 = vector.broadcast %squeeze3A_165 : i32 to vector<16xi32>
          %add3A_245 = arith.addi %add3A_244, %get3A_1 : vector<16xi32>
          %gather3A = tpu.vector_load_idx %arg10[%add3A_245] masked %and3A_203 : memref<16384xf32, #tpu.memory_space<vmem>>[vector<16xi32>], vector<16xf32>, vector<16xi1>
          %max3A = arith.maximumf %gather3A, %get3A_243 : vector<16xf32>
          tpu.vector_store_idx %arg10[%add3A_245], %max3A masked %and3A_203 : memref<16384xf32, #tpu.memory_space<vmem>>[vector<16xi32>], vector<16xf32>, vector<16xi1>
          %le3A_246 = arith.constant 1 : i32
          %le3A_247 = arith.cmpi sle, %abs3A_232, %le3A_246 : i32
          %convert_element_type3A_248 = arith.extui %le3A_247 : i1 to i32
          %cond3A_249 = arith.constant 0 : i32
          %cond3A_250 = arith.cmpi ne, %convert_element_type3A_248, %cond3A_249 : i32
          scf.if %cond3A_250 {
            %mul3A_251 = arith.constant 2 : i32
            %mul3A_252 = arith.muli %abs3A_232, %mul3A_251 : i32
            %add3A_253 = arith.constant 1 : i32
            %add3A_254 = arith.addi %mul3A_252, %add3A_253 : i32
            %mul3A_255 = arith.constant 16 : i32
            %mul3A_256 = arith.muli %add3A_254, %mul3A_255 : i32
            %get3A_257 = arith.index_cast %mul3A_256 : i32 to index
            %get3A_258 = tpu.vector_load %arg14[%get3A_257] {strides = array<i32>} : memref<144xf32, #tpu.memory_space<vmem>>, vector<16xf32>,
            %add3A_259 = vector.broadcast %squeeze3A_165 : i32 to vector<16xi32>
            %add3A_260 = arith.addi %add3A_259, %get3A_3 : vector<16xi32>
            %gather3A_261 = tpu.vector_load_idx %arg10[%add3A_260] masked %and3A_222 : memref<16384xf32, #tpu.memory_space<vmem>>[vector<16xi32>], vector<16xf32>, vector<16xi1>
            %max3A_262 = arith.maximumf %gather3A_261, %get3A_258 : vector<16xf32>
            tpu.vector_store_idx %arg10[%add3A_260], %max3A_262 masked %and3A_222 : memref<16384xf32, #tpu.memory_space<vmem>>[vector<16xi32>], vector<16xf32>, vector<16xi1>
          } else {
          }
        } else {
        }
      } else {
      }
      %while3A_172 = arith.constant 0 : i32
      scf.yield %while3A_172 : i32
    }
    %while3A_67 = arith.constant 1 : i32
    %while3A_68 = scf.for %while3A_153 = %while3A_64 to %while3A_60 step %while3A_67 iter_args(%while3A_154 = %while3A_66) -> (i32)  : i32 {
      %add3A_155 = arith.constant 4032 : i32
      %add3A_156 = arith.addi %add3A_155, %while3A_153 : i32
      %get3A_157 = arith.index_cast %add3A_156 : i32 to index
      %get3A_158 = tpu.vector_load %arg12[%get3A_157] {strides = array<i32>} : memref<32256xi32, #tpu.memory_space<vmem>>, vector<16xi32>,
      %slice3A = vector.extract_strided_slice %get3A_158 {offsets = [0], sizes = [1], strides = [1]} : vector<16xi32> to vector<1xi32>
      %squeeze3A = vector.extract %slice3A[0] : i32 from vector<1xi32>
      %and3A = arith.constant 65535 : i32
      %and3A_159 = arith.andi %squeeze3A, %and3A : i32
      %add3A_160 = arith.constant 8064 : i32
      %add3A_161 = arith.addi %add3A_160, %add3A_156 : i32
      %get3A_162 = arith.index_cast %add3A_161 : i32 to index
      %get3A_163 = tpu.vector_load %arg12[%get3A_162] {strides = array<i32>} : memref<32256xi32, #tpu.memory_space<vmem>>, vector<16xi32>,
      %slice3A_164 = vector.extract_strided_slice %get3A_163 {offsets = [0], sizes = [1], strides = [1]} : vector<16xi32> to vector<1xi32>
      %squeeze3A_165 = vector.extract %slice3A_164[0] : i32 from vector<1xi32>
      %lt3A = arith.constant 65536 : i32
      %lt3A_166 = arith.cmpi slt, %squeeze3A, %lt3A : i32
      %convert_element_type3A = arith.extui %lt3A_166 : i1 to i32
      %cond3A = arith.constant 0 : i32
      %cond3A_167 = arith.cmpi ne, %convert_element_type3A, %cond3A : i32
      scf.if %cond3A_167 {
        %add3A_173 = arith.constant 0 : i32
        %add3A_174 = arith.addi %add3A_19, %add3A_173 : i32
        %sub3A = arith.subi %add3A_174, %and3A_159 : i32
        %abs3A = math.absi %sub3A : i32
        %le3A = arith.constant 2 : i32
        %le3A_175 = arith.cmpi sle, %abs3A, %le3A : i32
        %convert_element_type3A_176 = arith.extui %le3A_175 : i1 to i32
        %cond3A_177 = arith.constant 0 : i32
        %cond3A_178 = arith.cmpi ne, %convert_element_type3A_176, %cond3A_177 : i32
        scf.if %cond3A_178 {
          %mul3A_188 = arith.constant 2 : i32
          %mul3A_189 = arith.muli %abs3A, %mul3A_188 : i32
          %mul3A_190 = arith.constant 16 : i32
          %mul3A_191 = arith.muli %mul3A_189, %mul3A_190 : i32
          %get3A_192 = arith.index_cast %mul3A_191 : i32 to index
          %get3A_193 = tpu.vector_load %arg14[%get3A_192] {strides = array<i32>} : memref<144xf32, #tpu.memory_space<vmem>>, vector<16xf32>,
          %add3A_194 = vector.broadcast %squeeze3A_165 : i32 to vector<16xi32>
          %add3A_195 = arith.addi %add3A_194, %get3A_1 : vector<16xi32>
          %gather3A = tpu.vector_load_idx %arg9[%add3A_195] : memref<16384xf32, #tpu.memory_space<vmem>>[vector<16xi32>], vector<16xf32>,
          %max3A = arith.maximumf %gather3A, %get3A_193 : vector<16xf32>
          tpu.vector_store_idx %arg9[%add3A_195], %max3A : memref<16384xf32, #tpu.memory_space<vmem>>[vector<16xi32>], vector<16xf32>,
          %le3A_196 = arith.constant 1 : i32
          %le3A_197 = arith.cmpi sle, %abs3A, %le3A_196 : i32
          %convert_element_type3A_198 = arith.extui %le3A_197 : i1 to i32
          %cond3A_199 = arith.constant 0 : i32
          %cond3A_200 = arith.cmpi ne, %convert_element_type3A_198, %cond3A_199 : i32
          scf.if %cond3A_200 {
            %mul3A_201 = arith.constant 2 : i32
            %mul3A_202 = arith.muli %abs3A, %mul3A_201 : i32
            %add3A_203 = arith.constant 1 : i32
            %add3A_204 = arith.addi %mul3A_202, %add3A_203 : i32
            %mul3A_205 = arith.constant 16 : i32
            %mul3A_206 = arith.muli %add3A_204, %mul3A_205 : i32
            %get3A_207 = arith.index_cast %mul3A_206 : i32 to index
            %get3A_208 = tpu.vector_load %arg14[%get3A_207] {strides = array<i32>} : memref<144xf32, #tpu.memory_space<vmem>>, vector<16xf32>,
            %add3A_209 = vector.broadcast %squeeze3A_165 : i32 to vector<16xi32>
            %add3A_210 = arith.addi %add3A_209, %get3A_3 : vector<16xi32>
            %gather3A_211 = tpu.vector_load_idx %arg9[%add3A_210] : memref<16384xf32, #tpu.memory_space<vmem>>[vector<16xi32>], vector<16xf32>,
            %max3A_212 = arith.maximumf %gather3A_211, %get3A_208 : vector<16xf32>
            tpu.vector_store_idx %arg9[%add3A_210], %max3A_212 : memref<16384xf32, #tpu.memory_space<vmem>>[vector<16xi32>], vector<16xf32>,
          } else {
          }
        } else {
        }
        %add3A_179 = arith.constant 1 : i32
        %add3A_180 = arith.addi %add3A_19, %add3A_179 : i32
        %sub3A_181 = arith.subi %add3A_180, %and3A_159 : i32
        %abs3A_182 = math.absi %sub3A_181 : i32
        %le3A_183 = arith.constant 2 : i32
        %le3A_184 = arith.cmpi sle, %abs3A_182, %le3A_183 : i32
        %convert_element_type3A_185 = arith.extui %le3A_184 : i1 to i32
        %cond3A_186 = arith.constant 0 : i32
        %cond3A_187 = arith.cmpi ne, %convert_element_type3A_185, %cond3A_186 : i32
        scf.if %cond3A_187 {
          %mul3A_188 = arith.constant 2 : i32
          %mul3A_189 = arith.muli %abs3A_182, %mul3A_188 : i32
          %mul3A_190 = arith.constant 16 : i32
          %mul3A_191 = arith.muli %mul3A_189, %mul3A_190 : i32
          %get3A_192 = arith.index_cast %mul3A_191 : i32 to index
          %get3A_193 = tpu.vector_load %arg14[%get3A_192] {strides = array<i32>} : memref<144xf32, #tpu.memory_space<vmem>>, vector<16xf32>,
          %add3A_194 = vector.broadcast %squeeze3A_165 : i32 to vector<16xi32>
          %add3A_195 = arith.addi %add3A_194, %get3A_1 : vector<16xi32>
          %gather3A = tpu.vector_load_idx %arg10[%add3A_195] : memref<16384xf32, #tpu.memory_space<vmem>>[vector<16xi32>], vector<16xf32>,
          %max3A = arith.maximumf %gather3A, %get3A_193 : vector<16xf32>
          tpu.vector_store_idx %arg10[%add3A_195], %max3A : memref<16384xf32, #tpu.memory_space<vmem>>[vector<16xi32>], vector<16xf32>,
          %le3A_196 = arith.constant 1 : i32
          %le3A_197 = arith.cmpi sle, %abs3A_182, %le3A_196 : i32
          %convert_element_type3A_198 = arith.extui %le3A_197 : i1 to i32
          %cond3A_199 = arith.constant 0 : i32
          %cond3A_200 = arith.cmpi ne, %convert_element_type3A_198, %cond3A_199 : i32
          scf.if %cond3A_200 {
            %mul3A_201 = arith.constant 2 : i32
            %mul3A_202 = arith.muli %abs3A_182, %mul3A_201 : i32
            %add3A_203 = arith.constant 1 : i32
            %add3A_204 = arith.addi %mul3A_202, %add3A_203 : i32
            %mul3A_205 = arith.constant 16 : i32
            %mul3A_206 = arith.muli %add3A_204, %mul3A_205 : i32
            %get3A_207 = arith.index_cast %mul3A_206 : i32 to index
            %get3A_208 = tpu.vector_load %arg14[%get3A_207] {strides = array<i32>} : memref<144xf32, #tpu.memory_space<vmem>>, vector<16xf32>,
            %add3A_209 = vector.broadcast %squeeze3A_165 : i32 to vector<16xi32>
            %add3A_210 = arith.addi %add3A_209, %get3A_3 : vector<16xi32>
            %gather3A_211 = tpu.vector_load_idx %arg10[%add3A_210] : memref<16384xf32, #tpu.memory_space<vmem>>[vector<16xi32>], vector<16xf32>,
            %max3A_212 = arith.maximumf %gather3A_211, %get3A_208 : vector<16xf32>
            tpu.vector_store_idx %arg10[%add3A_210], %max3A_212 : memref<16384xf32, #tpu.memory_space<vmem>>[vector<16xi32>], vector<16xf32>,
          } else {
          }
        } else {
        }
      } else {
      }
      %ge3A = arith.constant 65536 : i32
      %ge3A_168 = arith.cmpi sge, %squeeze3A, %ge3A : i32
      %convert_element_type3A_169 = arith.extui %ge3A_168 : i1 to i32
      %cond3A_170 = arith.constant 0 : i32
      %cond3A_171 = arith.cmpi ne, %convert_element_type3A_169, %cond3A_170 : i32
      scf.if %cond3A_171 {
        %add3A_173 = arith.constant 16128 : i32
        %add3A_174 = arith.addi %add3A_173, %add3A_156 : i32
        %get3A_175 = arith.index_cast %add3A_174 : i32 to index
        %get3A_176 = tpu.vector_load %arg12[%get3A_175] {strides = array<i32>} : memref<32256xi32, #tpu.memory_space<vmem>>, vector<16xi32>,
        %slice3A_177 = vector.extract_strided_slice %get3A_176 {offsets = [0], sizes = [1], strides = [1]} : vector<16xi32> to vector<1xi32>
        %squeeze3A_178 = vector.extract %slice3A_177[0] : i32 from vector<1xi32>
        %add3A_179 = arith.constant 24192 : i32
        %add3A_180 = arith.addi %add3A_179, %add3A_156 : i32
        %get3A_181 = arith.index_cast %add3A_180 : i32 to index
        %get3A_182 = tpu.vector_load %arg12[%get3A_181] {strides = array<i32>} : memref<32256xi32, #tpu.memory_space<vmem>>, vector<16xi32>,
        %slice3A_183 = vector.extract_strided_slice %get3A_182 {offsets = [0], sizes = [1], strides = [1]} : vector<16xi32> to vector<1xi32>
        %squeeze3A_184 = vector.extract %slice3A_183[0] : i32 from vector<1xi32>
        %add3A_185 = vector.broadcast %squeeze3A_178 : i32 to vector<16xi32>
        %add3A_186 = arith.addi %add3A_185, %get3A_5 : vector<16xi32>
        %add3A_187 = vector.broadcast %squeeze3A_184 : i32 to vector<16xi32>
        %add3A_188 = arith.addi %add3A_187, %get3A_9 : vector<16xi32>
        %ge3A_189 = arith.constant 0 : i32
        %ge3A_190 = vector.broadcast %ge3A_189 : i32 to vector<16xi32>
        %ge3A_191 = arith.cmpi sge, %add3A_186, %ge3A_190 : vector<16xi32>
        %lt3A_192 = arith.constant 128 : i32
        %lt3A_193 = vector.broadcast %lt3A_192 : i32 to vector<16xi32>
        %lt3A_194 = arith.cmpi slt, %add3A_186, %lt3A_193 : vector<16xi32>
        %and3A_195 = arith.andi %ge3A_191, %lt3A_194 : vector<16xi1>
        %ge3A_196 = arith.constant 0 : i32
        %ge3A_197 = vector.broadcast %ge3A_196 : i32 to vector<16xi32>
        %ge3A_198 = arith.cmpi sge, %add3A_188, %ge3A_197 : vector<16xi32>
        %and3A_199 = arith.andi %and3A_195, %ge3A_198 : vector<16xi1>
        %lt3A_200 = arith.constant 128 : i32
        %lt3A_201 = vector.broadcast %lt3A_200 : i32 to vector<16xi32>
        %lt3A_202 = arith.cmpi slt, %add3A_188, %lt3A_201 : vector<16xi32>
        %and3A_203 = arith.andi %and3A_199, %lt3A_202 : vector<16xi1>
        %add3A_204 = vector.broadcast %squeeze3A_178 : i32 to vector<16xi32>
        %add3A_205 = arith.addi %add3A_204, %get3A_7 : vector<16xi32>
        %add3A_206 = vector.broadcast %squeeze3A_184 : i32 to vector<16xi32>
        %add3A_207 = arith.addi %add3A_206, %get3A_11 : vector<16xi32>
        %ge3A_208 = arith.constant 0 : i32
        %ge3A_209 = vector.broadcast %ge3A_208 : i32 to vector<16xi32>
        %ge3A_210 = arith.cmpi sge, %add3A_205, %ge3A_209 : vector<16xi32>
        %lt3A_211 = arith.constant 128 : i32
        %lt3A_212 = vector.broadcast %lt3A_211 : i32 to vector<16xi32>
        %lt3A_213 = arith.cmpi slt, %add3A_205, %lt3A_212 : vector<16xi32>
        %and3A_214 = arith.andi %ge3A_210, %lt3A_213 : vector<16xi1>
        %ge3A_215 = arith.constant 0 : i32
        %ge3A_216 = vector.broadcast %ge3A_215 : i32 to vector<16xi32>
        %ge3A_217 = arith.cmpi sge, %add3A_207, %ge3A_216 : vector<16xi32>
        %and3A_218 = arith.andi %and3A_214, %ge3A_217 : vector<16xi1>
        %lt3A_219 = arith.constant 128 : i32
        %lt3A_220 = vector.broadcast %lt3A_219 : i32 to vector<16xi32>
        %lt3A_221 = arith.cmpi slt, %add3A_207, %lt3A_220 : vector<16xi32>
        %and3A_222 = arith.andi %and3A_218, %lt3A_221 : vector<16xi1>
        %add3A_223 = arith.constant 0 : i32
        %add3A_224 = arith.addi %add3A_19, %add3A_223 : i32
        %sub3A = arith.subi %add3A_224, %and3A_159 : i32
        %abs3A = math.absi %sub3A : i32
        %le3A = arith.constant 2 : i32
        %le3A_225 = arith.cmpi sle, %abs3A, %le3A : i32
        %convert_element_type3A_226 = arith.extui %le3A_225 : i1 to i32
        %cond3A_227 = arith.constant 0 : i32
        %cond3A_228 = arith.cmpi ne, %convert_element_type3A_226, %cond3A_227 : i32
        scf.if %cond3A_228 {
          %mul3A_238 = arith.constant 2 : i32
          %mul3A_239 = arith.muli %abs3A, %mul3A_238 : i32
          %mul3A_240 = arith.constant 16 : i32
          %mul3A_241 = arith.muli %mul3A_239, %mul3A_240 : i32
          %get3A_242 = arith.index_cast %mul3A_241 : i32 to index
          %get3A_243 = tpu.vector_load %arg14[%get3A_242] {strides = array<i32>} : memref<144xf32, #tpu.memory_space<vmem>>, vector<16xf32>,
          %add3A_244 = vector.broadcast %squeeze3A_165 : i32 to vector<16xi32>
          %add3A_245 = arith.addi %add3A_244, %get3A_1 : vector<16xi32>
          %gather3A = tpu.vector_load_idx %arg9[%add3A_245] masked %and3A_203 : memref<16384xf32, #tpu.memory_space<vmem>>[vector<16xi32>], vector<16xf32>, vector<16xi1>
          %max3A = arith.maximumf %gather3A, %get3A_243 : vector<16xf32>
          tpu.vector_store_idx %arg9[%add3A_245], %max3A masked %and3A_203 : memref<16384xf32, #tpu.memory_space<vmem>>[vector<16xi32>], vector<16xf32>, vector<16xi1>
          %le3A_246 = arith.constant 1 : i32
          %le3A_247 = arith.cmpi sle, %abs3A, %le3A_246 : i32
          %convert_element_type3A_248 = arith.extui %le3A_247 : i1 to i32
          %cond3A_249 = arith.constant 0 : i32
          %cond3A_250 = arith.cmpi ne, %convert_element_type3A_248, %cond3A_249 : i32
          scf.if %cond3A_250 {
            %mul3A_251 = arith.constant 2 : i32
            %mul3A_252 = arith.muli %abs3A, %mul3A_251 : i32
            %add3A_253 = arith.constant 1 : i32
            %add3A_254 = arith.addi %mul3A_252, %add3A_253 : i32
            %mul3A_255 = arith.constant 16 : i32
            %mul3A_256 = arith.muli %add3A_254, %mul3A_255 : i32
            %get3A_257 = arith.index_cast %mul3A_256 : i32 to index
            %get3A_258 = tpu.vector_load %arg14[%get3A_257] {strides = array<i32>} : memref<144xf32, #tpu.memory_space<vmem>>, vector<16xf32>,
            %add3A_259 = vector.broadcast %squeeze3A_165 : i32 to vector<16xi32>
            %add3A_260 = arith.addi %add3A_259, %get3A_3 : vector<16xi32>
            %gather3A_261 = tpu.vector_load_idx %arg9[%add3A_260] masked %and3A_222 : memref<16384xf32, #tpu.memory_space<vmem>>[vector<16xi32>], vector<16xf32>, vector<16xi1>
            %max3A_262 = arith.maximumf %gather3A_261, %get3A_258 : vector<16xf32>
            tpu.vector_store_idx %arg9[%add3A_260], %max3A_262 masked %and3A_222 : memref<16384xf32, #tpu.memory_space<vmem>>[vector<16xi32>], vector<16xf32>, vector<16xi1>
          } else {
          }
        } else {
        }
        %add3A_229 = arith.constant 1 : i32
        %add3A_230 = arith.addi %add3A_19, %add3A_229 : i32
        %sub3A_231 = arith.subi %add3A_230, %and3A_159 : i32
        %abs3A_232 = math.absi %sub3A_231 : i32
        %le3A_233 = arith.constant 2 : i32
        %le3A_234 = arith.cmpi sle, %abs3A_232, %le3A_233 : i32
        %convert_element_type3A_235 = arith.extui %le3A_234 : i1 to i32
        %cond3A_236 = arith.constant 0 : i32
        %cond3A_237 = arith.cmpi ne, %convert_element_type3A_235, %cond3A_236 : i32
        scf.if %cond3A_237 {
          %mul3A_238 = arith.constant 2 : i32
          %mul3A_239 = arith.muli %abs3A_232, %mul3A_238 : i32
          %mul3A_240 = arith.constant 16 : i32
          %mul3A_241 = arith.muli %mul3A_239, %mul3A_240 : i32
          %get3A_242 = arith.index_cast %mul3A_241 : i32 to index
          %get3A_243 = tpu.vector_load %arg14[%get3A_242] {strides = array<i32>} : memref<144xf32, #tpu.memory_space<vmem>>, vector<16xf32>,
          %add3A_244 = vector.broadcast %squeeze3A_165 : i32 to vector<16xi32>
          %add3A_245 = arith.addi %add3A_244, %get3A_1 : vector<16xi32>
          %gather3A = tpu.vector_load_idx %arg10[%add3A_245] masked %and3A_203 : memref<16384xf32, #tpu.memory_space<vmem>>[vector<16xi32>], vector<16xf32>, vector<16xi1>
          %max3A = arith.maximumf %gather3A, %get3A_243 : vector<16xf32>
          tpu.vector_store_idx %arg10[%add3A_245], %max3A masked %and3A_203 : memref<16384xf32, #tpu.memory_space<vmem>>[vector<16xi32>], vector<16xf32>, vector<16xi1>
          %le3A_246 = arith.constant 1 : i32
          %le3A_247 = arith.cmpi sle, %abs3A_232, %le3A_246 : i32
          %convert_element_type3A_248 = arith.extui %le3A_247 : i1 to i32
          %cond3A_249 = arith.constant 0 : i32
          %cond3A_250 = arith.cmpi ne, %convert_element_type3A_248, %cond3A_249 : i32
          scf.if %cond3A_250 {
            %mul3A_251 = arith.constant 2 : i32
            %mul3A_252 = arith.muli %abs3A_232, %mul3A_251 : i32
            %add3A_253 = arith.constant 1 : i32
            %add3A_254 = arith.addi %mul3A_252, %add3A_253 : i32
            %mul3A_255 = arith.constant 16 : i32
            %mul3A_256 = arith.muli %add3A_254, %mul3A_255 : i32
            %get3A_257 = arith.index_cast %mul3A_256 : i32 to index
            %get3A_258 = tpu.vector_load %arg14[%get3A_257] {strides = array<i32>} : memref<144xf32, #tpu.memory_space<vmem>>, vector<16xf32>,
            %add3A_259 = vector.broadcast %squeeze3A_165 : i32 to vector<16xi32>
            %add3A_260 = arith.addi %add3A_259, %get3A_3 : vector<16xi32>
            %gather3A_261 = tpu.vector_load_idx %arg10[%add3A_260] masked %and3A_222 : memref<16384xf32, #tpu.memory_space<vmem>>[vector<16xi32>], vector<16xf32>, vector<16xi1>
            %max3A_262 = arith.maximumf %gather3A_261, %get3A_258 : vector<16xf32>
            tpu.vector_store_idx %arg10[%add3A_260], %max3A_262 masked %and3A_222 : memref<16384xf32, #tpu.memory_space<vmem>>[vector<16xi32>], vector<16xf32>, vector<16xi1>
          } else {
          }
        } else {
        }
      } else {
      }
      %while3A_172 = arith.constant 0 : i32
      scf.yield %while3A_172 : i32
    }
    %scan3A_69 = arith.constant 0 : i32
    %scan3A_70 = arith.constant 1024 : i32
    %scan3A_71 = arith.addi %scan3A_69, %scan3A_70 : i32
    %scan3A_72 = arith.constant 8 : i32
    %scan3A_73:2 = scf.for %scan3A_153 = %scan3A_69 to %scan3A_71 step %scan3A_72 iter_args(%scan3A_154 = %get3A_15, %scan3A_155 = %get3A_15) -> (vector<16xf32>, vector<16xf32>)  : i32 {
      %mul3A_156 = arith.constant 16 : i32
      %mul3A_157 = arith.muli %scan3A_153, %mul3A_156 : i32
      %get3A_158 = arith.index_cast %mul3A_157 : i32 to index
      %get3A_159 = tpu.vector_load %arg7[%get3A_158] {strides = array<i32>} : memref<16384xf32, #tpu.memory_space<vmem>>, vector<16xf32>,
      %mul3A_160 = arith.constant 16 : i32
      %mul3A_161 = arith.muli %scan3A_153, %mul3A_160 : i32
      %get3A_162 = arith.index_cast %mul3A_161 : i32 to index
      %get3A_163 = tpu.vector_load %arg8[%get3A_162] {strides = array<i32>} : memref<16384xf32, #tpu.memory_space<vmem>>, vector<16xf32>,
      %mul3A_164 = arith.constant 16 : i32
      %mul3A_165 = arith.muli %scan3A_153, %mul3A_164 : i32
      %get3A_166 = arith.index_cast %mul3A_165 : i32 to index
      %get3A_167 = tpu.vector_load %arg9[%get3A_166] {strides = array<i32>} : memref<16384xf32, #tpu.memory_space<vmem>>, vector<16xf32>,
      %mul3A_168 = arith.constant 16 : i32
      %mul3A_169 = arith.muli %scan3A_153, %mul3A_168 : i32
      %get3A_170 = arith.index_cast %mul3A_169 : i32 to index
      %get3A_171 = tpu.vector_load %arg10[%get3A_170] {strides = array<i32>} : memref<16384xf32, #tpu.memory_space<vmem>>, vector<16xf32>,
      %mul3A_172 = arith.mulf %get3A_159, %get3A_159 : vector<16xf32>
      %add3A_173 = arith.addf %scan3A_154, %mul3A_172 : vector<16xf32>
      %mul3A_174 = arith.mulf %get3A_163, %get3A_163 : vector<16xf32>
      %add3A_175 = arith.addf %add3A_173, %mul3A_174 : vector<16xf32>
      %mul3A_176 = arith.mulf %get3A_159, %get3A_167 : vector<16xf32>
      %add3A_177 = arith.addf %scan3A_155, %mul3A_176 : vector<16xf32>
      %mul3A_178 = arith.mulf %get3A_163, %get3A_171 : vector<16xf32>
      %add3A_179 = arith.addf %add3A_177, %mul3A_178 : vector<16xf32>
      %scan3A_180 = arith.constant 1 : i32
      %scan3A_181 = arith.addi %scan3A_153, %scan3A_180 : i32
      %mul3A_182 = arith.constant 16 : i32
      %mul3A_183 = arith.muli %scan3A_181, %mul3A_182 : i32
      %get3A_184 = arith.index_cast %mul3A_183 : i32 to index
      %get3A_185 = tpu.vector_load %arg7[%get3A_184] {strides = array<i32>} : memref<16384xf32, #tpu.memory_space<vmem>>, vector<16xf32>,
      %mul3A_186 = arith.constant 16 : i32
      %mul3A_187 = arith.muli %scan3A_181, %mul3A_186 : i32
      %get3A_188 = arith.index_cast %mul3A_187 : i32 to index
      %get3A_189 = tpu.vector_load %arg8[%get3A_188] {strides = array<i32>} : memref<16384xf32, #tpu.memory_space<vmem>>, vector<16xf32>,
      %mul3A_190 = arith.constant 16 : i32
      %mul3A_191 = arith.muli %scan3A_181, %mul3A_190 : i32
      %get3A_192 = arith.index_cast %mul3A_191 : i32 to index
      %get3A_193 = tpu.vector_load %arg9[%get3A_192] {strides = array<i32>} : memref<16384xf32, #tpu.memory_space<vmem>>, vector<16xf32>,
      %mul3A_194 = arith.constant 16 : i32
      %mul3A_195 = arith.muli %scan3A_181, %mul3A_194 : i32
      %get3A_196 = arith.index_cast %mul3A_195 : i32 to index
      %get3A_197 = tpu.vector_load %arg10[%get3A_196] {strides = array<i32>} : memref<16384xf32, #tpu.memory_space<vmem>>, vector<16xf32>,
      %mul3A_198 = arith.mulf %get3A_185, %get3A_185 : vector<16xf32>
      %add3A_199 = arith.addf %add3A_175, %mul3A_198 : vector<16xf32>
      %mul3A_200 = arith.mulf %get3A_189, %get3A_189 : vector<16xf32>
      %add3A_201 = arith.addf %add3A_199, %mul3A_200 : vector<16xf32>
      %mul3A_202 = arith.mulf %get3A_185, %get3A_193 : vector<16xf32>
      %add3A_203 = arith.addf %add3A_179, %mul3A_202 : vector<16xf32>
      %mul3A_204 = arith.mulf %get3A_189, %get3A_197 : vector<16xf32>
      %add3A_205 = arith.addf %add3A_203, %mul3A_204 : vector<16xf32>
      %scan3A_206 = arith.constant 2 : i32
      %scan3A_207 = arith.addi %scan3A_153, %scan3A_206 : i32
      %mul3A_208 = arith.constant 16 : i32
      %mul3A_209 = arith.muli %scan3A_207, %mul3A_208 : i32
      %get3A_210 = arith.index_cast %mul3A_209 : i32 to index
      %get3A_211 = tpu.vector_load %arg7[%get3A_210] {strides = array<i32>} : memref<16384xf32, #tpu.memory_space<vmem>>, vector<16xf32>,
      %mul3A_212 = arith.constant 16 : i32
      %mul3A_213 = arith.muli %scan3A_207, %mul3A_212 : i32
      %get3A_214 = arith.index_cast %mul3A_213 : i32 to index
      %get3A_215 = tpu.vector_load %arg8[%get3A_214] {strides = array<i32>} : memref<16384xf32, #tpu.memory_space<vmem>>, vector<16xf32>,
      %mul3A_216 = arith.constant 16 : i32
      %mul3A_217 = arith.muli %scan3A_207, %mul3A_216 : i32
      %get3A_218 = arith.index_cast %mul3A_217 : i32 to index
      %get3A_219 = tpu.vector_load %arg9[%get3A_218] {strides = array<i32>} : memref<16384xf32, #tpu.memory_space<vmem>>, vector<16xf32>,
      %mul3A_220 = arith.constant 16 : i32
      %mul3A_221 = arith.muli %scan3A_207, %mul3A_220 : i32
      %get3A_222 = arith.index_cast %mul3A_221 : i32 to index
      %get3A_223 = tpu.vector_load %arg10[%get3A_222] {strides = array<i32>} : memref<16384xf32, #tpu.memory_space<vmem>>, vector<16xf32>,
      %mul3A_224 = arith.mulf %get3A_211, %get3A_211 : vector<16xf32>
      %add3A_225 = arith.addf %add3A_201, %mul3A_224 : vector<16xf32>
      %mul3A_226 = arith.mulf %get3A_215, %get3A_215 : vector<16xf32>
      %add3A_227 = arith.addf %add3A_225, %mul3A_226 : vector<16xf32>
      %mul3A_228 = arith.mulf %get3A_211, %get3A_219 : vector<16xf32>
      %add3A_229 = arith.addf %add3A_205, %mul3A_228 : vector<16xf32>
      %mul3A_230 = arith.mulf %get3A_215, %get3A_223 : vector<16xf32>
      %add3A_231 = arith.addf %add3A_229, %mul3A_230 : vector<16xf32>
      %scan3A_232 = arith.constant 3 : i32
      %scan3A_233 = arith.addi %scan3A_153, %scan3A_232 : i32
      %mul3A_234 = arith.constant 16 : i32
      %mul3A_235 = arith.muli %scan3A_233, %mul3A_234 : i32
      %get3A_236 = arith.index_cast %mul3A_235 : i32 to index
      %get3A_237 = tpu.vector_load %arg7[%get3A_236] {strides = array<i32>} : memref<16384xf32, #tpu.memory_space<vmem>>, vector<16xf32>,
      %mul3A_238 = arith.constant 16 : i32
      %mul3A_239 = arith.muli %scan3A_233, %mul3A_238 : i32
      %get3A_240 = arith.index_cast %mul3A_239 : i32 to index
      %get3A_241 = tpu.vector_load %arg8[%get3A_240] {strides = array<i32>} : memref<16384xf32, #tpu.memory_space<vmem>>, vector<16xf32>,
      %mul3A_242 = arith.constant 16 : i32
      %mul3A_243 = arith.muli %scan3A_233, %mul3A_242 : i32
      %get3A_244 = arith.index_cast %mul3A_243 : i32 to index
      %get3A_245 = tpu.vector_load %arg9[%get3A_244] {strides = array<i32>} : memref<16384xf32, #tpu.memory_space<vmem>>, vector<16xf32>,
      %mul3A_246 = arith.constant 16 : i32
      %mul3A_247 = arith.muli %scan3A_233, %mul3A_246 : i32
      %get3A_248 = arith.index_cast %mul3A_247 : i32 to index
      %get3A_249 = tpu.vector_load %arg10[%get3A_248] {strides = array<i32>} : memref<16384xf32, #tpu.memory_space<vmem>>, vector<16xf32>,
      %mul3A_250 = arith.mulf %get3A_237, %get3A_237 : vector<16xf32>
      %add3A_251 = arith.addf %add3A_227, %mul3A_250 : vector<16xf32>
      %mul3A_252 = arith.mulf %get3A_241, %get3A_241 : vector<16xf32>
      %add3A_253 = arith.addf %add3A_251, %mul3A_252 : vector<16xf32>
      %mul3A_254 = arith.mulf %get3A_237, %get3A_245 : vector<16xf32>
      %add3A_255 = arith.addf %add3A_231, %mul3A_254 : vector<16xf32>
      %mul3A_256 = arith.mulf %get3A_241, %get3A_249 : vector<16xf32>
      %add3A_257 = arith.addf %add3A_255, %mul3A_256 : vector<16xf32>
      %scan3A_258 = arith.constant 4 : i32
      %scan3A_259 = arith.addi %scan3A_153, %scan3A_258 : i32
      %mul3A_260 = arith.constant 16 : i32
      %mul3A_261 = arith.muli %scan3A_259, %mul3A_260 : i32
      %get3A_262 = arith.index_cast %mul3A_261 : i32 to index
      %get3A_263 = tpu.vector_load %arg7[%get3A_262] {strides = array<i32>} : memref<16384xf32, #tpu.memory_space<vmem>>, vector<16xf32>,
      %mul3A_264 = arith.constant 16 : i32
      %mul3A_265 = arith.muli %scan3A_259, %mul3A_264 : i32
      %get3A_266 = arith.index_cast %mul3A_265 : i32 to index
      %get3A_267 = tpu.vector_load %arg8[%get3A_266] {strides = array<i32>} : memref<16384xf32, #tpu.memory_space<vmem>>, vector<16xf32>,
      %mul3A_268 = arith.constant 16 : i32
      %mul3A_269 = arith.muli %scan3A_259, %mul3A_268 : i32
      %get3A_270 = arith.index_cast %mul3A_269 : i32 to index
      %get3A_271 = tpu.vector_load %arg9[%get3A_270] {strides = array<i32>} : memref<16384xf32, #tpu.memory_space<vmem>>, vector<16xf32>,
      %mul3A_272 = arith.constant 16 : i32
      %mul3A_273 = arith.muli %scan3A_259, %mul3A_272 : i32
      %get3A_274 = arith.index_cast %mul3A_273 : i32 to index
      %get3A_275 = tpu.vector_load %arg10[%get3A_274] {strides = array<i32>} : memref<16384xf32, #tpu.memory_space<vmem>>, vector<16xf32>,
      %mul3A_276 = arith.mulf %get3A_263, %get3A_263 : vector<16xf32>
      %add3A_277 = arith.addf %add3A_253, %mul3A_276 : vector<16xf32>
      %mul3A_278 = arith.mulf %get3A_267, %get3A_267 : vector<16xf32>
      %add3A_279 = arith.addf %add3A_277, %mul3A_278 : vector<16xf32>
      %mul3A_280 = arith.mulf %get3A_263, %get3A_271 : vector<16xf32>
      %add3A_281 = arith.addf %add3A_257, %mul3A_280 : vector<16xf32>
      %mul3A_282 = arith.mulf %get3A_267, %get3A_275 : vector<16xf32>
      %add3A_283 = arith.addf %add3A_281, %mul3A_282 : vector<16xf32>
      %scan3A_284 = arith.constant 5 : i32
      %scan3A_285 = arith.addi %scan3A_153, %scan3A_284 : i32
      %mul3A_286 = arith.constant 16 : i32
      %mul3A_287 = arith.muli %scan3A_285, %mul3A_286 : i32
      %get3A_288 = arith.index_cast %mul3A_287 : i32 to index
      %get3A_289 = tpu.vector_load %arg7[%get3A_288] {strides = array<i32>} : memref<16384xf32, #tpu.memory_space<vmem>>, vector<16xf32>,
      %mul3A_290 = arith.constant 16 : i32
      %mul3A_291 = arith.muli %scan3A_285, %mul3A_290 : i32
      %get3A_292 = arith.index_cast %mul3A_291 : i32 to index
      %get3A_293 = tpu.vector_load %arg8[%get3A_292] {strides = array<i32>} : memref<16384xf32, #tpu.memory_space<vmem>>, vector<16xf32>,
      %mul3A_294 = arith.constant 16 : i32
      %mul3A_295 = arith.muli %scan3A_285, %mul3A_294 : i32
      %get3A_296 = arith.index_cast %mul3A_295 : i32 to index
      %get3A_297 = tpu.vector_load %arg9[%get3A_296] {strides = array<i32>} : memref<16384xf32, #tpu.memory_space<vmem>>, vector<16xf32>,
      %mul3A_298 = arith.constant 16 : i32
      %mul3A_299 = arith.muli %scan3A_285, %mul3A_298 : i32
      %get3A_300 = arith.index_cast %mul3A_299 : i32 to index
      %get3A_301 = tpu.vector_load %arg10[%get3A_300] {strides = array<i32>} : memref<16384xf32, #tpu.memory_space<vmem>>, vector<16xf32>,
      %mul3A_302 = arith.mulf %get3A_289, %get3A_289 : vector<16xf32>
      %add3A_303 = arith.addf %add3A_279, %mul3A_302 : vector<16xf32>
      %mul3A_304 = arith.mulf %get3A_293, %get3A_293 : vector<16xf32>
      %add3A_305 = arith.addf %add3A_303, %mul3A_304 : vector<16xf32>
      %mul3A_306 = arith.mulf %get3A_289, %get3A_297 : vector<16xf32>
      %add3A_307 = arith.addf %add3A_283, %mul3A_306 : vector<16xf32>
      %mul3A_308 = arith.mulf %get3A_293, %get3A_301 : vector<16xf32>
      %add3A_309 = arith.addf %add3A_307, %mul3A_308 : vector<16xf32>
      %scan3A_310 = arith.constant 6 : i32
      %scan3A_311 = arith.addi %scan3A_153, %scan3A_310 : i32
      %mul3A_312 = arith.constant 16 : i32
      %mul3A_313 = arith.muli %scan3A_311, %mul3A_312 : i32
      %get3A_314 = arith.index_cast %mul3A_313 : i32 to index
      %get3A_315 = tpu.vector_load %arg7[%get3A_314] {strides = array<i32>} : memref<16384xf32, #tpu.memory_space<vmem>>, vector<16xf32>,
      %mul3A_316 = arith.constant 16 : i32
      %mul3A_317 = arith.muli %scan3A_311, %mul3A_316 : i32
      %get3A_318 = arith.index_cast %mul3A_317 : i32 to index
      %get3A_319 = tpu.vector_load %arg8[%get3A_318] {strides = array<i32>} : memref<16384xf32, #tpu.memory_space<vmem>>, vector<16xf32>,
      %mul3A_320 = arith.constant 16 : i32
      %mul3A_321 = arith.muli %scan3A_311, %mul3A_320 : i32
      %get3A_322 = arith.index_cast %mul3A_321 : i32 to index
      %get3A_323 = tpu.vector_load %arg9[%get3A_322] {strides = array<i32>} : memref<16384xf32, #tpu.memory_space<vmem>>, vector<16xf32>,
      %mul3A_324 = arith.constant 16 : i32
      %mul3A_325 = arith.muli %scan3A_311, %mul3A_324 : i32
      %get3A_326 = arith.index_cast %mul3A_325 : i32 to index
      %get3A_327 = tpu.vector_load %arg10[%get3A_326] {strides = array<i32>} : memref<16384xf32, #tpu.memory_space<vmem>>, vector<16xf32>,
      %mul3A_328 = arith.mulf %get3A_315, %get3A_315 : vector<16xf32>
      %add3A_329 = arith.addf %add3A_305, %mul3A_328 : vector<16xf32>
      %mul3A_330 = arith.mulf %get3A_319, %get3A_319 : vector<16xf32>
      %add3A_331 = arith.addf %add3A_329, %mul3A_330 : vector<16xf32>
      %mul3A_332 = arith.mulf %get3A_315, %get3A_323 : vector<16xf32>
      %add3A_333 = arith.addf %add3A_309, %mul3A_332 : vector<16xf32>
      %mul3A_334 = arith.mulf %get3A_319, %get3A_327 : vector<16xf32>
      %add3A_335 = arith.addf %add3A_333, %mul3A_334 : vector<16xf32>
      %scan3A_336 = arith.constant 7 : i32
      %scan3A_337 = arith.addi %scan3A_153, %scan3A_336 : i32
      %mul3A_338 = arith.constant 16 : i32
      %mul3A_339 = arith.muli %scan3A_337, %mul3A_338 : i32
      %get3A_340 = arith.index_cast %mul3A_339 : i32 to index
      %get3A_341 = tpu.vector_load %arg7[%get3A_340] {strides = array<i32>} : memref<16384xf32, #tpu.memory_space<vmem>>, vector<16xf32>,
      %mul3A_342 = arith.constant 16 : i32
      %mul3A_343 = arith.muli %scan3A_337, %mul3A_342 : i32
      %get3A_344 = arith.index_cast %mul3A_343 : i32 to index
      %get3A_345 = tpu.vector_load %arg8[%get3A_344] {strides = array<i32>} : memref<16384xf32, #tpu.memory_space<vmem>>, vector<16xf32>,
      %mul3A_346 = arith.constant 16 : i32
      %mul3A_347 = arith.muli %scan3A_337, %mul3A_346 : i32
      %get3A_348 = arith.index_cast %mul3A_347 : i32 to index
      %get3A_349 = tpu.vector_load %arg9[%get3A_348] {strides = array<i32>} : memref<16384xf32, #tpu.memory_space<vmem>>, vector<16xf32>,
      %mul3A_350 = arith.constant 16 : i32
      %mul3A_351 = arith.muli %scan3A_337, %mul3A_350 : i32
      %get3A_352 = arith.index_cast %mul3A_351 : i32 to index
      %get3A_353 = tpu.vector_load %arg10[%get3A_352] {strides = array<i32>} : memref<16384xf32, #tpu.memory_space<vmem>>, vector<16xf32>,
      %mul3A_354 = arith.mulf %get3A_341, %get3A_341 : vector<16xf32>
      %add3A_355 = arith.addf %add3A_331, %mul3A_354 : vector<16xf32>
      %mul3A_356 = arith.mulf %get3A_345, %get3A_345 : vector<16xf32>
      %add3A_357 = arith.addf %add3A_355, %mul3A_356 : vector<16xf32>
      %mul3A_358 = arith.mulf %get3A_341, %get3A_349 : vector<16xf32>
      %add3A_359 = arith.addf %add3A_335, %mul3A_358 : vector<16xf32>
      %mul3A_360 = arith.mulf %get3A_345, %get3A_353 : vector<16xf32>
      %add3A_361 = arith.addf %add3A_359, %mul3A_360 : vector<16xf32>
      scf.yield %add3A_357, %add3A_361 : vector<16xf32>, vector<16xf32>
    }
    %scan3A_74 = arith.constant 1024 : i32
    %scan3A_75 = arith.constant 0 : i32
    %scan3A_76 = arith.constant 0 : i32
    %scan3A_77 = arith.constant 1024 : i32
    %scan3A_78 = arith.addi %scan3A_76, %scan3A_77 : i32
    %scan3A_79 = arith.constant 8 : i32
    %scan3A_80 = scf.for %scan3A_153 = %scan3A_76 to %scan3A_78 step %scan3A_79 iter_args(%scan3A_154 = %scan3A_75) -> (i32)  : i32 {
      %mul3A_155 = arith.constant 16 : i32
      %mul3A_156 = arith.muli %scan3A_153, %mul3A_155 : i32
      %swap3A_157 = arith.index_cast %mul3A_156 : i32 to index
      %swap3A_158 = tpu.vector_load %arg7[%swap3A_157] {strides = array<i32>} : memref<16384xf32, #tpu.memory_space<vmem>>, vector<16xf32>,
      tpu.vector_store %arg7[%swap3A_157], %get3A_15 {strides = array<i32>} : memref<16384xf32, #tpu.memory_space<vmem>>, vector<16xf32>,
      %mul3A_159 = arith.constant 16 : i32
      %mul3A_160 = arith.muli %scan3A_153, %mul3A_159 : i32
      %swap3A_161 = arith.index_cast %mul3A_160 : i32 to index
      %swap3A_162 = tpu.vector_load %arg8[%swap3A_161] {strides = array<i32>} : memref<16384xf32, #tpu.memory_space<vmem>>, vector<16xf32>,
      tpu.vector_store %arg8[%swap3A_161], %get3A_15 {strides = array<i32>} : memref<16384xf32, #tpu.memory_space<vmem>>, vector<16xf32>,
      %mul3A_163 = arith.constant 16 : i32
      %mul3A_164 = arith.muli %scan3A_153, %mul3A_163 : i32
      %swap3A_165 = arith.index_cast %mul3A_164 : i32 to index
      %swap3A_166 = tpu.vector_load %arg9[%swap3A_165] {strides = array<i32>} : memref<16384xf32, #tpu.memory_space<vmem>>, vector<16xf32>,
      tpu.vector_store %arg9[%swap3A_165], %get3A_15 {strides = array<i32>} : memref<16384xf32, #tpu.memory_space<vmem>>, vector<16xf32>,
      %mul3A_167 = arith.constant 16 : i32
      %mul3A_168 = arith.muli %scan3A_153, %mul3A_167 : i32
      %swap3A_169 = arith.index_cast %mul3A_168 : i32 to index
      %swap3A_170 = tpu.vector_load %arg10[%swap3A_169] {strides = array<i32>} : memref<16384xf32, #tpu.memory_space<vmem>>, vector<16xf32>,
      tpu.vector_store %arg10[%swap3A_169], %get3A_15 {strides = array<i32>} : memref<16384xf32, #tpu.memory_space<vmem>>, vector<16xf32>,
      %scan3A_171 = arith.constant 0 : i32
      %scan3A_172 = arith.constant 1 : i32
      %scan3A_173 = arith.addi %scan3A_153, %scan3A_172 : i32
      %mul3A_174 = arith.constant 16 : i32
      %mul3A_175 = arith.muli %scan3A_173, %mul3A_174 : i32
      %swap3A_176 = arith.index_cast %mul3A_175 : i32 to index
      %swap3A_177 = tpu.vector_load %arg7[%swap3A_176] {strides = array<i32>} : memref<16384xf32, #tpu.memory_space<vmem>>, vector<16xf32>,
      tpu.vector_store %arg7[%swap3A_176], %get3A_15 {strides = array<i32>} : memref<16384xf32, #tpu.memory_space<vmem>>, vector<16xf32>,
      %mul3A_178 = arith.constant 16 : i32
      %mul3A_179 = arith.muli %scan3A_173, %mul3A_178 : i32
      %swap3A_180 = arith.index_cast %mul3A_179 : i32 to index
      %swap3A_181 = tpu.vector_load %arg8[%swap3A_180] {strides = array<i32>} : memref<16384xf32, #tpu.memory_space<vmem>>, vector<16xf32>,
      tpu.vector_store %arg8[%swap3A_180], %get3A_15 {strides = array<i32>} : memref<16384xf32, #tpu.memory_space<vmem>>, vector<16xf32>,
      %mul3A_182 = arith.constant 16 : i32
      %mul3A_183 = arith.muli %scan3A_173, %mul3A_182 : i32
      %swap3A_184 = arith.index_cast %mul3A_183 : i32 to index
      %swap3A_185 = tpu.vector_load %arg9[%swap3A_184] {strides = array<i32>} : memref<16384xf32, #tpu.memory_space<vmem>>, vector<16xf32>,
      tpu.vector_store %arg9[%swap3A_184], %get3A_15 {strides = array<i32>} : memref<16384xf32, #tpu.memory_space<vmem>>, vector<16xf32>,
      %mul3A_186 = arith.constant 16 : i32
      %mul3A_187 = arith.muli %scan3A_173, %mul3A_186 : i32
      %swap3A_188 = arith.index_cast %mul3A_187 : i32 to index
      %swap3A_189 = tpu.vector_load %arg10[%swap3A_188] {strides = array<i32>} : memref<16384xf32, #tpu.memory_space<vmem>>, vector<16xf32>,
      tpu.vector_store %arg10[%swap3A_188], %get3A_15 {strides = array<i32>} : memref<16384xf32, #tpu.memory_space<vmem>>, vector<16xf32>,
      %scan3A_190 = arith.constant 0 : i32
      %scan3A_191 = arith.constant 2 : i32
      %scan3A_192 = arith.addi %scan3A_153, %scan3A_191 : i32
      %mul3A_193 = arith.constant 16 : i32
      %mul3A_194 = arith.muli %scan3A_192, %mul3A_193 : i32
      %swap3A_195 = arith.index_cast %mul3A_194 : i32 to index
      %swap3A_196 = tpu.vector_load %arg7[%swap3A_195] {strides = array<i32>} : memref<16384xf32, #tpu.memory_space<vmem>>, vector<16xf32>,
      tpu.vector_store %arg7[%swap3A_195], %get3A_15 {strides = array<i32>} : memref<16384xf32, #tpu.memory_space<vmem>>, vector<16xf32>,
      %mul3A_197 = arith.constant 16 : i32
      %mul3A_198 = arith.muli %scan3A_192, %mul3A_197 : i32
      %swap3A_199 = arith.index_cast %mul3A_198 : i32 to index
      %swap3A_200 = tpu.vector_load %arg8[%swap3A_199] {strides = array<i32>} : memref<16384xf32, #tpu.memory_space<vmem>>, vector<16xf32>,
      tpu.vector_store %arg8[%swap3A_199], %get3A_15 {strides = array<i32>} : memref<16384xf32, #tpu.memory_space<vmem>>, vector<16xf32>,
      %mul3A_201 = arith.constant 16 : i32
      %mul3A_202 = arith.muli %scan3A_192, %mul3A_201 : i32
      %swap3A_203 = arith.index_cast %mul3A_202 : i32 to index
      %swap3A_204 = tpu.vector_load %arg9[%swap3A_203] {strides = array<i32>} : memref<16384xf32, #tpu.memory_space<vmem>>, vector<16xf32>,
      tpu.vector_store %arg9[%swap3A_203], %get3A_15 {strides = array<i32>} : memref<16384xf32, #tpu.memory_space<vmem>>, vector<16xf32>,
      %mul3A_205 = arith.constant 16 : i32
      %mul3A_206 = arith.muli %scan3A_192, %mul3A_205 : i32
      %swap3A_207 = arith.index_cast %mul3A_206 : i32 to index
      %swap3A_208 = tpu.vector_load %arg10[%swap3A_207] {strides = array<i32>} : memref<16384xf32, #tpu.memory_space<vmem>>, vector<16xf32>,
      tpu.vector_store %arg10[%swap3A_207], %get3A_15 {strides = array<i32>} : memref<16384xf32, #tpu.memory_space<vmem>>, vector<16xf32>,
      %scan3A_209 = arith.constant 0 : i32
      %scan3A_210 = arith.constant 3 : i32
      %scan3A_211 = arith.addi %scan3A_153, %scan3A_210 : i32
      %mul3A_212 = arith.constant 16 : i32
      %mul3A_213 = arith.muli %scan3A_211, %mul3A_212 : i32
      %swap3A_214 = arith.index_cast %mul3A_213 : i32 to index
      %swap3A_215 = tpu.vector_load %arg7[%swap3A_214] {strides = array<i32>} : memref<16384xf32, #tpu.memory_space<vmem>>, vector<16xf32>,
      tpu.vector_store %arg7[%swap3A_214], %get3A_15 {strides = array<i32>} : memref<16384xf32, #tpu.memory_space<vmem>>, vector<16xf32>,
      %mul3A_216 = arith.constant 16 : i32
      %mul3A_217 = arith.muli %scan3A_211, %mul3A_216 : i32
      %swap3A_218 = arith.index_cast %mul3A_217 : i32 to index
      %swap3A_219 = tpu.vector_load %arg8[%swap3A_218] {strides = array<i32>} : memref<16384xf32, #tpu.memory_space<vmem>>, vector<16xf32>,
      tpu.vector_store %arg8[%swap3A_218], %get3A_15 {strides = array<i32>} : memref<16384xf32, #tpu.memory_space<vmem>>, vector<16xf32>,
      %mul3A_220 = arith.constant 16 : i32
      %mul3A_221 = arith.muli %scan3A_211, %mul3A_220 : i32
      %swap3A_222 = arith.index_cast %mul3A_221 : i32 to index
      %swap3A_223 = tpu.vector_load %arg9[%swap3A_222] {strides = array<i32>} : memref<16384xf32, #tpu.memory_space<vmem>>, vector<16xf32>,
      tpu.vector_store %arg9[%swap3A_222], %get3A_15 {strides = array<i32>} : memref<16384xf32, #tpu.memory_space<vmem>>, vector<16xf32>,
      %mul3A_224 = arith.constant 16 : i32
      %mul3A_225 = arith.muli %scan3A_211, %mul3A_224 : i32
      %swap3A_226 = arith.index_cast %mul3A_225 : i32 to index
      %swap3A_227 = tpu.vector_load %arg10[%swap3A_226] {strides = array<i32>} : memref<16384xf32, #tpu.memory_space<vmem>>, vector<16xf32>,
      tpu.vector_store %arg10[%swap3A_226], %get3A_15 {strides = array<i32>} : memref<16384xf32, #tpu.memory_space<vmem>>, vector<16xf32>,
      %scan3A_228 = arith.constant 0 : i32
      %scan3A_229 = arith.constant 4 : i32
      %scan3A_230 = arith.addi %scan3A_153, %scan3A_229 : i32
      %mul3A_231 = arith.constant 16 : i32
      %mul3A_232 = arith.muli %scan3A_230, %mul3A_231 : i32
      %swap3A_233 = arith.index_cast %mul3A_232 : i32 to index
      %swap3A_234 = tpu.vector_load %arg7[%swap3A_233] {strides = array<i32>} : memref<16384xf32, #tpu.memory_space<vmem>>, vector<16xf32>,
      tpu.vector_store %arg7[%swap3A_233], %get3A_15 {strides = array<i32>} : memref<16384xf32, #tpu.memory_space<vmem>>, vector<16xf32>,
      %mul3A_235 = arith.constant 16 : i32
      %mul3A_236 = arith.muli %scan3A_230, %mul3A_235 : i32
      %swap3A_237 = arith.index_cast %mul3A_236 : i32 to index
      %swap3A_238 = tpu.vector_load %arg8[%swap3A_237] {strides = array<i32>} : memref<16384xf32, #tpu.memory_space<vmem>>, vector<16xf32>,
      tpu.vector_store %arg8[%swap3A_237], %get3A_15 {strides = array<i32>} : memref<16384xf32, #tpu.memory_space<vmem>>, vector<16xf32>,
      %mul3A_239 = arith.constant 16 : i32
      %mul3A_240 = arith.muli %scan3A_230, %mul3A_239 : i32
      %swap3A_241 = arith.index_cast %mul3A_240 : i32 to index
      %swap3A_242 = tpu.vector_load %arg9[%swap3A_241] {strides = array<i32>} : memref<16384xf32, #tpu.memory_space<vmem>>, vector<16xf32>,
      tpu.vector_store %arg9[%swap3A_241], %get3A_15 {strides = array<i32>} : memref<16384xf32, #tpu.memory_space<vmem>>, vector<16xf32>,
      %mul3A_243 = arith.constant 16 : i32
      %mul3A_244 = arith.muli %scan3A_230, %mul3A_243 : i32
      %swap3A_245 = arith.index_cast %mul3A_244 : i32 to index
      %swap3A_246 = tpu.vector_load %arg10[%swap3A_245] {strides = array<i32>} : memref<16384xf32, #tpu.memory_space<vmem>>, vector<16xf32>,
      tpu.vector_store %arg10[%swap3A_245], %get3A_15 {strides = array<i32>} : memref<16384xf32, #tpu.memory_space<vmem>>, vector<16xf32>,
      %scan3A_247 = arith.constant 0 : i32
      %scan3A_248 = arith.constant 5 : i32
      %scan3A_249 = arith.addi %scan3A_153, %scan3A_248 : i32
      %mul3A_250 = arith.constant 16 : i32
      %mul3A_251 = arith.muli %scan3A_249, %mul3A_250 : i32
      %swap3A_252 = arith.index_cast %mul3A_251 : i32 to index
      %swap3A_253 = tpu.vector_load %arg7[%swap3A_252] {strides = array<i32>} : memref<16384xf32, #tpu.memory_space<vmem>>, vector<16xf32>,
      tpu.vector_store %arg7[%swap3A_252], %get3A_15 {strides = array<i32>} : memref<16384xf32, #tpu.memory_space<vmem>>, vector<16xf32>,
      %mul3A_254 = arith.constant 16 : i32
      %mul3A_255 = arith.muli %scan3A_249, %mul3A_254 : i32
      %swap3A_256 = arith.index_cast %mul3A_255 : i32 to index
      %swap3A_257 = tpu.vector_load %arg8[%swap3A_256] {strides = array<i32>} : memref<16384xf32, #tpu.memory_space<vmem>>, vector<16xf32>,
      tpu.vector_store %arg8[%swap3A_256], %get3A_15 {strides = array<i32>} : memref<16384xf32, #tpu.memory_space<vmem>>, vector<16xf32>,
      %mul3A_258 = arith.constant 16 : i32
      %mul3A_259 = arith.muli %scan3A_249, %mul3A_258 : i32
      %swap3A_260 = arith.index_cast %mul3A_259 : i32 to index
      %swap3A_261 = tpu.vector_load %arg9[%swap3A_260] {strides = array<i32>} : memref<16384xf32, #tpu.memory_space<vmem>>, vector<16xf32>,
      tpu.vector_store %arg9[%swap3A_260], %get3A_15 {strides = array<i32>} : memref<16384xf32, #tpu.memory_space<vmem>>, vector<16xf32>,
      %mul3A_262 = arith.constant 16 : i32
      %mul3A_263 = arith.muli %scan3A_249, %mul3A_262 : i32
      %swap3A_264 = arith.index_cast %mul3A_263 : i32 to index
      %swap3A_265 = tpu.vector_load %arg10[%swap3A_264] {strides = array<i32>} : memref<16384xf32, #tpu.memory_space<vmem>>, vector<16xf32>,
      tpu.vector_store %arg10[%swap3A_264], %get3A_15 {strides = array<i32>} : memref<16384xf32, #tpu.memory_space<vmem>>, vector<16xf32>,
      %scan3A_266 = arith.constant 0 : i32
      %scan3A_267 = arith.constant 6 : i32
      %scan3A_268 = arith.addi %scan3A_153, %scan3A_267 : i32
      %mul3A_269 = arith.constant 16 : i32
      %mul3A_270 = arith.muli %scan3A_268, %mul3A_269 : i32
      %swap3A_271 = arith.index_cast %mul3A_270 : i32 to index
      %swap3A_272 = tpu.vector_load %arg7[%swap3A_271] {strides = array<i32>} : memref<16384xf32, #tpu.memory_space<vmem>>, vector<16xf32>,
      tpu.vector_store %arg7[%swap3A_271], %get3A_15 {strides = array<i32>} : memref<16384xf32, #tpu.memory_space<vmem>>, vector<16xf32>,
      %mul3A_273 = arith.constant 16 : i32
      %mul3A_274 = arith.muli %scan3A_268, %mul3A_273 : i32
      %swap3A_275 = arith.index_cast %mul3A_274 : i32 to index
      %swap3A_276 = tpu.vector_load %arg8[%swap3A_275] {strides = array<i32>} : memref<16384xf32, #tpu.memory_space<vmem>>, vector<16xf32>,
      tpu.vector_store %arg8[%swap3A_275], %get3A_15 {strides = array<i32>} : memref<16384xf32, #tpu.memory_space<vmem>>, vector<16xf32>,
      %mul3A_277 = arith.constant 16 : i32
      %mul3A_278 = arith.muli %scan3A_268, %mul3A_277 : i32
      %swap3A_279 = arith.index_cast %mul3A_278 : i32 to index
      %swap3A_280 = tpu.vector_load %arg9[%swap3A_279] {strides = array<i32>} : memref<16384xf32, #tpu.memory_space<vmem>>, vector<16xf32>,
      tpu.vector_store %arg9[%swap3A_279], %get3A_15 {strides = array<i32>} : memref<16384xf32, #tpu.memory_space<vmem>>, vector<16xf32>,
      %mul3A_281 = arith.constant 16 : i32
      %mul3A_282 = arith.muli %scan3A_268, %mul3A_281 : i32
      %swap3A_283 = arith.index_cast %mul3A_282 : i32 to index
      %swap3A_284 = tpu.vector_load %arg10[%swap3A_283] {strides = array<i32>} : memref<16384xf32, #tpu.memory_space<vmem>>, vector<16xf32>,
      tpu.vector_store %arg10[%swap3A_283], %get3A_15 {strides = array<i32>} : memref<16384xf32, #tpu.memory_space<vmem>>, vector<16xf32>,
      %scan3A_285 = arith.constant 0 : i32
      %scan3A_286 = arith.constant 7 : i32
      %scan3A_287 = arith.addi %scan3A_153, %scan3A_286 : i32
      %mul3A_288 = arith.constant 16 : i32
      %mul3A_289 = arith.muli %scan3A_287, %mul3A_288 : i32
      %swap3A_290 = arith.index_cast %mul3A_289 : i32 to index
      %swap3A_291 = tpu.vector_load %arg7[%swap3A_290] {strides = array<i32>} : memref<16384xf32, #tpu.memory_space<vmem>>, vector<16xf32>,
      tpu.vector_store %arg7[%swap3A_290], %get3A_15 {strides = array<i32>} : memref<16384xf32, #tpu.memory_space<vmem>>, vector<16xf32>,
      %mul3A_292 = arith.constant 16 : i32
      %mul3A_293 = arith.muli %scan3A_287, %mul3A_292 : i32
      %swap3A_294 = arith.index_cast %mul3A_293 : i32 to index
      %swap3A_295 = tpu.vector_load %arg8[%swap3A_294] {strides = array<i32>} : memref<16384xf32, #tpu.memory_space<vmem>>, vector<16xf32>,
      tpu.vector_store %arg8[%swap3A_294], %get3A_15 {strides = array<i32>} : memref<16384xf32, #tpu.memory_space<vmem>>, vector<16xf32>,
      %mul3A_296 = arith.constant 16 : i32
      %mul3A_297 = arith.muli %scan3A_287, %mul3A_296 : i32
      %swap3A_298 = arith.index_cast %mul3A_297 : i32 to index
      %swap3A_299 = tpu.vector_load %arg9[%swap3A_298] {strides = array<i32>} : memref<16384xf32, #tpu.memory_space<vmem>>, vector<16xf32>,
      tpu.vector_store %arg9[%swap3A_298], %get3A_15 {strides = array<i32>} : memref<16384xf32, #tpu.memory_space<vmem>>, vector<16xf32>,
      %mul3A_300 = arith.constant 16 : i32
      %mul3A_301 = arith.muli %scan3A_287, %mul3A_300 : i32
      %swap3A_302 = arith.index_cast %mul3A_301 : i32 to index
      %swap3A_303 = tpu.vector_load %arg10[%swap3A_302] {strides = array<i32>} : memref<16384xf32, #tpu.memory_space<vmem>>, vector<16xf32>,
      tpu.vector_store %arg10[%swap3A_302], %get3A_15 {strides = array<i32>} : memref<16384xf32, #tpu.memory_space<vmem>>, vector<16xf32>,
      %scan3A_304 = arith.constant 0 : i32
      scf.yield %scan3A_304 : i32
    }
    %scan3A_81 = arith.constant 1024 : i32
    %while3A_82 = arith.constant 0 : i32
    %while3A_83 = arith.constant 0 : i32
    %while3A_84 = arith.subi %scan3A_29#1, %while3A_82 : i32
    %while3A_85 = arith.addi %while3A_82, %while3A_84 : i32
    %while3A_86 = arith.constant 1 : i32
    %while3A_87 = arith.divsi %while3A_84, %while3A_86 : i32
    %while3A_88 = arith.muli %while3A_87, %while3A_86 : i32
    %while3A_89 = arith.addi %while3A_82, %while3A_88 : i32
    %while3A_90 = arith.constant 1 : i32
    %while3A_91 = scf.for %while3A_153 = %while3A_82 to %while3A_89 step %while3A_90 iter_args(%while3A_154 = %while3A_83) -> (i32)  : i32 {
      %add3A_155 = arith.constant 2016 : i32
      %add3A_156 = arith.addi %add3A_155, %while3A_153 : i32
      %get3A_157 = arith.index_cast %add3A_156 : i32 to index
      %get3A_158 = tpu.vector_load %arg12[%get3A_157] {strides = array<i32>} : memref<32256xi32, #tpu.memory_space<vmem>>, vector<16xi32>,
      %slice3A = vector.extract_strided_slice %get3A_158 {offsets = [0], sizes = [1], strides = [1]} : vector<16xi32> to vector<1xi32>
      %squeeze3A = vector.extract %slice3A[0] : i32 from vector<1xi32>
      %and3A = arith.constant 65535 : i32
      %and3A_159 = arith.andi %squeeze3A, %and3A : i32
      %add3A_160 = arith.constant 8064 : i32
      %add3A_161 = arith.addi %add3A_160, %add3A_156 : i32
      %get3A_162 = arith.index_cast %add3A_161 : i32 to index
      %get3A_163 = tpu.vector_load %arg12[%get3A_162] {strides = array<i32>} : memref<32256xi32, #tpu.memory_space<vmem>>, vector<16xi32>,
      %slice3A_164 = vector.extract_strided_slice %get3A_163 {offsets = [0], sizes = [1], strides = [1]} : vector<16xi32> to vector<1xi32>
      %squeeze3A_165 = vector.extract %slice3A_164[0] : i32 from vector<1xi32>
      %lt3A = arith.constant 65536 : i32
      %lt3A_166 = arith.cmpi slt, %squeeze3A, %lt3A : i32
      %convert_element_type3A = arith.extui %lt3A_166 : i1 to i32
      %cond3A = arith.constant 0 : i32
      %cond3A_167 = arith.cmpi ne, %convert_element_type3A, %cond3A : i32
      scf.if %cond3A_167 {
        %add3A_173 = arith.constant 0 : i32
        %add3A_174 = arith.addi %add3A_23, %add3A_173 : i32
        %sub3A = arith.subi %add3A_174, %and3A_159 : i32
        %abs3A = math.absi %sub3A : i32
        %le3A = arith.constant 2 : i32
        %le3A_175 = arith.cmpi sle, %abs3A, %le3A : i32
        %convert_element_type3A_176 = arith.extui %le3A_175 : i1 to i32
        %cond3A_177 = arith.constant 0 : i32
        %cond3A_178 = arith.cmpi ne, %convert_element_type3A_176, %cond3A_177 : i32
        scf.if %cond3A_178 {
          %mul3A_188 = arith.constant 2 : i32
          %mul3A_189 = arith.muli %abs3A, %mul3A_188 : i32
          %mul3A_190 = arith.constant 16 : i32
          %mul3A_191 = arith.muli %mul3A_189, %mul3A_190 : i32
          %get3A_192 = arith.index_cast %mul3A_191 : i32 to index
          %get3A_193 = tpu.vector_load %arg14[%get3A_192] {strides = array<i32>} : memref<144xf32, #tpu.memory_space<vmem>>, vector<16xf32>,
          %add3A_194 = vector.broadcast %squeeze3A_165 : i32 to vector<16xi32>
          %add3A_195 = arith.addi %add3A_194, %get3A_1 : vector<16xi32>
          %gather3A = tpu.vector_load_idx %arg7[%add3A_195] : memref<16384xf32, #tpu.memory_space<vmem>>[vector<16xi32>], vector<16xf32>,
          %max3A = arith.maximumf %gather3A, %get3A_193 : vector<16xf32>
          tpu.vector_store_idx %arg7[%add3A_195], %max3A : memref<16384xf32, #tpu.memory_space<vmem>>[vector<16xi32>], vector<16xf32>,
          %le3A_196 = arith.constant 1 : i32
          %le3A_197 = arith.cmpi sle, %abs3A, %le3A_196 : i32
          %convert_element_type3A_198 = arith.extui %le3A_197 : i1 to i32
          %cond3A_199 = arith.constant 0 : i32
          %cond3A_200 = arith.cmpi ne, %convert_element_type3A_198, %cond3A_199 : i32
          scf.if %cond3A_200 {
            %mul3A_201 = arith.constant 2 : i32
            %mul3A_202 = arith.muli %abs3A, %mul3A_201 : i32
            %add3A_203 = arith.constant 1 : i32
            %add3A_204 = arith.addi %mul3A_202, %add3A_203 : i32
            %mul3A_205 = arith.constant 16 : i32
            %mul3A_206 = arith.muli %add3A_204, %mul3A_205 : i32
            %get3A_207 = arith.index_cast %mul3A_206 : i32 to index
            %get3A_208 = tpu.vector_load %arg14[%get3A_207] {strides = array<i32>} : memref<144xf32, #tpu.memory_space<vmem>>, vector<16xf32>,
            %add3A_209 = vector.broadcast %squeeze3A_165 : i32 to vector<16xi32>
            %add3A_210 = arith.addi %add3A_209, %get3A_3 : vector<16xi32>
            %gather3A_211 = tpu.vector_load_idx %arg7[%add3A_210] : memref<16384xf32, #tpu.memory_space<vmem>>[vector<16xi32>], vector<16xf32>,
            %max3A_212 = arith.maximumf %gather3A_211, %get3A_208 : vector<16xf32>
            tpu.vector_store_idx %arg7[%add3A_210], %max3A_212 : memref<16384xf32, #tpu.memory_space<vmem>>[vector<16xi32>], vector<16xf32>,
          } else {
          }
        } else {
        }
        %add3A_179 = arith.constant 1 : i32
        %add3A_180 = arith.addi %add3A_23, %add3A_179 : i32
        %sub3A_181 = arith.subi %add3A_180, %and3A_159 : i32
        %abs3A_182 = math.absi %sub3A_181 : i32
        %le3A_183 = arith.constant 2 : i32
        %le3A_184 = arith.cmpi sle, %abs3A_182, %le3A_183 : i32
        %convert_element_type3A_185 = arith.extui %le3A_184 : i1 to i32
        %cond3A_186 = arith.constant 0 : i32
        %cond3A_187 = arith.cmpi ne, %convert_element_type3A_185, %cond3A_186 : i32
        scf.if %cond3A_187 {
          %mul3A_188 = arith.constant 2 : i32
          %mul3A_189 = arith.muli %abs3A_182, %mul3A_188 : i32
          %mul3A_190 = arith.constant 16 : i32
          %mul3A_191 = arith.muli %mul3A_189, %mul3A_190 : i32
          %get3A_192 = arith.index_cast %mul3A_191 : i32 to index
          %get3A_193 = tpu.vector_load %arg14[%get3A_192] {strides = array<i32>} : memref<144xf32, #tpu.memory_space<vmem>>, vector<16xf32>,
          %add3A_194 = vector.broadcast %squeeze3A_165 : i32 to vector<16xi32>
          %add3A_195 = arith.addi %add3A_194, %get3A_1 : vector<16xi32>
          %gather3A = tpu.vector_load_idx %arg8[%add3A_195] : memref<16384xf32, #tpu.memory_space<vmem>>[vector<16xi32>], vector<16xf32>,
          %max3A = arith.maximumf %gather3A, %get3A_193 : vector<16xf32>
          tpu.vector_store_idx %arg8[%add3A_195], %max3A : memref<16384xf32, #tpu.memory_space<vmem>>[vector<16xi32>], vector<16xf32>,
          %le3A_196 = arith.constant 1 : i32
          %le3A_197 = arith.cmpi sle, %abs3A_182, %le3A_196 : i32
          %convert_element_type3A_198 = arith.extui %le3A_197 : i1 to i32
          %cond3A_199 = arith.constant 0 : i32
          %cond3A_200 = arith.cmpi ne, %convert_element_type3A_198, %cond3A_199 : i32
          scf.if %cond3A_200 {
            %mul3A_201 = arith.constant 2 : i32
            %mul3A_202 = arith.muli %abs3A_182, %mul3A_201 : i32
            %add3A_203 = arith.constant 1 : i32
            %add3A_204 = arith.addi %mul3A_202, %add3A_203 : i32
            %mul3A_205 = arith.constant 16 : i32
            %mul3A_206 = arith.muli %add3A_204, %mul3A_205 : i32
            %get3A_207 = arith.index_cast %mul3A_206 : i32 to index
            %get3A_208 = tpu.vector_load %arg14[%get3A_207] {strides = array<i32>} : memref<144xf32, #tpu.memory_space<vmem>>, vector<16xf32>,
            %add3A_209 = vector.broadcast %squeeze3A_165 : i32 to vector<16xi32>
            %add3A_210 = arith.addi %add3A_209, %get3A_3 : vector<16xi32>
            %gather3A_211 = tpu.vector_load_idx %arg8[%add3A_210] : memref<16384xf32, #tpu.memory_space<vmem>>[vector<16xi32>], vector<16xf32>,
            %max3A_212 = arith.maximumf %gather3A_211, %get3A_208 : vector<16xf32>
            tpu.vector_store_idx %arg8[%add3A_210], %max3A_212 : memref<16384xf32, #tpu.memory_space<vmem>>[vector<16xi32>], vector<16xf32>,
          } else {
          }
        } else {
        }
      } else {
      }
      %ge3A = arith.constant 65536 : i32
      %ge3A_168 = arith.cmpi sge, %squeeze3A, %ge3A : i32
      %convert_element_type3A_169 = arith.extui %ge3A_168 : i1 to i32
      %cond3A_170 = arith.constant 0 : i32
      %cond3A_171 = arith.cmpi ne, %convert_element_type3A_169, %cond3A_170 : i32
      scf.if %cond3A_171 {
        %add3A_173 = arith.constant 16128 : i32
        %add3A_174 = arith.addi %add3A_173, %add3A_156 : i32
        %get3A_175 = arith.index_cast %add3A_174 : i32 to index
        %get3A_176 = tpu.vector_load %arg12[%get3A_175] {strides = array<i32>} : memref<32256xi32, #tpu.memory_space<vmem>>, vector<16xi32>,
        %slice3A_177 = vector.extract_strided_slice %get3A_176 {offsets = [0], sizes = [1], strides = [1]} : vector<16xi32> to vector<1xi32>
        %squeeze3A_178 = vector.extract %slice3A_177[0] : i32 from vector<1xi32>
        %add3A_179 = arith.constant 24192 : i32
        %add3A_180 = arith.addi %add3A_179, %add3A_156 : i32
        %get3A_181 = arith.index_cast %add3A_180 : i32 to index
        %get3A_182 = tpu.vector_load %arg12[%get3A_181] {strides = array<i32>} : memref<32256xi32, #tpu.memory_space<vmem>>, vector<16xi32>,
        %slice3A_183 = vector.extract_strided_slice %get3A_182 {offsets = [0], sizes = [1], strides = [1]} : vector<16xi32> to vector<1xi32>
        %squeeze3A_184 = vector.extract %slice3A_183[0] : i32 from vector<1xi32>
        %add3A_185 = vector.broadcast %squeeze3A_178 : i32 to vector<16xi32>
        %add3A_186 = arith.addi %add3A_185, %get3A_5 : vector<16xi32>
        %add3A_187 = vector.broadcast %squeeze3A_184 : i32 to vector<16xi32>
        %add3A_188 = arith.addi %add3A_187, %get3A_9 : vector<16xi32>
        %ge3A_189 = arith.constant 0 : i32
        %ge3A_190 = vector.broadcast %ge3A_189 : i32 to vector<16xi32>
        %ge3A_191 = arith.cmpi sge, %add3A_186, %ge3A_190 : vector<16xi32>
        %lt3A_192 = arith.constant 128 : i32
        %lt3A_193 = vector.broadcast %lt3A_192 : i32 to vector<16xi32>
        %lt3A_194 = arith.cmpi slt, %add3A_186, %lt3A_193 : vector<16xi32>
        %and3A_195 = arith.andi %ge3A_191, %lt3A_194 : vector<16xi1>
        %ge3A_196 = arith.constant 0 : i32
        %ge3A_197 = vector.broadcast %ge3A_196 : i32 to vector<16xi32>
        %ge3A_198 = arith.cmpi sge, %add3A_188, %ge3A_197 : vector<16xi32>
        %and3A_199 = arith.andi %and3A_195, %ge3A_198 : vector<16xi1>
        %lt3A_200 = arith.constant 128 : i32
        %lt3A_201 = vector.broadcast %lt3A_200 : i32 to vector<16xi32>
        %lt3A_202 = arith.cmpi slt, %add3A_188, %lt3A_201 : vector<16xi32>
        %and3A_203 = arith.andi %and3A_199, %lt3A_202 : vector<16xi1>
        %add3A_204 = vector.broadcast %squeeze3A_178 : i32 to vector<16xi32>
        %add3A_205 = arith.addi %add3A_204, %get3A_7 : vector<16xi32>
        %add3A_206 = vector.broadcast %squeeze3A_184 : i32 to vector<16xi32>
        %add3A_207 = arith.addi %add3A_206, %get3A_11 : vector<16xi32>
        %ge3A_208 = arith.constant 0 : i32
        %ge3A_209 = vector.broadcast %ge3A_208 : i32 to vector<16xi32>
        %ge3A_210 = arith.cmpi sge, %add3A_205, %ge3A_209 : vector<16xi32>
        %lt3A_211 = arith.constant 128 : i32
        %lt3A_212 = vector.broadcast %lt3A_211 : i32 to vector<16xi32>
        %lt3A_213 = arith.cmpi slt, %add3A_205, %lt3A_212 : vector<16xi32>
        %and3A_214 = arith.andi %ge3A_210, %lt3A_213 : vector<16xi1>
        %ge3A_215 = arith.constant 0 : i32
        %ge3A_216 = vector.broadcast %ge3A_215 : i32 to vector<16xi32>
        %ge3A_217 = arith.cmpi sge, %add3A_207, %ge3A_216 : vector<16xi32>
        %and3A_218 = arith.andi %and3A_214, %ge3A_217 : vector<16xi1>
        %lt3A_219 = arith.constant 128 : i32
        %lt3A_220 = vector.broadcast %lt3A_219 : i32 to vector<16xi32>
        %lt3A_221 = arith.cmpi slt, %add3A_207, %lt3A_220 : vector<16xi32>
        %and3A_222 = arith.andi %and3A_218, %lt3A_221 : vector<16xi1>
        %add3A_223 = arith.constant 0 : i32
        %add3A_224 = arith.addi %add3A_23, %add3A_223 : i32
        %sub3A = arith.subi %add3A_224, %and3A_159 : i32
        %abs3A = math.absi %sub3A : i32
        %le3A = arith.constant 2 : i32
        %le3A_225 = arith.cmpi sle, %abs3A, %le3A : i32
        %convert_element_type3A_226 = arith.extui %le3A_225 : i1 to i32
        %cond3A_227 = arith.constant 0 : i32
        %cond3A_228 = arith.cmpi ne, %convert_element_type3A_226, %cond3A_227 : i32
        scf.if %cond3A_228 {
          %mul3A_238 = arith.constant 2 : i32
          %mul3A_239 = arith.muli %abs3A, %mul3A_238 : i32
          %mul3A_240 = arith.constant 16 : i32
          %mul3A_241 = arith.muli %mul3A_239, %mul3A_240 : i32
          %get3A_242 = arith.index_cast %mul3A_241 : i32 to index
          %get3A_243 = tpu.vector_load %arg14[%get3A_242] {strides = array<i32>} : memref<144xf32, #tpu.memory_space<vmem>>, vector<16xf32>,
          %add3A_244 = vector.broadcast %squeeze3A_165 : i32 to vector<16xi32>
          %add3A_245 = arith.addi %add3A_244, %get3A_1 : vector<16xi32>
          %gather3A = tpu.vector_load_idx %arg7[%add3A_245] masked %and3A_203 : memref<16384xf32, #tpu.memory_space<vmem>>[vector<16xi32>], vector<16xf32>, vector<16xi1>
          %max3A = arith.maximumf %gather3A, %get3A_243 : vector<16xf32>
          tpu.vector_store_idx %arg7[%add3A_245], %max3A masked %and3A_203 : memref<16384xf32, #tpu.memory_space<vmem>>[vector<16xi32>], vector<16xf32>, vector<16xi1>
          %le3A_246 = arith.constant 1 : i32
          %le3A_247 = arith.cmpi sle, %abs3A, %le3A_246 : i32
          %convert_element_type3A_248 = arith.extui %le3A_247 : i1 to i32
          %cond3A_249 = arith.constant 0 : i32
          %cond3A_250 = arith.cmpi ne, %convert_element_type3A_248, %cond3A_249 : i32
          scf.if %cond3A_250 {
            %mul3A_251 = arith.constant 2 : i32
            %mul3A_252 = arith.muli %abs3A, %mul3A_251 : i32
            %add3A_253 = arith.constant 1 : i32
            %add3A_254 = arith.addi %mul3A_252, %add3A_253 : i32
            %mul3A_255 = arith.constant 16 : i32
            %mul3A_256 = arith.muli %add3A_254, %mul3A_255 : i32
            %get3A_257 = arith.index_cast %mul3A_256 : i32 to index
            %get3A_258 = tpu.vector_load %arg14[%get3A_257] {strides = array<i32>} : memref<144xf32, #tpu.memory_space<vmem>>, vector<16xf32>,
            %add3A_259 = vector.broadcast %squeeze3A_165 : i32 to vector<16xi32>
            %add3A_260 = arith.addi %add3A_259, %get3A_3 : vector<16xi32>
            %gather3A_261 = tpu.vector_load_idx %arg7[%add3A_260] masked %and3A_222 : memref<16384xf32, #tpu.memory_space<vmem>>[vector<16xi32>], vector<16xf32>, vector<16xi1>
            %max3A_262 = arith.maximumf %gather3A_261, %get3A_258 : vector<16xf32>
            tpu.vector_store_idx %arg7[%add3A_260], %max3A_262 masked %and3A_222 : memref<16384xf32, #tpu.memory_space<vmem>>[vector<16xi32>], vector<16xf32>, vector<16xi1>
          } else {
          }
        } else {
        }
        %add3A_229 = arith.constant 1 : i32
        %add3A_230 = arith.addi %add3A_23, %add3A_229 : i32
        %sub3A_231 = arith.subi %add3A_230, %and3A_159 : i32
        %abs3A_232 = math.absi %sub3A_231 : i32
        %le3A_233 = arith.constant 2 : i32
        %le3A_234 = arith.cmpi sle, %abs3A_232, %le3A_233 : i32
        %convert_element_type3A_235 = arith.extui %le3A_234 : i1 to i32
        %cond3A_236 = arith.constant 0 : i32
        %cond3A_237 = arith.cmpi ne, %convert_element_type3A_235, %cond3A_236 : i32
        scf.if %cond3A_237 {
          %mul3A_238 = arith.constant 2 : i32
          %mul3A_239 = arith.muli %abs3A_232, %mul3A_238 : i32
          %mul3A_240 = arith.constant 16 : i32
          %mul3A_241 = arith.muli %mul3A_239, %mul3A_240 : i32
          %get3A_242 = arith.index_cast %mul3A_241 : i32 to index
          %get3A_243 = tpu.vector_load %arg14[%get3A_242] {strides = array<i32>} : memref<144xf32, #tpu.memory_space<vmem>>, vector<16xf32>,
          %add3A_244 = vector.broadcast %squeeze3A_165 : i32 to vector<16xi32>
          %add3A_245 = arith.addi %add3A_244, %get3A_1 : vector<16xi32>
          %gather3A = tpu.vector_load_idx %arg8[%add3A_245] masked %and3A_203 : memref<16384xf32, #tpu.memory_space<vmem>>[vector<16xi32>], vector<16xf32>, vector<16xi1>
          %max3A = arith.maximumf %gather3A, %get3A_243 : vector<16xf32>
          tpu.vector_store_idx %arg8[%add3A_245], %max3A masked %and3A_203 : memref<16384xf32, #tpu.memory_space<vmem>>[vector<16xi32>], vector<16xf32>, vector<16xi1>
          %le3A_246 = arith.constant 1 : i32
          %le3A_247 = arith.cmpi sle, %abs3A_232, %le3A_246 : i32
          %convert_element_type3A_248 = arith.extui %le3A_247 : i1 to i32
          %cond3A_249 = arith.constant 0 : i32
          %cond3A_250 = arith.cmpi ne, %convert_element_type3A_248, %cond3A_249 : i32
          scf.if %cond3A_250 {
            %mul3A_251 = arith.constant 2 : i32
            %mul3A_252 = arith.muli %abs3A_232, %mul3A_251 : i32
            %add3A_253 = arith.constant 1 : i32
            %add3A_254 = arith.addi %mul3A_252, %add3A_253 : i32
            %mul3A_255 = arith.constant 16 : i32
            %mul3A_256 = arith.muli %add3A_254, %mul3A_255 : i32
            %get3A_257 = arith.index_cast %mul3A_256 : i32 to index
            %get3A_258 = tpu.vector_load %arg14[%get3A_257] {strides = array<i32>} : memref<144xf32, #tpu.memory_space<vmem>>, vector<16xf32>,
            %add3A_259 = vector.broadcast %squeeze3A_165 : i32 to vector<16xi32>
            %add3A_260 = arith.addi %add3A_259, %get3A_3 : vector<16xi32>
            %gather3A_261 = tpu.vector_load_idx %arg8[%add3A_260] masked %and3A_222 : memref<16384xf32, #tpu.memory_space<vmem>>[vector<16xi32>], vector<16xf32>, vector<16xi1>
            %max3A_262 = arith.maximumf %gather3A_261, %get3A_258 : vector<16xf32>
            tpu.vector_store_idx %arg8[%add3A_260], %max3A_262 masked %and3A_222 : memref<16384xf32, #tpu.memory_space<vmem>>[vector<16xi32>], vector<16xf32>, vector<16xi1>
          } else {
          }
        } else {
        }
      } else {
      }
      %while3A_172 = arith.constant 0 : i32
      scf.yield %while3A_172 : i32
    }
    %while3A_92 = arith.constant 1 : i32
    %while3A_93 = scf.for %while3A_153 = %while3A_89 to %while3A_85 step %while3A_92 iter_args(%while3A_154 = %while3A_91) -> (i32)  : i32 {
      %add3A_155 = arith.constant 2016 : i32
      %add3A_156 = arith.addi %add3A_155, %while3A_153 : i32
      %get3A_157 = arith.index_cast %add3A_156 : i32 to index
      %get3A_158 = tpu.vector_load %arg12[%get3A_157] {strides = array<i32>} : memref<32256xi32, #tpu.memory_space<vmem>>, vector<16xi32>,
      %slice3A = vector.extract_strided_slice %get3A_158 {offsets = [0], sizes = [1], strides = [1]} : vector<16xi32> to vector<1xi32>
      %squeeze3A = vector.extract %slice3A[0] : i32 from vector<1xi32>
      %and3A = arith.constant 65535 : i32
      %and3A_159 = arith.andi %squeeze3A, %and3A : i32
      %add3A_160 = arith.constant 8064 : i32
      %add3A_161 = arith.addi %add3A_160, %add3A_156 : i32
      %get3A_162 = arith.index_cast %add3A_161 : i32 to index
      %get3A_163 = tpu.vector_load %arg12[%get3A_162] {strides = array<i32>} : memref<32256xi32, #tpu.memory_space<vmem>>, vector<16xi32>,
      %slice3A_164 = vector.extract_strided_slice %get3A_163 {offsets = [0], sizes = [1], strides = [1]} : vector<16xi32> to vector<1xi32>
      %squeeze3A_165 = vector.extract %slice3A_164[0] : i32 from vector<1xi32>
      %lt3A = arith.constant 65536 : i32
      %lt3A_166 = arith.cmpi slt, %squeeze3A, %lt3A : i32
      %convert_element_type3A = arith.extui %lt3A_166 : i1 to i32
      %cond3A = arith.constant 0 : i32
      %cond3A_167 = arith.cmpi ne, %convert_element_type3A, %cond3A : i32
      scf.if %cond3A_167 {
        %add3A_173 = arith.constant 0 : i32
        %add3A_174 = arith.addi %add3A_23, %add3A_173 : i32
        %sub3A = arith.subi %add3A_174, %and3A_159 : i32
        %abs3A = math.absi %sub3A : i32
        %le3A = arith.constant 2 : i32
        %le3A_175 = arith.cmpi sle, %abs3A, %le3A : i32
        %convert_element_type3A_176 = arith.extui %le3A_175 : i1 to i32
        %cond3A_177 = arith.constant 0 : i32
        %cond3A_178 = arith.cmpi ne, %convert_element_type3A_176, %cond3A_177 : i32
        scf.if %cond3A_178 {
          %mul3A_188 = arith.constant 2 : i32
          %mul3A_189 = arith.muli %abs3A, %mul3A_188 : i32
          %mul3A_190 = arith.constant 16 : i32
          %mul3A_191 = arith.muli %mul3A_189, %mul3A_190 : i32
          %get3A_192 = arith.index_cast %mul3A_191 : i32 to index
          %get3A_193 = tpu.vector_load %arg14[%get3A_192] {strides = array<i32>} : memref<144xf32, #tpu.memory_space<vmem>>, vector<16xf32>,
          %add3A_194 = vector.broadcast %squeeze3A_165 : i32 to vector<16xi32>
          %add3A_195 = arith.addi %add3A_194, %get3A_1 : vector<16xi32>
          %gather3A = tpu.vector_load_idx %arg7[%add3A_195] : memref<16384xf32, #tpu.memory_space<vmem>>[vector<16xi32>], vector<16xf32>,
          %max3A = arith.maximumf %gather3A, %get3A_193 : vector<16xf32>
          tpu.vector_store_idx %arg7[%add3A_195], %max3A : memref<16384xf32, #tpu.memory_space<vmem>>[vector<16xi32>], vector<16xf32>,
          %le3A_196 = arith.constant 1 : i32
          %le3A_197 = arith.cmpi sle, %abs3A, %le3A_196 : i32
          %convert_element_type3A_198 = arith.extui %le3A_197 : i1 to i32
          %cond3A_199 = arith.constant 0 : i32
          %cond3A_200 = arith.cmpi ne, %convert_element_type3A_198, %cond3A_199 : i32
          scf.if %cond3A_200 {
            %mul3A_201 = arith.constant 2 : i32
            %mul3A_202 = arith.muli %abs3A, %mul3A_201 : i32
            %add3A_203 = arith.constant 1 : i32
            %add3A_204 = arith.addi %mul3A_202, %add3A_203 : i32
            %mul3A_205 = arith.constant 16 : i32
            %mul3A_206 = arith.muli %add3A_204, %mul3A_205 : i32
            %get3A_207 = arith.index_cast %mul3A_206 : i32 to index
            %get3A_208 = tpu.vector_load %arg14[%get3A_207] {strides = array<i32>} : memref<144xf32, #tpu.memory_space<vmem>>, vector<16xf32>,
            %add3A_209 = vector.broadcast %squeeze3A_165 : i32 to vector<16xi32>
            %add3A_210 = arith.addi %add3A_209, %get3A_3 : vector<16xi32>
            %gather3A_211 = tpu.vector_load_idx %arg7[%add3A_210] : memref<16384xf32, #tpu.memory_space<vmem>>[vector<16xi32>], vector<16xf32>,
            %max3A_212 = arith.maximumf %gather3A_211, %get3A_208 : vector<16xf32>
            tpu.vector_store_idx %arg7[%add3A_210], %max3A_212 : memref<16384xf32, #tpu.memory_space<vmem>>[vector<16xi32>], vector<16xf32>,
          } else {
          }
        } else {
        }
        %add3A_179 = arith.constant 1 : i32
        %add3A_180 = arith.addi %add3A_23, %add3A_179 : i32
        %sub3A_181 = arith.subi %add3A_180, %and3A_159 : i32
        %abs3A_182 = math.absi %sub3A_181 : i32
        %le3A_183 = arith.constant 2 : i32
        %le3A_184 = arith.cmpi sle, %abs3A_182, %le3A_183 : i32
        %convert_element_type3A_185 = arith.extui %le3A_184 : i1 to i32
        %cond3A_186 = arith.constant 0 : i32
        %cond3A_187 = arith.cmpi ne, %convert_element_type3A_185, %cond3A_186 : i32
        scf.if %cond3A_187 {
          %mul3A_188 = arith.constant 2 : i32
          %mul3A_189 = arith.muli %abs3A_182, %mul3A_188 : i32
          %mul3A_190 = arith.constant 16 : i32
          %mul3A_191 = arith.muli %mul3A_189, %mul3A_190 : i32
          %get3A_192 = arith.index_cast %mul3A_191 : i32 to index
          %get3A_193 = tpu.vector_load %arg14[%get3A_192] {strides = array<i32>} : memref<144xf32, #tpu.memory_space<vmem>>, vector<16xf32>,
          %add3A_194 = vector.broadcast %squeeze3A_165 : i32 to vector<16xi32>
          %add3A_195 = arith.addi %add3A_194, %get3A_1 : vector<16xi32>
          %gather3A = tpu.vector_load_idx %arg8[%add3A_195] : memref<16384xf32, #tpu.memory_space<vmem>>[vector<16xi32>], vector<16xf32>,
          %max3A = arith.maximumf %gather3A, %get3A_193 : vector<16xf32>
          tpu.vector_store_idx %arg8[%add3A_195], %max3A : memref<16384xf32, #tpu.memory_space<vmem>>[vector<16xi32>], vector<16xf32>,
          %le3A_196 = arith.constant 1 : i32
          %le3A_197 = arith.cmpi sle, %abs3A_182, %le3A_196 : i32
          %convert_element_type3A_198 = arith.extui %le3A_197 : i1 to i32
          %cond3A_199 = arith.constant 0 : i32
          %cond3A_200 = arith.cmpi ne, %convert_element_type3A_198, %cond3A_199 : i32
          scf.if %cond3A_200 {
            %mul3A_201 = arith.constant 2 : i32
            %mul3A_202 = arith.muli %abs3A_182, %mul3A_201 : i32
            %add3A_203 = arith.constant 1 : i32
            %add3A_204 = arith.addi %mul3A_202, %add3A_203 : i32
            %mul3A_205 = arith.constant 16 : i32
            %mul3A_206 = arith.muli %add3A_204, %mul3A_205 : i32
            %get3A_207 = arith.index_cast %mul3A_206 : i32 to index
            %get3A_208 = tpu.vector_load %arg14[%get3A_207] {strides = array<i32>} : memref<144xf32, #tpu.memory_space<vmem>>, vector<16xf32>,
            %add3A_209 = vector.broadcast %squeeze3A_165 : i32 to vector<16xi32>
            %add3A_210 = arith.addi %add3A_209, %get3A_3 : vector<16xi32>
            %gather3A_211 = tpu.vector_load_idx %arg8[%add3A_210] : memref<16384xf32, #tpu.memory_space<vmem>>[vector<16xi32>], vector<16xf32>,
            %max3A_212 = arith.maximumf %gather3A_211, %get3A_208 : vector<16xf32>
            tpu.vector_store_idx %arg8[%add3A_210], %max3A_212 : memref<16384xf32, #tpu.memory_space<vmem>>[vector<16xi32>], vector<16xf32>,
          } else {
          }
        } else {
        }
      } else {
      }
      %ge3A = arith.constant 65536 : i32
      %ge3A_168 = arith.cmpi sge, %squeeze3A, %ge3A : i32
      %convert_element_type3A_169 = arith.extui %ge3A_168 : i1 to i32
      %cond3A_170 = arith.constant 0 : i32
      %cond3A_171 = arith.cmpi ne, %convert_element_type3A_169, %cond3A_170 : i32
      scf.if %cond3A_171 {
        %add3A_173 = arith.constant 16128 : i32
        %add3A_174 = arith.addi %add3A_173, %add3A_156 : i32
        %get3A_175 = arith.index_cast %add3A_174 : i32 to index
        %get3A_176 = tpu.vector_load %arg12[%get3A_175] {strides = array<i32>} : memref<32256xi32, #tpu.memory_space<vmem>>, vector<16xi32>,
        %slice3A_177 = vector.extract_strided_slice %get3A_176 {offsets = [0], sizes = [1], strides = [1]} : vector<16xi32> to vector<1xi32>
        %squeeze3A_178 = vector.extract %slice3A_177[0] : i32 from vector<1xi32>
        %add3A_179 = arith.constant 24192 : i32
        %add3A_180 = arith.addi %add3A_179, %add3A_156 : i32
        %get3A_181 = arith.index_cast %add3A_180 : i32 to index
        %get3A_182 = tpu.vector_load %arg12[%get3A_181] {strides = array<i32>} : memref<32256xi32, #tpu.memory_space<vmem>>, vector<16xi32>,
        %slice3A_183 = vector.extract_strided_slice %get3A_182 {offsets = [0], sizes = [1], strides = [1]} : vector<16xi32> to vector<1xi32>
        %squeeze3A_184 = vector.extract %slice3A_183[0] : i32 from vector<1xi32>
        %add3A_185 = vector.broadcast %squeeze3A_178 : i32 to vector<16xi32>
        %add3A_186 = arith.addi %add3A_185, %get3A_5 : vector<16xi32>
        %add3A_187 = vector.broadcast %squeeze3A_184 : i32 to vector<16xi32>
        %add3A_188 = arith.addi %add3A_187, %get3A_9 : vector<16xi32>
        %ge3A_189 = arith.constant 0 : i32
        %ge3A_190 = vector.broadcast %ge3A_189 : i32 to vector<16xi32>
        %ge3A_191 = arith.cmpi sge, %add3A_186, %ge3A_190 : vector<16xi32>
        %lt3A_192 = arith.constant 128 : i32
        %lt3A_193 = vector.broadcast %lt3A_192 : i32 to vector<16xi32>
        %lt3A_194 = arith.cmpi slt, %add3A_186, %lt3A_193 : vector<16xi32>
        %and3A_195 = arith.andi %ge3A_191, %lt3A_194 : vector<16xi1>
        %ge3A_196 = arith.constant 0 : i32
        %ge3A_197 = vector.broadcast %ge3A_196 : i32 to vector<16xi32>
        %ge3A_198 = arith.cmpi sge, %add3A_188, %ge3A_197 : vector<16xi32>
        %and3A_199 = arith.andi %and3A_195, %ge3A_198 : vector<16xi1>
        %lt3A_200 = arith.constant 128 : i32
        %lt3A_201 = vector.broadcast %lt3A_200 : i32 to vector<16xi32>
        %lt3A_202 = arith.cmpi slt, %add3A_188, %lt3A_201 : vector<16xi32>
        %and3A_203 = arith.andi %and3A_199, %lt3A_202 : vector<16xi1>
        %add3A_204 = vector.broadcast %squeeze3A_178 : i32 to vector<16xi32>
        %add3A_205 = arith.addi %add3A_204, %get3A_7 : vector<16xi32>
        %add3A_206 = vector.broadcast %squeeze3A_184 : i32 to vector<16xi32>
        %add3A_207 = arith.addi %add3A_206, %get3A_11 : vector<16xi32>
        %ge3A_208 = arith.constant 0 : i32
        %ge3A_209 = vector.broadcast %ge3A_208 : i32 to vector<16xi32>
        %ge3A_210 = arith.cmpi sge, %add3A_205, %ge3A_209 : vector<16xi32>
        %lt3A_211 = arith.constant 128 : i32
        %lt3A_212 = vector.broadcast %lt3A_211 : i32 to vector<16xi32>
        %lt3A_213 = arith.cmpi slt, %add3A_205, %lt3A_212 : vector<16xi32>
        %and3A_214 = arith.andi %ge3A_210, %lt3A_213 : vector<16xi1>
        %ge3A_215 = arith.constant 0 : i32
        %ge3A_216 = vector.broadcast %ge3A_215 : i32 to vector<16xi32>
        %ge3A_217 = arith.cmpi sge, %add3A_207, %ge3A_216 : vector<16xi32>
        %and3A_218 = arith.andi %and3A_214, %ge3A_217 : vector<16xi1>
        %lt3A_219 = arith.constant 128 : i32
        %lt3A_220 = vector.broadcast %lt3A_219 : i32 to vector<16xi32>
        %lt3A_221 = arith.cmpi slt, %add3A_207, %lt3A_220 : vector<16xi32>
        %and3A_222 = arith.andi %and3A_218, %lt3A_221 : vector<16xi1>
        %add3A_223 = arith.constant 0 : i32
        %add3A_224 = arith.addi %add3A_23, %add3A_223 : i32
        %sub3A = arith.subi %add3A_224, %and3A_159 : i32
        %abs3A = math.absi %sub3A : i32
        %le3A = arith.constant 2 : i32
        %le3A_225 = arith.cmpi sle, %abs3A, %le3A : i32
        %convert_element_type3A_226 = arith.extui %le3A_225 : i1 to i32
        %cond3A_227 = arith.constant 0 : i32
        %cond3A_228 = arith.cmpi ne, %convert_element_type3A_226, %cond3A_227 : i32
        scf.if %cond3A_228 {
          %mul3A_238 = arith.constant 2 : i32
          %mul3A_239 = arith.muli %abs3A, %mul3A_238 : i32
          %mul3A_240 = arith.constant 16 : i32
          %mul3A_241 = arith.muli %mul3A_239, %mul3A_240 : i32
          %get3A_242 = arith.index_cast %mul3A_241 : i32 to index
          %get3A_243 = tpu.vector_load %arg14[%get3A_242] {strides = array<i32>} : memref<144xf32, #tpu.memory_space<vmem>>, vector<16xf32>,
          %add3A_244 = vector.broadcast %squeeze3A_165 : i32 to vector<16xi32>
          %add3A_245 = arith.addi %add3A_244, %get3A_1 : vector<16xi32>
          %gather3A = tpu.vector_load_idx %arg7[%add3A_245] masked %and3A_203 : memref<16384xf32, #tpu.memory_space<vmem>>[vector<16xi32>], vector<16xf32>, vector<16xi1>
          %max3A = arith.maximumf %gather3A, %get3A_243 : vector<16xf32>
          tpu.vector_store_idx %arg7[%add3A_245], %max3A masked %and3A_203 : memref<16384xf32, #tpu.memory_space<vmem>>[vector<16xi32>], vector<16xf32>, vector<16xi1>
          %le3A_246 = arith.constant 1 : i32
          %le3A_247 = arith.cmpi sle, %abs3A, %le3A_246 : i32
          %convert_element_type3A_248 = arith.extui %le3A_247 : i1 to i32
          %cond3A_249 = arith.constant 0 : i32
          %cond3A_250 = arith.cmpi ne, %convert_element_type3A_248, %cond3A_249 : i32
          scf.if %cond3A_250 {
            %mul3A_251 = arith.constant 2 : i32
            %mul3A_252 = arith.muli %abs3A, %mul3A_251 : i32
            %add3A_253 = arith.constant 1 : i32
            %add3A_254 = arith.addi %mul3A_252, %add3A_253 : i32
            %mul3A_255 = arith.constant 16 : i32
            %mul3A_256 = arith.muli %add3A_254, %mul3A_255 : i32
            %get3A_257 = arith.index_cast %mul3A_256 : i32 to index
            %get3A_258 = tpu.vector_load %arg14[%get3A_257] {strides = array<i32>} : memref<144xf32, #tpu.memory_space<vmem>>, vector<16xf32>,
            %add3A_259 = vector.broadcast %squeeze3A_165 : i32 to vector<16xi32>
            %add3A_260 = arith.addi %add3A_259, %get3A_3 : vector<16xi32>
            %gather3A_261 = tpu.vector_load_idx %arg7[%add3A_260] masked %and3A_222 : memref<16384xf32, #tpu.memory_space<vmem>>[vector<16xi32>], vector<16xf32>, vector<16xi1>
            %max3A_262 = arith.maximumf %gather3A_261, %get3A_258 : vector<16xf32>
            tpu.vector_store_idx %arg7[%add3A_260], %max3A_262 masked %and3A_222 : memref<16384xf32, #tpu.memory_space<vmem>>[vector<16xi32>], vector<16xf32>, vector<16xi1>
          } else {
          }
        } else {
        }
        %add3A_229 = arith.constant 1 : i32
        %add3A_230 = arith.addi %add3A_23, %add3A_229 : i32
        %sub3A_231 = arith.subi %add3A_230, %and3A_159 : i32
        %abs3A_232 = math.absi %sub3A_231 : i32
        %le3A_233 = arith.constant 2 : i32
        %le3A_234 = arith.cmpi sle, %abs3A_232, %le3A_233 : i32
        %convert_element_type3A_235 = arith.extui %le3A_234 : i1 to i32
        %cond3A_236 = arith.constant 0 : i32
        %cond3A_237 = arith.cmpi ne, %convert_element_type3A_235, %cond3A_236 : i32
        scf.if %cond3A_237 {
          %mul3A_238 = arith.constant 2 : i32
          %mul3A_239 = arith.muli %abs3A_232, %mul3A_238 : i32
          %mul3A_240 = arith.constant 16 : i32
          %mul3A_241 = arith.muli %mul3A_239, %mul3A_240 : i32
          %get3A_242 = arith.index_cast %mul3A_241 : i32 to index
          %get3A_243 = tpu.vector_load %arg14[%get3A_242] {strides = array<i32>} : memref<144xf32, #tpu.memory_space<vmem>>, vector<16xf32>,
          %add3A_244 = vector.broadcast %squeeze3A_165 : i32 to vector<16xi32>
          %add3A_245 = arith.addi %add3A_244, %get3A_1 : vector<16xi32>
          %gather3A = tpu.vector_load_idx %arg8[%add3A_245] masked %and3A_203 : memref<16384xf32, #tpu.memory_space<vmem>>[vector<16xi32>], vector<16xf32>, vector<16xi1>
          %max3A = arith.maximumf %gather3A, %get3A_243 : vector<16xf32>
          tpu.vector_store_idx %arg8[%add3A_245], %max3A masked %and3A_203 : memref<16384xf32, #tpu.memory_space<vmem>>[vector<16xi32>], vector<16xf32>, vector<16xi1>
          %le3A_246 = arith.constant 1 : i32
          %le3A_247 = arith.cmpi sle, %abs3A_232, %le3A_246 : i32
          %convert_element_type3A_248 = arith.extui %le3A_247 : i1 to i32
          %cond3A_249 = arith.constant 0 : i32
          %cond3A_250 = arith.cmpi ne, %convert_element_type3A_248, %cond3A_249 : i32
          scf.if %cond3A_250 {
            %mul3A_251 = arith.constant 2 : i32
            %mul3A_252 = arith.muli %abs3A_232, %mul3A_251 : i32
            %add3A_253 = arith.constant 1 : i32
            %add3A_254 = arith.addi %mul3A_252, %add3A_253 : i32
            %mul3A_255 = arith.constant 16 : i32
            %mul3A_256 = arith.muli %add3A_254, %mul3A_255 : i32
            %get3A_257 = arith.index_cast %mul3A_256 : i32 to index
            %get3A_258 = tpu.vector_load %arg14[%get3A_257] {strides = array<i32>} : memref<144xf32, #tpu.memory_space<vmem>>, vector<16xf32>,
            %add3A_259 = vector.broadcast %squeeze3A_165 : i32 to vector<16xi32>
            %add3A_260 = arith.addi %add3A_259, %get3A_3 : vector<16xi32>
            %gather3A_261 = tpu.vector_load_idx %arg8[%add3A_260] masked %and3A_222 : memref<16384xf32, #tpu.memory_space<vmem>>[vector<16xi32>], vector<16xf32>, vector<16xi1>
            %max3A_262 = arith.maximumf %gather3A_261, %get3A_258 : vector<16xf32>
            tpu.vector_store_idx %arg8[%add3A_260], %max3A_262 masked %and3A_222 : memref<16384xf32, #tpu.memory_space<vmem>>[vector<16xi32>], vector<16xf32>, vector<16xi1>
          } else {
          }
        } else {
        }
      } else {
      }
      %while3A_172 = arith.constant 0 : i32
      scf.yield %while3A_172 : i32
    }
    %while3A_94 = arith.constant 0 : i32
    %while3A_95 = arith.constant 0 : i32
    %while3A_96 = arith.subi %scan3A_37#1, %while3A_94 : i32
    %while3A_97 = arith.addi %while3A_94, %while3A_96 : i32
    %while3A_98 = arith.constant 1 : i32
    %while3A_99 = arith.divsi %while3A_96, %while3A_98 : i32
    %while3A_100 = arith.muli %while3A_99, %while3A_98 : i32
    %while3A_101 = arith.addi %while3A_94, %while3A_100 : i32
    %while3A_102 = arith.constant 1 : i32
    %while3A_103 = scf.for %while3A_153 = %while3A_94 to %while3A_101 step %while3A_102 iter_args(%while3A_154 = %while3A_95) -> (i32)  : i32 {
      %add3A_155 = arith.constant 6048 : i32
      %add3A_156 = arith.addi %add3A_155, %while3A_153 : i32
      %get3A_157 = arith.index_cast %add3A_156 : i32 to index
      %get3A_158 = tpu.vector_load %arg12[%get3A_157] {strides = array<i32>} : memref<32256xi32, #tpu.memory_space<vmem>>, vector<16xi32>,
      %slice3A = vector.extract_strided_slice %get3A_158 {offsets = [0], sizes = [1], strides = [1]} : vector<16xi32> to vector<1xi32>
      %squeeze3A = vector.extract %slice3A[0] : i32 from vector<1xi32>
      %and3A = arith.constant 65535 : i32
      %and3A_159 = arith.andi %squeeze3A, %and3A : i32
      %add3A_160 = arith.constant 8064 : i32
      %add3A_161 = arith.addi %add3A_160, %add3A_156 : i32
      %get3A_162 = arith.index_cast %add3A_161 : i32 to index
      %get3A_163 = tpu.vector_load %arg12[%get3A_162] {strides = array<i32>} : memref<32256xi32, #tpu.memory_space<vmem>>, vector<16xi32>,
      %slice3A_164 = vector.extract_strided_slice %get3A_163 {offsets = [0], sizes = [1], strides = [1]} : vector<16xi32> to vector<1xi32>
      %squeeze3A_165 = vector.extract %slice3A_164[0] : i32 from vector<1xi32>
      %lt3A = arith.constant 65536 : i32
      %lt3A_166 = arith.cmpi slt, %squeeze3A, %lt3A : i32
      %convert_element_type3A = arith.extui %lt3A_166 : i1 to i32
      %cond3A = arith.constant 0 : i32
      %cond3A_167 = arith.cmpi ne, %convert_element_type3A, %cond3A : i32
      scf.if %cond3A_167 {
        %add3A_173 = arith.constant 0 : i32
        %add3A_174 = arith.addi %add3A_23, %add3A_173 : i32
        %sub3A = arith.subi %add3A_174, %and3A_159 : i32
        %abs3A = math.absi %sub3A : i32
        %le3A = arith.constant 2 : i32
        %le3A_175 = arith.cmpi sle, %abs3A, %le3A : i32
        %convert_element_type3A_176 = arith.extui %le3A_175 : i1 to i32
        %cond3A_177 = arith.constant 0 : i32
        %cond3A_178 = arith.cmpi ne, %convert_element_type3A_176, %cond3A_177 : i32
        scf.if %cond3A_178 {
          %mul3A_188 = arith.constant 2 : i32
          %mul3A_189 = arith.muli %abs3A, %mul3A_188 : i32
          %mul3A_190 = arith.constant 16 : i32
          %mul3A_191 = arith.muli %mul3A_189, %mul3A_190 : i32
          %get3A_192 = arith.index_cast %mul3A_191 : i32 to index
          %get3A_193 = tpu.vector_load %arg14[%get3A_192] {strides = array<i32>} : memref<144xf32, #tpu.memory_space<vmem>>, vector<16xf32>,
          %add3A_194 = vector.broadcast %squeeze3A_165 : i32 to vector<16xi32>
          %add3A_195 = arith.addi %add3A_194, %get3A_1 : vector<16xi32>
          %gather3A = tpu.vector_load_idx %arg9[%add3A_195] : memref<16384xf32, #tpu.memory_space<vmem>>[vector<16xi32>], vector<16xf32>,
          %max3A = arith.maximumf %gather3A, %get3A_193 : vector<16xf32>
          tpu.vector_store_idx %arg9[%add3A_195], %max3A : memref<16384xf32, #tpu.memory_space<vmem>>[vector<16xi32>], vector<16xf32>,
          %le3A_196 = arith.constant 1 : i32
          %le3A_197 = arith.cmpi sle, %abs3A, %le3A_196 : i32
          %convert_element_type3A_198 = arith.extui %le3A_197 : i1 to i32
          %cond3A_199 = arith.constant 0 : i32
          %cond3A_200 = arith.cmpi ne, %convert_element_type3A_198, %cond3A_199 : i32
          scf.if %cond3A_200 {
            %mul3A_201 = arith.constant 2 : i32
            %mul3A_202 = arith.muli %abs3A, %mul3A_201 : i32
            %add3A_203 = arith.constant 1 : i32
            %add3A_204 = arith.addi %mul3A_202, %add3A_203 : i32
            %mul3A_205 = arith.constant 16 : i32
            %mul3A_206 = arith.muli %add3A_204, %mul3A_205 : i32
            %get3A_207 = arith.index_cast %mul3A_206 : i32 to index
            %get3A_208 = tpu.vector_load %arg14[%get3A_207] {strides = array<i32>} : memref<144xf32, #tpu.memory_space<vmem>>, vector<16xf32>,
            %add3A_209 = vector.broadcast %squeeze3A_165 : i32 to vector<16xi32>
            %add3A_210 = arith.addi %add3A_209, %get3A_3 : vector<16xi32>
            %gather3A_211 = tpu.vector_load_idx %arg9[%add3A_210] : memref<16384xf32, #tpu.memory_space<vmem>>[vector<16xi32>], vector<16xf32>,
            %max3A_212 = arith.maximumf %gather3A_211, %get3A_208 : vector<16xf32>
            tpu.vector_store_idx %arg9[%add3A_210], %max3A_212 : memref<16384xf32, #tpu.memory_space<vmem>>[vector<16xi32>], vector<16xf32>,
          } else {
          }
        } else {
        }
        %add3A_179 = arith.constant 1 : i32
        %add3A_180 = arith.addi %add3A_23, %add3A_179 : i32
        %sub3A_181 = arith.subi %add3A_180, %and3A_159 : i32
        %abs3A_182 = math.absi %sub3A_181 : i32
        %le3A_183 = arith.constant 2 : i32
        %le3A_184 = arith.cmpi sle, %abs3A_182, %le3A_183 : i32
        %convert_element_type3A_185 = arith.extui %le3A_184 : i1 to i32
        %cond3A_186 = arith.constant 0 : i32
        %cond3A_187 = arith.cmpi ne, %convert_element_type3A_185, %cond3A_186 : i32
        scf.if %cond3A_187 {
          %mul3A_188 = arith.constant 2 : i32
          %mul3A_189 = arith.muli %abs3A_182, %mul3A_188 : i32
          %mul3A_190 = arith.constant 16 : i32
          %mul3A_191 = arith.muli %mul3A_189, %mul3A_190 : i32
          %get3A_192 = arith.index_cast %mul3A_191 : i32 to index
          %get3A_193 = tpu.vector_load %arg14[%get3A_192] {strides = array<i32>} : memref<144xf32, #tpu.memory_space<vmem>>, vector<16xf32>,
          %add3A_194 = vector.broadcast %squeeze3A_165 : i32 to vector<16xi32>
          %add3A_195 = arith.addi %add3A_194, %get3A_1 : vector<16xi32>
          %gather3A = tpu.vector_load_idx %arg10[%add3A_195] : memref<16384xf32, #tpu.memory_space<vmem>>[vector<16xi32>], vector<16xf32>,
          %max3A = arith.maximumf %gather3A, %get3A_193 : vector<16xf32>
          tpu.vector_store_idx %arg10[%add3A_195], %max3A : memref<16384xf32, #tpu.memory_space<vmem>>[vector<16xi32>], vector<16xf32>,
          %le3A_196 = arith.constant 1 : i32
          %le3A_197 = arith.cmpi sle, %abs3A_182, %le3A_196 : i32
          %convert_element_type3A_198 = arith.extui %le3A_197 : i1 to i32
          %cond3A_199 = arith.constant 0 : i32
          %cond3A_200 = arith.cmpi ne, %convert_element_type3A_198, %cond3A_199 : i32
          scf.if %cond3A_200 {
            %mul3A_201 = arith.constant 2 : i32
            %mul3A_202 = arith.muli %abs3A_182, %mul3A_201 : i32
            %add3A_203 = arith.constant 1 : i32
            %add3A_204 = arith.addi %mul3A_202, %add3A_203 : i32
            %mul3A_205 = arith.constant 16 : i32
            %mul3A_206 = arith.muli %add3A_204, %mul3A_205 : i32
            %get3A_207 = arith.index_cast %mul3A_206 : i32 to index
            %get3A_208 = tpu.vector_load %arg14[%get3A_207] {strides = array<i32>} : memref<144xf32, #tpu.memory_space<vmem>>, vector<16xf32>,
            %add3A_209 = vector.broadcast %squeeze3A_165 : i32 to vector<16xi32>
            %add3A_210 = arith.addi %add3A_209, %get3A_3 : vector<16xi32>
            %gather3A_211 = tpu.vector_load_idx %arg10[%add3A_210] : memref<16384xf32, #tpu.memory_space<vmem>>[vector<16xi32>], vector<16xf32>,
            %max3A_212 = arith.maximumf %gather3A_211, %get3A_208 : vector<16xf32>
            tpu.vector_store_idx %arg10[%add3A_210], %max3A_212 : memref<16384xf32, #tpu.memory_space<vmem>>[vector<16xi32>], vector<16xf32>,
          } else {
          }
        } else {
        }
      } else {
      }
      %ge3A = arith.constant 65536 : i32
      %ge3A_168 = arith.cmpi sge, %squeeze3A, %ge3A : i32
      %convert_element_type3A_169 = arith.extui %ge3A_168 : i1 to i32
      %cond3A_170 = arith.constant 0 : i32
      %cond3A_171 = arith.cmpi ne, %convert_element_type3A_169, %cond3A_170 : i32
      scf.if %cond3A_171 {
        %add3A_173 = arith.constant 16128 : i32
        %add3A_174 = arith.addi %add3A_173, %add3A_156 : i32
        %get3A_175 = arith.index_cast %add3A_174 : i32 to index
        %get3A_176 = tpu.vector_load %arg12[%get3A_175] {strides = array<i32>} : memref<32256xi32, #tpu.memory_space<vmem>>, vector<16xi32>,
        %slice3A_177 = vector.extract_strided_slice %get3A_176 {offsets = [0], sizes = [1], strides = [1]} : vector<16xi32> to vector<1xi32>
        %squeeze3A_178 = vector.extract %slice3A_177[0] : i32 from vector<1xi32>
        %add3A_179 = arith.constant 24192 : i32
        %add3A_180 = arith.addi %add3A_179, %add3A_156 : i32
        %get3A_181 = arith.index_cast %add3A_180 : i32 to index
        %get3A_182 = tpu.vector_load %arg12[%get3A_181] {strides = array<i32>} : memref<32256xi32, #tpu.memory_space<vmem>>, vector<16xi32>,
        %slice3A_183 = vector.extract_strided_slice %get3A_182 {offsets = [0], sizes = [1], strides = [1]} : vector<16xi32> to vector<1xi32>
        %squeeze3A_184 = vector.extract %slice3A_183[0] : i32 from vector<1xi32>
        %add3A_185 = vector.broadcast %squeeze3A_178 : i32 to vector<16xi32>
        %add3A_186 = arith.addi %add3A_185, %get3A_5 : vector<16xi32>
        %add3A_187 = vector.broadcast %squeeze3A_184 : i32 to vector<16xi32>
        %add3A_188 = arith.addi %add3A_187, %get3A_9 : vector<16xi32>
        %ge3A_189 = arith.constant 0 : i32
        %ge3A_190 = vector.broadcast %ge3A_189 : i32 to vector<16xi32>
        %ge3A_191 = arith.cmpi sge, %add3A_186, %ge3A_190 : vector<16xi32>
        %lt3A_192 = arith.constant 128 : i32
        %lt3A_193 = vector.broadcast %lt3A_192 : i32 to vector<16xi32>
        %lt3A_194 = arith.cmpi slt, %add3A_186, %lt3A_193 : vector<16xi32>
        %and3A_195 = arith.andi %ge3A_191, %lt3A_194 : vector<16xi1>
        %ge3A_196 = arith.constant 0 : i32
        %ge3A_197 = vector.broadcast %ge3A_196 : i32 to vector<16xi32>
        %ge3A_198 = arith.cmpi sge, %add3A_188, %ge3A_197 : vector<16xi32>
        %and3A_199 = arith.andi %and3A_195, %ge3A_198 : vector<16xi1>
        %lt3A_200 = arith.constant 128 : i32
        %lt3A_201 = vector.broadcast %lt3A_200 : i32 to vector<16xi32>
        %lt3A_202 = arith.cmpi slt, %add3A_188, %lt3A_201 : vector<16xi32>
        %and3A_203 = arith.andi %and3A_199, %lt3A_202 : vector<16xi1>
        %add3A_204 = vector.broadcast %squeeze3A_178 : i32 to vector<16xi32>
        %add3A_205 = arith.addi %add3A_204, %get3A_7 : vector<16xi32>
        %add3A_206 = vector.broadcast %squeeze3A_184 : i32 to vector<16xi32>
        %add3A_207 = arith.addi %add3A_206, %get3A_11 : vector<16xi32>
        %ge3A_208 = arith.constant 0 : i32
        %ge3A_209 = vector.broadcast %ge3A_208 : i32 to vector<16xi32>
        %ge3A_210 = arith.cmpi sge, %add3A_205, %ge3A_209 : vector<16xi32>
        %lt3A_211 = arith.constant 128 : i32
        %lt3A_212 = vector.broadcast %lt3A_211 : i32 to vector<16xi32>
        %lt3A_213 = arith.cmpi slt, %add3A_205, %lt3A_212 : vector<16xi32>
        %and3A_214 = arith.andi %ge3A_210, %lt3A_213 : vector<16xi1>
        %ge3A_215 = arith.constant 0 : i32
        %ge3A_216 = vector.broadcast %ge3A_215 : i32 to vector<16xi32>
        %ge3A_217 = arith.cmpi sge, %add3A_207, %ge3A_216 : vector<16xi32>
        %and3A_218 = arith.andi %and3A_214, %ge3A_217 : vector<16xi1>
        %lt3A_219 = arith.constant 128 : i32
        %lt3A_220 = vector.broadcast %lt3A_219 : i32 to vector<16xi32>
        %lt3A_221 = arith.cmpi slt, %add3A_207, %lt3A_220 : vector<16xi32>
        %and3A_222 = arith.andi %and3A_218, %lt3A_221 : vector<16xi1>
        %add3A_223 = arith.constant 0 : i32
        %add3A_224 = arith.addi %add3A_23, %add3A_223 : i32
        %sub3A = arith.subi %add3A_224, %and3A_159 : i32
        %abs3A = math.absi %sub3A : i32
        %le3A = arith.constant 2 : i32
        %le3A_225 = arith.cmpi sle, %abs3A, %le3A : i32
        %convert_element_type3A_226 = arith.extui %le3A_225 : i1 to i32
        %cond3A_227 = arith.constant 0 : i32
        %cond3A_228 = arith.cmpi ne, %convert_element_type3A_226, %cond3A_227 : i32
        scf.if %cond3A_228 {
          %mul3A_238 = arith.constant 2 : i32
          %mul3A_239 = arith.muli %abs3A, %mul3A_238 : i32
          %mul3A_240 = arith.constant 16 : i32
          %mul3A_241 = arith.muli %mul3A_239, %mul3A_240 : i32
          %get3A_242 = arith.index_cast %mul3A_241 : i32 to index
          %get3A_243 = tpu.vector_load %arg14[%get3A_242] {strides = array<i32>} : memref<144xf32, #tpu.memory_space<vmem>>, vector<16xf32>,
          %add3A_244 = vector.broadcast %squeeze3A_165 : i32 to vector<16xi32>
          %add3A_245 = arith.addi %add3A_244, %get3A_1 : vector<16xi32>
          %gather3A = tpu.vector_load_idx %arg9[%add3A_245] masked %and3A_203 : memref<16384xf32, #tpu.memory_space<vmem>>[vector<16xi32>], vector<16xf32>, vector<16xi1>
          %max3A = arith.maximumf %gather3A, %get3A_243 : vector<16xf32>
          tpu.vector_store_idx %arg9[%add3A_245], %max3A masked %and3A_203 : memref<16384xf32, #tpu.memory_space<vmem>>[vector<16xi32>], vector<16xf32>, vector<16xi1>
          %le3A_246 = arith.constant 1 : i32
          %le3A_247 = arith.cmpi sle, %abs3A, %le3A_246 : i32
          %convert_element_type3A_248 = arith.extui %le3A_247 : i1 to i32
          %cond3A_249 = arith.constant 0 : i32
          %cond3A_250 = arith.cmpi ne, %convert_element_type3A_248, %cond3A_249 : i32
          scf.if %cond3A_250 {
            %mul3A_251 = arith.constant 2 : i32
            %mul3A_252 = arith.muli %abs3A, %mul3A_251 : i32
            %add3A_253 = arith.constant 1 : i32
            %add3A_254 = arith.addi %mul3A_252, %add3A_253 : i32
            %mul3A_255 = arith.constant 16 : i32
            %mul3A_256 = arith.muli %add3A_254, %mul3A_255 : i32
            %get3A_257 = arith.index_cast %mul3A_256 : i32 to index
            %get3A_258 = tpu.vector_load %arg14[%get3A_257] {strides = array<i32>} : memref<144xf32, #tpu.memory_space<vmem>>, vector<16xf32>,
            %add3A_259 = vector.broadcast %squeeze3A_165 : i32 to vector<16xi32>
            %add3A_260 = arith.addi %add3A_259, %get3A_3 : vector<16xi32>
            %gather3A_261 = tpu.vector_load_idx %arg9[%add3A_260] masked %and3A_222 : memref<16384xf32, #tpu.memory_space<vmem>>[vector<16xi32>], vector<16xf32>, vector<16xi1>
            %max3A_262 = arith.maximumf %gather3A_261, %get3A_258 : vector<16xf32>
            tpu.vector_store_idx %arg9[%add3A_260], %max3A_262 masked %and3A_222 : memref<16384xf32, #tpu.memory_space<vmem>>[vector<16xi32>], vector<16xf32>, vector<16xi1>
          } else {
          }
        } else {
        }
        %add3A_229 = arith.constant 1 : i32
        %add3A_230 = arith.addi %add3A_23, %add3A_229 : i32
        %sub3A_231 = arith.subi %add3A_230, %and3A_159 : i32
        %abs3A_232 = math.absi %sub3A_231 : i32
        %le3A_233 = arith.constant 2 : i32
        %le3A_234 = arith.cmpi sle, %abs3A_232, %le3A_233 : i32
        %convert_element_type3A_235 = arith.extui %le3A_234 : i1 to i32
        %cond3A_236 = arith.constant 0 : i32
        %cond3A_237 = arith.cmpi ne, %convert_element_type3A_235, %cond3A_236 : i32
        scf.if %cond3A_237 {
          %mul3A_238 = arith.constant 2 : i32
          %mul3A_239 = arith.muli %abs3A_232, %mul3A_238 : i32
          %mul3A_240 = arith.constant 16 : i32
          %mul3A_241 = arith.muli %mul3A_239, %mul3A_240 : i32
          %get3A_242 = arith.index_cast %mul3A_241 : i32 to index
          %get3A_243 = tpu.vector_load %arg14[%get3A_242] {strides = array<i32>} : memref<144xf32, #tpu.memory_space<vmem>>, vector<16xf32>,
          %add3A_244 = vector.broadcast %squeeze3A_165 : i32 to vector<16xi32>
          %add3A_245 = arith.addi %add3A_244, %get3A_1 : vector<16xi32>
          %gather3A = tpu.vector_load_idx %arg10[%add3A_245] masked %and3A_203 : memref<16384xf32, #tpu.memory_space<vmem>>[vector<16xi32>], vector<16xf32>, vector<16xi1>
          %max3A = arith.maximumf %gather3A, %get3A_243 : vector<16xf32>
          tpu.vector_store_idx %arg10[%add3A_245], %max3A masked %and3A_203 : memref<16384xf32, #tpu.memory_space<vmem>>[vector<16xi32>], vector<16xf32>, vector<16xi1>
          %le3A_246 = arith.constant 1 : i32
          %le3A_247 = arith.cmpi sle, %abs3A_232, %le3A_246 : i32
          %convert_element_type3A_248 = arith.extui %le3A_247 : i1 to i32
          %cond3A_249 = arith.constant 0 : i32
          %cond3A_250 = arith.cmpi ne, %convert_element_type3A_248, %cond3A_249 : i32
          scf.if %cond3A_250 {
            %mul3A_251 = arith.constant 2 : i32
            %mul3A_252 = arith.muli %abs3A_232, %mul3A_251 : i32
            %add3A_253 = arith.constant 1 : i32
            %add3A_254 = arith.addi %mul3A_252, %add3A_253 : i32
            %mul3A_255 = arith.constant 16 : i32
            %mul3A_256 = arith.muli %add3A_254, %mul3A_255 : i32
            %get3A_257 = arith.index_cast %mul3A_256 : i32 to index
            %get3A_258 = tpu.vector_load %arg14[%get3A_257] {strides = array<i32>} : memref<144xf32, #tpu.memory_space<vmem>>, vector<16xf32>,
            %add3A_259 = vector.broadcast %squeeze3A_165 : i32 to vector<16xi32>
            %add3A_260 = arith.addi %add3A_259, %get3A_3 : vector<16xi32>
            %gather3A_261 = tpu.vector_load_idx %arg10[%add3A_260] masked %and3A_222 : memref<16384xf32, #tpu.memory_space<vmem>>[vector<16xi32>], vector<16xf32>, vector<16xi1>
            %max3A_262 = arith.maximumf %gather3A_261, %get3A_258 : vector<16xf32>
            tpu.vector_store_idx %arg10[%add3A_260], %max3A_262 masked %and3A_222 : memref<16384xf32, #tpu.memory_space<vmem>>[vector<16xi32>], vector<16xf32>, vector<16xi1>
          } else {
          }
        } else {
        }
      } else {
      }
      %while3A_172 = arith.constant 0 : i32
      scf.yield %while3A_172 : i32
    }
    %while3A_104 = arith.constant 1 : i32
    %while3A_105 = scf.for %while3A_153 = %while3A_101 to %while3A_97 step %while3A_104 iter_args(%while3A_154 = %while3A_103) -> (i32)  : i32 {
      %add3A_155 = arith.constant 6048 : i32
      %add3A_156 = arith.addi %add3A_155, %while3A_153 : i32
      %get3A_157 = arith.index_cast %add3A_156 : i32 to index
      %get3A_158 = tpu.vector_load %arg12[%get3A_157] {strides = array<i32>} : memref<32256xi32, #tpu.memory_space<vmem>>, vector<16xi32>,
      %slice3A = vector.extract_strided_slice %get3A_158 {offsets = [0], sizes = [1], strides = [1]} : vector<16xi32> to vector<1xi32>
      %squeeze3A = vector.extract %slice3A[0] : i32 from vector<1xi32>
      %and3A = arith.constant 65535 : i32
      %and3A_159 = arith.andi %squeeze3A, %and3A : i32
      %add3A_160 = arith.constant 8064 : i32
      %add3A_161 = arith.addi %add3A_160, %add3A_156 : i32
      %get3A_162 = arith.index_cast %add3A_161 : i32 to index
      %get3A_163 = tpu.vector_load %arg12[%get3A_162] {strides = array<i32>} : memref<32256xi32, #tpu.memory_space<vmem>>, vector<16xi32>,
      %slice3A_164 = vector.extract_strided_slice %get3A_163 {offsets = [0], sizes = [1], strides = [1]} : vector<16xi32> to vector<1xi32>
      %squeeze3A_165 = vector.extract %slice3A_164[0] : i32 from vector<1xi32>
      %lt3A = arith.constant 65536 : i32
      %lt3A_166 = arith.cmpi slt, %squeeze3A, %lt3A : i32
      %convert_element_type3A = arith.extui %lt3A_166 : i1 to i32
      %cond3A = arith.constant 0 : i32
      %cond3A_167 = arith.cmpi ne, %convert_element_type3A, %cond3A : i32
      scf.if %cond3A_167 {
        %add3A_173 = arith.constant 0 : i32
        %add3A_174 = arith.addi %add3A_23, %add3A_173 : i32
        %sub3A = arith.subi %add3A_174, %and3A_159 : i32
        %abs3A = math.absi %sub3A : i32
        %le3A = arith.constant 2 : i32
        %le3A_175 = arith.cmpi sle, %abs3A, %le3A : i32
        %convert_element_type3A_176 = arith.extui %le3A_175 : i1 to i32
        %cond3A_177 = arith.constant 0 : i32
        %cond3A_178 = arith.cmpi ne, %convert_element_type3A_176, %cond3A_177 : i32
        scf.if %cond3A_178 {
          %mul3A_188 = arith.constant 2 : i32
          %mul3A_189 = arith.muli %abs3A, %mul3A_188 : i32
          %mul3A_190 = arith.constant 16 : i32
          %mul3A_191 = arith.muli %mul3A_189, %mul3A_190 : i32
          %get3A_192 = arith.index_cast %mul3A_191 : i32 to index
          %get3A_193 = tpu.vector_load %arg14[%get3A_192] {strides = array<i32>} : memref<144xf32, #tpu.memory_space<vmem>>, vector<16xf32>,
          %add3A_194 = vector.broadcast %squeeze3A_165 : i32 to vector<16xi32>
          %add3A_195 = arith.addi %add3A_194, %get3A_1 : vector<16xi32>
          %gather3A = tpu.vector_load_idx %arg9[%add3A_195] : memref<16384xf32, #tpu.memory_space<vmem>>[vector<16xi32>], vector<16xf32>,
          %max3A = arith.maximumf %gather3A, %get3A_193 : vector<16xf32>
          tpu.vector_store_idx %arg9[%add3A_195], %max3A : memref<16384xf32, #tpu.memory_space<vmem>>[vector<16xi32>], vector<16xf32>,
          %le3A_196 = arith.constant 1 : i32
          %le3A_197 = arith.cmpi sle, %abs3A, %le3A_196 : i32
          %convert_element_type3A_198 = arith.extui %le3A_197 : i1 to i32
          %cond3A_199 = arith.constant 0 : i32
          %cond3A_200 = arith.cmpi ne, %convert_element_type3A_198, %cond3A_199 : i32
          scf.if %cond3A_200 {
            %mul3A_201 = arith.constant 2 : i32
            %mul3A_202 = arith.muli %abs3A, %mul3A_201 : i32
            %add3A_203 = arith.constant 1 : i32
            %add3A_204 = arith.addi %mul3A_202, %add3A_203 : i32
            %mul3A_205 = arith.constant 16 : i32
            %mul3A_206 = arith.muli %add3A_204, %mul3A_205 : i32
            %get3A_207 = arith.index_cast %mul3A_206 : i32 to index
            %get3A_208 = tpu.vector_load %arg14[%get3A_207] {strides = array<i32>} : memref<144xf32, #tpu.memory_space<vmem>>, vector<16xf32>,
            %add3A_209 = vector.broadcast %squeeze3A_165 : i32 to vector<16xi32>
            %add3A_210 = arith.addi %add3A_209, %get3A_3 : vector<16xi32>
            %gather3A_211 = tpu.vector_load_idx %arg9[%add3A_210] : memref<16384xf32, #tpu.memory_space<vmem>>[vector<16xi32>], vector<16xf32>,
            %max3A_212 = arith.maximumf %gather3A_211, %get3A_208 : vector<16xf32>
            tpu.vector_store_idx %arg9[%add3A_210], %max3A_212 : memref<16384xf32, #tpu.memory_space<vmem>>[vector<16xi32>], vector<16xf32>,
          } else {
          }
        } else {
        }
        %add3A_179 = arith.constant 1 : i32
        %add3A_180 = arith.addi %add3A_23, %add3A_179 : i32
        %sub3A_181 = arith.subi %add3A_180, %and3A_159 : i32
        %abs3A_182 = math.absi %sub3A_181 : i32
        %le3A_183 = arith.constant 2 : i32
        %le3A_184 = arith.cmpi sle, %abs3A_182, %le3A_183 : i32
        %convert_element_type3A_185 = arith.extui %le3A_184 : i1 to i32
        %cond3A_186 = arith.constant 0 : i32
        %cond3A_187 = arith.cmpi ne, %convert_element_type3A_185, %cond3A_186 : i32
        scf.if %cond3A_187 {
          %mul3A_188 = arith.constant 2 : i32
          %mul3A_189 = arith.muli %abs3A_182, %mul3A_188 : i32
          %mul3A_190 = arith.constant 16 : i32
          %mul3A_191 = arith.muli %mul3A_189, %mul3A_190 : i32
          %get3A_192 = arith.index_cast %mul3A_191 : i32 to index
          %get3A_193 = tpu.vector_load %arg14[%get3A_192] {strides = array<i32>} : memref<144xf32, #tpu.memory_space<vmem>>, vector<16xf32>,
          %add3A_194 = vector.broadcast %squeeze3A_165 : i32 to vector<16xi32>
          %add3A_195 = arith.addi %add3A_194, %get3A_1 : vector<16xi32>
          %gather3A = tpu.vector_load_idx %arg10[%add3A_195] : memref<16384xf32, #tpu.memory_space<vmem>>[vector<16xi32>], vector<16xf32>,
          %max3A = arith.maximumf %gather3A, %get3A_193 : vector<16xf32>
          tpu.vector_store_idx %arg10[%add3A_195], %max3A : memref<16384xf32, #tpu.memory_space<vmem>>[vector<16xi32>], vector<16xf32>,
          %le3A_196 = arith.constant 1 : i32
          %le3A_197 = arith.cmpi sle, %abs3A_182, %le3A_196 : i32
          %convert_element_type3A_198 = arith.extui %le3A_197 : i1 to i32
          %cond3A_199 = arith.constant 0 : i32
          %cond3A_200 = arith.cmpi ne, %convert_element_type3A_198, %cond3A_199 : i32
          scf.if %cond3A_200 {
            %mul3A_201 = arith.constant 2 : i32
            %mul3A_202 = arith.muli %abs3A_182, %mul3A_201 : i32
            %add3A_203 = arith.constant 1 : i32
            %add3A_204 = arith.addi %mul3A_202, %add3A_203 : i32
            %mul3A_205 = arith.constant 16 : i32
            %mul3A_206 = arith.muli %add3A_204, %mul3A_205 : i32
            %get3A_207 = arith.index_cast %mul3A_206 : i32 to index
            %get3A_208 = tpu.vector_load %arg14[%get3A_207] {strides = array<i32>} : memref<144xf32, #tpu.memory_space<vmem>>, vector<16xf32>,
            %add3A_209 = vector.broadcast %squeeze3A_165 : i32 to vector<16xi32>
            %add3A_210 = arith.addi %add3A_209, %get3A_3 : vector<16xi32>
            %gather3A_211 = tpu.vector_load_idx %arg10[%add3A_210] : memref<16384xf32, #tpu.memory_space<vmem>>[vector<16xi32>], vector<16xf32>,
            %max3A_212 = arith.maximumf %gather3A_211, %get3A_208 : vector<16xf32>
            tpu.vector_store_idx %arg10[%add3A_210], %max3A_212 : memref<16384xf32, #tpu.memory_space<vmem>>[vector<16xi32>], vector<16xf32>,
          } else {
          }
        } else {
        }
      } else {
      }
      %ge3A = arith.constant 65536 : i32
      %ge3A_168 = arith.cmpi sge, %squeeze3A, %ge3A : i32
      %convert_element_type3A_169 = arith.extui %ge3A_168 : i1 to i32
      %cond3A_170 = arith.constant 0 : i32
      %cond3A_171 = arith.cmpi ne, %convert_element_type3A_169, %cond3A_170 : i32
      scf.if %cond3A_171 {
        %add3A_173 = arith.constant 16128 : i32
        %add3A_174 = arith.addi %add3A_173, %add3A_156 : i32
        %get3A_175 = arith.index_cast %add3A_174 : i32 to index
        %get3A_176 = tpu.vector_load %arg12[%get3A_175] {strides = array<i32>} : memref<32256xi32, #tpu.memory_space<vmem>>, vector<16xi32>,
        %slice3A_177 = vector.extract_strided_slice %get3A_176 {offsets = [0], sizes = [1], strides = [1]} : vector<16xi32> to vector<1xi32>
        %squeeze3A_178 = vector.extract %slice3A_177[0] : i32 from vector<1xi32>
        %add3A_179 = arith.constant 24192 : i32
        %add3A_180 = arith.addi %add3A_179, %add3A_156 : i32
        %get3A_181 = arith.index_cast %add3A_180 : i32 to index
        %get3A_182 = tpu.vector_load %arg12[%get3A_181] {strides = array<i32>} : memref<32256xi32, #tpu.memory_space<vmem>>, vector<16xi32>,
        %slice3A_183 = vector.extract_strided_slice %get3A_182 {offsets = [0], sizes = [1], strides = [1]} : vector<16xi32> to vector<1xi32>
        %squeeze3A_184 = vector.extract %slice3A_183[0] : i32 from vector<1xi32>
        %add3A_185 = vector.broadcast %squeeze3A_178 : i32 to vector<16xi32>
        %add3A_186 = arith.addi %add3A_185, %get3A_5 : vector<16xi32>
        %add3A_187 = vector.broadcast %squeeze3A_184 : i32 to vector<16xi32>
        %add3A_188 = arith.addi %add3A_187, %get3A_9 : vector<16xi32>
        %ge3A_189 = arith.constant 0 : i32
        %ge3A_190 = vector.broadcast %ge3A_189 : i32 to vector<16xi32>
        %ge3A_191 = arith.cmpi sge, %add3A_186, %ge3A_190 : vector<16xi32>
        %lt3A_192 = arith.constant 128 : i32
        %lt3A_193 = vector.broadcast %lt3A_192 : i32 to vector<16xi32>
        %lt3A_194 = arith.cmpi slt, %add3A_186, %lt3A_193 : vector<16xi32>
        %and3A_195 = arith.andi %ge3A_191, %lt3A_194 : vector<16xi1>
        %ge3A_196 = arith.constant 0 : i32
        %ge3A_197 = vector.broadcast %ge3A_196 : i32 to vector<16xi32>
        %ge3A_198 = arith.cmpi sge, %add3A_188, %ge3A_197 : vector<16xi32>
        %and3A_199 = arith.andi %and3A_195, %ge3A_198 : vector<16xi1>
        %lt3A_200 = arith.constant 128 : i32
        %lt3A_201 = vector.broadcast %lt3A_200 : i32 to vector<16xi32>
        %lt3A_202 = arith.cmpi slt, %add3A_188, %lt3A_201 : vector<16xi32>
        %and3A_203 = arith.andi %and3A_199, %lt3A_202 : vector<16xi1>
        %add3A_204 = vector.broadcast %squeeze3A_178 : i32 to vector<16xi32>
        %add3A_205 = arith.addi %add3A_204, %get3A_7 : vector<16xi32>
        %add3A_206 = vector.broadcast %squeeze3A_184 : i32 to vector<16xi32>
        %add3A_207 = arith.addi %add3A_206, %get3A_11 : vector<16xi32>
        %ge3A_208 = arith.constant 0 : i32
        %ge3A_209 = vector.broadcast %ge3A_208 : i32 to vector<16xi32>
        %ge3A_210 = arith.cmpi sge, %add3A_205, %ge3A_209 : vector<16xi32>
        %lt3A_211 = arith.constant 128 : i32
        %lt3A_212 = vector.broadcast %lt3A_211 : i32 to vector<16xi32>
        %lt3A_213 = arith.cmpi slt, %add3A_205, %lt3A_212 : vector<16xi32>
        %and3A_214 = arith.andi %ge3A_210, %lt3A_213 : vector<16xi1>
        %ge3A_215 = arith.constant 0 : i32
        %ge3A_216 = vector.broadcast %ge3A_215 : i32 to vector<16xi32>
        %ge3A_217 = arith.cmpi sge, %add3A_207, %ge3A_216 : vector<16xi32>
        %and3A_218 = arith.andi %and3A_214, %ge3A_217 : vector<16xi1>
        %lt3A_219 = arith.constant 128 : i32
        %lt3A_220 = vector.broadcast %lt3A_219 : i32 to vector<16xi32>
        %lt3A_221 = arith.cmpi slt, %add3A_207, %lt3A_220 : vector<16xi32>
        %and3A_222 = arith.andi %and3A_218, %lt3A_221 : vector<16xi1>
        %add3A_223 = arith.constant 0 : i32
        %add3A_224 = arith.addi %add3A_23, %add3A_223 : i32
        %sub3A = arith.subi %add3A_224, %and3A_159 : i32
        %abs3A = math.absi %sub3A : i32
        %le3A = arith.constant 2 : i32
        %le3A_225 = arith.cmpi sle, %abs3A, %le3A : i32
        %convert_element_type3A_226 = arith.extui %le3A_225 : i1 to i32
        %cond3A_227 = arith.constant 0 : i32
        %cond3A_228 = arith.cmpi ne, %convert_element_type3A_226, %cond3A_227 : i32
        scf.if %cond3A_228 {
          %mul3A_238 = arith.constant 2 : i32
          %mul3A_239 = arith.muli %abs3A, %mul3A_238 : i32
          %mul3A_240 = arith.constant 16 : i32
          %mul3A_241 = arith.muli %mul3A_239, %mul3A_240 : i32
          %get3A_242 = arith.index_cast %mul3A_241 : i32 to index
          %get3A_243 = tpu.vector_load %arg14[%get3A_242] {strides = array<i32>} : memref<144xf32, #tpu.memory_space<vmem>>, vector<16xf32>,
          %add3A_244 = vector.broadcast %squeeze3A_165 : i32 to vector<16xi32>
          %add3A_245 = arith.addi %add3A_244, %get3A_1 : vector<16xi32>
          %gather3A = tpu.vector_load_idx %arg9[%add3A_245] masked %and3A_203 : memref<16384xf32, #tpu.memory_space<vmem>>[vector<16xi32>], vector<16xf32>, vector<16xi1>
          %max3A = arith.maximumf %gather3A, %get3A_243 : vector<16xf32>
          tpu.vector_store_idx %arg9[%add3A_245], %max3A masked %and3A_203 : memref<16384xf32, #tpu.memory_space<vmem>>[vector<16xi32>], vector<16xf32>, vector<16xi1>
          %le3A_246 = arith.constant 1 : i32
          %le3A_247 = arith.cmpi sle, %abs3A, %le3A_246 : i32
          %convert_element_type3A_248 = arith.extui %le3A_247 : i1 to i32
          %cond3A_249 = arith.constant 0 : i32
          %cond3A_250 = arith.cmpi ne, %convert_element_type3A_248, %cond3A_249 : i32
          scf.if %cond3A_250 {
            %mul3A_251 = arith.constant 2 : i32
            %mul3A_252 = arith.muli %abs3A, %mul3A_251 : i32
            %add3A_253 = arith.constant 1 : i32
            %add3A_254 = arith.addi %mul3A_252, %add3A_253 : i32
            %mul3A_255 = arith.constant 16 : i32
            %mul3A_256 = arith.muli %add3A_254, %mul3A_255 : i32
            %get3A_257 = arith.index_cast %mul3A_256 : i32 to index
            %get3A_258 = tpu.vector_load %arg14[%get3A_257] {strides = array<i32>} : memref<144xf32, #tpu.memory_space<vmem>>, vector<16xf32>,
            %add3A_259 = vector.broadcast %squeeze3A_165 : i32 to vector<16xi32>
            %add3A_260 = arith.addi %add3A_259, %get3A_3 : vector<16xi32>
            %gather3A_261 = tpu.vector_load_idx %arg9[%add3A_260] masked %and3A_222 : memref<16384xf32, #tpu.memory_space<vmem>>[vector<16xi32>], vector<16xf32>, vector<16xi1>
            %max3A_262 = arith.maximumf %gather3A_261, %get3A_258 : vector<16xf32>
            tpu.vector_store_idx %arg9[%add3A_260], %max3A_262 masked %and3A_222 : memref<16384xf32, #tpu.memory_space<vmem>>[vector<16xi32>], vector<16xf32>, vector<16xi1>
          } else {
          }
        } else {
        }
        %add3A_229 = arith.constant 1 : i32
        %add3A_230 = arith.addi %add3A_23, %add3A_229 : i32
        %sub3A_231 = arith.subi %add3A_230, %and3A_159 : i32
        %abs3A_232 = math.absi %sub3A_231 : i32
        %le3A_233 = arith.constant 2 : i32
        %le3A_234 = arith.cmpi sle, %abs3A_232, %le3A_233 : i32
        %convert_element_type3A_235 = arith.extui %le3A_234 : i1 to i32
        %cond3A_236 = arith.constant 0 : i32
        %cond3A_237 = arith.cmpi ne, %convert_element_type3A_235, %cond3A_236 : i32
        scf.if %cond3A_237 {
          %mul3A_238 = arith.constant 2 : i32
          %mul3A_239 = arith.muli %abs3A_232, %mul3A_238 : i32
          %mul3A_240 = arith.constant 16 : i32
          %mul3A_241 = arith.muli %mul3A_239, %mul3A_240 : i32
          %get3A_242 = arith.index_cast %mul3A_241 : i32 to index
          %get3A_243 = tpu.vector_load %arg14[%get3A_242] {strides = array<i32>} : memref<144xf32, #tpu.memory_space<vmem>>, vector<16xf32>,
          %add3A_244 = vector.broadcast %squeeze3A_165 : i32 to vector<16xi32>
          %add3A_245 = arith.addi %add3A_244, %get3A_1 : vector<16xi32>
          %gather3A = tpu.vector_load_idx %arg10[%add3A_245] masked %and3A_203 : memref<16384xf32, #tpu.memory_space<vmem>>[vector<16xi32>], vector<16xf32>, vector<16xi1>
          %max3A = arith.maximumf %gather3A, %get3A_243 : vector<16xf32>
          tpu.vector_store_idx %arg10[%add3A_245], %max3A masked %and3A_203 : memref<16384xf32, #tpu.memory_space<vmem>>[vector<16xi32>], vector<16xf32>, vector<16xi1>
          %le3A_246 = arith.constant 1 : i32
          %le3A_247 = arith.cmpi sle, %abs3A_232, %le3A_246 : i32
          %convert_element_type3A_248 = arith.extui %le3A_247 : i1 to i32
          %cond3A_249 = arith.constant 0 : i32
          %cond3A_250 = arith.cmpi ne, %convert_element_type3A_248, %cond3A_249 : i32
          scf.if %cond3A_250 {
            %mul3A_251 = arith.constant 2 : i32
            %mul3A_252 = arith.muli %abs3A_232, %mul3A_251 : i32
            %add3A_253 = arith.constant 1 : i32
            %add3A_254 = arith.addi %mul3A_252, %add3A_253 : i32
            %mul3A_255 = arith.constant 16 : i32
            %mul3A_256 = arith.muli %add3A_254, %mul3A_255 : i32
            %get3A_257 = arith.index_cast %mul3A_256 : i32 to index
            %get3A_258 = tpu.vector_load %arg14[%get3A_257] {strides = array<i32>} : memref<144xf32, #tpu.memory_space<vmem>>, vector<16xf32>,
            %add3A_259 = vector.broadcast %squeeze3A_165 : i32 to vector<16xi32>
            %add3A_260 = arith.addi %add3A_259, %get3A_3 : vector<16xi32>
            %gather3A_261 = tpu.vector_load_idx %arg10[%add3A_260] masked %and3A_222 : memref<16384xf32, #tpu.memory_space<vmem>>[vector<16xi32>], vector<16xf32>, vector<16xi1>
            %max3A_262 = arith.maximumf %gather3A_261, %get3A_258 : vector<16xf32>
            tpu.vector_store_idx %arg10[%add3A_260], %max3A_262 masked %and3A_222 : memref<16384xf32, #tpu.memory_space<vmem>>[vector<16xi32>], vector<16xf32>, vector<16xi1>
          } else {
          }
        } else {
        }
      } else {
      }
      %while3A_172 = arith.constant 0 : i32
      scf.yield %while3A_172 : i32
    }
    %scan3A_106 = arith.constant 0 : i32
    %scan3A_107 = arith.constant 1024 : i32
    %scan3A_108 = arith.addi %scan3A_106, %scan3A_107 : i32
    %scan3A_109 = arith.constant 8 : i32
    %scan3A_110:2 = scf.for %scan3A_153 = %scan3A_106 to %scan3A_108 step %scan3A_109 iter_args(%scan3A_154 = %scan3A_73#0, %scan3A_155 = %scan3A_73#1) -> (vector<16xf32>, vector<16xf32>)  : i32 {
      %mul3A_156 = arith.constant 16 : i32
      %mul3A_157 = arith.muli %scan3A_153, %mul3A_156 : i32
      %get3A_158 = arith.index_cast %mul3A_157 : i32 to index
      %get3A_159 = tpu.vector_load %arg7[%get3A_158] {strides = array<i32>} : memref<16384xf32, #tpu.memory_space<vmem>>, vector<16xf32>,
      %mul3A_160 = arith.constant 16 : i32
      %mul3A_161 = arith.muli %scan3A_153, %mul3A_160 : i32
      %get3A_162 = arith.index_cast %mul3A_161 : i32 to index
      %get3A_163 = tpu.vector_load %arg8[%get3A_162] {strides = array<i32>} : memref<16384xf32, #tpu.memory_space<vmem>>, vector<16xf32>,
      %mul3A_164 = arith.constant 16 : i32
      %mul3A_165 = arith.muli %scan3A_153, %mul3A_164 : i32
      %get3A_166 = arith.index_cast %mul3A_165 : i32 to index
      %get3A_167 = tpu.vector_load %arg9[%get3A_166] {strides = array<i32>} : memref<16384xf32, #tpu.memory_space<vmem>>, vector<16xf32>,
      %mul3A_168 = arith.constant 16 : i32
      %mul3A_169 = arith.muli %scan3A_153, %mul3A_168 : i32
      %get3A_170 = arith.index_cast %mul3A_169 : i32 to index
      %get3A_171 = tpu.vector_load %arg10[%get3A_170] {strides = array<i32>} : memref<16384xf32, #tpu.memory_space<vmem>>, vector<16xf32>,
      %mul3A_172 = arith.mulf %get3A_159, %get3A_159 : vector<16xf32>
      %add3A_173 = arith.addf %scan3A_154, %mul3A_172 : vector<16xf32>
      %mul3A_174 = arith.mulf %get3A_163, %get3A_163 : vector<16xf32>
      %add3A_175 = arith.addf %add3A_173, %mul3A_174 : vector<16xf32>
      %mul3A_176 = arith.mulf %get3A_159, %get3A_167 : vector<16xf32>
      %add3A_177 = arith.addf %scan3A_155, %mul3A_176 : vector<16xf32>
      %mul3A_178 = arith.mulf %get3A_163, %get3A_171 : vector<16xf32>
      %add3A_179 = arith.addf %add3A_177, %mul3A_178 : vector<16xf32>
      %scan3A_180 = arith.constant 1 : i32
      %scan3A_181 = arith.addi %scan3A_153, %scan3A_180 : i32
      %mul3A_182 = arith.constant 16 : i32
      %mul3A_183 = arith.muli %scan3A_181, %mul3A_182 : i32
      %get3A_184 = arith.index_cast %mul3A_183 : i32 to index
      %get3A_185 = tpu.vector_load %arg7[%get3A_184] {strides = array<i32>} : memref<16384xf32, #tpu.memory_space<vmem>>, vector<16xf32>,
      %mul3A_186 = arith.constant 16 : i32
      %mul3A_187 = arith.muli %scan3A_181, %mul3A_186 : i32
      %get3A_188 = arith.index_cast %mul3A_187 : i32 to index
      %get3A_189 = tpu.vector_load %arg8[%get3A_188] {strides = array<i32>} : memref<16384xf32, #tpu.memory_space<vmem>>, vector<16xf32>,
      %mul3A_190 = arith.constant 16 : i32
      %mul3A_191 = arith.muli %scan3A_181, %mul3A_190 : i32
      %get3A_192 = arith.index_cast %mul3A_191 : i32 to index
      %get3A_193 = tpu.vector_load %arg9[%get3A_192] {strides = array<i32>} : memref<16384xf32, #tpu.memory_space<vmem>>, vector<16xf32>,
      %mul3A_194 = arith.constant 16 : i32
      %mul3A_195 = arith.muli %scan3A_181, %mul3A_194 : i32
      %get3A_196 = arith.index_cast %mul3A_195 : i32 to index
      %get3A_197 = tpu.vector_load %arg10[%get3A_196] {strides = array<i32>} : memref<16384xf32, #tpu.memory_space<vmem>>, vector<16xf32>,
      %mul3A_198 = arith.mulf %get3A_185, %get3A_185 : vector<16xf32>
      %add3A_199 = arith.addf %add3A_175, %mul3A_198 : vector<16xf32>
      %mul3A_200 = arith.mulf %get3A_189, %get3A_189 : vector<16xf32>
      %add3A_201 = arith.addf %add3A_199, %mul3A_200 : vector<16xf32>
      %mul3A_202 = arith.mulf %get3A_185, %get3A_193 : vector<16xf32>
      %add3A_203 = arith.addf %add3A_179, %mul3A_202 : vector<16xf32>
      %mul3A_204 = arith.mulf %get3A_189, %get3A_197 : vector<16xf32>
      %add3A_205 = arith.addf %add3A_203, %mul3A_204 : vector<16xf32>
      %scan3A_206 = arith.constant 2 : i32
      %scan3A_207 = arith.addi %scan3A_153, %scan3A_206 : i32
      %mul3A_208 = arith.constant 16 : i32
      %mul3A_209 = arith.muli %scan3A_207, %mul3A_208 : i32
      %get3A_210 = arith.index_cast %mul3A_209 : i32 to index
      %get3A_211 = tpu.vector_load %arg7[%get3A_210] {strides = array<i32>} : memref<16384xf32, #tpu.memory_space<vmem>>, vector<16xf32>,
      %mul3A_212 = arith.constant 16 : i32
      %mul3A_213 = arith.muli %scan3A_207, %mul3A_212 : i32
      %get3A_214 = arith.index_cast %mul3A_213 : i32 to index
      %get3A_215 = tpu.vector_load %arg8[%get3A_214] {strides = array<i32>} : memref<16384xf32, #tpu.memory_space<vmem>>, vector<16xf32>,
      %mul3A_216 = arith.constant 16 : i32
      %mul3A_217 = arith.muli %scan3A_207, %mul3A_216 : i32
      %get3A_218 = arith.index_cast %mul3A_217 : i32 to index
      %get3A_219 = tpu.vector_load %arg9[%get3A_218] {strides = array<i32>} : memref<16384xf32, #tpu.memory_space<vmem>>, vector<16xf32>,
      %mul3A_220 = arith.constant 16 : i32
      %mul3A_221 = arith.muli %scan3A_207, %mul3A_220 : i32
      %get3A_222 = arith.index_cast %mul3A_221 : i32 to index
      %get3A_223 = tpu.vector_load %arg10[%get3A_222] {strides = array<i32>} : memref<16384xf32, #tpu.memory_space<vmem>>, vector<16xf32>,
      %mul3A_224 = arith.mulf %get3A_211, %get3A_211 : vector<16xf32>
      %add3A_225 = arith.addf %add3A_201, %mul3A_224 : vector<16xf32>
      %mul3A_226 = arith.mulf %get3A_215, %get3A_215 : vector<16xf32>
      %add3A_227 = arith.addf %add3A_225, %mul3A_226 : vector<16xf32>
      %mul3A_228 = arith.mulf %get3A_211, %get3A_219 : vector<16xf32>
      %add3A_229 = arith.addf %add3A_205, %mul3A_228 : vector<16xf32>
      %mul3A_230 = arith.mulf %get3A_215, %get3A_223 : vector<16xf32>
      %add3A_231 = arith.addf %add3A_229, %mul3A_230 : vector<16xf32>
      %scan3A_232 = arith.constant 3 : i32
      %scan3A_233 = arith.addi %scan3A_153, %scan3A_232 : i32
      %mul3A_234 = arith.constant 16 : i32
      %mul3A_235 = arith.muli %scan3A_233, %mul3A_234 : i32
      %get3A_236 = arith.index_cast %mul3A_235 : i32 to index
      %get3A_237 = tpu.vector_load %arg7[%get3A_236] {strides = array<i32>} : memref<16384xf32, #tpu.memory_space<vmem>>, vector<16xf32>,
      %mul3A_238 = arith.constant 16 : i32
      %mul3A_239 = arith.muli %scan3A_233, %mul3A_238 : i32
      %get3A_240 = arith.index_cast %mul3A_239 : i32 to index
      %get3A_241 = tpu.vector_load %arg8[%get3A_240] {strides = array<i32>} : memref<16384xf32, #tpu.memory_space<vmem>>, vector<16xf32>,
      %mul3A_242 = arith.constant 16 : i32
      %mul3A_243 = arith.muli %scan3A_233, %mul3A_242 : i32
      %get3A_244 = arith.index_cast %mul3A_243 : i32 to index
      %get3A_245 = tpu.vector_load %arg9[%get3A_244] {strides = array<i32>} : memref<16384xf32, #tpu.memory_space<vmem>>, vector<16xf32>,
      %mul3A_246 = arith.constant 16 : i32
      %mul3A_247 = arith.muli %scan3A_233, %mul3A_246 : i32
      %get3A_248 = arith.index_cast %mul3A_247 : i32 to index
      %get3A_249 = tpu.vector_load %arg10[%get3A_248] {strides = array<i32>} : memref<16384xf32, #tpu.memory_space<vmem>>, vector<16xf32>,
      %mul3A_250 = arith.mulf %get3A_237, %get3A_237 : vector<16xf32>
      %add3A_251 = arith.addf %add3A_227, %mul3A_250 : vector<16xf32>
      %mul3A_252 = arith.mulf %get3A_241, %get3A_241 : vector<16xf32>
      %add3A_253 = arith.addf %add3A_251, %mul3A_252 : vector<16xf32>
      %mul3A_254 = arith.mulf %get3A_237, %get3A_245 : vector<16xf32>
      %add3A_255 = arith.addf %add3A_231, %mul3A_254 : vector<16xf32>
      %mul3A_256 = arith.mulf %get3A_241, %get3A_249 : vector<16xf32>
      %add3A_257 = arith.addf %add3A_255, %mul3A_256 : vector<16xf32>
      %scan3A_258 = arith.constant 4 : i32
      %scan3A_259 = arith.addi %scan3A_153, %scan3A_258 : i32
      %mul3A_260 = arith.constant 16 : i32
      %mul3A_261 = arith.muli %scan3A_259, %mul3A_260 : i32
      %get3A_262 = arith.index_cast %mul3A_261 : i32 to index
      %get3A_263 = tpu.vector_load %arg7[%get3A_262] {strides = array<i32>} : memref<16384xf32, #tpu.memory_space<vmem>>, vector<16xf32>,
      %mul3A_264 = arith.constant 16 : i32
      %mul3A_265 = arith.muli %scan3A_259, %mul3A_264 : i32
      %get3A_266 = arith.index_cast %mul3A_265 : i32 to index
      %get3A_267 = tpu.vector_load %arg8[%get3A_266] {strides = array<i32>} : memref<16384xf32, #tpu.memory_space<vmem>>, vector<16xf32>,
      %mul3A_268 = arith.constant 16 : i32
      %mul3A_269 = arith.muli %scan3A_259, %mul3A_268 : i32
      %get3A_270 = arith.index_cast %mul3A_269 : i32 to index
      %get3A_271 = tpu.vector_load %arg9[%get3A_270] {strides = array<i32>} : memref<16384xf32, #tpu.memory_space<vmem>>, vector<16xf32>,
      %mul3A_272 = arith.constant 16 : i32
      %mul3A_273 = arith.muli %scan3A_259, %mul3A_272 : i32
      %get3A_274 = arith.index_cast %mul3A_273 : i32 to index
      %get3A_275 = tpu.vector_load %arg10[%get3A_274] {strides = array<i32>} : memref<16384xf32, #tpu.memory_space<vmem>>, vector<16xf32>,
      %mul3A_276 = arith.mulf %get3A_263, %get3A_263 : vector<16xf32>
      %add3A_277 = arith.addf %add3A_253, %mul3A_276 : vector<16xf32>
      %mul3A_278 = arith.mulf %get3A_267, %get3A_267 : vector<16xf32>
      %add3A_279 = arith.addf %add3A_277, %mul3A_278 : vector<16xf32>
      %mul3A_280 = arith.mulf %get3A_263, %get3A_271 : vector<16xf32>
      %add3A_281 = arith.addf %add3A_257, %mul3A_280 : vector<16xf32>
      %mul3A_282 = arith.mulf %get3A_267, %get3A_275 : vector<16xf32>
      %add3A_283 = arith.addf %add3A_281, %mul3A_282 : vector<16xf32>
      %scan3A_284 = arith.constant 5 : i32
      %scan3A_285 = arith.addi %scan3A_153, %scan3A_284 : i32
      %mul3A_286 = arith.constant 16 : i32
      %mul3A_287 = arith.muli %scan3A_285, %mul3A_286 : i32
      %get3A_288 = arith.index_cast %mul3A_287 : i32 to index
      %get3A_289 = tpu.vector_load %arg7[%get3A_288] {strides = array<i32>} : memref<16384xf32, #tpu.memory_space<vmem>>, vector<16xf32>,
      %mul3A_290 = arith.constant 16 : i32
      %mul3A_291 = arith.muli %scan3A_285, %mul3A_290 : i32
      %get3A_292 = arith.index_cast %mul3A_291 : i32 to index
      %get3A_293 = tpu.vector_load %arg8[%get3A_292] {strides = array<i32>} : memref<16384xf32, #tpu.memory_space<vmem>>, vector<16xf32>,
      %mul3A_294 = arith.constant 16 : i32
      %mul3A_295 = arith.muli %scan3A_285, %mul3A_294 : i32
      %get3A_296 = arith.index_cast %mul3A_295 : i32 to index
      %get3A_297 = tpu.vector_load %arg9[%get3A_296] {strides = array<i32>} : memref<16384xf32, #tpu.memory_space<vmem>>, vector<16xf32>,
      %mul3A_298 = arith.constant 16 : i32
      %mul3A_299 = arith.muli %scan3A_285, %mul3A_298 : i32
      %get3A_300 = arith.index_cast %mul3A_299 : i32 to index
      %get3A_301 = tpu.vector_load %arg10[%get3A_300] {strides = array<i32>} : memref<16384xf32, #tpu.memory_space<vmem>>, vector<16xf32>,
      %mul3A_302 = arith.mulf %get3A_289, %get3A_289 : vector<16xf32>
      %add3A_303 = arith.addf %add3A_279, %mul3A_302 : vector<16xf32>
      %mul3A_304 = arith.mulf %get3A_293, %get3A_293 : vector<16xf32>
      %add3A_305 = arith.addf %add3A_303, %mul3A_304 : vector<16xf32>
      %mul3A_306 = arith.mulf %get3A_289, %get3A_297 : vector<16xf32>
      %add3A_307 = arith.addf %add3A_283, %mul3A_306 : vector<16xf32>
      %mul3A_308 = arith.mulf %get3A_293, %get3A_301 : vector<16xf32>
      %add3A_309 = arith.addf %add3A_307, %mul3A_308 : vector<16xf32>
      %scan3A_310 = arith.constant 6 : i32
      %scan3A_311 = arith.addi %scan3A_153, %scan3A_310 : i32
      %mul3A_312 = arith.constant 16 : i32
      %mul3A_313 = arith.muli %scan3A_311, %mul3A_312 : i32
      %get3A_314 = arith.index_cast %mul3A_313 : i32 to index
      %get3A_315 = tpu.vector_load %arg7[%get3A_314] {strides = array<i32>} : memref<16384xf32, #tpu.memory_space<vmem>>, vector<16xf32>,
      %mul3A_316 = arith.constant 16 : i32
      %mul3A_317 = arith.muli %scan3A_311, %mul3A_316 : i32
      %get3A_318 = arith.index_cast %mul3A_317 : i32 to index
      %get3A_319 = tpu.vector_load %arg8[%get3A_318] {strides = array<i32>} : memref<16384xf32, #tpu.memory_space<vmem>>, vector<16xf32>,
      %mul3A_320 = arith.constant 16 : i32
      %mul3A_321 = arith.muli %scan3A_311, %mul3A_320 : i32
      %get3A_322 = arith.index_cast %mul3A_321 : i32 to index
      %get3A_323 = tpu.vector_load %arg9[%get3A_322] {strides = array<i32>} : memref<16384xf32, #tpu.memory_space<vmem>>, vector<16xf32>,
      %mul3A_324 = arith.constant 16 : i32
      %mul3A_325 = arith.muli %scan3A_311, %mul3A_324 : i32
      %get3A_326 = arith.index_cast %mul3A_325 : i32 to index
      %get3A_327 = tpu.vector_load %arg10[%get3A_326] {strides = array<i32>} : memref<16384xf32, #tpu.memory_space<vmem>>, vector<16xf32>,
      %mul3A_328 = arith.mulf %get3A_315, %get3A_315 : vector<16xf32>
      %add3A_329 = arith.addf %add3A_305, %mul3A_328 : vector<16xf32>
      %mul3A_330 = arith.mulf %get3A_319, %get3A_319 : vector<16xf32>
      %add3A_331 = arith.addf %add3A_329, %mul3A_330 : vector<16xf32>
      %mul3A_332 = arith.mulf %get3A_315, %get3A_323 : vector<16xf32>
      %add3A_333 = arith.addf %add3A_309, %mul3A_332 : vector<16xf32>
      %mul3A_334 = arith.mulf %get3A_319, %get3A_327 : vector<16xf32>
      %add3A_335 = arith.addf %add3A_333, %mul3A_334 : vector<16xf32>
      %scan3A_336 = arith.constant 7 : i32
      %scan3A_337 = arith.addi %scan3A_153, %scan3A_336 : i32
      %mul3A_338 = arith.constant 16 : i32
      %mul3A_339 = arith.muli %scan3A_337, %mul3A_338 : i32
      %get3A_340 = arith.index_cast %mul3A_339 : i32 to index
      %get3A_341 = tpu.vector_load %arg7[%get3A_340] {strides = array<i32>} : memref<16384xf32, #tpu.memory_space<vmem>>, vector<16xf32>,
      %mul3A_342 = arith.constant 16 : i32
      %mul3A_343 = arith.muli %scan3A_337, %mul3A_342 : i32
      %get3A_344 = arith.index_cast %mul3A_343 : i32 to index
      %get3A_345 = tpu.vector_load %arg8[%get3A_344] {strides = array<i32>} : memref<16384xf32, #tpu.memory_space<vmem>>, vector<16xf32>,
      %mul3A_346 = arith.constant 16 : i32
      %mul3A_347 = arith.muli %scan3A_337, %mul3A_346 : i32
      %get3A_348 = arith.index_cast %mul3A_347 : i32 to index
      %get3A_349 = tpu.vector_load %arg9[%get3A_348] {strides = array<i32>} : memref<16384xf32, #tpu.memory_space<vmem>>, vector<16xf32>,
      %mul3A_350 = arith.constant 16 : i32
      %mul3A_351 = arith.muli %scan3A_337, %mul3A_350 : i32
      %get3A_352 = arith.index_cast %mul3A_351 : i32 to index
      %get3A_353 = tpu.vector_load %arg10[%get3A_352] {strides = array<i32>} : memref<16384xf32, #tpu.memory_space<vmem>>, vector<16xf32>,
      %mul3A_354 = arith.mulf %get3A_341, %get3A_341 : vector<16xf32>
      %add3A_355 = arith.addf %add3A_331, %mul3A_354 : vector<16xf32>
      %mul3A_356 = arith.mulf %get3A_345, %get3A_345 : vector<16xf32>
      %add3A_357 = arith.addf %add3A_355, %mul3A_356 : vector<16xf32>
      %mul3A_358 = arith.mulf %get3A_341, %get3A_349 : vector<16xf32>
      %add3A_359 = arith.addf %add3A_335, %mul3A_358 : vector<16xf32>
      %mul3A_360 = arith.mulf %get3A_345, %get3A_353 : vector<16xf32>
      %add3A_361 = arith.addf %add3A_359, %mul3A_360 : vector<16xf32>
      scf.yield %add3A_357, %add3A_361 : vector<16xf32>, vector<16xf32>
    }
    %scan3A_111 = arith.constant 1024 : i32
    %swap3A = arith.constant 0 : index
    %swap3A_112 = tpu.vector_load %arg15[%swap3A] {strides = array<i32>} : memref<256xf32, #tpu.memory_space<vmem>>, vector<16xf32>,
    tpu.vector_store %arg15[%swap3A], %get3A_15 {strides = array<i32>} : memref<256xf32, #tpu.memory_space<vmem>>, vector<16xf32>,
    %swap3A_113 = arith.constant 16 : index
    %swap3A_114 = tpu.vector_load %arg15[%swap3A_113] {strides = array<i32>} : memref<256xf32, #tpu.memory_space<vmem>>, vector<16xf32>,
    tpu.vector_store %arg15[%swap3A_113], %get3A_15 {strides = array<i32>} : memref<256xf32, #tpu.memory_space<vmem>>, vector<16xf32>,
    %swap3A_115 = arith.constant 32 : index
    %swap3A_116 = tpu.vector_load %arg15[%swap3A_115] {strides = array<i32>} : memref<256xf32, #tpu.memory_space<vmem>>, vector<16xf32>,
    tpu.vector_store %arg15[%swap3A_115], %get3A_15 {strides = array<i32>} : memref<256xf32, #tpu.memory_space<vmem>>, vector<16xf32>,
    %swap3A_117 = arith.constant 48 : index
    %swap3A_118 = tpu.vector_load %arg15[%swap3A_117] {strides = array<i32>} : memref<256xf32, #tpu.memory_space<vmem>>, vector<16xf32>,
    tpu.vector_store %arg15[%swap3A_117], %get3A_15 {strides = array<i32>} : memref<256xf32, #tpu.memory_space<vmem>>, vector<16xf32>,
    %swap3A_119 = arith.constant 64 : index
    %swap3A_120 = tpu.vector_load %arg15[%swap3A_119] {strides = array<i32>} : memref<256xf32, #tpu.memory_space<vmem>>, vector<16xf32>,
    tpu.vector_store %arg15[%swap3A_119], %get3A_15 {strides = array<i32>} : memref<256xf32, #tpu.memory_space<vmem>>, vector<16xf32>,
    %swap3A_121 = arith.constant 80 : index
    %swap3A_122 = tpu.vector_load %arg15[%swap3A_121] {strides = array<i32>} : memref<256xf32, #tpu.memory_space<vmem>>, vector<16xf32>,
    tpu.vector_store %arg15[%swap3A_121], %get3A_15 {strides = array<i32>} : memref<256xf32, #tpu.memory_space<vmem>>, vector<16xf32>,
    %swap3A_123 = arith.constant 96 : index
    %swap3A_124 = tpu.vector_load %arg15[%swap3A_123] {strides = array<i32>} : memref<256xf32, #tpu.memory_space<vmem>>, vector<16xf32>,
    tpu.vector_store %arg15[%swap3A_123], %get3A_15 {strides = array<i32>} : memref<256xf32, #tpu.memory_space<vmem>>, vector<16xf32>,
    %swap3A_125 = arith.constant 112 : index
    %swap3A_126 = tpu.vector_load %arg15[%swap3A_125] {strides = array<i32>} : memref<256xf32, #tpu.memory_space<vmem>>, vector<16xf32>,
    tpu.vector_store %arg15[%swap3A_125], %get3A_15 {strides = array<i32>} : memref<256xf32, #tpu.memory_space<vmem>>, vector<16xf32>,
    %swap3A_127 = arith.constant 128 : index
    %swap3A_128 = tpu.vector_load %arg15[%swap3A_127] {strides = array<i32>} : memref<256xf32, #tpu.memory_space<vmem>>, vector<16xf32>,
    tpu.vector_store %arg15[%swap3A_127], %get3A_15 {strides = array<i32>} : memref<256xf32, #tpu.memory_space<vmem>>, vector<16xf32>,
    %swap3A_129 = arith.constant 144 : index
    %swap3A_130 = tpu.vector_load %arg15[%swap3A_129] {strides = array<i32>} : memref<256xf32, #tpu.memory_space<vmem>>, vector<16xf32>,
    tpu.vector_store %arg15[%swap3A_129], %get3A_15 {strides = array<i32>} : memref<256xf32, #tpu.memory_space<vmem>>, vector<16xf32>,
    %swap3A_131 = arith.constant 160 : index
    %swap3A_132 = tpu.vector_load %arg15[%swap3A_131] {strides = array<i32>} : memref<256xf32, #tpu.memory_space<vmem>>, vector<16xf32>,
    tpu.vector_store %arg15[%swap3A_131], %get3A_15 {strides = array<i32>} : memref<256xf32, #tpu.memory_space<vmem>>, vector<16xf32>,
    %swap3A_133 = arith.constant 176 : index
    %swap3A_134 = tpu.vector_load %arg15[%swap3A_133] {strides = array<i32>} : memref<256xf32, #tpu.memory_space<vmem>>, vector<16xf32>,
    tpu.vector_store %arg15[%swap3A_133], %get3A_15 {strides = array<i32>} : memref<256xf32, #tpu.memory_space<vmem>>, vector<16xf32>,
    %swap3A_135 = arith.constant 192 : index
    %swap3A_136 = tpu.vector_load %arg15[%swap3A_135] {strides = array<i32>} : memref<256xf32, #tpu.memory_space<vmem>>, vector<16xf32>,
    tpu.vector_store %arg15[%swap3A_135], %get3A_15 {strides = array<i32>} : memref<256xf32, #tpu.memory_space<vmem>>, vector<16xf32>,
    %swap3A_137 = arith.constant 208 : index
    %swap3A_138 = tpu.vector_load %arg15[%swap3A_137] {strides = array<i32>} : memref<256xf32, #tpu.memory_space<vmem>>, vector<16xf32>,
    tpu.vector_store %arg15[%swap3A_137], %get3A_15 {strides = array<i32>} : memref<256xf32, #tpu.memory_space<vmem>>, vector<16xf32>,
    %swap3A_139 = arith.constant 224 : index
    %swap3A_140 = tpu.vector_load %arg15[%swap3A_139] {strides = array<i32>} : memref<256xf32, #tpu.memory_space<vmem>>, vector<16xf32>,
    tpu.vector_store %arg15[%swap3A_139], %get3A_15 {strides = array<i32>} : memref<256xf32, #tpu.memory_space<vmem>>, vector<16xf32>,
    %swap3A_141 = arith.constant 240 : index
    %swap3A_142 = tpu.vector_load %arg15[%swap3A_141] {strides = array<i32>} : memref<256xf32, #tpu.memory_space<vmem>>, vector<16xf32>,
    tpu.vector_store %arg15[%swap3A_141], %get3A_15 {strides = array<i32>} : memref<256xf32, #tpu.memory_space<vmem>>, vector<16xf32>,
    %swap3A_143 = arith.constant 0 : index
    %swap3A_144 = tpu.vector_load %arg15[%swap3A_143] {strides = array<i32>} : memref<256xf32, #tpu.memory_space<vmem>>, vector<16xf32>,
    tpu.vector_store %arg15[%swap3A_143], %scan3A_110#0 {strides = array<i32>} : memref<256xf32, #tpu.memory_space<vmem>>, vector<16xf32>,
    %swap3A_145 = arith.constant 128 : index
    %swap3A_146 = tpu.vector_load %arg15[%swap3A_145] {strides = array<i32>} : memref<256xf32, #tpu.memory_space<vmem>>, vector<16xf32>,
    tpu.vector_store %arg15[%swap3A_145], %scan3A_110#1 {strides = array<i32>} : memref<256xf32, #tpu.memory_space<vmem>>, vector<16xf32>,
    %mul3A_147 = arith.constant 128 : i32
    %mul3A_148 = arith.muli %add3A, %mul3A_147 : i32
    "tpu.region"() ({
      %run_scoped3A = tpu.sem_alloc : memref<!tpu.dma_semaphore, #tpu.memory_space<semaphore_mem>>
      %dma_start3A = arith.constant 0 : i32
      %dma_start3A_153 = tpu.memref_slice %arg15[%dma_start3A] : memref<256xf32, #tpu.memory_space<vmem>> -> memref<128xf32, #tpu.memory_space<vmem>>
      %dma_start3A_154 = tpu.memref_slice %arg6[%mul3A_148] : memref<8192xf32, #tpu.memory_space<hbm>> -> memref<128xf32, #tpu.memory_space<hbm>>
      %dma_start3A_155 = tpu.memref_slice %arg6[%mul3A_148] : memref<8192xf32, #tpu.memory_space<hbm>> -> memref<128xf32, #tpu.memory_space<hbm>>
      %dma_start3A_156 = arith.constant 0 : i32
      %dma_start3A_157 = tpu.memref_slice %arg15[%dma_start3A_156] : memref<256xf32, #tpu.memory_space<vmem>> -> memref<128xf32, #tpu.memory_space<vmem>>
      tpu.enqueue_dma source(%dma_start3A_157 : memref<128xf32, #tpu.memory_space<vmem>>) target(%dma_start3A_155 : memref<128xf32, #tpu.memory_space<hbm>>) target_semaphore(%run_scoped3A : memref<!tpu.dma_semaphore, #tpu.memory_space<semaphore_mem>>)
      %dma_wait3A = arith.constant 0 : i32
      %dma_wait3A_158 = tpu.memref_slice %arg15[%dma_wait3A] : memref<256xf32, #tpu.memory_space<vmem>> -> memref<128xf32, #tpu.memory_space<vmem>>
      %dma_wait3A_159 = tpu.memref_slice %arg6[%mul3A_148] : memref<8192xf32, #tpu.memory_space<hbm>> -> memref<128xf32, #tpu.memory_space<hbm>>
      %dma_wait3A_160 = tpu.memref_slice %arg6[%mul3A_148] : memref<8192xf32, #tpu.memory_space<hbm>> -> memref<128xf32, #tpu.memory_space<hbm>>
      %dma_wait3A_161 = arith.constant 0 : i32
      %dma_wait3A_162 = tpu.memref_slice %arg15[%dma_wait3A_161] : memref<256xf32, #tpu.memory_space<vmem>> -> memref<128xf32, #tpu.memory_space<vmem>>
      tpu.wait_dma2 semaphore(%run_scoped3A : memref<!tpu.dma_semaphore, #tpu.memory_space<semaphore_mem>>) src(%dma_wait3A_162 : memref<128xf32, #tpu.memory_space<vmem>>) dst(%dma_wait3A_160 : memref<128xf32, #tpu.memory_space<hbm>>)
      tpu.yield
    }) : () -> ()
    %add3A_149 = arith.constant 32 : i32
    %add3A_150 = arith.addi %add3A_149, %add3A : i32
    %mul3A_151 = arith.constant 128 : i32
    %mul3A_152 = arith.muli %add3A_150, %mul3A_151 : i32
    "tpu.region"() ({
      %run_scoped3A = tpu.sem_alloc : memref<!tpu.dma_semaphore, #tpu.memory_space<semaphore_mem>>
      %dma_start3A = arith.constant 128 : i32
      %dma_start3A_153 = tpu.memref_slice %arg15[%dma_start3A] : memref<256xf32, #tpu.memory_space<vmem>> -> memref<128xf32, #tpu.memory_space<vmem>>
      %dma_start3A_154 = tpu.memref_slice %arg6[%mul3A_152] : memref<8192xf32, #tpu.memory_space<hbm>> -> memref<128xf32, #tpu.memory_space<hbm>>
      %dma_start3A_155 = tpu.memref_slice %arg6[%mul3A_152] : memref<8192xf32, #tpu.memory_space<hbm>> -> memref<128xf32, #tpu.memory_space<hbm>>
      %dma_start3A_156 = arith.constant 128 : i32
      %dma_start3A_157 = tpu.memref_slice %arg15[%dma_start3A_156] : memref<256xf32, #tpu.memory_space<vmem>> -> memref<128xf32, #tpu.memory_space<vmem>>
      tpu.enqueue_dma source(%dma_start3A_157 : memref<128xf32, #tpu.memory_space<vmem>>) target(%dma_start3A_155 : memref<128xf32, #tpu.memory_space<hbm>>) target_semaphore(%run_scoped3A : memref<!tpu.dma_semaphore, #tpu.memory_space<semaphore_mem>>)
      %dma_wait3A = arith.constant 128 : i32
      %dma_wait3A_158 = tpu.memref_slice %arg15[%dma_wait3A] : memref<256xf32, #tpu.memory_space<vmem>> -> memref<128xf32, #tpu.memory_space<vmem>>
      %dma_wait3A_159 = tpu.memref_slice %arg6[%mul3A_152] : memref<8192xf32, #tpu.memory_space<hbm>> -> memref<128xf32, #tpu.memory_space<hbm>>
      %dma_wait3A_160 = tpu.memref_slice %arg6[%mul3A_152] : memref<8192xf32, #tpu.memory_space<hbm>> -> memref<128xf32, #tpu.memory_space<hbm>>
      %dma_wait3A_161 = arith.constant 128 : i32
      %dma_wait3A_162 = tpu.memref_slice %arg15[%dma_wait3A_161] : memref<256xf32, #tpu.memory_space<vmem>> -> memref<128xf32, #tpu.memory_space<vmem>>
      tpu.wait_dma2 semaphore(%run_scoped3A : memref<!tpu.dma_semaphore, #tpu.memory_space<semaphore_mem>>) src(%dma_wait3A_162 : memref<128xf32, #tpu.memory_space<vmem>>) dst(%dma_wait3A_160 : memref<128xf32, #tpu.memory_space<hbm>>)
      tpu.yield
    }) : () -> ()
    return
  }
}

</mosaic_0001>

<sc_bundles>
// kernel: _run.3.cloned.1.call-start
scs
__scs_entry_jumppad:
0x0: {  	(pc) =	sbr.rel $0x88, $3  }
0x1: {  	(tag) =	ssettag $0x0;
	lr =	simm.s32 $0x1  }
0x2: {  	[smem:$0x3F9F] =	sst lr;
	_ =	strace $0xD0000000  }
0x3: {  	_ = 	snop  }
0x4: {  	_ = 	snop  }
0x5: {  	_ = 	snop  }
0x6: {  	_ = 	snop  }
0x7: {  	_ = 	snop  }
__scs_overlays_trampoline_lowered:
0x8: {  	[smem:$0x3FAE] =	sst s0  }
0x9: {  	[smem:$0x3FAF] =	sst s1  }
0xa: {  	[smem:$0x3FB0] =	sst s2  }
0xb: {  	[smem:$0x3FB1] =	sst s3  }
0xc: {  	[smem:$0x3FB2] =	sst s4  }
0xd: {  	[smem:$0x3FB3] =	sst s5  }
0xe: {  	[smem:$0x3FB4] =	sst s6  }
0xf: {  	[smem:$0x3FB5] =	sst s7  }
0x10: {  	[smem:$0x3FB6] =	sst s8  }
0x11: {  	[smem:$0x3FB7] =	sst s9;
	s0 =	simm.s32 @!p0 $0x0  }
0x12: {  	s1 =	sld [smem:$0x3F9D];
	s0 =	simm.s32 @p0 $0x1  }
0x13: {  	[smem:$0x3FB8] =	sst s0;
	s0 =	simm.s32 @!p1 $0x0  }
0x14: {  	s2 =	sld [smem:$0x3F9C];
	s0 =	simm.s32 @p1 $0x1  }
0x15: {  	[smem:$0x3FB9] =	sst s0;
	s0 =	simm.s32 @!p2 $0x0  }
0x16: {  	s3 =	sld [smem:$0x3FDB];
	s0 =	simm.s32 @p2 $0x1  }
0x17: {  	s4 =	simm.s32 $0x1BF5;
	[smem:$0x3FBB] =	sst s0  }
0x18: {  	s0 =	sld [smem:$0x3F9E];
	_ =	swait.ge [sflag:s4], $0x0  }
0x19: {  	s7 =	sld [smem:$0x3F9F]  }
0x1a: {  	s8 =	sadd.s32 $0xFFFFE003, lr  }
0x1b: {  	s9 =	sadd.s32 $0xFFFFFEF7, lr;
	s5 =	simm.s32 $0xFFFFFFFF;
	p2 =	slt.u32 s8, $0xFFFFF086  }
0x1c: {  	p1 =	slt.u32 s9, $0xF7A;
	s5 =	simm.s32 @!p2 $0x0  }
0x1d: {  	s5 =	simm.s32 @p1 $0x1;
	p0 =	seq.s32 s7, s2  }
0x1e: {  	s7 =	smul.u32 @!p0 $0xF7A, s2;
	p2 =	seq.s32 @!p0 s5, $0x0  }
0x1f: {  	s9 =	smul.u32 $0xF7A, s1;
	s8 =	simm.s32 @!p0 $0x1BF5;
	p2 =	por !p2, p0  }
0x20: {  	[sflag:s8] =	ssyncset.s32 @!p0 $0xFFFFF086;
	s6 =	sadd.s32 @!p0 s3, s7;
	s7 =	simm.s32 @!p0 $0x108  }
0x21: {  	s3 =	sadd.s32 s3, s9;
	s6 =	sadd.s32 @!p0 $0x88, s6;
	s7 =	simm.s32 @p2 $0x1082  }
0x22: {  	[simem:s7], [sflag:s8] =	dma.local @!p0 [hbm:s6], $0xF7A  }
0x23: {  	s9 =	sor.u32 $0xD0000000, s2;
	s6 =	simm.s32 $0x108;
	_ =	swait.ge @!p0 [sflag:s8], $0x0  }
0x24: {  	s3 =	sadd.s32 $0x88, s3;
	s6 =	simm.s32 @!p1 $0x1082;
	[sflag:s4] =	ssyncset.s32 $0xFFFFF086  }
0x25: {  	[simem:s6], [sflag:s4] =	dma.local [hbm:s3], $0xF7A  }
0x26: {  	[smem:$0x3F9F] =	sst s1;
	(tag) =	ssettag s2;
	_ =	strace s9  }
0x27: {  	s1 =	sld [smem:$0x3FAF]  }
0x28: {  	s2 =	sld [smem:$0x3FB0]  }
0x29: {  	s4 =	sld [smem:$0x3FB2]  }
0x2a: {  	p0 =	seq.s32 s5, $0x0;
	s5 =	sld [smem:$0x3FB3]  }
0x2b: {  	s6 =	sld [smem:$0x3FB4]  }
0x2c: {  	s7 =	sld [smem:$0x3FB5]  }
0x2d: {  	s3 =	simm.s32 $0x108;
	s8 =	sld [smem:$0x3FB6]  }
0x2e: {  	s3 =	simm.s32 @!p0 $0x1082;
	s9 =	sld [smem:$0x3FB7]  }
0x2f: {  	lr =	sadd.s32 s0, s3;
	s0 =	sld [smem:$0x3FAE]  }
0x30: {  	s3 =	sld [smem:$0x3FB1]  }
0x31: {  	[smem:$0x3FBA] =	sst s10  }
0x32: {  	s10 =	sld [smem:$0x3FB8];
	_ =	sdelay $0x3  }
0x33: {  	p0 =	seq.s32 s10, $0x1;
	s10 =	sld [smem:$0x3FBA];
	_ =	sdelay $0x3  }
0x34: {  	[smem:$0x3FBA] =	sst s10  }
0x35: {  	s10 =	sld [smem:$0x3FB9];
	_ =	sdelay $0x3  }
0x36: {  	p1 =	seq.s32 s10, $0x1;
	s10 =	sld [smem:$0x3FBA];
	_ =	sdelay $0x3  }
0x37: {  	[smem:$0x3FBA] =	sst s10  }
0x38: {  	s10 =	sld [smem:$0x3FBB]  }
0x39: {  	_ = 	snop;
	(pc) =	sbr.ind lr, $3  }
0x3a: {  	_ = 	snop  }
0x3b: {  	_ = 	snop  }
0x3c: {  	p2 =	seq.s32 s10, $0x1;
	s10 =	sld [smem:$0x3FBA]  }
0x3d: {  	_ =	shalt  }
0x3e: {  	_ =	shalt  }
0x3f: {  	_ =	shalt  }
0x40: {  	_ =	shalt  }
0x41: {  	_ =	shalt  }
0x42: {  	_ =	shalt  }
0x43: {  	_ =	shalt  }
0x44: {  	_ =	shalt  }
0x45: {  	_ =	shalt  }
0x46: {  	_ =	shalt  }
0x47: {  	_ =	shalt  }
0x48: {  	_ =	shalt  }
0x49: {  	_ =	shalt  }
0x4a: {  	_ =	shalt  }
0x4b: {  	_ =	shalt  }
0x4c: {  	_ =	shalt  }
0x4d: {  	_ =	shalt  }
0x4e: {  	_ =	shalt  }
0x4f: {  	_ =	shalt  }
0x50: {  	_ =	shalt  }
0x51: {  	_ =	shalt  }
0x52: {  	_ =	shalt  }
0x53: {  	_ =	shalt  }
0x54: {  	_ =	shalt  }
0x55: {  	_ =	shalt  }
0x56: {  	_ =	shalt  }
0x57: {  	_ =	shalt  }
0x58: {  	_ =	shalt  }
0x59: {  	_ =	shalt  }
0x5a: {  	_ =	shalt  }
0x5b: {  	_ =	shalt  }
0x5c: {  	_ =	shalt  }
0x5d: {  	_ =	shalt  }
0x5e: {  	_ =	shalt  }
0x5f: {  	_ =	shalt  }
0x60: {  	_ =	shalt  }
0x61: {  	_ =	shalt  }
0x62: {  	_ =	shalt  }
0x63: {  	_ =	shalt  }
0x64: {  	_ =	shalt  }
0x65: {  	_ =	shalt  }
0x66: {  	_ =	shalt  }
0x67: {  	_ =	shalt  }
0x68: {  	_ =	shalt  }
0x69: {  	_ =	shalt  }
0x6a: {  	_ =	shalt  }
0x6b: {  	_ =	shalt  }
0x6c: {  	_ =	shalt  }
0x6d: {  	_ =	shalt  }
0x6e: {  	_ =	shalt  }
0x6f: {  	_ =	shalt  }
0x70: {  	_ =	shalt  }
0x71: {  	_ =	shalt  }
0x72: {  	_ =	shalt  }
0x73: {  	_ =	shalt  }
0x74: {  	_ =	shalt  }
0x75: {  	_ =	shalt  }
0x76: {  	_ =	shalt  }
0x77: {  	_ =	shalt  }
0x78: {  	_ =	shalt  }
0x79: {  	_ =	shalt  }
0x7a: {  	_ =	shalt  }
0x7b: {  	_ =	shalt  }
0x7c: {  	_ =	shalt  }
0x7d: {  	_ =	shalt  }
0x7e: {  	_ =	shalt  }
0x7f: {  	_ =	shalt  }
0x80: {  	_ =	shalt  }
0x81: {  	_ =	shalt  }
0x82: {  	_ =	shalt  }
0x83: {  	_ =	shalt  }
0x84: {  	_ =	shalt  }
0x85: {  	_ =	shalt  }
0x86: {  	_ =	shalt  }
0x87: {  	_ =	shalt  }
.Lfunc_end0:
.L_simem_size_0:
called_computation_lowered:
.L_overlay_start_0:
0x88: {  	s2 =	sld [smem:$0x3FD9]  }
0x89: {  	s3 =	sld [smem:$0x3FFE];
	_ =	sdelay $0x1  }
0x8a: {  	s1 =	srdreg.scid  }
0x8b: {  	s0 =	sand.u32 $0x1, s1  }
0x8c: {  	s17 =	sshll.u32 s0, $0xA;
	s2 =	sadd.s32 s3, s2  }
0x8d: {  	s2 =	sadd.s32 s2, s17  }
0x8e: {  	[smem:$0x3FC6] =	sst s2  }
0x8f: {  	_ = 	snop  }
0x90: {  	s2 =	sld [smem:$0x3FC9]  }
0x91: {  	s18 =	sld [smem:$0x3FC8]  }
0x92: {  	s4 =	sld [smem:$0x3FD0];
	(tm) =	ssettm $0x1  }
0x93: {  	s5 =	sld [smem:$0x3FFB];
	_ =	sdelay $0x3  }
0x94: {  	_ =	strace s5  }
0x95: {  	s5 =	sld [smem:$0x3FFC];
	_ =	sdelay $0x3  }
0x96: {  	_ =	strace s5  }
0x97: {  	s5 =	sld [smem:$0x3FFD];
	_ =	sdelay $0x3  }
0x98: {  	_ =	strace s5  }
0x99: {  	_ =	strace $0x8FFFFFFF  }
0x9a: {  	s19 =	sld [smem:$0x3FDB];
	_ =	sdelay $0x1  }
0x9b: {  	s6 =	simm.s32 $_scs_section_size  }
0x9c: {  	s7 =	simm.s32 $_size__tile_overlayer_lowered;
	s8 =	simm.s32 $_tile_overlayer_lowered  }
0x9d: {  	s22 =	simm.s32 $0x1BFF;
	s21 =	sshll.u32 s8, $0x1;
	s5 =	sadd.s32 s6, s19  }
0x9e: {  	s9 =	simm.s32 $0x0;
	s20 =	sshll.u32 s7, $0x1;
	s7 =	sadd.s32 s21, s5  }
0x9f: {  	[timem:s9], [sflag:s22] =	dma.local [hbm:s7], s20  }
0xa0: {  	_ =	swait.ge [sflag:s22], s20  }
0xa1: {  	s6 =	ssub.s32 $0x0, s20;
	[sflag:s22] =	ssyncset.done $0x0  }
0xa2: {  	[sflag:s22] =	ssyncadd.s32 s6;
	_ =	sdelay $0x1  }
0xa3: {  	s23 =	simm.s32 $0x1B8B  }
0xa4: {  	_ =	swait.ge [sflag:s23], $0x1  }
0xa5: {  	[sflag:s23] =	ssyncset.done $0x0  }
0xa6: {  	s25 =	simm.s32 $0x1B8E;
	s24 =	sld [smem:$0x3FFE];
	[sflag:s23] =	ssyncadd.s32 $0xFFFFFFFF  }
0xa7: {  	s26 =	simm.s32 $execute0_lowered;
	[smem:$0x3FD2] =	sst s25  }
0xa8: {  	s7 =	sshll.u32 s26, $0x1;
	_ =	strace $0x80000046;
	[dreg:$0x1] =	wrdreg $0xFFFFFFFF  }
0xa9: {  	s28 =	simm.s32 $_size_execute0_lowered;
	s5 =	sadd.s32 s5, s7;
	[dreg:$0x0] =	wrdreg $0x0  }
0xaa: {  	s7 =	sshll.u32 s28, $0x1;
	[dreg:$0x2] =	wrdreg s5  }
0xab: {  	[dreg:$0x3] =	wrdreg s7  }
0xac: {  	[dreg:$0x4] =	wrdreg $0xC0  }
0xad: {  	_ =	task [dreg:s9], $0x5FFFF  }
0xae: {  	[dreg:$0x1] =	wrdreg $0xFFFFFFFF  }
0xaf: {  	[dreg:$0x0] =	wrdreg $0x60  }
0xb0: {  	[dreg:$0x2] =	wrdreg s2  }
0xb1: {  	[dreg:$0x3] =	wrdreg s18  }
0xb2: {  	[dreg:$0x4] =	wrdreg s4  }
0xb3: {  	[dreg:$0x5] =	wrdreg s24  }
0xb4: {  	[dreg:$0x6] =	wrdreg $0x9  }
0xb5: {  	_ =	task.clear_ibuf [dreg:s9], $0x7FFFF;
	_ =	strace $0x90000046  }
0xb6: {  	s29 =	simm.s32 $0x9;
	_ =	strace $0x80000048  }
0xb7: {  	_ =	swait.ge [sflag:s29], $0x1  }
0xb8: {  	[sflag:s29] =	ssyncadd.s32 $0xFFFFFFFF  }
0xb9: {  	_ =	strace $0x90000048  }
0xba: {  	_ =	sfence  }
0xbb: {  	s30 =	sld [smem:$0x0];
	_ =	sdelay $0x2  }
0xbc: {  	s31 =	sshll.u32 s1, $0xD;
	s1 =	sshrl.u32 s1, $0x2  }
0xbd: {  	s3 =	sand.u32 $0x4000, s31;
	s1 =	sadd.s32 s1, s30  }
0xbe: {  	s0 =	sor.u32 s3, s0;
	s1 =	sshll.u32 s1, $0x11  }
0xbf: {  	s0 =	sor.u32 s1, s0  }
0xc0: {  	s0 =	sadd.s32 $0x8F2B, s0  }
0xc1: {  	[sflag:s0] =	ssyncadd.remote.s32 $0x1  }
0xc2: {  	_ =	sfence.sel $0xFFFF  }
0xc3: {  	[dreg:$0x0] =	wrdreg $0xFFFFFFFF;
	(pc) =	sbr.abs _section_cstart, $3  }
0xc4: {  	[dreg:$0x1] =	wrdreg $0xFFFFFFFF  }
0xc5: {  	_ =	task.clear_ibuf [dreg:s9], $0x2FFFF;
	_ =	strace $0x9FFFFFFF  }
0xc6: {  	(tm) =	ssettm $0x7FFFFFFF  }
0xc7: {  	_ =	shalt  }
tec
execute0_lowered:
.L_overlay_start_1:
0x0: {  	(tag) =	ssettag $0x1  }
0x1: {  	s4 =	rddreg [dreg:$0x2]  }
0x2: {  	s5 =	rddreg [dreg:$0x3];
	s0 =	srdreg.scid  }
0x3: {  	s1 =	stileid.u32;
	s6 =	simm.s32 $0x0;
	s14 =	simm.s32 $0x19580  }
0x4: {  	s15 =	simm.s32 $0x1;
	s16 =	simm.s32 $0x19600;
	s17 =	simm.s32 $0x10000  }
0x5: {  	s0 =	sand.u32 $0x1, s0;
	s1 =	sshll.u32 s1, $0x1;
	[smem:$0x7FF] =	sst s6  }
0x6: {  	s1 =	sor.u32 s0, s1;
	_ =	strace $0x80000047;
	s0 =	ssub.s32 $0x2, s0  }
0x7: {  	s2 =	sshll.u32 s1, $0x4;
	s3 =	sshrl.u32 s0, $0x1;
	s7 =	sshll.u32 s1, $0x1  }
0x8: {  	s9 =	sshllo.u32 s1, $0x1;
	s2 =	sadd.s32 s2, s5;
	s0 =	ssub.s32 s0, s3  }
0x9: {  	s8 =	sor.u32 $0x40, s7;
	s31 =	sadd.s32 $0xFFFFFFFE, s7;
	s18 =	sadd.s32 $0x3, s7  }
0xa: {  	s19 =	sadd.s32 $0x3E, s7;
	s20 =	sadd.s32 $0x43, s7;
	s10 =	sor.u32 $0x41, s7  }
0xb: {  	s11 =	sadd.s32 $0x200, s2;
	s12 =	sadd.s32 $0x400, s2;
	s13 =	smax.u32 s0, $0x1;
	v0 =	vmov s31  }
0xc: {  	v1 =	vmov s18;
	v2 =	vmov s19;
	v3 =	vmov s20;
	s18 =	simm.s32 $0x19700;
	s19 =	simm.s32 $0x19780;
	s20 =	simm.s32 $0x0  }
.LBB2_1:
0xd: {  	[tilespmem:s14], [sflag:$0x1] =	stream.linear.gather [hbm4b:s4+s6], $0x80, $0x38;
	[tilespmem:$0x19800] =	vst v63  }
0xe: {  	_ =	swait.ge [sflag:s15], $0x80  }
0xf: {  	[sflag:s15] =	ssyncset.done $0x0  }
0x10: {  	[sflag:s15] =	ssyncadd.s32 $0xFFFFFF80  }
0x11: {  	[tilespmem:s16], [sflag:$0x1] =	stream.linear.gather [hbm4b:s5+s6], $0x100, $0x38;
	[tilespmem:$0x19800] =	vst v63  }
0x12: {  	_ =	swait.ge [sflag:s15], $0x100  }
0x13: {  	[sflag:s15] =	ssyncset.done $0x0  }
0x14: {  	[sflag:s15] =	ssyncadd.s32 $0xFFFFFF00  }
0x15: {  	v5 =	vld [tilespmem:$0x19580]  }
0x16: {  	v6 =	vld [tilespmem:$0x19590]  }
0x17: {  	v7 =	vld [tilespmem:$0x195A0]  }
0x18: {  	v8 =	vld [tilespmem:$0x195B0]  }
0x19: {  	v9 =	vld [tilespmem:$0x195C0]  }
0x1a: {  	v10 =	vld [tilespmem:$0x195D0];
	s0 =	rddreg [dreg:$0x0]  }
0x1b: {  	v4 =	vld [tilespmem:$0x19680];
	[tilespmem:s17], [sflag:$0x1] =	stream.linear.gather [hbm4b:s0+s6], $0x1780, $0x38  }
0x1c: {  	_ =	swait.ge [sflag:s15], $0x1780  }
0x1d: {  	[sflag:s15] =	ssyncset.done $0x0  }
0x1e: {  	s29 =	simm.s32 $0x0;
	[sflag:s15] =	ssyncadd.s32 $0xFFFFE880  }
0x1f: {  	v11 =	vld [tilespmem:s29+$0x10FA0]  }
0x20: {  	v12 =	vld [tilespmem:s29+$0x107D0]  }
0x21: {  	v13 =	vld [tilespmem:s29+$0x10000];
	_ =	sdelay $0x3  }
0x22: {  	v11 =	vmul.f32 $1.280000000e+02, v11;
	v12 =	vmul.f32 $1.280000000e+02, v12  }
0x23: {  	v13 =	vmul.f32 $1.280000000e+02, v13  }
0x24: {  	v11 =	vtrunc.f32 v11;
	v12 =	vtrunc.f32 v12  }
0x25: {  	v13 =	vtrunc.f32 v13;
	v11 =	vcvt.f32.s32 v11  }
0x26: {  	v12 =	vcvt.f32.s32 v12;
	v13 =	vcvt.f32.s32 v13  }
0x27: {  	v14 =	vadd.s32 $0xFFFFFF82, v11  }
0x28: {  	v15 =	vadd.s32 $0xFFFFFF82, v12;
	vm2 =	vle.s32 v0, v13;
	vm13 =	vge.s32 v1, v13  }
0x29: {  	vm3 =	vle.s32 v2, v13;
	vm0 =	vlt.u32 v14, $0xFFFFFF84;
	vm1 =	vlt.u32 v15, $0xFFFFFF84  }
0x2a: {  	vm15 =	vge.s32 v3, v13;
	v15 =	vadd.s32 $0x10000, v13;
	vm0 =	vmor vm1, vm0  }
0x2b: {  	v14 =	vshll.u32 v12, $0x7;
	vm14 =	vmand vm2, vm13;
	v15 =	vsel vm0, v15, v13  }
0x2c: {  	vm1 =	vmand vm3, vm15;
	v13 =	vadd.s32 v11, v14;
	v14 =	vmpcnt.ones.xlane vm14;
	[tilespmem:s6+$0x11780] =	vst.msk vm14, v15  }
0x2d: {  	v16 =	vmpcnt.ones.xlane vm1;
	[tilespmem:s6+$0x13700] =	vst.msk vm14, v13  }
0x2e: {  	(v2sf) =	vpush v14, $0x0;
	[tilespmem:s6+$0x15680] =	vst.msk vm14, v12  }
0x2f: {  	(v2sf) =	vpush v16, $0x0;
	[tilespmem:s6+$0x17600] =	vst.msk vm14, v11  }
0x30: {  	[tilespmem:s6+$0x11F60] =	vst.msk vm1, v15  }
0x31: {  	[tilespmem:s6+$0x13EE0] =	vst.msk vm1, v13  }
0x32: {  	[tilespmem:s6+$0x15E60] =	vst.msk vm1, v12  }
0x33: {  	s30 =	simm.s32 $0x10;
	[tilespmem:s6+$0x17DE0] =	vst.msk vm1, v11  }
0x34: {  	v11 =	vld [tilespmem:s30+$0x10FA0]  }
0x35: {  	v12 =	vld [tilespmem:s30+$0x107D0]  }
0x36: {  	v13 =	vld [tilespmem:s30+$0x10000];
	_ =	sdelay $0x2  }
0x37: {  	v11 =	vmul.f32 $1.280000000e+02, v11  }
0x38: {  	v12 =	vmul.f32 $1.280000000e+02, v12  }
0x39: {  	v13 =	vmul.f32 $1.280000000e+02, v13;
	v11 =	vtrunc.f32 v11  }
0x3a: {  	v11 =	vcvt.f32.s32 v11  }
0x3b: {  	s21 =	simm.s32 $0xC0;
	s1 =	simm.s32 $0x20;
	v12 =	vtrunc.f32 v12;
	v13 =	vtrunc.f32 v13;
	s31 =	spop (v2sf)  }
0x3c: {  	s3 =	simm.s32 $0x0;
	v12 =	vcvt.f32.s32 v12;
	v13 =	vcvt.f32.s32 v13;
	s0 =	sadd.s32 $0x0, s31;
	s2 =	spop (v2sf);
	v14 =	vadd.s32 $0xFFFFFF82, v11  }
.LBB2_2:
0x3d: {  	p0 =	sne.s32 s21, $0x1F00  }
0x3e: {  	v15 =	vadd.s32 $0xFFFFFF82, v12;
	vm0 =	vlt.u32 v14, $0xFFFFFF84;
	v14 =	vshll.u32 v12, $0x7;
	s3 =	sadd.s32 s3, s2;
	s2 =	smov.u32 s21;
	s21 =	sadd.s32 $0x40, s21  }
0x3f: {  	vm1 =	vlt.u32 v15, $0xFFFFFF84;
	v15 =	vadd.s32 $0x10000, v13;
	vm2 =	vle.s32 v0, v13  }
0x40: {  	vm3 =	vle.s32 v2, v13;
	vm0 =	vmor vm1, vm0;
	vm1 =	vge.s32 v1, v13  }
0x41: {  	v15 =	vsel vm0, v15, v13;
	vm0 =	vmand vm2, vm1;
	vm1 =	vge.s32 v3, v13  }
0x42: {  	v13 =	vadd.s32 v11, v14;
	[tilespmem:s0+$0x11780] =	vst.msk vm0, v15;
	v14 =	vmpcnt.ones.xlane vm0;
	vm1 =	vmand vm3, vm1  }
0x43: {  	[tilespmem:s0+$0x13700] =	vst.msk vm0, v13;
	v16 =	vmpcnt.ones.xlane vm1  }
0x44: {  	[tilespmem:s0+$0x15680] =	vst.msk vm0, v12;
	(v2sf) =	vpush v14, $0x0  }
0x45: {  	[tilespmem:s0+$0x17600] =	vst.msk vm0, v11;
	(v2sf) =	vpush v16, $0x0  }
0x46: {  	[tilespmem:s3+$0x11F60] =	vst.msk vm1, v15  }
0x47: {  	[tilespmem:s3+$0x13EE0] =	vst.msk vm1, v13  }
0x48: {  	[tilespmem:s3+$0x15E60] =	vst.msk vm1, v12  }
0x49: {  	[tilespmem:s3+$0x17DE0] =	vst.msk vm1, v11  }
0x4a: {  	v11 =	vld [tilespmem:s1+$0x10FA0]  }
0x4b: {  	v12 =	vld [tilespmem:s1+$0x107D0]  }
0x4c: {  	v13 =	vld [tilespmem:s1+$0x10000]  }
0x4d: {  	s1 =	sshra.s32 s2, $0x2;
	_ =	sdelay $0x1  }
0x4e: {  	v11 =	vmul.f32 $1.280000000e+02, v11  }
.Ltmp0:
0x4f: {  	v12 =	vmul.f32 $1.280000000e+02, v12;
	(pc) =	sbr.rel @p0 .LBB2_2-.Ltmp0, $4  }
0x50: {  	v13 =	vmul.f32 $1.280000000e+02, v13;
	v11 =	vtrunc.f32 v11  }
0x51: {  	v12 =	vtrunc.f32 v12;
	v11 =	vcvt.f32.s32 v11  }
0x52: {  	v13 =	vtrunc.f32 v13;
	v12 =	vcvt.f32.s32 v12;
	s2 =	spop (v2sf)  }
0x53: {  	v13 =	vcvt.f32.s32 v13;
	v14 =	vadd.s32 $0xFFFFFF82, v11;
	s0 =	sadd.s32 s0, s2;
	s2 =	spop (v2sf)  }
0x54: {  	v15 =	vadd.s32 $0xFFFFFF82, v12  }
0x55: {  	vm0 =	vlt.u32 v14, $0xFFFFFF84;
	vm1 =	vlt.u32 v15, $0xFFFFFF84;
	v50 =	vadd.s32 $0x10000, v13  }
0x56: {  	vm2 =	vle.s32 v0, v13;
	vm7 =	vge.s32 v1, v13;
	vm0 =	vmor vm1, vm0  }
0x57: {  	v51 =	vshll.u32 v12, $0x7;
	vm8 =	vmand vm2, vm7;
	v14 =	vsel vm0, v50, v13  }
0x58: {  	v15 =	vadd.s32 v11, v51;
	[tilespmem:s0+$0x11780] =	vst.msk vm8, v14  }
0x59: {  	[tilespmem:s0+$0x13700] =	vst.msk vm8, v15  }
0x5a: {  	vm9 =	vle.s32 v2, v13;
	vm10 =	vge.s32 v3, v13;
	[tilespmem:s0+$0x15680] =	vst.msk vm8, v12  }
0x5b: {  	s2 =	sadd.s32 s3, s2;
	vm1 =	vmand vm9, vm10;
	[tilespmem:s0+$0x17600] =	vst.msk vm8, v11  }
0x5c: {  	[tilespmem:s2+$0x11F60] =	vst.msk vm1, v14  }
0x5d: {  	[tilespmem:s2+$0x13EE0] =	vst.msk vm1, v15  }
0x5e: {  	[tilespmem:s2+$0x15E60] =	vst.msk vm1, v12  }
0x5f: {  	[tilespmem:s2+$0x17DE0] =	vst.msk vm1, v11  }
0x60: {  	v11 =	vld [tilespmem:s1+$0x10000]  }
0x61: {  	v52 =	vmpcnt.ones.xlane vm8;
	_ =	sdelay $0x1  }
0x62: {  	(v2sf) =	vpush v52, $0x0  }
0x63: {  	v54 =	vld [tilespmem:s1+$0x10FA0]  }
0x64: {  	v53 =	vmpcnt.ones.xlane vm1;
	v14 =	vld [tilespmem:s1+$0x107D0];
	v11 =	vmul.f32 $1.280000000e+02, v11;
	_ =	sdelay $0x1  }
0x65: {  	(v2sf) =	vpush v53, $0x0;
	v11 =	vtrunc.f32 v11  }
0x66: {  	v11 =	vcvt.f32.s32 v11  }
0x67: {  	v13 =	vmul.f32 $1.280000000e+02, v54  }
0x68: {  	v14 =	vmul.f32 $1.280000000e+02, v14;
	vm11 =	vle.s32 v0, v11;
	vm12 =	vge.s32 v1, v11  }
0x69: {  	vm13 =	vle.s32 v2, v11;
	vm14 =	vge.s32 v3, v11;
	vm0 =	vmand vm11, vm12  }
0x6a: {  	v57 =	vtrunc.f32 v13;
	vm1 =	vmand vm13, vm14;
	v55 =	vmpcnt.ones.xlane vm0  }
0x6b: {  	v58 =	vtrunc.f32 v14;
	v56 =	vmpcnt.ones.xlane vm1  }
0x6c: {  	v12 =	vcvt.f32.s32 v57;
	v13 =	vcvt.f32.s32 v58;
	(v2sf) =	vpush v55, $0x0  }
0x6d: {  	(v2sf) =	vpush v56, $0x0  }
0x6e: {  	v59 =	vadd.s32 $0xFFFFFF82, v12;
	v60 =	vadd.s32 $0xFFFFFF82, v13  }
0x6f: {  	vm15 =	vlt.u32 v59, $0xFFFFFF84;
	vm3 =	vlt.u32 v60, $0xFFFFFF84  }
0x70: {  	s26 =	spop (v2sf);
	v61 =	vadd.s32 $0x10000, v11;
	vm2 =	vmor vm3, vm15  }
0x71: {  	s28 =	sadd.s32 s0, s26;
	v62 =	vshll.u32 v13, $0x7;
	v11 =	vsel vm2, v61, v11  }
0x72: {  	v63 =	vadd.s32 v12, v62;
	[tilespmem:s28+$0x11780] =	vst.msk vm0, v11  }
0x73: {  	[tilespmem:s28+$0x13700] =	vst.msk vm0, v63  }
0x74: {  	s29 =	spop (v2sf);
	[tilespmem:s28+$0x15680] =	vst.msk vm0, v13  }
0x75: {  	s21 =	sadd.s32 s2, s29;
	[tilespmem:s28+$0x17600] =	vst.msk vm0, v12  }
0x76: {  	[tilespmem:s21+$0x11F60] =	vst.msk vm1, v11  }
0x77: {  	[tilespmem:s21+$0x13EE0] =	vst.msk vm1, v63  }
0x78: {  	[tilespmem:s21+$0x15E60] =	vst.msk vm1, v13  }
0x79: {  	s30 =	simm.s32 $0x0;
	s31 =	rddreg [dreg:$0x1];
	p2 =	por $0x0, $0x0;
	[tilespmem:s21+$0x17DE0] =	vst.msk vm1, v12  }
0x7a: {  	[tilespmem:s17], [sflag:$0x1] =	stream.linear.gather [hbm4b:s31+s30], $0x1780, $0x38;
	[tilespmem:$0x19800] =	vst v63  }
.Ltmp1:
0x7b: {  	s25 =	spop (v2sf);
	(pc) =	sbr.rel @p2 .LBB2_4-.Ltmp1, $4  }
0x7c: {  	s22 =	spop (v2sf)  }
0x7d: {  	s24 =	simm.s32 $0x0;
	_ =	swait.ge [sflag:s15], $0x1780  }
0x7e: {  	p0 =	por $0x0, $0x0;
	p1 =	por $0x0, $0x0;
	[sflag:s15] =	ssyncset.done $0x0  }
0x7f: {  	s26 =	sadd.s32 s28, s25;
	s23 =	sadd.s32 s21, s22;
	[sflag:s15] =	ssyncadd.s32 $0xFFFFE880  }
0x80: {  	v11 =	vld [tilespmem:s24+$0x10FA0]  }
0x81: {  	v12 =	vld [tilespmem:s24+$0x107D0]  }
0x82: {  	v13 =	vld [tilespmem:s24+$0x10000];
	_ =	sdelay $0x2  }
0x83: {  	p2 =	por $0x0, $0x0;
	v11 =	vmul.f32 $1.280000000e+02, v11  }
.Ltmp2:
0x84: {  	v12 =	vmul.f32 $1.280000000e+02, v12;
	(pc) =	sbr.rel @p2 .LBB2_6-.Ltmp2, $4  }
0x85: {  	v13 =	vmul.f32 $1.280000000e+02, v13;
	v11 =	vtrunc.f32 v11  }
0x86: {  	v11 =	vcvt.f32.s32 v11  }
0x87: {  	v12 =	vtrunc.f32 v12;
	v13 =	vtrunc.f32 v13  }
0x88: {  	s24 =	simm.s32 $0x10;
	p0 =	por $0x1, $0x1;
	v12 =	vcvt.f32.s32 v12;
	v13 =	vcvt.f32.s32 v13;
	v14 =	vadd.s32 $0xFFFFFF82, v11  }
0x89: {  	_ = 	snop  }
0x8a: {  	vm0 =	vlt.u32 v14, $0xFFFFFF84;
	v15 =	vadd.s32 $0xFFFFFF82, v12;
	v14 =	vshll.u32 v12, $0x7  }
0x8b: {  	vm2 =	vle.s32 v0, v13;
	vm3 =	vge.s32 v1, v13;
	vm1 =	vlt.u32 v15, $0xFFFFFF84  }
0x8c: {  	vm14 =	vle.s32 v2, v13;
	v15 =	vadd.s32 $0x10000, v13;
	vm0 =	vmor vm1, vm0  }
0x8d: {  	vm15 =	vge.s32 v3, v13;
	vm2 =	vmand vm2, vm3;
	v15 =	vsel vm0, v15, v13  }
0x8e: {  	v14 =	vadd.s32 v11, v14;
	v13 =	vmpcnt.ones.xlane vm2;
	vm0 =	vmand vm14, vm15;
	[tilespmem:s30+$0x12740] =	vst.msk vm2, v15  }
0x8f: {  	v16 =	vmpcnt.ones.xlane vm0;
	[tilespmem:s30+$0x146C0] =	vst.msk vm2, v14  }
0x90: {  	(v2sf) =	vpush v13, $0x0;
	[tilespmem:s30+$0x16640] =	vst.msk vm2, v12  }
0x91: {  	(v2sf) =	vpush v16, $0x0;
	[tilespmem:s30+$0x185C0] =	vst.msk vm2, v11  }
0x92: {  	[tilespmem:s30+$0x12F20] =	vst.msk vm0, v15  }
0x93: {  	[tilespmem:s30+$0x14EA0] =	vst.msk vm0, v14  }
0x94: {  	[tilespmem:s30+$0x16E20] =	vst.msk vm0, v12  }
0x95: {  	[tilespmem:s30+$0x18DA0] =	vst.msk vm0, v11  }
0x96: {  	v11 =	vld [tilespmem:s24+$0x10FA0]  }
0x97: {  	v12 =	vld [tilespmem:s24+$0x107D0]  }
0x98: {  	v13 =	vld [tilespmem:s24+$0x10000];
	_ =	sdelay $0x2  }
0x99: {  	p2 =	por $0x0, $0x0;
	v11 =	vmul.f32 $1.280000000e+02, v11  }
.Ltmp3:
0x9a: {  	v12 =	vmul.f32 $1.280000000e+02, v12;
	(pc) =	sbr.rel @p2 .LBB2_8-.Ltmp3, $4  }
0x9b: {  	v13 =	vmul.f32 $1.280000000e+02, v13;
	v11 =	vtrunc.f32 v11  }
0x9c: {  	s1 =	simm.s32 $0xC0;
	v11 =	vcvt.f32.s32 v11  }
0x9d: {  	p1 =	por $0x1, $0x1;
	s24 =	simm.s32 $0x20;
	v12 =	vtrunc.f32 v12;
	v13 =	vtrunc.f32 v13;
	s0 =	spop (v2sf)  }
0x9e: {  	v12 =	vcvt.f32.s32 v12;
	v13 =	vcvt.f32.s32 v13;
	s28 =	sadd.s32 $0x0, s0;
	s2 =	spop (v2sf);
	s0 =	simm.s32 $0x0;
	v14 =	vadd.s32 $0xFFFFFF82, v11  }
.LBB2_9:
0x9f: {  	p2 =	seq.s32 s1, $0x1F00  }
0xa0: {  	v15 =	vadd.s32 $0xFFFFFF82, v12;
	vm0 =	vlt.u32 v14, $0xFFFFFF84;
	v14 =	vshll.u32 v12, $0x7;
	s0 =	sadd.s32 s0, s2;
	s2 =	smov.u32 s1;
	s1 =	sadd.s32 $0x40, s1  }
0xa1: {  	vm1 =	vlt.u32 v15, $0xFFFFFF84;
	v15 =	vadd.s32 $0x10000, v13;
	vm2 =	vle.s32 v0, v13  }
0xa2: {  	vm3 =	vle.s32 v2, v13;
	vm0 =	vmor vm1, vm0;
	vm1 =	vge.s32 v1, v13  }
0xa3: {  	v15 =	vsel vm0, v15, v13;
	vm0 =	vmand vm2, vm1;
	vm1 =	vge.s32 v3, v13  }
0xa4: {  	v13 =	vadd.s32 v11, v14;
	[tilespmem:s28+$0x12740] =	vst.msk vm0, v15;
	v14 =	vmpcnt.ones.xlane vm0;
	vm1 =	vmand vm3, vm1  }
0xa5: {  	[tilespmem:s28+$0x146C0] =	vst.msk vm0, v13;
	v16 =	vmpcnt.ones.xlane vm1  }
0xa6: {  	[tilespmem:s28+$0x16640] =	vst.msk vm0, v12;
	(v2sf) =	vpush v14, $0x0  }
0xa7: {  	[tilespmem:s28+$0x185C0] =	vst.msk vm0, v11;
	(v2sf) =	vpush v16, $0x0  }
0xa8: {  	[tilespmem:s0+$0x12F20] =	vst.msk vm1, v15  }
0xa9: {  	[tilespmem:s0+$0x14EA0] =	vst.msk vm1, v13  }
0xaa: {  	[tilespmem:s0+$0x16E20] =	vst.msk vm1, v12  }
0xab: {  	[tilespmem:s0+$0x18DA0] =	vst.msk vm1, v11  }
0xac: {  	v11 =	vld [tilespmem:s24+$0x10FA0]  }
0xad: {  	v12 =	vld [tilespmem:s24+$0x107D0]  }
0xae: {  	v13 =	vld [tilespmem:s24+$0x10000]  }
0xaf: {  	s24 =	sshra.s32 s2, $0x2;
	_ =	sdelay $0x1  }
0xb0: {  	v11 =	vmul.f32 $1.280000000e+02, v11  }
.Ltmp4:
0xb1: {  	v12 =	vmul.f32 $1.280000000e+02, v12;
	(pc) =	sbr.rel @!p2 .LBB2_9-.Ltmp4, $4  }
0xb2: {  	v13 =	vmul.f32 $1.280000000e+02, v13;
	v11 =	vtrunc.f32 v11  }
0xb3: {  	v12 =	vtrunc.f32 v12;
	v11 =	vcvt.f32.s32 v11  }
0xb4: {  	v13 =	vtrunc.f32 v13;
	v12 =	vcvt.f32.s32 v12;
	s2 =	spop (v2sf)  }
0xb5: {  	v13 =	vcvt.f32.s32 v13;
	v14 =	vadd.s32 $0xFFFFFF82, v11;
	s28 =	sadd.s32 s28, s2;
	s2 =	spop (v2sf)  }
.LBB2_10:
0xb6: {  	v15 =	vadd.s32 @p0 $0xFFFFFF82, v12  }
0xb7: {  	vm0 =	vlt.u32 @p0 v14, $0xFFFFFF84;
	vm1 =	vlt.u32 @p0 v15, $0xFFFFFF84;
	v14 =	vadd.s32 @p0 $0x10000, v13  }
0xb8: {  	vm2 =	vle.s32 @p0 v0, v13;
	vm0 =	vmor @p0 vm1, vm0;
	vm1 =	vge.s32 @p0 v1, v13  }
0xb9: {  	v15 =	vshll.u32 @p0 v12, $0x7;
	v14 =	vsel @p0 vm0, v14, v13;
	vm0 =	vmand @p0 vm2, vm1  }
0xba: {  	v15 =	vadd.s32 @p0 v11, v15;
	[tilespmem:s28+$0x12740] =	vst.msk @p0 vm0, v14  }
0xbb: {  	[tilespmem:s28+$0x146C0] =	vst.msk @p0 vm0, v15  }
0xbc: {  	s0 =	sadd.s32 @p1 s0, s2;
	s1 =	simm.s32 $0x0;
	vm1 =	vle.s32 @p0 v2, v13;
	vm2 =	vge.s32 @p0 v3, v13;
	[tilespmem:s28+$0x16640] =	vst.msk @p0 vm0, v12  }
0xbd: {  	s1 =	smov.u32 @p1 s0;
	vm1 =	vmand @p0 vm1, vm2;
	[tilespmem:s28+$0x185C0] =	vst.msk @p0 vm0, v11  }
0xbe: {  	[tilespmem:s1+$0x12F20] =	vst.msk @p0 vm1, v14  }
0xbf: {  	[tilespmem:s1+$0x14EA0] =	vst.msk @p0 vm1, v15  }
0xc0: {  	[tilespmem:s1+$0x16E20] =	vst.msk @p0 vm1, v12  }
0xc1: {  	[tilespmem:s1+$0x18DA0] =	vst.msk @p0 vm1, v11  }
0xc2: {  	v11 =	vld [tilespmem:s24+$0x10000]  }
0xc3: {  	v12 =	vmpcnt.ones.xlane @p0 vm0;
	_ =	sdelay $0x1  }
0xc4: {  	(v2sf) =	vpush @p0 v12, $0x0  }
0xc5: {  	v12 =	vmpcnt.ones.xlane @p0 vm1  }
0xc6: {  	v11 =	vmul.f32 $1.280000000e+02, v11  }
0xc7: {  	v55 =	vld [tilespmem:s24+$0x10FA0];
	(v2sf) =	vpush @p0 v12, $0x0  }
0xc8: {  	v56 =	vld [tilespmem:s24+$0x107D0];
	v11 =	vtrunc.f32 v11  }
0xc9: {  	v11 =	vcvt.f32.s32 v11;
	_ =	sdelay $0x1  }
0xca: {  	vm11 =	vle.s32 v0, v11;
	vm12 =	vge.s32 v1, v11  }
0xcb: {  	v12 =	vmul.f32 $1.280000000e+02, v55;
	vm1 =	vmand vm11, vm12  }
0xcc: {  	v13 =	vmul.f32 $1.280000000e+02, v56;
	v57 =	vmpcnt.ones.xlane vm1;
	_ =	sdelay $0x1  }
0xcd: {  	v12 =	vtrunc.f32 v12;
	v13 =	vtrunc.f32 v13;
	(v2sf) =	vpush v57, $0x0  }
0xce: {  	v12 =	vcvt.f32.s32 v12;
	v13 =	vcvt.f32.s32 v13;
	_ =	sdelay $0x1  }
0xcf: {  	v59 =	vadd.s32 $0xFFFFFF82, v12;
	v60 =	vadd.s32 $0xFFFFFF82, v13  }
0xd0: {  	vm15 =	vlt.u32 v59, $0xFFFFFF84;
	vm3 =	vlt.u32 v60, $0xFFFFFF84;
	s0 =	spop @p0 (v2sf)  }
0xd1: {  	s2 =	simm.s32 $0x0;
	vm13 =	vle.s32 v2, v11;
	v61 =	vadd.s32 $0x10000, v11;
	vm2 =	vmor vm3, vm15;
	s0 =	sadd.s32 @p0 s28, s0  }
0xd2: {  	vm14 =	vge.s32 v3, v11;
	v62 =	vshll.u32 v13, $0x7;
	v11 =	vsel vm2, v61, v11;
	s2 =	smov.u32 @p0 s0  }
0xd3: {  	v63 =	vadd.s32 v12, v62;
	s0 =	spop @p0 (v2sf);
	[tilespmem:s2+$0x12740] =	vst.msk vm1, v11  }
0xd4: {  	s0 =	smov.u32 @p0 s0;
	[tilespmem:s2+$0x146C0] =	vst.msk vm1, v63  }
0xd5: {  	s0 =	sadd.s32 @p0 s1, s0;
	[tilespmem:s2+$0x16640] =	vst.msk vm1, v13  }
0xd6: {  	vm0 =	vmand vm13, vm14;
	s30 =	smov.u32 @p0 s0;
	[tilespmem:s2+$0x185C0] =	vst.msk vm1, v12  }
0xd7: {  	[tilespmem:s30+$0x12F20] =	vst.msk vm0, v11  }
0xd8: {  	[tilespmem:s30+$0x14EA0] =	vst.msk vm0, v63  }
0xd9: {  	[tilespmem:s30+$0x16E20] =	vst.msk vm0, v13  }
0xda: {  	s0 =	simm.s32 $0x40;
	[tilespmem:s30+$0x18DA0] =	vst.msk vm0, v12  }
0xdb: {  	s1 =	simm.s32 $0x4040;
	[tilespmem:s0+$0xFFFFFFC0] =	vst v4;
	s28 =	spop (v2sf)  }
0xdc: {  	[tilespmem:s1+$0xFFFFFFC0] =	vst v4;
	s29 =	sadd.s32 s2, s28;
	s2 =	simm.s32 $0x8040  }
0xdd: {  	s3 =	simm.s32 $0xC040;
	[tilespmem:s2+$0xFFFFFFC0] =	vst v4  }
0xde: {  	[tilespmem:s3+$0xFFFFFFC0] =	vst v4  }
0xdf: {  	[tilespmem:s0+$0xFFFFFFD0] =	vst v4  }
0xe0: {  	[tilespmem:s1+$0xFFFFFFD0] =	vst v4  }
0xe1: {  	[tilespmem:s2+$0xFFFFFFD0] =	vst v4  }
0xe2: {  	[tilespmem:s3+$0xFFFFFFD0] =	vst v4  }
0xe3: {  	[tilespmem:s0+$0xFFFFFFE0] =	vst v4  }
0xe4: {  	[tilespmem:s1+$0xFFFFFFE0] =	vst v4  }
0xe5: {  	[tilespmem:s2+$0xFFFFFFE0] =	vst v4  }
0xe6: {  	[tilespmem:s3+$0xFFFFFFE0] =	vst v4  }
0xe7: {  	v58 =	vmpcnt.ones.xlane vm0;
	[tilespmem:s0+$0xFFFFFFF0] =	vst v4  }
0xe8: {  	[tilespmem:s1+$0xFFFFFFF0] =	vst v4  }
0xe9: {  	(v2sf) =	vpush v58, $0x0;
	[tilespmem:s2+$0xFFFFFFF0] =	vst v4  }
0xea: {  	[tilespmem:s3+$0xFFFFFFF0] =	vst v4  }
0xeb: {  	[tilespmem:s0+$0x0] =	vst v4  }
0xec: {  	[tilespmem:s1+$0x0] =	vst v4  }
0xed: {  	[tilespmem:s2+$0x0] =	vst v4  }
0xee: {  	[tilespmem:s3+$0x0] =	vst v4  }
0xef: {  	[tilespmem:s0+$0x10] =	vst v4  }
0xf0: {  	[tilespmem:s1+$0x10] =	vst v4  }
0xf1: {  	[tilespmem:s2+$0x10] =	vst v4  }
0xf2: {  	[tilespmem:s3+$0x10] =	vst v4  }
0xf3: {  	[tilespmem:s0+$0x20] =	vst v4  }
0xf4: {  	[tilespmem:s1+$0x20] =	vst v4  }
0xf5: {  	[tilespmem:s2+$0x20] =	vst v4  }
0xf6: {  	[tilespmem:s3+$0x20] =	vst v4  }
0xf7: {  	[tilespmem:s0+$0x30] =	vst v4  }
0xf8: {  	s31 =	simm.s32 $0x80C0;
	s24 =	spop (v2sf);
	[tilespmem:s1+$0x30] =	vst v4  }
0xf9: {  	s24 =	sadd.s32 s30, s24;
	s30 =	simm.s32 $0x0;
	[tilespmem:s2+$0x30] =	vst v4;
	s2 =	simm.s32 $0xC0C0  }
.LBB2_11:
0xfa: {  	s30 =	sadd.s32 $0x8, s30;
	[tilespmem:s3+$0x30] =	vst v4;
	s0 =	sadd.s32 $0x80, s0;
	s1 =	sadd.s32 $0x80, s1  }
0xfb: {  	s3 =	smov.u32 s2;
	[tilespmem:s0+$0xFFFFFFC0] =	vst v4;
	p0 =	slt.u32 s30, $0x3F8  }
0xfc: {  	[tilespmem:s1+$0xFFFFFFC0] =	vst v4  }
0xfd: {  	[tilespmem:s31+$0xFFFFFFC0] =	vst v4  }
0xfe: {  	[tilespmem:s2+$0xFFFFFFC0] =	vst v4  }
0xff: {  	[tilespmem:s0+$0xFFFFFFD0] =	vst v4  }
0x100: {  	[tilespmem:s1+$0xFFFFFFD0] =	vst v4  }
0x101: {  	[tilespmem:s31+$0xFFFFFFD0] =	vst v4  }
0x102: {  	[tilespmem:s2+$0xFFFFFFD0] =	vst v4  }
0x103: {  	[tilespmem:s0+$0xFFFFFFE0] =	vst v4  }
0x104: {  	[tilespmem:s1+$0xFFFFFFE0] =	vst v4  }
0x105: {  	[tilespmem:s31+$0xFFFFFFE0] =	vst v4  }
0x106: {  	[tilespmem:s2+$0xFFFFFFE0] =	vst v4  }
0x107: {  	[tilespmem:s0+$0xFFFFFFF0] =	vst v4  }
0x108: {  	[tilespmem:s1+$0xFFFFFFF0] =	vst v4  }
0x109: {  	[tilespmem:s31+$0xFFFFFFF0] =	vst v4  }
0x10a: {  	[tilespmem:s2+$0xFFFFFFF0] =	vst v4  }
0x10b: {  	[tilespmem:s0+$0x0] =	vst v4  }
0x10c: {  	[tilespmem:s1+$0x0] =	vst v4  }
0x10d: {  	[tilespmem:s31+$0x0] =	vst v4  }
0x10e: {  	[tilespmem:s2+$0x0] =	vst v4  }
0x10f: {  	[tilespmem:s0+$0x10] =	vst v4  }
0x110: {  	[tilespmem:s1+$0x10] =	vst v4  }
0x111: {  	[tilespmem:s31+$0x10] =	vst v4  }
0x112: {  	[tilespmem:s2+$0x10] =	vst v4  }
0x113: {  	[tilespmem:s0+$0x20] =	vst v4  }
0x114: {  	[tilespmem:s1+$0x20] =	vst v4  }
.Ltmp5:
0x115: {  	[tilespmem:s31+$0x20] =	vst v4;
	(pc) =	sbr.rel @p0 .LBB2_11-.Ltmp5, $4  }
0x116: {  	[tilespmem:s2+$0x20] =	vst v4  }
0x117: {  	[tilespmem:s0+$0x30] =	vst v4  }
0x118: {  	[tilespmem:s1+$0x30] =	vst v4  }
0x119: {  	s2 =	sadd.s32 $0x80, s2;
	[tilespmem:s31+$0x30] =	vst v4;
	s31 =	sadd.s32 $0x80, s31  }
0x11a: {  	p0 =	slt.s32 s26, $0x1  }
.Ltmp6:
0x11b: {  	_ = 	snop;
	(pc) =	sbr.rel @p0 .LBB2_16-.Ltmp6, $2  }
0x11c: {  	_ =	sdelay $0x2  }
0x11d: {  	[tilespmem:s3+$0x30] =	vst v4  }
.Ltmp7:
0x11e: {  	(pc) =	sbr.rel .LBB2_14-.Ltmp7, $2  }
0x11f: {  	_ =	sdelay $0x2  }
0x120: {  	s0 =	sadd.s32 s26, s25;
	s1 =	simm.s32 $0x0;
	s3 =	simm.s32 $0x11780  }
.LBB2_20:
0x121: {  	s26 =	sadd.s32 s30, s26  }
0x122: {  	v12 =	vld.msk [tilespmem:s26+$0x15680 ss:$0x0], $0xffff  }
0x123: {  	v13 =	vld.msk [tilespmem:s26+$0x17600 ss:$0x0], $0xffff;
	_ =	sdelay $0x3  }
0x124: {  	s25 =	smin.u32 s25, s31  }
0x125: {  	p0 =	sgt.s32 s25, $0x2;
	v14 =	vadd.s32 v7, v12;
	v15 =	vadd.s32 v9, v13  }
0x126: {  	v14 =	vor.u32 v14, v15;
	v15 =	vbroadcast @!p0 v11, $0x0  }
0x127: {  	vm0 =	vlt.u32 @!p0 v14, $0x80  }
0x128: {  	v16 =	vadd.s32 @!p0 v5, v15;
	_ =	sdelay $0x1  }
0x129: {  	s26 =	sshll.u32 @!p0 s25, $0x5  }
0x12a: {  	s26 =	sand.u32 @!p0 $0x3FFFFFE0, s26  }
0x12b: {  	s30 =	simm.s32 @!p0 $0x0;
	v17 =	vld @!p0 [tilespmem:s26+$0x19600]  }
0x12c: {  	p1 =	seq.s32 @!p0 s25, $0x2;
	v12 =	vadd.s32 v8, v12;
	v13 =	vadd.s32 v10, v13;
	v18 =	vld.idx.msk @!p0 [tilespmem:v16+s30+$0x0], vm0  }
0x12d: {  	p1 =	por p1, p0;
	v12 =	vor.u32 v12, v13  }
0x12e: {  	vm1 =	vlt.u32 @!p1 v12, $0x80  }
0x12f: {  	v13 =	vadd.s32 @!p1 v6, v15;
	_ =	sdelay $0x1  }
0x130: {  	s2 =	ssub.s32 s9, s2;
	v15 =	vmax.f32 @!p0 v18, v17  }
0x131: {  	s31 =	ssub.s32 $0x0, s2;
	[tilespmem:v16+s30+$0x0] =	vst.idx.msk @!p0 vm0, v15  }
0x132: {  	s2 =	smin.u32 s2, s31;
	v15 =	vld @!p1 [tilespmem:s26+$0x19610];
	s26 =	simm.s32 @!p1 $0x0  }
0x133: {  	p0 =	sgt.s32 s2, $0x2;
	v16 =	vld.idx.msk @!p1 [tilespmem:v13+s26+$0x0], vm1  }
0x134: {  	v11 =	vbroadcast @!p0 v11, $0x0  }
0x135: {  	vm0 =	vlt.u32 @!p0 v14, $0x80  }
0x136: {  	v14 =	vadd.s32 @!p0 v5, v11;
	_ =	sdelay $0x1  }
0x137: {  	s25 =	sshll.u32 @!p0 s2, $0x5;
	v15 =	vmax.f32 @!p1 v16, v15  }
0x138: {  	s25 =	sand.u32 @!p0 $0x3FFFFFE0, s25;
	[tilespmem:v13+s26+$0x0] =	vst.idx.msk @!p1 vm1, v15  }
0x139: {  	s26 =	simm.s32 @!p0 $0x4000;
	v13 =	vld @!p0 [tilespmem:s25+$0x19600]  }
0x13a: {  	p1 =	seq.s32 @!p0 s2, $0x2;
	v15 =	vld.idx.msk @!p0 [tilespmem:v14+s26+$0x0], vm0  }
0x13b: {  	p1 =	por p1, p0  }
0x13c: {  	vm1 =	vlt.u32 @!p1 v12, $0x80  }
0x13d: {  	v11 =	vadd.s32 @!p1 v6, v11;
	_ =	sdelay $0x1  }
0x13e: {  	v12 =	vmax.f32 @!p0 v15, v13  }
0x13f: {  	[tilespmem:v14+s26+$0x0] =	vst.idx.msk @!p0 vm0, v12  }
0x140: {  	s2 =	simm.s32 @!p1 $0x4000;
	v12 =	vld @!p1 [tilespmem:s25+$0x19610]  }
0x141: {  	v13 =	vld.idx.msk @!p1 [tilespmem:v11+s2+$0x0], vm1;
	_ =	sdelay $0x4  }
0x142: {  	v12 =	vmax.f32 @!p1 v13, v12  }
0x143: {  	[tilespmem:v11+s2+$0x0] =	vst.idx.msk @!p1 vm1, v12  }
.LBB2_21:
0x144: {  	s1 =	sadd.s32 $0x1, s1  }
0x145: {  	p0 =	seq.s32 s0, s1  }
.Ltmp8:
0x146: {  	_ = 	snop;
	(pc) =	sbr.rel @p0 .LBB2_16-.Ltmp8, $2  }
0x147: {  	_ =	sdelay $0x2  }
0x148: {  	s3 =	sadd.s32 $0x1, s3  }
.LBB2_14:
0x149: {  	v11 =	vld [tilespmem:s3+$0x0];
	_ =	sdelay $0x4  }
0x14a: {  	(v2sf) =	vpush v11, $0x0;
	_ =	sdelay $0xe  }
0x14b: {  	s25 =	spop (v2sf)  }
0x14c: {  	p0 =	sgt.s32 s25, $0xFFFF  }
.Ltmp9:
0x14d: {  	_ = 	snop;
	(pc) =	sbr.rel @p0 .LBB2_20-.Ltmp9, $4  }
0x14e: {  	_ = 	snop  }
0x14f: {  	s26 =	sand.u32 $0x7FFFFF80, s1;
	s30 =	sand.u32 $0x7F, s1;
	s2 =	sand.u32 $0xFFFF, s25  }
0x150: {  	s31 =	sor.u32 s30, s26;
	s25 =	ssub.s32 s7, s2  }
0x151: {  	v11 =	vld [tilespmem:s31+$0x13700];
	s31 =	ssub.s32 $0x0, s25  }
0x152: {  	_ =	sdelay $0x1  }
0x153: {  	s25 =	smin.u32 s25, s31  }
0x154: {  	p1 =	sgt.s32 s25, $0x2  }
0x155: {  	v12 =	vbroadcast @!p1 v11, $0x0;
	_ =	sdelay $0x1  }
0x156: {  	v13 =	vadd.s32 @!p1 v5, v12;
	_ =	sdelay $0x1  }
0x157: {  	s26 =	sshll.u32 @!p1 s25, $0x5  }
0x158: {  	s26 =	sand.u32 @!p1 $0x3FFFFFE0, s26  }
0x159: {  	s30 =	simm.s32 @!p1 $0x0;
	v14 =	vld @!p1 [tilespmem:s26+$0x19600]  }
0x15a: {  	v15 =	vld.idx.msk @!p1 [tilespmem:v13+s30+$0x0], $0xffff  }
0x15b: {  	p0 =	seq.s32 @!p1 s25, $0x2  }
0x15c: {  	p0 =	por p0, p1  }
0x15d: {  	v12 =	vadd.s32 @!p0 v6, v12;
	_ =	sdelay $0x1  }
0x15e: {  	s2 =	ssub.s32 s9, s2;
	v14 =	vmax.f32 @!p1 v15, v14  }
0x15f: {  	s31 =	ssub.s32 $0x0, s2;
	[tilespmem:v13+s30+$0x0] =	vst.idx.msk @!p1 $0xffff, v14  }
0x160: {  	s2 =	smin.u32 s2, s31;
	v13 =	vld @!p0 [tilespmem:s26+$0x19610];
	s26 =	simm.s32 @!p0 $0x0  }
0x161: {  	p1 =	sgt.s32 s2, $0x2;
	v14 =	vld.idx.msk @!p0 [tilespmem:v12+s26+$0x0], $0xffff  }
0x162: {  	v11 =	vbroadcast @!p1 v11, $0x0;
	_ =	sdelay $0x1  }
0x163: {  	v15 =	vadd.s32 @!p1 v5, v11;
	_ =	sdelay $0x1  }
0x164: {  	s25 =	sshll.u32 @!p1 s2, $0x5;
	v13 =	vmax.f32 @!p0 v14, v13  }
0x165: {  	s25 =	sand.u32 @!p1 $0x3FFFFFE0, s25;
	[tilespmem:v12+s26+$0x0] =	vst.idx.msk @!p0 $0xffff, v13  }
0x166: {  	s26 =	simm.s32 @!p1 $0x4000;
	v12 =	vld @!p1 [tilespmem:s25+$0x19600]  }
0x167: {  	v13 =	vld.idx.msk @!p1 [tilespmem:v15+s26+$0x0], $0xffff  }
0x168: {  	p0 =	seq.s32 @!p1 s2, $0x2  }
0x169: {  	p0 =	por p0, p1  }
0x16a: {  	v11 =	vadd.s32 @!p0 v6, v11;
	_ =	sdelay $0x1  }
0x16b: {  	v12 =	vmax.f32 @!p1 v13, v12  }
0x16c: {  	[tilespmem:v15+s26+$0x0] =	vst.idx.msk @!p1 $0xffff, v12  }
0x16d: {  	s2 =	simm.s32 @!p0 $0x4000;
	v12 =	vld @!p0 [tilespmem:s25+$0x19610]  }
0x16e: {  	v13 =	vld.idx.msk @!p0 [tilespmem:v11+s2+$0x0], $0xffff;
	_ =	sdelay $0x1  }
.Ltmp10:
0x16f: {  	_ = 	snop;
	(pc) =	sbr.rel .LBB2_21-.Ltmp10, $3  }
0x170: {  	_ =	sdelay $0x1  }
0x171: {  	v12 =	vmax.f32 @!p0 v13, v12  }
0x172: {  	[tilespmem:v11+s2+$0x0] =	vst.idx.msk @!p0 $0xffff, v12  }
.LBB2_16:
0x173: {  	p0 =	slt.s32 s29, $0x1  }
.Ltmp11:
0x174: {  	_ = 	snop;
	(pc) =	sbr.rel @p0 .LBB2_24-.Ltmp11, $1  }
0x175: {  	_ =	sdelay $0x3  }
.Ltmp12:
0x176: {  	(pc) =	sbr.rel .LBB2_18-.Ltmp12, $2  }
0x177: {  	_ =	sdelay $0x2  }
0x178: {  	s0 =	sadd.s32 s29, s28;
	s1 =	simm.s32 $0x16640  }
.LBB2_22:
0x179: {  	v12 =	vld.msk [tilespmem:s1+$0x0 ss:$0x0], $0xffff  }
0x17a: {  	v13 =	vld.msk [tilespmem:s1+$0x1F80 ss:$0x0], $0xffff;
	_ =	sdelay $0x3  }
0x17b: {  	s3 =	smin.u32 s3, s25  }
0x17c: {  	p0 =	sgt.s32 s3, $0x2;
	v14 =	vadd.s32 v7, v12;
	v15 =	vadd.s32 v9, v13  }
0x17d: {  	v14 =	vor.u32 v14, v15;
	v15 =	vbroadcast @!p0 v11, $0x0  }
0x17e: {  	vm0 =	vlt.u32 @!p0 v14, $0x80  }
0x17f: {  	v16 =	vadd.s32 @!p0 v5, v15;
	_ =	sdelay $0x1  }
0x180: {  	s25 =	sshll.u32 @!p0 s3, $0x5  }
0x181: {  	s25 =	sand.u32 @!p0 $0x3FFFFFE0, s25  }
0x182: {  	s26 =	simm.s32 @!p0 $0x8000;
	v17 =	vld @!p0 [tilespmem:s25+$0x19600]  }
0x183: {  	p1 =	seq.s32 @!p0 s3, $0x2;
	v12 =	vadd.s32 v8, v12;
	v13 =	vadd.s32 v10, v13;
	v18 =	vld.idx.msk @!p0 [tilespmem:v16+s26+$0x0], vm0  }
0x184: {  	p1 =	por p1, p0;
	v12 =	vor.u32 v12, v13  }
0x185: {  	vm1 =	vlt.u32 @!p1 v12, $0x80  }
0x186: {  	v13 =	vadd.s32 @!p1 v6, v15;
	_ =	sdelay $0x1  }
0x187: {  	s2 =	ssub.s32 s9, s2;
	v15 =	vmax.f32 @!p0 v18, v17  }
0x188: {  	s31 =	ssub.s32 $0x0, s2;
	[tilespmem:v16+s26+$0x0] =	vst.idx.msk @!p0 vm0, v15  }
0x189: {  	s2 =	smin.u32 s2, s31;
	v15 =	vld @!p1 [tilespmem:s25+$0x19610];
	s25 =	simm.s32 @!p1 $0x8000  }
0x18a: {  	p0 =	sgt.s32 s2, $0x2;
	v16 =	vld.idx.msk @!p1 [tilespmem:v13+s25+$0x0], vm1  }
0x18b: {  	v11 =	vbroadcast @!p0 v11, $0x0  }
0x18c: {  	vm0 =	vlt.u32 @!p0 v14, $0x80  }
0x18d: {  	v14 =	vadd.s32 @!p0 v5, v11;
	_ =	sdelay $0x1  }
0x18e: {  	s3 =	sshll.u32 @!p0 s2, $0x5;
	v15 =	vmax.f32 @!p1 v16, v15  }
0x18f: {  	s3 =	sand.u32 @!p0 $0x3FFFFFE0, s3;
	[tilespmem:v13+s25+$0x0] =	vst.idx.msk @!p1 vm1, v15  }
0x190: {  	s25 =	simm.s32 @!p0 $0xC000;
	v13 =	vld @!p0 [tilespmem:s3+$0x19600]  }
0x191: {  	p1 =	seq.s32 @!p0 s2, $0x2;
	v15 =	vld.idx.msk @!p0 [tilespmem:v14+s25+$0x0], vm0  }
0x192: {  	p1 =	por p1, p0  }
0x193: {  	vm1 =	vlt.u32 @!p1 v12, $0x80  }
0x194: {  	v11 =	vadd.s32 @!p1 v6, v11;
	_ =	sdelay $0x1  }
0x195: {  	v12 =	vmax.f32 @!p0 v15, v13  }
0x196: {  	[tilespmem:v14+s25+$0x0] =	vst.idx.msk @!p0 vm0, v12  }
0x197: {  	s2 =	simm.s32 @!p1 $0xC000;
	v12 =	vld @!p1 [tilespmem:s3+$0x19610]  }
0x198: {  	v13 =	vld.idx.msk @!p1 [tilespmem:v11+s2+$0x0], vm1;
	_ =	sdelay $0x4  }
0x199: {  	v12 =	vmax.f32 @!p1 v13, v12  }
0x19a: {  	[tilespmem:v11+s2+$0x0] =	vst.idx.msk @!p1 vm1, v12  }
.LBB2_23:
0x19b: {  	s0 =	sadd.s32 $0xFFFFFFFF, s0  }
0x19c: {  	p0 =	sne.s32 s0, $0x0  }
.Ltmp13:
0x19d: {  	_ = 	snop;
	(pc) =	sbr.rel @!p0 .LBB2_24-.Ltmp13, $2  }
0x19e: {  	_ =	sdelay $0x2  }
0x19f: {  	s1 =	sadd.s32 $0x1, s1  }
.LBB2_18:
0x1a0: {  	v11 =	vld [tilespmem:s1+$0xFFFFC100];
	_ =	sdelay $0x4  }
0x1a1: {  	(v2sf) =	vpush v11, $0x0;
	_ =	sdelay $0xe  }
0x1a2: {  	s3 =	spop (v2sf)  }
0x1a3: {  	p0 =	sgt.s32 s3, $0xFFFF  }
.Ltmp14:
0x1a4: {  	_ = 	snop;
	(pc) =	sbr.rel @p0 .LBB2_22-.Ltmp14, $4  }
0x1a5: {  	_ = 	snop  }
0x1a6: {  	s2 =	sand.u32 $0xFFFF, s3  }
0x1a7: {  	s3 =	ssub.s32 s7, s2  }
0x1a8: {  	v11 =	vld [tilespmem:s1+$0xFFFFE080];
	s25 =	ssub.s32 $0x0, s3  }
0x1a9: {  	_ =	sdelay $0x1  }
0x1aa: {  	s3 =	smin.u32 s3, s25  }
0x1ab: {  	p1 =	sgt.s32 s3, $0x2  }
0x1ac: {  	v12 =	vbroadcast @!p1 v11, $0x0;
	_ =	sdelay $0x1  }
0x1ad: {  	v13 =	vadd.s32 @!p1 v5, v12;
	_ =	sdelay $0x1  }
0x1ae: {  	s25 =	sshll.u32 @!p1 s3, $0x5  }
0x1af: {  	s25 =	sand.u32 @!p1 $0x3FFFFFE0, s25  }
0x1b0: {  	s26 =	simm.s32 @!p1 $0x8000;
	v14 =	vld @!p1 [tilespmem:s25+$0x19600]  }
0x1b1: {  	v15 =	vld.idx.msk @!p1 [tilespmem:v13+s26+$0x0], $0xffff  }
0x1b2: {  	p0 =	seq.s32 @!p1 s3, $0x2  }
0x1b3: {  	p0 =	por p0, p1  }
0x1b4: {  	v12 =	vadd.s32 @!p0 v6, v12;
	_ =	sdelay $0x1  }
0x1b5: {  	s2 =	ssub.s32 s9, s2;
	v14 =	vmax.f32 @!p1 v15, v14  }
0x1b6: {  	s31 =	ssub.s32 $0x0, s2;
	[tilespmem:v13+s26+$0x0] =	vst.idx.msk @!p1 $0xffff, v14  }
0x1b7: {  	s2 =	smin.u32 s2, s31;
	v13 =	vld @!p0 [tilespmem:s25+$0x19610];
	s25 =	simm.s32 @!p0 $0x8000  }
0x1b8: {  	p1 =	sgt.s32 s2, $0x2;
	v14 =	vld.idx.msk @!p0 [tilespmem:v12+s25+$0x0], $0xffff  }
0x1b9: {  	v11 =	vbroadcast @!p1 v11, $0x0;
	_ =	sdelay $0x1  }
0x1ba: {  	v15 =	vadd.s32 @!p1 v5, v11;
	_ =	sdelay $0x1  }
0x1bb: {  	s3 =	sshll.u32 @!p1 s2, $0x5;
	v13 =	vmax.f32 @!p0 v14, v13  }
0x1bc: {  	s3 =	sand.u32 @!p1 $0x3FFFFFE0, s3;
	[tilespmem:v12+s25+$0x0] =	vst.idx.msk @!p0 $0xffff, v13  }
0x1bd: {  	s25 =	simm.s32 @!p1 $0xC000;
	v12 =	vld @!p1 [tilespmem:s3+$0x19600]  }
0x1be: {  	v13 =	vld.idx.msk @!p1 [tilespmem:v15+s25+$0x0], $0xffff  }
0x1bf: {  	p0 =	seq.s32 @!p1 s2, $0x2  }
0x1c0: {  	p0 =	por p0, p1  }
0x1c1: {  	v11 =	vadd.s32 @!p0 v6, v11;
	_ =	sdelay $0x1  }
0x1c2: {  	v12 =	vmax.f32 @!p1 v13, v12  }
0x1c3: {  	[tilespmem:v15+s25+$0x0] =	vst.idx.msk @!p1 $0xffff, v12  }
0x1c4: {  	s2 =	simm.s32 @!p0 $0xC000;
	v12 =	vld @!p0 [tilespmem:s3+$0x19610]  }
0x1c5: {  	v13 =	vld.idx.msk @!p0 [tilespmem:v11+s2+$0x0], $0xffff;
	_ =	sdelay $0x1  }
.Ltmp15:
0x1c6: {  	_ = 	snop;
	(pc) =	sbr.rel .LBB2_23-.Ltmp15, $3  }
0x1c7: {  	_ =	sdelay $0x1  }
0x1c8: {  	v12 =	vmax.f32 @!p0 v13, v12  }
0x1c9: {  	[tilespmem:v11+s2+$0x0] =	vst.idx.msk @!p0 $0xffff, v12  }
.LBB2_24:
0x1ca: {  	s25 =	simm.s32 $0x40  }
0x1cb: {  	s29 =	simm.s32 $0x8040;
	v11 =	vld [tilespmem:s25+$0xFFFFFFC0]  }
0x1cc: {  	s26 =	simm.s32 $0x4040;
	v12 =	vld [tilespmem:s29+$0xFFFFFFC0]  }
0x1cd: {  	s28 =	simm.s32 $0xC040;
	v13 =	vld [tilespmem:s26+$0xFFFFFFC0]  }
0x1ce: {  	v14 =	vld [tilespmem:s28+$0xFFFFFFC0]  }
0x1cf: {  	v15 =	vld [tilespmem:s25+$0xFFFFFFD0]  }
0x1d0: {  	v16 =	vld [tilespmem:s29+$0xFFFFFFD0]  }
0x1d1: {  	v18 =	vld [tilespmem:s26+$0xFFFFFFD0];
	v17 =	vmul.f32 v11, v11;
	v11 =	vmul.f32 v12, v11  }
0x1d2: {  	v12 =	vld [tilespmem:s28+$0xFFFFFFD0];
	v19 =	vmul.f32 v13, v13  }
0x1d3: {  	v20 =	vld [tilespmem:s25+$0xFFFFFFE0];
	v13 =	vmul.f32 v14, v13;
	v17 =	vadd.f32 v17, v4;
	v11 =	vadd.f32 v11, v4  }
0x1d4: {  	v14 =	vld [tilespmem:s29+$0xFFFFFFE0];
	v21 =	vmul.f32 v15, v15  }
0x1d5: {  	v17 =	vadd.f32 v19, v17;
	v19 =	vld [tilespmem:s26+$0xFFFFFFE0];
	v11 =	vadd.f32 v13, v11;
	v13 =	vmul.f32 v16, v15  }
0x1d6: {  	v15 =	vld [tilespmem:s28+$0xFFFFFFE0];
	v16 =	vmul.f32 v18, v18  }
0x1d7: {  	v12 =	vmul.f32 v12, v18;
	v17 =	vadd.f32 v21, v17;
	v21 =	vld [tilespmem:s25+$0xFFFFFFF0];
	v11 =	vadd.f32 v13, v11  }
0x1d8: {  	v18 =	vmul.f32 v20, v20;
	v13 =	vld [tilespmem:s29+$0xFFFFFFF0]  }
0x1d9: {  	v16 =	vadd.f32 v16, v17;
	v17 =	vld [tilespmem:s26+$0xFFFFFFF0];
	v11 =	vadd.f32 v12, v11;
	v12 =	vmul.f32 v14, v20  }
0x1da: {  	v14 =	vld [tilespmem:s28+$0xFFFFFFF0];
	v20 =	vmul.f32 v19, v19  }
0x1db: {  	v16 =	vadd.f32 v18, v16;
	v18 =	vld [tilespmem:s25+$0x0];
	v11 =	vadd.f32 v12, v11;
	v12 =	vmul.f32 v15, v19  }
0x1dc: {  	v15 =	vld [tilespmem:s29+$0x0];
	v19 =	vmul.f32 v21, v21  }
0x1dd: {  	v16 =	vadd.f32 v20, v16;
	v20 =	vld [tilespmem:s26+$0x0];
	v11 =	vadd.f32 v12, v11;
	v12 =	vmul.f32 v13, v21  }
0x1de: {  	v13 =	vld [tilespmem:s28+$0x0];
	v21 =	vmul.f32 v17, v17  }
0x1df: {  	v16 =	vadd.f32 v19, v16;
	v19 =	vld [tilespmem:s25+$0x10];
	v11 =	vadd.f32 v12, v11;
	v12 =	vmul.f32 v14, v17  }
0x1e0: {  	v14 =	vld [tilespmem:s29+$0x10];
	v17 =	vmul.f32 v18, v18  }
0x1e1: {  	v16 =	vadd.f32 v21, v16;
	v21 =	vld [tilespmem:s26+$0x10];
	v11 =	vadd.f32 v12, v11;
	v12 =	vmul.f32 v15, v18  }
0x1e2: {  	v18 =	vld [tilespmem:s28+$0x10];
	v15 =	vmul.f32 v20, v20  }
0x1e3: {  	v13 =	vmul.f32 v13, v20;
	v16 =	vadd.f32 v17, v16;
	v17 =	vld [tilespmem:s25+$0x20];
	v11 =	vadd.f32 v12, v11  }
0x1e4: {  	v22 =	vld [tilespmem:s29+$0x20];
	v20 =	vmul.f32 v19, v19  }
0x1e5: {  	v12 =	vld [tilespmem:s26+$0x20];
	v14 =	vmul.f32 v14, v19;
	v16 =	vadd.f32 v15, v16;
	v13 =	vadd.f32 v13, v11  }
0x1e6: {  	v15 =	vld [tilespmem:s28+$0x20];
	v19 =	vmul.f32 v21, v21  }
0x1e7: {  	v11 =	vld [tilespmem:s25+$0x30];
	v21 =	vmul.f32 v18, v21;
	v16 =	vadd.f32 v20, v16;
	v20 =	vadd.f32 v14, v13  }
0x1e8: {  	v14 =	vld [tilespmem:s29+$0x30];
	v18 =	vmul.f32 v17, v17  }
0x1e9: {  	s30 =	simm.s32 $0x0;
	s31 =	simm.s32 $0xC0;
	v13 =	vld [tilespmem:s26+$0x30];
	v19 =	vadd.f32 v19, v16;
	v20 =	vadd.f32 v21, v20;
	v21 =	vmul.f32 v22, v17  }
0x1ea: {  	s0 =	simm.s32 $0x8040;
	s3 =	simm.s32 $0x4040;
	s1 =	simm.s32 $0xC040;
	v17 =	vmul.f32 v12, v12;
	v16 =	vld [tilespmem:s28+$0x30]  }
.LBB2_25:
0x1eb: {  	v22 =	vld [tilespmem:s31+$0xFFFFFFC0];
	v18 =	vadd.f32 v18, v19;
	v19 =	vadd.f32 v21, v20;
	v12 =	vmul.f32 v15, v12;
	s0 =	sadd.s32 $0x80, s0  }
0x1ec: {  	s30 =	sadd.s32 $0x8, s30;
	s3 =	sadd.s32 $0x80, s3;
	v15 =	vld [tilespmem:s0+$0xFFFFFFC0];
	v20 =	vmul.f32 v11, v11  }
0x1ed: {  	s1 =	sadd.s32 $0x80, s1;
	p0 =	slt.u32 s30, $0x3F8;
	v21 =	vld [tilespmem:s3+$0xFFFFFFC0];
	v17 =	vadd.f32 v17, v18;
	v12 =	vadd.f32 v12, v19;
	v11 =	vmul.f32 v14, v11  }
0x1ee: {  	v14 =	vld [tilespmem:s1+$0xFFFFFFC0];
	v18 =	vmul.f32 v13, v13  }
0x1ef: {  	v19 =	vld [tilespmem:s31+$0xFFFFFFD0];
	v17 =	vadd.f32 v20, v17;
	v11 =	vadd.f32 v11, v12;
	v12 =	vmul.f32 v16, v13  }
0x1f0: {  	v13 =	vmul.f32 v22, v22;
	v16 =	vld [tilespmem:s0+$0xFFFFFFD0]  }
0x1f1: {  	v15 =	vmul.f32 v15, v22;
	v20 =	vld [tilespmem:s3+$0xFFFFFFD0];
	v17 =	vadd.f32 v18, v17;
	v11 =	vadd.f32 v12, v11  }
0x1f2: {  	v12 =	vmul.f32 v21, v21;
	v18 =	vld [tilespmem:s1+$0xFFFFFFD0]  }
0x1f3: {  	v13 =	vadd.f32 v13, v17;
	v11 =	vadd.f32 v15, v11;
	v14 =	vmul.f32 v14, v21;
	v15 =	vld [tilespmem:s31+$0xFFFFFFE0]  }
0x1f4: {  	v17 =	vmul.f32 v19, v19;
	v21 =	vld [tilespmem:s0+$0xFFFFFFE0]  }
0x1f5: {  	v12 =	vadd.f32 v12, v13;
	v11 =	vadd.f32 v14, v11;
	v13 =	vmul.f32 v16, v19;
	v14 =	vld [tilespmem:s3+$0xFFFFFFE0]  }
0x1f6: {  	v16 =	vmul.f32 v20, v20;
	v19 =	vld [tilespmem:s1+$0xFFFFFFE0]  }
0x1f7: {  	v12 =	vadd.f32 v17, v12;
	v11 =	vadd.f32 v13, v11;
	v13 =	vmul.f32 v18, v20;
	v17 =	vld [tilespmem:s31+$0xFFFFFFF0]  }
0x1f8: {  	v18 =	vmul.f32 v15, v15;
	v20 =	vld [tilespmem:s0+$0xFFFFFFF0]  }
0x1f9: {  	v12 =	vadd.f32 v16, v12;
	v11 =	vadd.f32 v13, v11;
	v13 =	vmul.f32 v21, v15;
	v15 =	vld [tilespmem:s3+$0xFFFFFFF0]  }
0x1fa: {  	v16 =	vmul.f32 v14, v14;
	v21 =	vld [tilespmem:s1+$0xFFFFFFF0]  }
0x1fb: {  	v12 =	vadd.f32 v18, v12;
	v11 =	vadd.f32 v13, v11;
	v13 =	vmul.f32 v19, v14;
	v14 =	vld [tilespmem:s31+$0x0]  }
0x1fc: {  	v18 =	vmul.f32 v17, v17;
	v19 =	vld [tilespmem:s0+$0x0]  }
0x1fd: {  	v12 =	vadd.f32 v16, v12;
	v11 =	vadd.f32 v13, v11;
	v13 =	vmul.f32 v20, v17;
	v16 =	vld [tilespmem:s3+$0x0]  }
0x1fe: {  	v17 =	vmul.f32 v15, v15;
	v20 =	vld [tilespmem:s1+$0x0]  }
0x1ff: {  	v12 =	vadd.f32 v18, v12;
	v11 =	vadd.f32 v13, v11;
	v13 =	vmul.f32 v21, v15;
	v15 =	vld [tilespmem:s31+$0x10]  }
0x200: {  	v18 =	vmul.f32 v14, v14;
	v21 =	vld [tilespmem:s0+$0x10]  }
0x201: {  	v12 =	vadd.f32 v17, v12;
	v11 =	vadd.f32 v13, v11;
	v13 =	vmul.f32 v19, v14;
	v14 =	vld [tilespmem:s3+$0x10]  }
0x202: {  	v17 =	vmul.f32 v16, v16;
	v19 =	vld [tilespmem:s1+$0x10]  }
0x203: {  	v12 =	vadd.f32 v18, v12;
	v11 =	vadd.f32 v13, v11;
	v13 =	vmul.f32 v20, v16;
	v16 =	vld [tilespmem:s31+$0x20]  }
0x204: {  	v18 =	vmul.f32 v15, v15;
	v22 =	vld [tilespmem:s0+$0x20]  }
0x205: {  	v17 =	vadd.f32 v17, v12;
	v11 =	vadd.f32 v13, v11;
	v13 =	vmul.f32 v21, v15;
	v12 =	vld [tilespmem:s3+$0x20]  }
.Ltmp16:
0x206: {  	v20 =	vmul.f32 v14, v14;
	v15 =	vld [tilespmem:s1+$0x20];
	(pc) =	sbr.rel @p0 .LBB2_25-.Ltmp16, $4  }
0x207: {  	v17 =	vadd.f32 v18, v17;
	v13 =	vadd.f32 v13, v11;
	v21 =	vmul.f32 v19, v14;
	v11 =	vld [tilespmem:s31+$0x30]  }
0x208: {  	v18 =	vmul.f32 v16, v16;
	v14 =	vld [tilespmem:s0+$0x30]  }
0x209: {  	v19 =	vadd.f32 v20, v17;
	v20 =	vadd.f32 v21, v13;
	v21 =	vmul.f32 v22, v16;
	v13 =	vld [tilespmem:s3+$0x30]  }
0x20a: {  	s31 =	sadd.s32 $0x80, s31;
	v17 =	vmul.f32 v12, v12;
	v16 =	vld [tilespmem:s1+$0x30]  }
0x20b: {  	[tilespmem:s25+$0xFFFFFFC0] =	vst v4  }
0x20c: {  	[tilespmem:s26+$0xFFFFFFC0] =	vst v4  }
0x20d: {  	[tilespmem:s29+$0xFFFFFFC0] =	vst v4  }
0x20e: {  	[tilespmem:s28+$0xFFFFFFC0] =	vst v4  }
0x20f: {  	[tilespmem:s25+$0xFFFFFFD0] =	vst v4  }
0x210: {  	[tilespmem:s26+$0xFFFFFFD0] =	vst v4  }
0x211: {  	[tilespmem:s29+$0xFFFFFFD0] =	vst v4  }
0x212: {  	[tilespmem:s28+$0xFFFFFFD0] =	vst v4  }
0x213: {  	[tilespmem:s25+$0xFFFFFFE0] =	vst v4  }
0x214: {  	[tilespmem:s26+$0xFFFFFFE0] =	vst v4  }
0x215: {  	[tilespmem:s29+$0xFFFFFFE0] =	vst v4  }
0x216: {  	[tilespmem:s28+$0xFFFFFFE0] =	vst v4  }
0x217: {  	[tilespmem:s25+$0xFFFFFFF0] =	vst v4  }
0x218: {  	[tilespmem:s26+$0xFFFFFFF0] =	vst v4  }
0x219: {  	[tilespmem:s29+$0xFFFFFFF0] =	vst v4  }
0x21a: {  	[tilespmem:s28+$0xFFFFFFF0] =	vst v4  }
0x21b: {  	[tilespmem:s25+$0x0] =	vst v4  }
0x21c: {  	[tilespmem:s26+$0x0] =	vst v4  }
0x21d: {  	[tilespmem:s29+$0x0] =	vst v4  }
0x21e: {  	[tilespmem:s28+$0x0] =	vst v4  }
0x21f: {  	[tilespmem:s25+$0x10] =	vst v4  }
0x220: {  	[tilespmem:s26+$0x10] =	vst v4  }
0x221: {  	[tilespmem:s29+$0x10] =	vst v4  }
0x222: {  	[tilespmem:s28+$0x10] =	vst v4  }
0x223: {  	v18 =	vadd.f32 v18, v19;
	v63 =	vadd.f32 v21, v20;
	v12 =	vmul.f32 v15, v12;
	[tilespmem:s25+$0x20] =	vst v4  }
0x224: {  	v15 =	vmul.f32 v11, v11;
	[tilespmem:s26+$0x20] =	vst v4  }
0x225: {  	v17 =	vadd.f32 v17, v18;
	v12 =	vadd.f32 v12, v63;
	v11 =	vmul.f32 v14, v11;
	[tilespmem:s29+$0x20] =	vst v4  }
0x226: {  	v14 =	vmul.f32 v13, v13;
	[tilespmem:s28+$0x20] =	vst v4  }
0x227: {  	v15 =	vadd.f32 v15, v17;
	v11 =	vadd.f32 v11, v12;
	v13 =	vmul.f32 v16, v13;
	[tilespmem:s25+$0x30] =	vst v4  }
0x228: {  	[tilespmem:s26+$0x30] =	vst v4  }
0x229: {  	s0 =	simm.s32 $0x0;
	s1 =	simm.s32 $0x80C0;
	s2 =	simm.s32 $0xC0C0;
	v12 =	vadd.f32 v14, v15;
	v11 =	vadd.f32 v13, v11;
	[tilespmem:s29+$0x30] =	vst v4  }
.LBB2_27:
0x22a: {  	s0 =	sadd.s32 $0x8, s0;
	[tilespmem:s28+$0x30] =	vst v4;
	s25 =	sadd.s32 $0x80, s25;
	s26 =	sadd.s32 $0x80, s26  }
0x22b: {  	s28 =	smov.u32 s2;
	[tilespmem:s25+$0xFFFFFFC0] =	vst v4;
	p0 =	slt.u32 s0, $0x3F8  }
0x22c: {  	[tilespmem:s26+$0xFFFFFFC0] =	vst v4  }
0x22d: {  	[tilespmem:s1+$0xFFFFFFC0] =	vst v4  }
0x22e: {  	[tilespmem:s2+$0xFFFFFFC0] =	vst v4  }
0x22f: {  	[tilespmem:s25+$0xFFFFFFD0] =	vst v4  }
0x230: {  	[tilespmem:s26+$0xFFFFFFD0] =	vst v4  }
0x231: {  	[tilespmem:s1+$0xFFFFFFD0] =	vst v4  }
0x232: {  	[tilespmem:s2+$0xFFFFFFD0] =	vst v4  }
0x233: {  	[tilespmem:s25+$0xFFFFFFE0] =	vst v4  }
0x234: {  	[tilespmem:s26+$0xFFFFFFE0] =	vst v4  }
0x235: {  	[tilespmem:s1+$0xFFFFFFE0] =	vst v4  }
0x236: {  	[tilespmem:s2+$0xFFFFFFE0] =	vst v4  }
0x237: {  	[tilespmem:s25+$0xFFFFFFF0] =	vst v4  }
0x238: {  	[tilespmem:s26+$0xFFFFFFF0] =	vst v4  }
0x239: {  	[tilespmem:s1+$0xFFFFFFF0] =	vst v4  }
0x23a: {  	[tilespmem:s2+$0xFFFFFFF0] =	vst v4  }
0x23b: {  	[tilespmem:s25+$0x0] =	vst v4  }
0x23c: {  	[tilespmem:s26+$0x0] =	vst v4  }
0x23d: {  	[tilespmem:s1+$0x0] =	vst v4  }
0x23e: {  	[tilespmem:s2+$0x0] =	vst v4  }
0x23f: {  	[tilespmem:s25+$0x10] =	vst v4  }
0x240: {  	[tilespmem:s26+$0x10] =	vst v4  }
0x241: {  	[tilespmem:s1+$0x10] =	vst v4  }
0x242: {  	[tilespmem:s2+$0x10] =	vst v4  }
0x243: {  	[tilespmem:s25+$0x20] =	vst v4  }
0x244: {  	[tilespmem:s26+$0x20] =	vst v4  }
.Ltmp17:
0x245: {  	[tilespmem:s1+$0x20] =	vst v4;
	(pc) =	sbr.rel @p0 .LBB2_27-.Ltmp17, $4  }
0x246: {  	[tilespmem:s2+$0x20] =	vst v4  }
0x247: {  	[tilespmem:s25+$0x30] =	vst v4  }
0x248: {  	[tilespmem:s26+$0x30] =	vst v4  }
0x249: {  	s2 =	sadd.s32 $0x80, s2;
	[tilespmem:s1+$0x30] =	vst v4;
	s1 =	sadd.s32 $0x80, s1  }
0x24a: {  	p0 =	slt.s32 s23, $0x1  }
.Ltmp18:
0x24b: {  	_ = 	snop;
	(pc) =	sbr.rel @p0 .LBB2_32-.Ltmp18, $2  }
0x24c: {  	_ =	sdelay $0x2  }
0x24d: {  	[tilespmem:s28+$0x30] =	vst v4  }
.Ltmp19:
0x24e: {  	(pc) =	sbr.rel .LBB2_30-.Ltmp19, $2  }
0x24f: {  	_ =	sdelay $0x2  }
0x250: {  	s0 =	sadd.s32 s21, s22;
	s1 =	simm.s32 $0x15E60  }
.LBB2_36:
0x251: {  	v14 =	vld.msk [tilespmem:s1+$0x0 ss:$0x0], $0xffff  }
0x252: {  	v15 =	vld.msk [tilespmem:s1+$0x1F80 ss:$0x0], $0xffff;
	_ =	sdelay $0x3  }
0x253: {  	s3 =	smin.u32 s3, s21  }
0x254: {  	p0 =	sgt.s32 s3, $0x2;
	v16 =	vadd.s32 v7, v14;
	v17 =	vadd.s32 v9, v15  }
0x255: {  	v16 =	vor.u32 v16, v17;
	v17 =	vbroadcast @!p0 v13, $0x0  }
0x256: {  	vm0 =	vlt.u32 @!p0 v16, $0x80  }
0x257: {  	v18 =	vadd.s32 @!p0 v5, v17;
	_ =	sdelay $0x1  }
0x258: {  	s21 =	sshll.u32 @!p0 s3, $0x5  }
0x259: {  	s21 =	sand.u32 @!p0 $0x3FFFFFE0, s21  }
0x25a: {  	s22 =	simm.s32 @!p0 $0x0;
	v19 =	vld @!p0 [tilespmem:s21+$0x19600]  }
0x25b: {  	p1 =	seq.s32 @!p0 s3, $0x2;
	v14 =	vadd.s32 v8, v14;
	v15 =	vadd.s32 v10, v15;
	v20 =	vld.idx.msk @!p0 [tilespmem:v18+s22+$0x0], vm0  }
0x25c: {  	p1 =	por p1, p0;
	v14 =	vor.u32 v14, v15  }
0x25d: {  	vm1 =	vlt.u32 @!p1 v14, $0x80  }
0x25e: {  	v15 =	vadd.s32 @!p1 v6, v17;
	_ =	sdelay $0x1  }
0x25f: {  	s2 =	ssub.s32 s10, s2;
	v17 =	vmax.f32 @!p0 v20, v19  }
0x260: {  	s31 =	ssub.s32 $0x0, s2;
	[tilespmem:v18+s22+$0x0] =	vst.idx.msk @!p0 vm0, v17  }
0x261: {  	s2 =	smin.u32 s2, s31;
	v17 =	vld @!p1 [tilespmem:s21+$0x19610];
	s21 =	simm.s32 @!p1 $0x0  }
0x262: {  	p0 =	sgt.s32 s2, $0x2;
	v18 =	vld.idx.msk @!p1 [tilespmem:v15+s21+$0x0], vm1  }
0x263: {  	v13 =	vbroadcast @!p0 v13, $0x0  }
0x264: {  	vm0 =	vlt.u32 @!p0 v16, $0x80  }
0x265: {  	v16 =	vadd.s32 @!p0 v5, v13;
	_ =	sdelay $0x1  }
0x266: {  	s3 =	sshll.u32 @!p0 s2, $0x5;
	v17 =	vmax.f32 @!p1 v18, v17  }
0x267: {  	s3 =	sand.u32 @!p0 $0x3FFFFFE0, s3;
	[tilespmem:v15+s21+$0x0] =	vst.idx.msk @!p1 vm1, v17  }
0x268: {  	s21 =	simm.s32 @!p0 $0x4000;
	v15 =	vld @!p0 [tilespmem:s3+$0x19600]  }
0x269: {  	p1 =	seq.s32 @!p0 s2, $0x2;
	v17 =	vld.idx.msk @!p0 [tilespmem:v16+s21+$0x0], vm0  }
0x26a: {  	p1 =	por p1, p0  }
0x26b: {  	vm1 =	vlt.u32 @!p1 v14, $0x80  }
0x26c: {  	v13 =	vadd.s32 @!p1 v6, v13;
	_ =	sdelay $0x1  }
0x26d: {  	v14 =	vmax.f32 @!p0 v17, v15  }
0x26e: {  	[tilespmem:v16+s21+$0x0] =	vst.idx.msk @!p0 vm0, v14  }
0x26f: {  	s2 =	simm.s32 @!p1 $0x4000;
	v14 =	vld @!p1 [tilespmem:s3+$0x19610]  }
0x270: {  	v15 =	vld.idx.msk @!p1 [tilespmem:v13+s2+$0x0], vm1;
	_ =	sdelay $0x4  }
0x271: {  	v14 =	vmax.f32 @!p1 v15, v14  }
0x272: {  	[tilespmem:v13+s2+$0x0] =	vst.idx.msk @!p1 vm1, v14  }
.LBB2_37:
0x273: {  	s0 =	sadd.s32 $0xFFFFFFFF, s0  }
0x274: {  	p0 =	seq.s32 s0, $0x0  }
.Ltmp20:
0x275: {  	_ = 	snop;
	(pc) =	sbr.rel @p0 .LBB2_32-.Ltmp20, $2  }
0x276: {  	_ =	sdelay $0x2  }
0x277: {  	s1 =	sadd.s32 $0x1, s1  }
.LBB2_30:
0x278: {  	v13 =	vld [tilespmem:s1+$0xFFFFC100];
	_ =	sdelay $0x4  }
0x279: {  	(v2sf) =	vpush v13, $0x0;
	_ =	sdelay $0xe  }
0x27a: {  	s3 =	spop (v2sf)  }
0x27b: {  	p0 =	sgt.s32 s3, $0xFFFF  }
.Ltmp21:
0x27c: {  	_ = 	snop;
	(pc) =	sbr.rel @p0 .LBB2_36-.Ltmp21, $4  }
0x27d: {  	_ = 	snop  }
0x27e: {  	s2 =	sand.u32 $0xFFFF, s3  }
0x27f: {  	s3 =	ssub.s32 s8, s2  }
0x280: {  	v13 =	vld [tilespmem:s1+$0xFFFFE080];
	s21 =	ssub.s32 $0x0, s3  }
0x281: {  	_ =	sdelay $0x1  }
0x282: {  	s3 =	smin.u32 s3, s21  }
0x283: {  	p1 =	sgt.s32 s3, $0x2  }
0x284: {  	v14 =	vbroadcast @!p1 v13, $0x0;
	_ =	sdelay $0x1  }
0x285: {  	v15 =	vadd.s32 @!p1 v5, v14;
	_ =	sdelay $0x1  }
0x286: {  	s21 =	sshll.u32 @!p1 s3, $0x5  }
0x287: {  	s21 =	sand.u32 @!p1 $0x3FFFFFE0, s21  }
0x288: {  	s22 =	simm.s32 @!p1 $0x0;
	v16 =	vld @!p1 [tilespmem:s21+$0x19600]  }
0x289: {  	v17 =	vld.idx.msk @!p1 [tilespmem:v15+s22+$0x0], $0xffff  }
0x28a: {  	p0 =	seq.s32 @!p1 s3, $0x2  }
0x28b: {  	p0 =	por p0, p1  }
0x28c: {  	v14 =	vadd.s32 @!p0 v6, v14;
	_ =	sdelay $0x1  }
0x28d: {  	s2 =	ssub.s32 s10, s2;
	v16 =	vmax.f32 @!p1 v17, v16  }
0x28e: {  	s31 =	ssub.s32 $0x0, s2;
	[tilespmem:v15+s22+$0x0] =	vst.idx.msk @!p1 $0xffff, v16  }
0x28f: {  	s2 =	smin.u32 s2, s31;
	v15 =	vld @!p0 [tilespmem:s21+$0x19610];
	s21 =	simm.s32 @!p0 $0x0  }
0x290: {  	p1 =	sgt.s32 s2, $0x2;
	v16 =	vld.idx.msk @!p0 [tilespmem:v14+s21+$0x0], $0xffff  }
0x291: {  	v13 =	vbroadcast @!p1 v13, $0x0;
	_ =	sdelay $0x1  }
0x292: {  	v17 =	vadd.s32 @!p1 v5, v13;
	_ =	sdelay $0x1  }
0x293: {  	s3 =	sshll.u32 @!p1 s2, $0x5;
	v15 =	vmax.f32 @!p0 v16, v15  }
0x294: {  	s3 =	sand.u32 @!p1 $0x3FFFFFE0, s3;
	[tilespmem:v14+s21+$0x0] =	vst.idx.msk @!p0 $0xffff, v15  }
0x295: {  	s21 =	simm.s32 @!p1 $0x4000;
	v14 =	vld @!p1 [tilespmem:s3+$0x19600]  }
0x296: {  	v15 =	vld.idx.msk @!p1 [tilespmem:v17+s21+$0x0], $0xffff  }
0x297: {  	p0 =	seq.s32 @!p1 s2, $0x2  }
0x298: {  	p0 =	por p0, p1  }
0x299: {  	v13 =	vadd.s32 @!p0 v6, v13;
	_ =	sdelay $0x1  }
0x29a: {  	v14 =	vmax.f32 @!p1 v15, v14  }
0x29b: {  	[tilespmem:v17+s21+$0x0] =	vst.idx.msk @!p1 $0xffff, v14  }
0x29c: {  	s2 =	simm.s32 @!p0 $0x4000;
	v14 =	vld @!p0 [tilespmem:s3+$0x19610]  }
0x29d: {  	v15 =	vld.idx.msk @!p0 [tilespmem:v13+s2+$0x0], $0xffff;
	_ =	sdelay $0x1  }
.Ltmp22:
0x29e: {  	_ = 	snop;
	(pc) =	sbr.rel .LBB2_37-.Ltmp22, $3  }
0x29f: {  	_ =	sdelay $0x1  }
0x2a0: {  	v14 =	vmax.f32 @!p0 v15, v14  }
0x2a1: {  	[tilespmem:v13+s2+$0x0] =	vst.idx.msk @!p0 $0xffff, v14  }
.LBB2_32:
0x2a2: {  	p0 =	slt.s32 s24, $0x1  }
.Ltmp23:
0x2a3: {  	_ = 	snop;
	(pc) =	sbr.rel @p0 .LBB2_40-.Ltmp23, $1  }
0x2a4: {  	_ =	sdelay $0x3  }
.Ltmp24:
0x2a5: {  	(pc) =	sbr.rel .LBB2_34-.Ltmp24, $2  }
0x2a6: {  	_ =	sdelay $0x2  }
0x2a7: {  	s0 =	simm.s32 $0x16E20  }
.LBB2_38:
0x2a8: {  	v14 =	vld.msk [tilespmem:s0+$0x0 ss:$0x0], $0xffff  }
0x2a9: {  	v15 =	vld.msk [tilespmem:s0+$0x1F80 ss:$0x0], $0xffff;
	_ =	sdelay $0x3  }
0x2aa: {  	s2 =	smin.u32 s2, s3  }
0x2ab: {  	p0 =	sgt.s32 s2, $0x2;
	v16 =	vadd.s32 v7, v14;
	v17 =	vadd.s32 v9, v15  }
0x2ac: {  	v16 =	vor.u32 v16, v17;
	v17 =	vbroadcast @!p0 v13, $0x0  }
0x2ad: {  	vm0 =	vlt.u32 @!p0 v16, $0x80  }
0x2ae: {  	v18 =	vadd.s32 @!p0 v5, v17;
	_ =	sdelay $0x1  }
0x2af: {  	s3 =	sshll.u32 @!p0 s2, $0x5  }
0x2b0: {  	s3 =	sand.u32 @!p0 $0x3FFFFFE0, s3  }
0x2b1: {  	s21 =	simm.s32 @!p0 $0x8000;
	v19 =	vld @!p0 [tilespmem:s3+$0x19600]  }
0x2b2: {  	p1 =	seq.s32 @!p0 s2, $0x2;
	v14 =	vadd.s32 v8, v14;
	v15 =	vadd.s32 v10, v15;
	v20 =	vld.idx.msk @!p0 [tilespmem:v18+s21+$0x0], vm0  }
0x2b3: {  	p1 =	por p1, p0;
	v14 =	vor.u32 v14, v15  }
0x2b4: {  	vm1 =	vlt.u32 @!p1 v14, $0x80  }
0x2b5: {  	v15 =	vadd.s32 @!p1 v6, v17;
	_ =	sdelay $0x1  }
0x2b6: {  	s1 =	ssub.s32 s10, s1;
	v17 =	vmax.f32 @!p0 v20, v19  }
0x2b7: {  	s31 =	ssub.s32 $0x0, s1;
	[tilespmem:v18+s21+$0x0] =	vst.idx.msk @!p0 vm0, v17  }
0x2b8: {  	s1 =	smin.u32 s1, s31;
	v17 =	vld @!p1 [tilespmem:s3+$0x19610];
	s3 =	simm.s32 @!p1 $0x8000  }
0x2b9: {  	p0 =	sgt.s32 s1, $0x2;
	v18 =	vld.idx.msk @!p1 [tilespmem:v15+s3+$0x0], vm1  }
0x2ba: {  	v13 =	vbroadcast @!p0 v13, $0x0  }
0x2bb: {  	vm0 =	vlt.u32 @!p0 v16, $0x80  }
0x2bc: {  	v16 =	vadd.s32 @!p0 v5, v13;
	_ =	sdelay $0x1  }
0x2bd: {  	s2 =	sshll.u32 @!p0 s1, $0x5;
	v17 =	vmax.f32 @!p1 v18, v17  }
0x2be: {  	s2 =	sand.u32 @!p0 $0x3FFFFFE0, s2;
	[tilespmem:v15+s3+$0x0] =	vst.idx.msk @!p1 vm1, v17  }
0x2bf: {  	s3 =	simm.s32 @!p0 $0xC000;
	v15 =	vld @!p0 [tilespmem:s2+$0x19600]  }
0x2c0: {  	p1 =	seq.s32 @!p0 s1, $0x2;
	v17 =	vld.idx.msk @!p0 [tilespmem:v16+s3+$0x0], vm0  }
0x2c1: {  	p1 =	por p1, p0  }
0x2c2: {  	vm1 =	vlt.u32 @!p1 v14, $0x80  }
0x2c3: {  	v13 =	vadd.s32 @!p1 v6, v13;
	_ =	sdelay $0x1  }
0x2c4: {  	v14 =	vmax.f32 @!p0 v17, v15  }
0x2c5: {  	[tilespmem:v16+s3+$0x0] =	vst.idx.msk @!p0 vm0, v14  }
0x2c6: {  	s1 =	simm.s32 @!p1 $0xC000;
	v14 =	vld @!p1 [tilespmem:s2+$0x19610]  }
0x2c7: {  	v15 =	vld.idx.msk @!p1 [tilespmem:v13+s1+$0x0], vm1;
	_ =	sdelay $0x4  }
0x2c8: {  	v14 =	vmax.f32 @!p1 v15, v14  }
0x2c9: {  	[tilespmem:v13+s1+$0x0] =	vst.idx.msk @!p1 vm1, v14  }
.LBB2_39:
0x2ca: {  	s24 =	sadd.s32 $0xFFFFFFFF, s24  }
0x2cb: {  	p0 =	sne.s32 s24, $0x0  }
.Ltmp25:
0x2cc: {  	_ = 	snop;
	(pc) =	sbr.rel @!p0 .LBB2_40-.Ltmp25, $2  }
0x2cd: {  	_ =	sdelay $0x2  }
0x2ce: {  	s0 =	sadd.s32 $0x1, s0  }
.LBB2_34:
0x2cf: {  	v13 =	vld [tilespmem:s0+$0xFFFFC100];
	_ =	sdelay $0x4  }
0x2d0: {  	(v2sf) =	vpush v13, $0x0;
	_ =	sdelay $0xe  }
0x2d1: {  	s2 =	spop (v2sf)  }
0x2d2: {  	p0 =	sgt.s32 s2, $0xFFFF  }
.Ltmp26:
0x2d3: {  	_ = 	snop;
	(pc) =	sbr.rel @p0 .LBB2_38-.Ltmp26, $4  }
0x2d4: {  	_ = 	snop  }
0x2d5: {  	s1 =	sand.u32 $0xFFFF, s2  }
0x2d6: {  	s2 =	ssub.s32 s8, s1  }
0x2d7: {  	v13 =	vld [tilespmem:s0+$0xFFFFE080];
	s3 =	ssub.s32 $0x0, s2  }
0x2d8: {  	_ =	sdelay $0x1  }
0x2d9: {  	s2 =	smin.u32 s2, s3  }
0x2da: {  	p1 =	sgt.s32 s2, $0x2  }
0x2db: {  	v14 =	vbroadcast @!p1 v13, $0x0;
	_ =	sdelay $0x1  }
0x2dc: {  	v15 =	vadd.s32 @!p1 v5, v14;
	_ =	sdelay $0x1  }
0x2dd: {  	s3 =	sshll.u32 @!p1 s2, $0x5  }
0x2de: {  	s3 =	sand.u32 @!p1 $0x3FFFFFE0, s3  }
0x2df: {  	s21 =	simm.s32 @!p1 $0x8000;
	v16 =	vld @!p1 [tilespmem:s3+$0x19600]  }
0x2e0: {  	v17 =	vld.idx.msk @!p1 [tilespmem:v15+s21+$0x0], $0xffff  }
0x2e1: {  	p0 =	seq.s32 @!p1 s2, $0x2  }
0x2e2: {  	p0 =	por p0, p1  }
0x2e3: {  	v14 =	vadd.s32 @!p0 v6, v14;
	_ =	sdelay $0x1  }
0x2e4: {  	s1 =	ssub.s32 s10, s1;
	v16 =	vmax.f32 @!p1 v17, v16  }
0x2e5: {  	s31 =	ssub.s32 $0x0, s1;
	[tilespmem:v15+s21+$0x0] =	vst.idx.msk @!p1 $0xffff, v16  }
0x2e6: {  	s1 =	smin.u32 s1, s31;
	v15 =	vld @!p0 [tilespmem:s3+$0x19610];
	s3 =	simm.s32 @!p0 $0x8000  }
0x2e7: {  	p1 =	sgt.s32 s1, $0x2;
	v16 =	vld.idx.msk @!p0 [tilespmem:v14+s3+$0x0], $0xffff  }
0x2e8: {  	v13 =	vbroadcast @!p1 v13, $0x0;
	_ =	sdelay $0x1  }
0x2e9: {  	v17 =	vadd.s32 @!p1 v5, v13;
	_ =	sdelay $0x1  }
0x2ea: {  	s2 =	sshll.u32 @!p1 s1, $0x5;
	v15 =	vmax.f32 @!p0 v16, v15  }
0x2eb: {  	s2 =	sand.u32 @!p1 $0x3FFFFFE0, s2;
	[tilespmem:v14+s3+$0x0] =	vst.idx.msk @!p0 $0xffff, v15  }
0x2ec: {  	s3 =	simm.s32 @!p1 $0xC000;
	v14 =	vld @!p1 [tilespmem:s2+$0x19600]  }
0x2ed: {  	v15 =	vld.idx.msk @!p1 [tilespmem:v17+s3+$0x0], $0xffff  }
0x2ee: {  	p0 =	seq.s32 @!p1 s1, $0x2  }
0x2ef: {  	p0 =	por p0, p1  }
0x2f0: {  	v13 =	vadd.s32 @!p0 v6, v13;
	_ =	sdelay $0x1  }
0x2f1: {  	v14 =	vmax.f32 @!p1 v15, v14  }
0x2f2: {  	[tilespmem:v17+s3+$0x0] =	vst.idx.msk @!p1 $0xffff, v14  }
0x2f3: {  	s1 =	simm.s32 @!p0 $0xC000;
	v14 =	vld @!p0 [tilespmem:s2+$0x19610]  }
0x2f4: {  	v15 =	vld.idx.msk @!p0 [tilespmem:v13+s1+$0x0], $0xffff;
	_ =	sdelay $0x1  }
.Ltmp27:
0x2f5: {  	_ = 	snop;
	(pc) =	sbr.rel .LBB2_39-.Ltmp27, $3  }
0x2f6: {  	_ =	sdelay $0x1  }
0x2f7: {  	v14 =	vmax.f32 @!p0 v15, v14  }
0x2f8: {  	[tilespmem:v13+s1+$0x0] =	vst.idx.msk @!p0 $0xffff, v14  }
.LBB2_40:
0x2f9: {  	s0 =	simm.s32 $0x40  }
0x2fa: {  	s21 =	simm.s32 $0x8040;
	v5 =	vld [tilespmem:s0+$0xFFFFFFC0]  }
0x2fb: {  	s22 =	simm.s32 $0x4040;
	v6 =	vld [tilespmem:s21+$0xFFFFFFC0]  }
0x2fc: {  	s23 =	simm.s32 $0xC040;
	v7 =	vld [tilespmem:s22+$0xFFFFFFC0]  }
0x2fd: {  	v8 =	vld [tilespmem:s23+$0xFFFFFFC0]  }
0x2fe: {  	v9 =	vld [tilespmem:s0+$0xFFFFFFD0]  }
0x2ff: {  	v10 =	vld [tilespmem:s21+$0xFFFFFFD0]  }
0x300: {  	v14 =	vld [tilespmem:s22+$0xFFFFFFD0];
	v13 =	vmul.f32 v5, v5;
	v5 =	vmul.f32 v6, v5  }
0x301: {  	v6 =	vld [tilespmem:s23+$0xFFFFFFD0];
	v15 =	vmul.f32 v7, v7  }
0x302: {  	v7 =	vmul.f32 v8, v7;
	v12 =	vadd.f32 v13, v12;
	v13 =	vld [tilespmem:s0+$0xFFFFFFE0];
	v5 =	vadd.f32 v5, v11  }
0x303: {  	v8 =	vld [tilespmem:s21+$0xFFFFFFE0];
	v11 =	vmul.f32 v9, v9  }
0x304: {  	v12 =	vadd.f32 v15, v12;
	v15 =	vld [tilespmem:s22+$0xFFFFFFE0];
	v5 =	vadd.f32 v7, v5;
	v7 =	vmul.f32 v10, v9  }
0x305: {  	v9 =	vld [tilespmem:s23+$0xFFFFFFE0];
	v10 =	vmul.f32 v14, v14  }
0x306: {  	v6 =	vmul.f32 v6, v14;
	v11 =	vadd.f32 v11, v12;
	v12 =	vld [tilespmem:s0+$0xFFFFFFF0];
	v5 =	vadd.f32 v7, v5  }
0x307: {  	v7 =	vld [tilespmem:s21+$0xFFFFFFF0];
	v14 =	vmul.f32 v13, v13  }
0x308: {  	v10 =	vadd.f32 v10, v11;
	v11 =	vld [tilespmem:s22+$0xFFFFFFF0];
	v5 =	vadd.f32 v6, v5;
	v6 =	vmul.f32 v8, v13  }
0x309: {  	v8 =	vld [tilespmem:s23+$0xFFFFFFF0];
	v13 =	vmul.f32 v15, v15  }
0x30a: {  	v10 =	vadd.f32 v14, v10;
	v14 =	vld [tilespmem:s0+$0x0];
	v5 =	vadd.f32 v6, v5;
	v6 =	vmul.f32 v9, v15  }
0x30b: {  	v9 =	vld [tilespmem:s21+$0x0];
	v15 =	vmul.f32 v12, v12  }
0x30c: {  	v10 =	vadd.f32 v13, v10;
	v13 =	vld [tilespmem:s22+$0x0];
	v5 =	vadd.f32 v6, v5;
	v6 =	vmul.f32 v7, v12  }
0x30d: {  	v7 =	vld [tilespmem:s23+$0x0];
	v12 =	vmul.f32 v11, v11  }
0x30e: {  	v10 =	vadd.f32 v15, v10;
	v15 =	vld [tilespmem:s0+$0x10];
	v5 =	vadd.f32 v6, v5;
	v6 =	vmul.f32 v8, v11  }
0x30f: {  	v8 =	vld [tilespmem:s21+$0x10];
	v11 =	vmul.f32 v14, v14  }
0x310: {  	v10 =	vadd.f32 v12, v10;
	v12 =	vld [tilespmem:s22+$0x10];
	v5 =	vadd.f32 v6, v5;
	v6 =	vmul.f32 v9, v14  }
0x311: {  	v9 =	vld [tilespmem:s23+$0x10];
	v14 =	vmul.f32 v13, v13  }
0x312: {  	v10 =	vadd.f32 v11, v10;
	v11 =	vld [tilespmem:s0+$0x20];
	v5 =	vadd.f32 v6, v5;
	v6 =	vmul.f32 v7, v13  }
0x313: {  	v16 =	vld [tilespmem:s21+$0x20];
	v13 =	vmul.f32 v15, v15  }
0x314: {  	v7 =	vld [tilespmem:s22+$0x20];
	v8 =	vmul.f32 v8, v15;
	v14 =	vadd.f32 v14, v10;
	v5 =	vadd.f32 v6, v5  }
0x315: {  	v10 =	vld [tilespmem:s23+$0x20];
	v15 =	vmul.f32 v12, v12  }
0x316: {  	v6 =	vld [tilespmem:s0+$0x30];
	v9 =	vmul.f32 v9, v12;
	v13 =	vadd.f32 v13, v14;
	v14 =	vadd.f32 v8, v5  }
0x317: {  	v8 =	vld [tilespmem:s21+$0x30];
	v12 =	vmul.f32 v11, v11  }
0x318: {  	v5 =	vld [tilespmem:s22+$0x30];
	v13 =	vadd.f32 v15, v13;
	v14 =	vadd.f32 v9, v14;
	v15 =	vmul.f32 v16, v11  }
0x319: {  	s24 =	simm.s32 $0x0;
	s0 =	simm.s32 $0xC0;
	v11 =	vmul.f32 v7, v7;
	v9 =	vld [tilespmem:s23+$0x30]  }
.LBB2_41:
0x31a: {  	v16 =	vld [tilespmem:s0+$0xFFFFFFC0];
	v12 =	vadd.f32 v12, v13;
	v13 =	vadd.f32 v15, v14;
	v7 =	vmul.f32 v10, v7;
	s21 =	sadd.s32 $0x80, s21  }
0x31b: {  	s24 =	sadd.s32 $0x8, s24;
	s22 =	sadd.s32 $0x80, s22;
	v10 =	vld [tilespmem:s21+$0xFFFFFFC0];
	v14 =	vmul.f32 v6, v6  }
0x31c: {  	s23 =	sadd.s32 $0x80, s23;
	p0 =	slt.u32 s24, $0x3F8;
	v15 =	vld [tilespmem:s22+$0xFFFFFFC0];
	v11 =	vadd.f32 v11, v12;
	v7 =	vadd.f32 v7, v13;
	v6 =	vmul.f32 v8, v6  }
0x31d: {  	v8 =	vld [tilespmem:s23+$0xFFFFFFC0];
	v12 =	vmul.f32 v5, v5  }
0x31e: {  	v13 =	vld [tilespmem:s0+$0xFFFFFFD0];
	v11 =	vadd.f32 v14, v11;
	v6 =	vadd.f32 v6, v7;
	v5 =	vmul.f32 v9, v5  }
0x31f: {  	v7 =	vmul.f32 v16, v16;
	v9 =	vld [tilespmem:s21+$0xFFFFFFD0]  }
0x320: {  	v10 =	vmul.f32 v10, v16;
	v14 =	vld [tilespmem:s22+$0xFFFFFFD0];
	v11 =	vadd.f32 v12, v11;
	v5 =	vadd.f32 v5, v6  }
0x321: {  	v6 =	vmul.f32 v15, v15;
	v12 =	vld [tilespmem:s23+$0xFFFFFFD0]  }
0x322: {  	v7 =	vadd.f32 v7, v11;
	v5 =	vadd.f32 v10, v5;
	v8 =	vmul.f32 v8, v15;
	v10 =	vld [tilespmem:s0+$0xFFFFFFE0]  }
0x323: {  	v11 =	vmul.f32 v13, v13;
	v15 =	vld [tilespmem:s21+$0xFFFFFFE0]  }
0x324: {  	v6 =	vadd.f32 v6, v7;
	v5 =	vadd.f32 v8, v5;
	v7 =	vmul.f32 v9, v13;
	v8 =	vld [tilespmem:s22+$0xFFFFFFE0]  }
0x325: {  	v9 =	vmul.f32 v14, v14;
	v13 =	vld [tilespmem:s23+$0xFFFFFFE0]  }
0x326: {  	v6 =	vadd.f32 v11, v6;
	v5 =	vadd.f32 v7, v5;
	v7 =	vmul.f32 v12, v14;
	v11 =	vld [tilespmem:s0+$0xFFFFFFF0]  }
0x327: {  	v12 =	vmul.f32 v10, v10;
	v14 =	vld [tilespmem:s21+$0xFFFFFFF0]  }
0x328: {  	v6 =	vadd.f32 v9, v6;
	v5 =	vadd.f32 v7, v5;
	v7 =	vmul.f32 v15, v10;
	v9 =	vld [tilespmem:s22+$0xFFFFFFF0]  }
0x329: {  	v10 =	vmul.f32 v8, v8;
	v15 =	vld [tilespmem:s23+$0xFFFFFFF0]  }
0x32a: {  	v6 =	vadd.f32 v12, v6;
	v5 =	vadd.f32 v7, v5;
	v7 =	vmul.f32 v13, v8;
	v8 =	vld [tilespmem:s0+$0x0]  }
0x32b: {  	v12 =	vmul.f32 v11, v11;
	v13 =	vld [tilespmem:s21+$0x0]  }
0x32c: {  	v6 =	vadd.f32 v10, v6;
	v5 =	vadd.f32 v7, v5;
	v7 =	vmul.f32 v14, v11;
	v10 =	vld [tilespmem:s22+$0x0]  }
0x32d: {  	v11 =	vmul.f32 v9, v9;
	v14 =	vld [tilespmem:s23+$0x0]  }
0x32e: {  	v6 =	vadd.f32 v12, v6;
	v5 =	vadd.f32 v7, v5;
	v7 =	vmul.f32 v15, v9;
	v9 =	vld [tilespmem:s0+$0x10]  }
0x32f: {  	v12 =	vmul.f32 v8, v8;
	v15 =	vld [tilespmem:s21+$0x10]  }
0x330: {  	v6 =	vadd.f32 v11, v6;
	v5 =	vadd.f32 v7, v5;
	v7 =	vmul.f32 v13, v8;
	v8 =	vld [tilespmem:s22+$0x10]  }
0x331: {  	v11 =	vmul.f32 v10, v10;
	v13 =	vld [tilespmem:s23+$0x10]  }
0x332: {  	v6 =	vadd.f32 v12, v6;
	v5 =	vadd.f32 v7, v5;
	v7 =	vmul.f32 v14, v10;
	v16 =	vld [tilespmem:s0+$0x20]  }
0x333: {  	v12 =	vmul.f32 v9, v9;
	v17 =	vld [tilespmem:s21+$0x20]  }
0x334: {  	v6 =	vadd.f32 v11, v6;
	v5 =	vadd.f32 v7, v5;
	v9 =	vmul.f32 v15, v9;
	v7 =	vld [tilespmem:s22+$0x20]  }
.Ltmp28:
0x335: {  	v11 =	vmul.f32 v8, v8;
	v10 =	vld [tilespmem:s23+$0x20];
	(pc) =	sbr.rel @p0 .LBB2_41-.Ltmp28, $4  }
0x336: {  	v14 =	vadd.f32 v12, v6;
	v5 =	vadd.f32 v9, v5;
	v9 =	vmul.f32 v13, v8;
	v6 =	vld [tilespmem:s0+$0x30]  }
0x337: {  	v12 =	vmul.f32 v16, v16;
	v8 =	vld [tilespmem:s21+$0x30]  }
0x338: {  	v13 =	vadd.f32 v11, v14;
	v14 =	vadd.f32 v9, v5;
	v15 =	vmul.f32 v17, v16;
	v5 =	vld [tilespmem:s22+$0x30]  }
0x339: {  	s0 =	sadd.s32 $0x80, s0;
	v11 =	vmul.f32 v7, v7;
	v9 =	vld [tilespmem:s23+$0x30]  }
0x33a: {  	[tilespmem:$0x19710] =	vst v4  }
0x33b: {  	[tilespmem:$0x19720] =	vst v4  }
0x33c: {  	[tilespmem:$0x19730] =	vst v4  }
0x33d: {  	[tilespmem:$0x19740] =	vst v4  }
0x33e: {  	[tilespmem:$0x19750] =	vst v4  }
0x33f: {  	[tilespmem:$0x19760] =	vst v4  }
0x340: {  	v12 =	vadd.f32 v12, v13;
	[tilespmem:$0x19770] =	vst v4  }
0x341: {  	v59 =	vadd.f32 v15, v14;
	v7 =	vmul.f32 v10, v7;
	[tilespmem:$0x19790] =	vst v4  }
0x342: {  	[tilespmem:$0x197A0] =	vst v4;
	v60 =	vmul.f32 v6, v6;
	v11 =	vadd.f32 v11, v12  }
0x343: {  	[tilespmem:$0x197B0] =	vst v4;
	v7 =	vadd.f32 v7, v59;
	v61 =	vmul.f32 v8, v6  }
0x344: {  	[tilespmem:$0x197C0] =	vst v4;
	v62 =	vmul.f32 v5, v5;
	v10 =	vadd.f32 v60, v11  }
0x345: {  	[tilespmem:$0x197D0] =	vst v4;
	v6 =	vadd.f32 v61, v7;
	v5 =	vmul.f32 v9, v5  }
0x346: {  	[tilespmem:$0x197E0] =	vst v4;
	v63 =	vadd.f32 v62, v10  }
0x347: {  	[tilespmem:$0x197F0] =	vst v4;
	v5 =	vadd.f32 v5, v6  }
0x348: {  	[tilespmem:$0x19700] =	vst v63  }
0x349: {  	[tilespmem:$0x19780] =	vst v5  }
0x34a: {  	[hbm4b:s11+s6] =	stream.linear.scatter [tilespmem:s18], [sflag:$0x1], $0x80, $0x38;
	[tilespmem:$0x19800] =	vst v63  }
0x34b: {  	_ =	swait.ge [sflag:s15], $0x80  }
0x34c: {  	s20 =	sadd.s32 $0x1, s20;
	[sflag:s15] =	ssyncset.done $0x0  }
0x34d: {  	p0 =	sne.s32 s20, s13;
	[sflag:s15] =	ssyncadd.s32 $0xFFFFFF80  }
0x34e: {  	[hbm4b:s12+s6] =	stream.linear.scatter [tilespmem:s19], [sflag:$0x1], $0x80, $0x38;
	[tilespmem:$0x19800] =	vst v63  }
.Ltmp29:
0x34f: {  	_ = 	snop;
	(pc) =	sbr.rel @p0 .LBB2_1-.Ltmp29, $4  }
.Ltmp30:
0x350: {  	_ = 	snop;
	(pc) =	sbr.rel @!p0 .LBB2_43-.Ltmp30, $4  }
0x351: {  	_ =	swait.ge [sflag:s15], $0x80  }
0x352: {  	[sflag:s15] =	ssyncset.done $0x0  }
0x353: {  	[sflag:s15] =	ssyncadd.s32 $0xFFFFFF80  }
0x354: {  	_ = 	snop  }
.LBB2_4:
.Ltmp31:
0x355: {  	(pc) =	sbr.rel .LBB2_10-.Ltmp31, $2  }
0x356: {  	_ =	sdelay $0x2  }
0x357: {  	s0 =	simm.s32 $0x0;
	s28 =	simm.s32 $0x0  }
.LBB2_6:
.Ltmp32:
0x358: {  	(pc) =	sbr.rel .LBB2_10-.Ltmp32, $2  }
0x359: {  	_ =	sdelay $0x2  }
0x35a: {  	s0 =	simm.s32 $0x0;
	s28 =	simm.s32 $0x0  }
.LBB2_8:
.Ltmp33:
0x35b: {  	(pc) =	sbr.rel .LBB2_10-.Ltmp33, $2  }
0x35c: {  	_ =	sdelay $0x2  }
0x35d: {  	s0 =	simm.s32 $0x0  }
.LBB2_43:
0x35e: {  	_ =	sfence.sel $0x180000  }
0x35f: {  	[bflag:$0x0] =	sbarrier.arrive $0xFFFF  }
0x360: {  	_ =	strace $0x90000047  }
0x361: {  	s0 =	stileid.u32;
	[bflag:$0x2] =	sbarrier.arrive $0xFFFF  }
0x362: {  	p0 =	sne.s32 s0, $0x0;
	s0 =	rddreg [dreg:$0x4]  }
0x363: {  	s0 =	sadd.s32 @!p0 $0x100000, s0  }
0x364: {  	[sflag:s0] =	ssyncadd.tile.s32 @!p0 $0x1;
	_ =	shalt  }
.Lfunc_end2:
_tile_overlayer_lowered:
.L_overlay_start_2:
0x365: {  	(tag) =	ssettag $0x2  }
0x366: {  	s0 =	rddreg [dreg:$0x0];
	s2 =	stileid.u32  }
0x367: {  	s1 =	rddreg [dreg:$0x1];
	p0 =	sne.s32 s2, $0x0  }
0x368: {  	s3 =	rddreg [dreg:$0x2];
	[bflag:$0x3] =	sbarrier.arrive $0xFFFF;
	s2 =	simm.s32 @!p0 $0x1C01  }
0x369: {  	[timem:s3], [sflag:s2] =	dma.local @!p0 [hbm:s0], s1  }
0x36a: {  	s0 =	simm.s32 @!p0 $0x1  }
0x36b: {  	_ =	swait.ge @!p0 [sflag:s0], s1  }
0x36c: {  	s1 =	ssub.s32 @!p0 $0x0, s1;
	[sflag:s0] =	ssyncset.done @!p0 $0x0  }
0x36d: {  	[sflag:s0] =	ssyncadd.s32 @!p0 s1  }
0x36e: {  	[bflag:$0x3] =	sbarrier.arrive $0xFFFF  }
0x36f: {  	_ =	shalt  }

</sc_bundles>
